<compile_context>
chip_gen: v7x
topology: tpu7x:2x2x1
jax: 0.10.2.dev20260603
libtpu: 0.0.44.dev20260713+nightly
codegen_flags: <defaults>
</compile_context>

<pallas_src>
import functools

import jax
import jax.numpy as jnp
from jax import lax
from jax.experimental import pallas as pl
from jax.experimental.pallas import tpu as pltpu
from jax.experimental.pallas import tpu_sc as plsc

_N = 10000
_E = 320000
_D = 128
_ED = 16
_H = 32

_NC = 2
_NS = 16
_NW = _NC * _NS
_RPW = 313
_NPAD = _NW * _RPW
_EW = _E // _NW
_C1 = 1000
_CS = 2000
_BATCH = 1024
_ECAP = _E + _BATCH

_mesh = plsc.VectorSubcoreMesh(core_axis_name="c", subcore_axis_name="s")


def _leaky(v):
    return jnp.where(v >= 0, v, 0.01 * v)


@functools.partial(
    pl.kernel,
    out_type=(jax.ShapeDtypeStruct((_NW, _ECAP), jnp.int32),
              jax.ShapeDtypeStruct((_NW, _ECAP), jnp.int32),
              jax.ShapeDtypeStruct((_NW, 16), jnp.int32)),
    mesh=_mesh,
    compiler_params=pltpu.CompilerParams(needs_layout_passes=False),
    scratch_types=[
        pltpu.VMEM((_CS,), jnp.int32),
        pltpu.VMEM((_BATCH + 16,), jnp.int32),
        pltpu.VMEM((_BATCH + 16,), jnp.int32),
        pltpu.VMEM((16,), jnp.int32),
    ],
)
def _bucket(dst_hbm, eid_hbm, dloc_hbm, cnt_hbm, scanb, eidb, dstb, cntv):
    wid = lax.axis_index("s") * _NC + lax.axis_index("c")
    lo = wid * _RPW
    hi = lo + _RPW

    zero16 = jnp.zeros((16,), jnp.int32)

    def initz(k, c):
        eidb[pl.ds(k * 16, 16)] = zero16
        dstb[pl.ds(k * 16, 16)] = zero16
        return c

    lax.fori_loop(0, (_BATCH + 16) // 16, initz, 0)

    def flush(nf):
        pltpu.sync_copy(eidb.at[pl.ds(0, _BATCH)],
                        eid_hbm.at[wid, pl.ds(nf * _BATCH, _BATCH)])
        pltpu.sync_copy(dstb.at[pl.ds(0, _BATCH)],
                        dloc_hbm.at[wid, pl.ds(nf * _BATCH, _BATCH)])

    def scan_chunk(ci, carry):
        off, nf = carry
        cbase = ci * _CS
        pltpu.sync_copy(dst_hbm.at[pl.ds(cbase, _CS)], scanb)

        def step(k, carry):
            off, nf = carry
            d = scanb[pl.ds(k * 16, 16)]
            msk = (d >= lo) & (d < hi)
            eid = lax.iota(jnp.int32, 16) + (cbase + k * 16)
            mi = jnp.where(msk, 1, 0)
            cs = plsc.cumsum(mi)
            pos = off + cs - mi
            plsc.store_scatter(eidb, [pos], eid, mask=msk)
            plsc.store_scatter(dstb, [pos], d - lo, mask=msk)
            off = off + cs[15]
            full = off >= _BATCH

            @pl.when(full)
            def _():
                flush(nf)
                ve = eidb[pl.ds(_BATCH, 16)]
                vd = dstb[pl.ds(_BATCH, 16)]
                eidb[pl.ds(0, 16)] = ve
                dstb[pl.ds(0, 16)] = vd

            off = off - jnp.where(full, _BATCH, 0)
            nf = nf + jnp.where(full, 1, 0)
            return (off, nf)

        return lax.fori_loop(0, _CS // 16, step, (off, nf))

    off, nf = lax.fori_loop(0, _E // _CS, scan_chunk, (0, 0))

    @pl.when(off > 0)
    def _():
        flush(nf)

    cntv[...] = jnp.full((16,), nf * _BATCH + off, jnp.int32)
    pltpu.sync_copy(cntv, cnt_hbm.at[wid])


@functools.partial(
    pl.kernel,
    out_type=jax.ShapeDtypeStruct((_E, _H), jnp.float32),
    mesh=_mesh,
    compiler_params=pltpu.CompilerParams(use_tc_tiling_on_sc=False),
    scratch_types=[
        pltpu.VMEM((_C1,), jnp.int32),
        pltpu.VMEM((_C1,), jnp.int32),
        pltpu.VMEM((_C1, _H), jnp.float32),
        pltpu.VMEM((_C1, _H), jnp.float32),
        pltpu.VMEM((_C1, _H), jnp.float32),
        pltpu.SemaphoreType.DMA,
        pltpu.SemaphoreType.DMA,
    ],
)
def _gather_pre(a_hbm, b_hbm, ep_hbm, src_hbm, dst_hbm, pre_hbm,
                idxs, idxd, bufa, bufb, bufe, sema, semb):
    wid = lax.axis_index("s") * _NC + lax.axis_index("c")

    def chunk(it, carry):
        base = wid * _EW + it * _C1
        pltpu.sync_copy(dst_hbm.at[pl.ds(base, _C1)], idxd)
        pltpu.sync_copy(src_hbm.at[pl.ds(base, _C1)], idxs)
        cpa = pltpu.async_copy(a_hbm.at[idxd], bufa, sema)
        cpb = pltpu.async_copy(b_hbm.at[idxs], bufb, semb)
        pltpu.sync_copy(ep_hbm.at[pl.ds(base, _C1)], bufe)
        cpa.wait()
        cpb.wait()

        def row(r, c2):
            for hh in range(2):
                s = pl.ds(hh * 16, 16)
                bufe[r, s] = bufa[r, s] + bufb[r, s] + bufe[r, s]
            return c2

        lax.fori_loop(0, _C1, row, 0, unroll=2)
        pltpu.sync_copy(bufe, pre_hbm.at[pl.ds(base, _C1)])
        return carry

    lax.fori_loop(0, _EW // _C1, chunk, 0)


@functools.partial(
    pl.kernel,
    out_type=jax.ShapeDtypeStruct((_NPAD, _H), jnp.float32),
    mesh=_mesh,
    compiler_params=pltpu.CompilerParams(use_tc_tiling_on_sc=False),
    scratch_types=[
        pltpu.VMEM((_RPW, _H), jnp.float32),
        pltpu.VMEM((_BATCH,), jnp.int32),
        pltpu.VMEM((_BATCH,), jnp.int32),
        pltpu.VMEM((_BATCH, _H), jnp.float32),
        pltpu.VMEM((16,), jnp.int32),
        pltpu.SemaphoreType.DMA,
    ],
)
def _seg_min(m_hbm, eid_hbm, dloc_hbm, cnt_hbm, out_hbm,
             table, eidg, dstl, mbuf, cntv, sem):
    wid = lax.axis_index("s") * _NC + lax.axis_index("c")
    lo = wid * _RPW
    inf16 = jnp.full((16,), jnp.inf, jnp.float32)

    def initr(r, c):
        table[r, pl.ds(0, 16)] = inf16
        table[r, pl.ds(16, 16)] = inf16
        return c

    lax.fori_loop(0, _RPW, initr, 0)

    pltpu.sync_copy(cnt_hbm.at[wid], cntv)
    cnt = cntv[...][0]
    nb = (cnt + _BATCH - 1) // _BATCH

    def block(fb, c):
        pltpu.sync_copy(eid_hbm.at[wid, pl.ds(fb * _BATCH, _BATCH)], eidg)
        pltpu.sync_copy(dloc_hbm.at[wid, pl.ds(fb * _BATCH, _BATCH)], dstl)
        pltpu.async_copy(m_hbm.at[eidg], mbuf, sem).wait()
        bound = jnp.minimum(cnt - fb * _BATCH, _BATCH)

        def upd(e, c2):
            dl = dstl[pl.ds(e, 16)][0]
            for hh in range(2):
                s = pl.ds(hh * 16, 16)
                table[dl, s] = jnp.minimum(table[dl, s], mbuf[e, s])
            return c2

        lax.fori_loop(0, bound, upd, 0)
        return c

    lax.fori_loop(0, nb, block, 0)

    def finr(r, c):
        for hh in range(2):
            s = pl.ds(hh * 16, 16)
            v = table[r, s]
            v = jnp.where(v == jnp.inf, 0.0, v)
            table[r, s] = jnp.where(v >= 0, v, 0.01 * v)
        return c

    lax.fori_loop(0, _RPW, finr, 0)
    pltpu.sync_copy(table, out_hbm.at[pl.ds(lo, _RPW)])


def _proj_tc(f, wi_t, wj_t, bias):
    nf = f.shape[0]

    def kern(f_ref, wi_ref, wj_ref, b_ref, a_ref, bb_ref):
        xv = f_ref[...]
        a_ref[...] = jnp.dot(xv, wi_ref[...],
                             preferred_element_type=jnp.float32) + b_ref[...]
        bb_ref[...] = jnp.dot(xv, wj_ref[...],
                              preferred_element_type=jnp.float32)

    return pl.pallas_call(
        kern,
        out_shape=(jax.ShapeDtypeStruct((nf, _H), jnp.float32),
                   jax.ShapeDtypeStruct((nf, _H), jnp.float32)),
    )(f, wi_t, wj_t, bias)


def _eproj_tc(ea, w1_t, w2_t, w3_t):
    be = 4000
    grid = _E // be

    def kern(ea_ref, w1_ref, w2_ref, w3_ref, o1_ref, o2_ref, o3_ref):
        a = ea_ref[...]
        o1_ref[...] = jnp.dot(a, w1_ref[...], preferred_element_type=jnp.float32)
        o2_ref[...] = jnp.dot(a, w2_ref[...], preferred_element_type=jnp.float32)
        o3_ref[...] = jnp.dot(a, w3_ref[...], preferred_element_type=jnp.float32)

    wspec = pl.BlockSpec((_ED, _H), lambda i: (0, 0))
    ospec = pl.BlockSpec((be, _H), lambda i: (i, 0))
    return pl.pallas_call(
        kern,
        grid=(grid,),
        in_specs=[pl.BlockSpec((be, _ED), lambda i: (i, 0)), wspec, wspec, wspec],
        out_specs=(ospec, ospec, ospec),
        out_shape=(jax.ShapeDtypeStruct((_E, _H), jnp.float32),) * 3,
    )(ea, w1_t, w2_t, w3_t)


def _mlp2_tc(pre, w2_t, b2):
    be = 4000
    grid = _E // be

    def kern(p_ref, w_ref, b_ref, o_ref):
        hv = _leaky(p_ref[...])
        o_ref[...] = jnp.dot(hv, w_ref[...],
                             preferred_element_type=jnp.float32) + b_ref[...]

    return pl.pallas_call(
        kern,
        grid=(grid,),
        in_specs=[pl.BlockSpec((be, _H), lambda i: (i, 0)),
                  pl.BlockSpec((_H, _H), lambda i: (0, 0)),
                  pl.BlockSpec((1, _H), lambda i: (0, 0))],
        out_specs=pl.BlockSpec((be, _H), lambda i: (i, 0)),
        out_shape=jax.ShapeDtypeStruct((_E, _H), jnp.float32),
    )(pre, w2_t, b2)


def _head_tc(x, h3, wx_t, wh_t, bias):
    def kern(x_ref, h_ref, wx_ref, wh_ref, b_ref, o_ref):
        o_ref[...] = (jnp.dot(x_ref[...], wx_ref[...],
                              preferred_element_type=jnp.float32)
                      + jnp.dot(h_ref[...], wh_ref[...],
                                preferred_element_type=jnp.float32)
                      + b_ref[...])

    return pl.pallas_call(
        kern,
        out_shape=jax.ShapeDtypeStruct((_N, 1), jnp.float32),
    )(x, h3, wx_t, wh_t, bias)


def kernel(x, edge_index, edge_attr, c1_W1, c1_b1, c1_W2, c1_b2,
           c2_W1, c2_b1, c2_W2, c2_b2, c3_W1, c3_b1, c3_W2, c3_b2,
           head_W, head_b):
    src = edge_index[0]
    dst = edge_index[1]

    w1i_t = c1_W1[:, :_D].T
    w1j_t = c1_W1[:, _D:2 * _D].T
    w1e_t = c1_W1[:, 2 * _D:].T
    w2i_t = c2_W1[:, :_H].T
    w2j_t = c2_W1[:, _H:2 * _H].T
    w2e_t = c2_W1[:, 2 * _H:].T
    w3i_t = c3_W1[:, :_H].T
    w3j_t = c3_W1[:, _H:2 * _H].T
    w3e_t = c3_W1[:, 2 * _H:].T

    eids, dlocs, cnts = _bucket(dst)
    ep1, ep2, ep3 = _eproj_tc(edge_attr, w1e_t, w2e_t, w3e_t)

    a1, b1v = _proj_tc(x, w1i_t, w1j_t, c1_b1.reshape(1, _H))
    pre1 = _gather_pre(a1, b1v, ep1, src, dst)
    m1 = _mlp2_tc(pre1, c1_W2.T, c1_b2.reshape(1, _H))
    h1 = _seg_min(m1, eids, dlocs, cnts)

    a2, b2v = _proj_tc(h1, w2i_t, w2j_t, c2_b1.reshape(1, _H))
    pre2 = _gather_pre(a2, b2v, ep2, src, dst)
    m2 = _mlp2_tc(pre2, c2_W2.T, c2_b2.reshape(1, _H))
    h2 = _seg_min(m2, eids, dlocs, cnts)

    a3, b3v = _proj_tc(h2, w3i_t, w3j_t, c3_b1.reshape(1, _H))
    pre3 = _gather_pre(a3, b3v, ep3, src, dst)
    m3 = _mlp2_tc(pre3, c3_W2.T, c3_b2.reshape(1, _H))
    h3 = _seg_min(m3, eids, dlocs, cnts)

    alpha = _head_tc(x, h3[:_N], head_W[:, :_D].T, head_W[:, _D:].T,
                     head_b.reshape(1, 1))
    return alpha

# --- scband reference (transcript-rebuilt; emitter-appended) ---
"""Pipeline reference for scband-actor-54400055771818 (READ-ONLY COPY).

The authoritative reference and input builder live on the scoring server;
editing this copy changes nothing except your own understanding.
"""

import jax, jax.numpy as jnp
import numpy as np

N = 10000
E = 320000
D = 128
ED = 16
H = 32
OUT = 1

def _leaky(x):
    return jnp.where(x >= 0, x, 0.01 * x)

def _edge_conv(x, edge_index, edge_attr, W1, b1, W2, b2, num_nodes):
    # PyG MessagePassing with flow='source_to_target': edge_index[0]=src (j), edge_index[1]=dst (i)
    src = edge_index[0]
    dst = edge_index[1]
    x_i = x[dst]
    x_j = x[src]
    tmp = jnp.concatenate([x_i, x_j, edge_attr], axis=1)
    h = _leaky(tmp @ W1.T + b1)
    m = h @ W2.T + b2
    out = jax.ops.segment_min(m, dst, num_segments=num_nodes)
    # PyG fills empty segments with 0; segment_min fills with +inf
    out = jnp.where(jnp.isfinite(out), out, 0.0)
    return out

def setup_inputs(seed: int = 0) -> dict:
    key = jax.random.key(seed)
    ks = jax.random.split(key, 20)
    x = jax.random.normal(ks[0], (N, D), dtype=jnp.float32)
    edge_index = jax.random.randint(ks[1], (2, E), 0, N, dtype=jnp.int32)
    edge_attr = jax.random.normal(ks[2], (E, ED), dtype=jnp.float32)
    s = 0.1
    params = {
        'c1_W1': jax.random.normal(ks[3], (H, 2 * D + ED), dtype=jnp.float32) * s,
        'c1_b1': jnp.zeros((H,), dtype=jnp.float32),
        'c1_W2': jax.random.normal(ks[4], (H, H), dtype=jnp.float32) * s,
        'c1_b2': jnp.zeros((H,), dtype=jnp.float32),
        'c2_W1': jax.random.normal(ks[5], (H, 2 * H + ED), dtype=jnp.float32) * s,
        'c2_b1': jnp.zeros((H,), dtype=jnp.float32),
        'c2_W2': jax.random.normal(ks[6], (H, H), dtype=jnp.float32) * s,
        'c2_b2': jnp.zeros((H,), dtype=jnp.float32),
        'c3_W1': jax.random.normal(ks[7], (H, 2 * H + ED), dtype=jnp.float32) * s,
        'c3_b1': jnp.zeros((H,), dtype=jnp.float32),
        'c3_W2': jax.random.normal(ks[8], (H, H), dtype=jnp.float32) * s,
        'c3_b2': jnp.zeros((H,), dtype=jnp.float32),
        'head_W': jax.random.normal(ks[9], (OUT, D + H), dtype=jnp.float32) * s,
        'head_b': jnp.zeros((OUT,), dtype=jnp.float32),
    }
    inp = {'x': x, 'edge_index': edge_index, 'edge_attr': edge_attr}
    inp.update(params)
    return inp

def reference(x, edge_index, edge_attr, c1_W1, c1_b1, c1_W2, c1_b2, c2_W1, c2_b1, c2_W2, c2_b2, c3_W1, c3_b1, c3_W2, c3_b2, head_W, head_b):
    h1 = _leaky(_edge_conv(x, edge_index, edge_attr, c1_W1, c1_b1, c1_W2, c1_b2, N))
    h2 = _leaky(_edge_conv(h1, edge_index, edge_attr, c2_W1, c2_b1, c2_W2, c2_b2, N))
    h3 = _leaky(_edge_conv(h2, edge_index, edge_attr, c3_W1, c3_b1, c3_W2, c3_b2, N))
    x_pp = jnp.concatenate([x, h3], axis=1)
    alpha = x_pp @ head_W.T + head_b
    return alpha

if __name__ == "__main__":
    import jax
    _d = setup_inputs()
    print(jax.jit(kernel)(*tuple(_d.values())))

</pallas_src>

<mosaic_0001>
#map = affine_map<(d0, d1) -> (0, 0)>
#map1 = affine_map<(d0, d1) -> (0)>
module attributes {stable_mosaic.version = 14 : i64} {
  func.func @_gather_pre(%arg0: i32, %arg1: i32, %arg2: memref<10016x32xf32, #tpu.memory_space<hbm>>, %arg3: memref<10016x32xf32, #tpu.memory_space<hbm>>, %arg4: memref<320000x32xf32, #tpu.memory_space<hbm>>, %arg5: memref<320000xi32, #tpu.memory_space<hbm>>, %arg6: memref<320000xi32, #tpu.memory_space<hbm>>, %arg7: memref<320000x32xf32, #tpu.memory_space<hbm>>, %arg8: memref<1000xi32, #tpu.memory_space<vmem>>, %arg9: memref<1000xi32, #tpu.memory_space<vmem>>, %arg10: memref<1000x32xf32, #tpu.memory_space<vmem>>, %arg11: memref<1000x32xf32, #tpu.memory_space<vmem>>, %arg12: memref<1000x32xf32, #tpu.memory_space<vmem>>, %arg13: memref<!tpu.dma_semaphore, #tpu.memory_space<semaphore_mem>>, %arg14: memref<!tpu.dma_semaphore, #tpu.memory_space<semaphore_mem>>) attributes {dimension_semantics = [#tpu.dimension_semantics<core_parallel>, #tpu.dimension_semantics<subcore_parallel>], iteration_bounds = array<i64: 2, 16>, scalar_prefetch = 0 : i64, scratch_operands = 7 : i64, tpu.core_type = #tpu.core_type<sc_vector_subcore>, window_params = [{transform_indices = #map}, {transform_indices = #map}, {transform_indices = #map}, {transform_indices = #map1}, {transform_indices = #map1}, {transform_indices = #map}]} {
    %mul3A = arith.constant 2 : i32
    %mul3A_0 = arith.muli %arg1, %mul3A : i32
    %add3A = arith.addi %mul3A_0, %arg0 : i32
    %scan3A = arith.constant 0 : i32
    %scan3A_1 = arith.constant 0 : i32
    %scan3A_2 = arith.constant 10 : i32
    %scan3A_3 = arith.addi %scan3A_1, %scan3A_2 : i32
    %scan3A_4 = arith.constant 1 : i32
    scf.for %scan3A_6 = %scan3A_1 to %scan3A_3 step %scan3A_4  : i32 {
      %mul3A_7 = arith.constant 10000 : i32
      %mul3A_8 = arith.muli %add3A, %mul3A_7 : i32
      %mul3A_9 = arith.constant 1000 : i32
      %mul3A_10 = arith.muli %scan3A_6, %mul3A_9 : i32
      %add3A_11 = arith.addi %mul3A_8, %mul3A_10 : i32
      "tpu.region"() ({
        %run_scoped3A = tpu.sem_alloc : memref<!tpu.dma_semaphore, #tpu.memory_space<semaphore_mem>>
        %dma_start3A_28 = tpu.memref_slice %arg6[%add3A_11] : memref<320000xi32, #tpu.memory_space<hbm>> -> memref<1000xi32, #tpu.memory_space<hbm>>
        %dma_start3A_29 = tpu.memref_slice %arg6[%add3A_11] : memref<320000xi32, #tpu.memory_space<hbm>> -> memref<1000xi32, #tpu.memory_space<hbm>>
        tpu.enqueue_dma source(%dma_start3A_29 : memref<1000xi32, #tpu.memory_space<hbm>>) target(%arg9 : memref<1000xi32, #tpu.memory_space<vmem>>) target_semaphore(%run_scoped3A : memref<!tpu.dma_semaphore, #tpu.memory_space<semaphore_mem>>)
        %dma_wait3A_30 = tpu.memref_slice %arg6[%add3A_11] : memref<320000xi32, #tpu.memory_space<hbm>> -> memref<1000xi32, #tpu.memory_space<hbm>>
        %dma_wait3A_31 = tpu.memref_slice %arg6[%add3A_11] : memref<320000xi32, #tpu.memory_space<hbm>> -> memref<1000xi32, #tpu.memory_space<hbm>>
        tpu.wait_dma2 semaphore(%run_scoped3A : memref<!tpu.dma_semaphore, #tpu.memory_space<semaphore_mem>>) src(%dma_wait3A_31 : memref<1000xi32, #tpu.memory_space<hbm>>) dst(%arg9 : memref<1000xi32, #tpu.memory_space<vmem>>)
        tpu.yield
      }) : () -> ()
      "tpu.region"() ({
        %run_scoped3A = tpu.sem_alloc : memref<!tpu.dma_semaphore, #tpu.memory_space<semaphore_mem>>
        %dma_start3A_28 = tpu.memref_slice %arg5[%add3A_11] : memref<320000xi32, #tpu.memory_space<hbm>> -> memref<1000xi32, #tpu.memory_space<hbm>>
        %dma_start3A_29 = tpu.memref_slice %arg5[%add3A_11] : memref<320000xi32, #tpu.memory_space<hbm>> -> memref<1000xi32, #tpu.memory_space<hbm>>
        tpu.enqueue_dma source(%dma_start3A_29 : memref<1000xi32, #tpu.memory_space<hbm>>) target(%arg8 : memref<1000xi32, #tpu.memory_space<vmem>>) target_semaphore(%run_scoped3A : memref<!tpu.dma_semaphore, #tpu.memory_space<semaphore_mem>>)
        %dma_wait3A_30 = tpu.memref_slice %arg5[%add3A_11] : memref<320000xi32, #tpu.memory_space<hbm>> -> memref<1000xi32, #tpu.memory_space<hbm>>
        %dma_wait3A_31 = tpu.memref_slice %arg5[%add3A_11] : memref<320000xi32, #tpu.memory_space<hbm>> -> memref<1000xi32, #tpu.memory_space<hbm>>
        tpu.wait_dma2 semaphore(%run_scoped3A : memref<!tpu.dma_semaphore, #tpu.memory_space<semaphore_mem>>) src(%dma_wait3A_31 : memref<1000xi32, #tpu.memory_space<hbm>>) dst(%arg8 : memref<1000xi32, #tpu.memory_space<vmem>>)
        tpu.yield
      }) : () -> ()
      %dma_start3A = arith.constant 0 : i32
      %dma_start3A_12 = arith.constant 0 : i32
      %dma_start3A_13 = tpu.memref_slice %arg2[%dma_start3A, %dma_start3A_12] : memref<10016x32xf32, #tpu.memory_space<hbm>> -> memref<10016x32xf32, #tpu.memory_space<hbm>>
      tpu.enqueue_indirect_dma source(%dma_start3A_13 : memref<10016x32xf32, #tpu.memory_space<hbm>>) target(%arg10 : memref<1000x32xf32, #tpu.memory_space<vmem>>) offsets(%arg9 : memref<1000xi32, #tpu.memory_space<vmem>>) semaphore(%arg13 : memref<!tpu.dma_semaphore, #tpu.memory_space<semaphore_mem>>)
      %dma_start3A_14 = arith.constant 0 : i32
      %dma_start3A_15 = arith.constant 0 : i32
      %dma_start3A_16 = tpu.memref_slice %arg3[%dma_start3A_14, %dma_start3A_15] : memref<10016x32xf32, #tpu.memory_space<hbm>> -> memref<10016x32xf32, #tpu.memory_space<hbm>>
      tpu.enqueue_indirect_dma source(%dma_start3A_16 : memref<10016x32xf32, #tpu.memory_space<hbm>>) target(%arg11 : memref<1000x32xf32, #tpu.memory_space<vmem>>) offsets(%arg8 : memref<1000xi32, #tpu.memory_space<vmem>>) semaphore(%arg14 : memref<!tpu.dma_semaphore, #tpu.memory_space<semaphore_mem>>)
      "tpu.region"() ({
        %run_scoped3A = tpu.sem_alloc : memref<!tpu.dma_semaphore, #tpu.memory_space<semaphore_mem>>
        %dma_start3A_28 = arith.constant 0 : i32
        %dma_start3A_29 = tpu.memref_slice %arg4[%add3A_11, %dma_start3A_28] : memref<320000x32xf32, #tpu.memory_space<hbm>> -> memref<1000x32xf32, #tpu.memory_space<hbm>>
        %dma_start3A_30 = arith.constant 0 : i32
        %dma_start3A_31 = tpu.memref_slice %arg4[%add3A_11, %dma_start3A_30] : memref<320000x32xf32, #tpu.memory_space<hbm>> -> memref<1000x32xf32, #tpu.memory_space<hbm>>
        tpu.enqueue_dma source(%dma_start3A_31 : memref<1000x32xf32, #tpu.memory_space<hbm>>) target(%arg12 : memref<1000x32xf32, #tpu.memory_space<vmem>>) target_semaphore(%run_scoped3A : memref<!tpu.dma_semaphore, #tpu.memory_space<semaphore_mem>>)
        %dma_wait3A_32 = arith.constant 0 : i32
        %dma_wait3A_33 = tpu.memref_slice %arg4[%add3A_11, %dma_wait3A_32] : memref<320000x32xf32, #tpu.memory_space<hbm>> -> memref<1000x32xf32, #tpu.memory_space<hbm>>
        %dma_wait3A_34 = arith.constant 0 : i32
        %dma_wait3A_35 = tpu.memref_slice %arg4[%add3A_11, %dma_wait3A_34] : memref<320000x32xf32, #tpu.memory_space<hbm>> -> memref<1000x32xf32, #tpu.memory_space<hbm>>
        tpu.wait_dma2 semaphore(%run_scoped3A : memref<!tpu.dma_semaphore, #tpu.memory_space<semaphore_mem>>) src(%dma_wait3A_35 : memref<1000x32xf32, #tpu.memory_space<hbm>>) dst(%arg12 : memref<1000x32xf32, #tpu.memory_space<vmem>>)
        tpu.yield
      }) : () -> ()
      %dma_wait3A = arith.constant 0 : i32
      %dma_wait3A_17 = arith.constant 0 : i32
      %dma_wait3A_18 = tpu.memref_slice %arg2[%dma_wait3A, %dma_wait3A_17] : memref<10016x32xf32, #tpu.memory_space<hbm>> -> memref<10016x32xf32, #tpu.memory_space<hbm>>
      tpu.wait_indirect_dma semaphore(%arg13 : memref<!tpu.dma_semaphore, #tpu.memory_space<semaphore_mem>>) src(%dma_wait3A_18 : memref<10016x32xf32, #tpu.memory_space<hbm>>) dst(%arg10 : memref<1000x32xf32, #tpu.memory_space<vmem>>)
      %dma_wait3A_19 = arith.constant 0 : i32
      %dma_wait3A_20 = arith.constant 0 : i32
      %dma_wait3A_21 = tpu.memref_slice %arg3[%dma_wait3A_19, %dma_wait3A_20] : memref<10016x32xf32, #tpu.memory_space<hbm>> -> memref<10016x32xf32, #tpu.memory_space<hbm>>
      tpu.wait_indirect_dma semaphore(%arg14 : memref<!tpu.dma_semaphore, #tpu.memory_space<semaphore_mem>>) src(%dma_wait3A_21 : memref<10016x32xf32, #tpu.memory_space<hbm>>) dst(%arg11 : memref<1000x32xf32, #tpu.memory_space<vmem>>)
      %scan3A_22 = arith.constant 0 : i32
      %scan3A_23 = arith.constant 0 : i32
      %scan3A_24 = arith.constant 1000 : i32
      %scan3A_25 = arith.addi %scan3A_23, %scan3A_24 : i32
      %scan3A_26 = arith.constant 2 : i32
      scf.for %scan3A_28 = %scan3A_23 to %scan3A_25 step %scan3A_26  : i32 {
        %get3A = arith.index_cast %scan3A_28 : i32 to index
        %get3A_29 = arith.constant 0 : index
        %get3A_30 = tpu.vector_load %arg10[%get3A, %get3A_29] {strides = array<i32>} : memref<1000x32xf32, #tpu.memory_space<vmem>>, vector<1x16xf32>,
        %get3A_31 = vector.shape_cast %get3A_30 : vector<1x16xf32> to vector<16xf32>
        %get3A_32 = arith.index_cast %scan3A_28 : i32 to index
        %get3A_33 = arith.constant 0 : index
        %get3A_34 = tpu.vector_load %arg11[%get3A_32, %get3A_33] {strides = array<i32>} : memref<1000x32xf32, #tpu.memory_space<vmem>>, vector<1x16xf32>,
        %get3A_35 = vector.shape_cast %get3A_34 : vector<1x16xf32> to vector<16xf32>
        %add3A_36 = arith.addf %get3A_31, %get3A_35 : vector<16xf32>
        %get3A_37 = arith.index_cast %scan3A_28 : i32 to index
        %get3A_38 = arith.constant 0 : index
        %get3A_39 = tpu.vector_load %arg12[%get3A_37, %get3A_38] {strides = array<i32>} : memref<1000x32xf32, #tpu.memory_space<vmem>>, vector<1x16xf32>,
        %get3A_40 = vector.shape_cast %get3A_39 : vector<1x16xf32> to vector<16xf32>
        %add3A_41 = arith.addf %add3A_36, %get3A_40 : vector<16xf32>
        %swap3A = arith.index_cast %scan3A_28 : i32 to index
        %swap3A_42 = arith.constant 0 : index
        %swap3A_43 = tpu.vector_load %arg12[%swap3A, %swap3A_42] {strides = array<i32>} : memref<1000x32xf32, #tpu.memory_space<vmem>>, vector<1x16xf32>,
        %swap3A_44 = vector.shape_cast %swap3A_43 : vector<1x16xf32> to vector<16xf32>
        %swap3A_45 = vector.shape_cast %add3A_41 : vector<16xf32> to vector<1x16xf32>
        tpu.vector_store %arg12[%swap3A, %swap3A_42], %swap3A_45 {strides = array<i32>} : memref<1000x32xf32, #tpu.memory_space<vmem>>, vector<1x16xf32>,
        %get3A_46 = arith.index_cast %scan3A_28 : i32 to index
        %get3A_47 = arith.constant 16 : index
        %get3A_48 = tpu.vector_load %arg10[%get3A_46, %get3A_47] {strides = array<i32>} : memref<1000x32xf32, #tpu.memory_space<vmem>>, vector<1x16xf32>,
        %get3A_49 = vector.shape_cast %get3A_48 : vector<1x16xf32> to vector<16xf32>
        %get3A_50 = arith.index_cast %scan3A_28 : i32 to index
        %get3A_51 = arith.constant 16 : index
        %get3A_52 = tpu.vector_load %arg11[%get3A_50, %get3A_51] {strides = array<i32>} : memref<1000x32xf32, #tpu.memory_space<vmem>>, vector<1x16xf32>,
        %get3A_53 = vector.shape_cast %get3A_52 : vector<1x16xf32> to vector<16xf32>
        %add3A_54 = arith.addf %get3A_49, %get3A_53 : vector<16xf32>
        %get3A_55 = arith.index_cast %scan3A_28 : i32 to index
        %get3A_56 = arith.constant 16 : index
        %get3A_57 = tpu.vector_load %arg12[%get3A_55, %get3A_56] {strides = array<i32>} : memref<1000x32xf32, #tpu.memory_space<vmem>>, vector<1x16xf32>,
        %get3A_58 = vector.shape_cast %get3A_57 : vector<1x16xf32> to vector<16xf32>
        %add3A_59 = arith.addf %add3A_54, %get3A_58 : vector<16xf32>
        %swap3A_60 = arith.index_cast %scan3A_28 : i32 to index
        %swap3A_61 = arith.constant 16 : index
        %swap3A_62 = tpu.vector_load %arg12[%swap3A_60, %swap3A_61] {strides = array<i32>} : memref<1000x32xf32, #tpu.memory_space<vmem>>, vector<1x16xf32>,
        %swap3A_63 = vector.shape_cast %swap3A_62 : vector<1x16xf32> to vector<16xf32>
        %swap3A_64 = vector.shape_cast %add3A_59 : vector<16xf32> to vector<1x16xf32>
        tpu.vector_store %arg12[%swap3A_60, %swap3A_61], %swap3A_64 {strides = array<i32>} : memref<1000x32xf32, #tpu.memory_space<vmem>>, vector<1x16xf32>,
        %scan3A_65 = arith.constant 1 : i32
        %scan3A_66 = arith.addi %scan3A_28, %scan3A_65 : i32
        %get3A_67 = arith.index_cast %scan3A_66 : i32 to index
        %get3A_68 = arith.constant 0 : index
        %get3A_69 = tpu.vector_load %arg10[%get3A_67, %get3A_68] {strides = array<i32>} : memref<1000x32xf32, #tpu.memory_space<vmem>>, vector<1x16xf32>,
        %get3A_70 = vector.shape_cast %get3A_69 : vector<1x16xf32> to vector<16xf32>
        %get3A_71 = arith.index_cast %scan3A_66 : i32 to index
        %get3A_72 = arith.constant 0 : index
        %get3A_73 = tpu.vector_load %arg11[%get3A_71, %get3A_72] {strides = array<i32>} : memref<1000x32xf32, #tpu.memory_space<vmem>>, vector<1x16xf32>,
        %get3A_74 = vector.shape_cast %get3A_73 : vector<1x16xf32> to vector<16xf32>
        %add3A_75 = arith.addf %get3A_70, %get3A_74 : vector<16xf32>
        %get3A_76 = arith.index_cast %scan3A_66 : i32 to index
        %get3A_77 = arith.constant 0 : index
        %get3A_78 = tpu.vector_load %arg12[%get3A_76, %get3A_77] {strides = array<i32>} : memref<1000x32xf32, #tpu.memory_space<vmem>>, vector<1x16xf32>,
        %get3A_79 = vector.shape_cast %get3A_78 : vector<1x16xf32> to vector<16xf32>
        %add3A_80 = arith.addf %add3A_75, %get3A_79 : vector<16xf32>
        %swap3A_81 = arith.index_cast %scan3A_66 : i32 to index
        %swap3A_82 = arith.constant 0 : index
        %swap3A_83 = tpu.vector_load %arg12[%swap3A_81, %swap3A_82] {strides = array<i32>} : memref<1000x32xf32, #tpu.memory_space<vmem>>, vector<1x16xf32>,
        %swap3A_84 = vector.shape_cast %swap3A_83 : vector<1x16xf32> to vector<16xf32>
        %swap3A_85 = vector.shape_cast %add3A_80 : vector<16xf32> to vector<1x16xf32>
        tpu.vector_store %arg12[%swap3A_81, %swap3A_82], %swap3A_85 {strides = array<i32>} : memref<1000x32xf32, #tpu.memory_space<vmem>>, vector<1x16xf32>,
        %get3A_86 = arith.index_cast %scan3A_66 : i32 to index
        %get3A_87 = arith.constant 16 : index
        %get3A_88 = tpu.vector_load %arg10[%get3A_86, %get3A_87] {strides = array<i32>} : memref<1000x32xf32, #tpu.memory_space<vmem>>, vector<1x16xf32>,
        %get3A_89 = vector.shape_cast %get3A_88 : vector<1x16xf32> to vector<16xf32>
        %get3A_90 = arith.index_cast %scan3A_66 : i32 to index
        %get3A_91 = arith.constant 16 : index
        %get3A_92 = tpu.vector_load %arg11[%get3A_90, %get3A_91] {strides = array<i32>} : memref<1000x32xf32, #tpu.memory_space<vmem>>, vector<1x16xf32>,
        %get3A_93 = vector.shape_cast %get3A_92 : vector<1x16xf32> to vector<16xf32>
        %add3A_94 = arith.addf %get3A_89, %get3A_93 : vector<16xf32>
        %get3A_95 = arith.index_cast %scan3A_66 : i32 to index
        %get3A_96 = arith.constant 16 : index
        %get3A_97 = tpu.vector_load %arg12[%get3A_95, %get3A_96] {strides = array<i32>} : memref<1000x32xf32, #tpu.memory_space<vmem>>, vector<1x16xf32>,
        %get3A_98 = vector.shape_cast %get3A_97 : vector<1x16xf32> to vector<16xf32>
        %add3A_99 = arith.addf %add3A_94, %get3A_98 : vector<16xf32>
        %swap3A_100 = arith.index_cast %scan3A_66 : i32 to index
        %swap3A_101 = arith.constant 16 : index
        %swap3A_102 = tpu.vector_load %arg12[%swap3A_100, %swap3A_101] {strides = array<i32>} : memref<1000x32xf32, #tpu.memory_space<vmem>>, vector<1x16xf32>,
        %swap3A_103 = vector.shape_cast %swap3A_102 : vector<1x16xf32> to vector<16xf32>
        %swap3A_104 = vector.shape_cast %add3A_99 : vector<16xf32> to vector<1x16xf32>
        tpu.vector_store %arg12[%swap3A_100, %swap3A_101], %swap3A_104 {strides = array<i32>} : memref<1000x32xf32, #tpu.memory_space<vmem>>, vector<1x16xf32>,
      }
      %scan3A_27 = arith.constant 1000 : i32
      "tpu.region"() ({
        %run_scoped3A = tpu.sem_alloc : memref<!tpu.dma_semaphore, #tpu.memory_space<semaphore_mem>>
        %dma_start3A_28 = arith.constant 0 : i32
        %dma_start3A_29 = tpu.memref_slice %arg7[%add3A_11, %dma_start3A_28] : memref<320000x32xf32, #tpu.memory_space<hbm>> -> memref<1000x32xf32, #tpu.memory_space<hbm>>
        %dma_start3A_30 = arith.constant 0 : i32
        %dma_start3A_31 = tpu.memref_slice %arg7[%add3A_11, %dma_start3A_30] : memref<320000x32xf32, #tpu.memory_space<hbm>> -> memref<1000x32xf32, #tpu.memory_space<hbm>>
        tpu.enqueue_dma source(%arg12 : memref<1000x32xf32, #tpu.memory_space<vmem>>) target(%dma_start3A_31 : memref<1000x32xf32, #tpu.memory_space<hbm>>) target_semaphore(%run_scoped3A : memref<!tpu.dma_semaphore, #tpu.memory_space<semaphore_mem>>)
        %dma_wait3A_32 = arith.constant 0 : i32
        %dma_wait3A_33 = tpu.memref_slice %arg7[%add3A_11, %dma_wait3A_32] : memref<320000x32xf32, #tpu.memory_space<hbm>> -> memref<1000x32xf32, #tpu.memory_space<hbm>>
        %dma_wait3A_34 = arith.constant 0 : i32
        %dma_wait3A_35 = tpu.memref_slice %arg7[%add3A_11, %dma_wait3A_34] : memref<320000x32xf32, #tpu.memory_space<hbm>> -> memref<1000x32xf32, #tpu.memory_space<hbm>>
        tpu.wait_dma2 semaphore(%run_scoped3A : memref<!tpu.dma_semaphore, #tpu.memory_space<semaphore_mem>>) src(%arg12 : memref<1000x32xf32, #tpu.memory_space<vmem>>) dst(%dma_wait3A_35 : memref<1000x32xf32, #tpu.memory_space<hbm>>)
        tpu.yield
      }) : () -> ()
    }
    %scan3A_5 = arith.constant 10 : i32
    return
  }
}

#map = affine_map<(d0, d1) -> (0, 0)>
module attributes {stable_mosaic.version = 14 : i64} {
  func.func @_seg_min(%arg0: i32, %arg1: i32, %arg2: memref<320000x32xf32, #tpu.memory_space<hbm>>, %arg3: memref<32x321024xi32, #tpu.memory_space<hbm>>, %arg4: memref<32x321024xi32, #tpu.memory_space<hbm>>, %arg5: memref<32x16xi32, #tpu.memory_space<hbm>>, %arg6: memref<10016x32xf32, #tpu.memory_space<hbm>>, %arg7: memref<313x32xf32, #tpu.memory_space<vmem>>, %arg8: memref<1024xi32, #tpu.memory_space<vmem>>, %arg9: memref<1024xi32, #tpu.memory_space<vmem>>, %arg10: memref<1024x32xf32, #tpu.memory_space<vmem>>, %arg11: memref<16xi32, #tpu.memory_space<vmem>>, %arg12: memref<!tpu.dma_semaphore, #tpu.memory_space<semaphore_mem>>) attributes {dimension_semantics = [#tpu.dimension_semantics<core_parallel>, #tpu.dimension_semantics<subcore_parallel>], iteration_bounds = array<i64: 2, 16>, scalar_prefetch = 0 : i64, scratch_operands = 6 : i64, tpu.core_type = #tpu.core_type<sc_vector_subcore>, window_params = [{transform_indices = #map}, {transform_indices = #map}, {transform_indices = #map}, {transform_indices = #map}, {transform_indices = #map}]} {
    %mul3A = arith.constant 2 : i32
    %mul3A_0 = arith.muli %arg1, %mul3A : i32
    %add3A = arith.addi %mul3A_0, %arg0 : i32
    %mul3A_1 = arith.constant 313 : i32
    %mul3A_2 = arith.muli %add3A, %mul3A_1 : i32
    %broadcast_in_dim3A = arith.constant 0x7F800000 : f32
    %broadcast_in_dim3A_3 = vector.broadcast %broadcast_in_dim3A : f32 to vector<16xf32>
    %scan3A = arith.constant 0 : i32
    %scan3A_4 = arith.constant 0 : i32
    %scan3A_5 = arith.constant 313 : i32
    %scan3A_6 = arith.addi %scan3A_4, %scan3A_5 : i32
    %scan3A_7 = arith.constant 1 : i32
    scf.for %scan3A_46 = %scan3A_4 to %scan3A_6 step %scan3A_7  : i32 {
      %swap3A = arith.index_cast %scan3A_46 : i32 to index
      %swap3A_47 = arith.constant 0 : index
      %swap3A_48 = tpu.vector_load %arg7[%swap3A, %swap3A_47] {strides = array<i32>} : memref<313x32xf32, #tpu.memory_space<vmem>>, vector<1x16xf32>,
      %swap3A_49 = vector.shape_cast %swap3A_48 : vector<1x16xf32> to vector<16xf32>
      %swap3A_50 = vector.shape_cast %broadcast_in_dim3A_3 : vector<16xf32> to vector<1x16xf32>
      tpu.vector_store %arg7[%swap3A, %swap3A_47], %swap3A_50 {strides = array<i32>} : memref<313x32xf32, #tpu.memory_space<vmem>>, vector<1x16xf32>,
      %swap3A_51 = arith.index_cast %scan3A_46 : i32 to index
      %swap3A_52 = arith.constant 16 : index
      %swap3A_53 = tpu.vector_load %arg7[%swap3A_51, %swap3A_52] {strides = array<i32>} : memref<313x32xf32, #tpu.memory_space<vmem>>, vector<1x16xf32>,
      %swap3A_54 = vector.shape_cast %swap3A_53 : vector<1x16xf32> to vector<16xf32>
      %swap3A_55 = vector.shape_cast %broadcast_in_dim3A_3 : vector<16xf32> to vector<1x16xf32>
      tpu.vector_store %arg7[%swap3A_51, %swap3A_52], %swap3A_55 {strides = array<i32>} : memref<313x32xf32, #tpu.memory_space<vmem>>, vector<1x16xf32>,
    }
    %scan3A_8 = arith.constant 313 : i32
    "tpu.region"() ({
      %run_scoped3A = tpu.sem_alloc : memref<!tpu.dma_semaphore, #tpu.memory_space<semaphore_mem>>
      %dma_start3A = arith.constant 0 : i32
      %dma_start3A_46 = tpu.memref_slice %arg5[%add3A, %dma_start3A] : memref<32x16xi32, #tpu.memory_space<hbm>> -> memref<1x16xi32, #tpu.memory_space<hbm>>
      %dma_start3A_47 = tpu.memref_squeeze %dma_start3A_46 : memref<1x16xi32, #tpu.memory_space<hbm>> -> memref<16xi32, #tpu.memory_space<hbm>>
      %dma_start3A_48 = arith.constant 0 : i32
      %dma_start3A_49 = tpu.memref_slice %arg5[%add3A, %dma_start3A_48] : memref<32x16xi32, #tpu.memory_space<hbm>> -> memref<1x16xi32, #tpu.memory_space<hbm>>
      %dma_start3A_50 = tpu.memref_squeeze %dma_start3A_49 : memref<1x16xi32, #tpu.memory_space<hbm>> -> memref<16xi32, #tpu.memory_space<hbm>>
      tpu.enqueue_dma source(%dma_start3A_50 : memref<16xi32, #tpu.memory_space<hbm>>) target(%arg11 : memref<16xi32, #tpu.memory_space<vmem>>) target_semaphore(%run_scoped3A : memref<!tpu.dma_semaphore, #tpu.memory_space<semaphore_mem>>)
      %dma_wait3A = arith.constant 0 : i32
      %dma_wait3A_51 = tpu.memref_slice %arg5[%add3A, %dma_wait3A] : memref<32x16xi32, #tpu.memory_space<hbm>> -> memref<1x16xi32, #tpu.memory_space<hbm>>
      %dma_wait3A_52 = tpu.memref_squeeze %dma_wait3A_51 : memref<1x16xi32, #tpu.memory_space<hbm>> -> memref<16xi32, #tpu.memory_space<hbm>>
      %dma_wait3A_53 = arith.constant 0 : i32
      %dma_wait3A_54 = tpu.memref_slice %arg5[%add3A, %dma_wait3A_53] : memref<32x16xi32, #tpu.memory_space<hbm>> -> memref<1x16xi32, #tpu.memory_space<hbm>>
      %dma_wait3A_55 = tpu.memref_squeeze %dma_wait3A_54 : memref<1x16xi32, #tpu.memory_space<hbm>> -> memref<16xi32, #tpu.memory_space<hbm>>
      tpu.wait_dma2 semaphore(%run_scoped3A : memref<!tpu.dma_semaphore, #tpu.memory_space<semaphore_mem>>) src(%dma_wait3A_55 : memref<16xi32, #tpu.memory_space<hbm>>) dst(%arg11 : memref<16xi32, #tpu.memory_space<vmem>>)
      tpu.yield
    }) : () -> ()
    %get3A = arith.constant 0 : index
    %get3A_9 = tpu.vector_load %arg11[%get3A] {strides = array<i32>} : memref<16xi32, #tpu.memory_space<vmem>>, vector<16xi32>,
    %get3A_10 = vector.shape_cast %get3A_9 : vector<16xi32> to vector<16xi32>
    %slice3A = vector.extract_strided_slice %get3A_10 {offsets = [0], sizes = [1], strides = [1]} : vector<16xi32> to vector<1xi32>
    %squeeze3A = vector.extract %slice3A[0] : i32 from vector<1xi32>
    %add3A_11 = arith.constant 1024 : i32
    %add3A_12 = arith.addi %squeeze3A, %add3A_11 : i32
    %sub3A = arith.constant 1 : i32
    %sub3A_13 = arith.subi %add3A_12, %sub3A : i32
    %jit3A = arith.constant 1024 : i32
    %div3A = arith.divsi %sub3A_13, %jit3A : i32
    %sign3A = arith.constant 0 : i32
    %sign3A_14 = arith.cmpi sgt, %sub3A_13, %sign3A : i32
    %sign3A_15 = arith.extui %sign3A_14 : i1 to i32
    %sign3A_16 = arith.constant 0 : i32
    %sign3A_17 = arith.cmpi slt, %sub3A_13, %sign3A_16 : i32
    %sign3A_18 = arith.extui %sign3A_17 : i1 to i32
    %sign3A_19 = arith.subi %sign3A_15, %sign3A_18 : i32
    %sign3A_20 = arith.constant 0 : i32
    %sign3A_21 = arith.cmpi sgt, %jit3A, %sign3A_20 : i32
    %sign3A_22 = arith.extui %sign3A_21 : i1 to i32
    %sign3A_23 = arith.constant 0 : i32
    %sign3A_24 = arith.cmpi slt, %jit3A, %sign3A_23 : i32
    %sign3A_25 = arith.extui %sign3A_24 : i1 to i32
    %sign3A_26 = arith.subi %sign3A_22, %sign3A_25 : i32
    %ne3A = arith.cmpi ne, %sign3A_19, %sign3A_26 : i32
    %rem3A = arith.remsi %sub3A_13, %jit3A : i32
    %ne3A_27 = arith.constant 0 : i32
    %ne3A_28 = arith.cmpi ne, %rem3A, %ne3A_27 : i32
    %and3A = arith.andi %ne3A, %ne3A_28 : i1
    %sub3A_29 = arith.constant 1 : i32
    %sub3A_30 = arith.subi %div3A, %sub3A_29 : i32
    %select_n3A = arith.select %and3A, %sub3A_30, %div3A : i32
    %while3A = arith.constant 0 : i32
    %while3A_31 = arith.constant 0 : i32
    %while3A_32 = arith.subi %select_n3A, %while3A_31 : i32
    %while3A_33 = arith.addi %while3A_31, %while3A_32 : i32
    %while3A_34 = arith.constant 1 : i32
    %while3A_35 = arith.divsi %while3A_32, %while3A_34 : i32
    %while3A_36 = arith.muli %while3A_35, %while3A_34 : i32
    %while3A_37 = arith.addi %while3A_31, %while3A_36 : i32
    %while3A_38 = arith.constant 1 : i32
    scf.for %while3A_46 = %while3A_31 to %while3A_37 step %while3A_38  : i32 {
      %mul3A_47 = arith.constant 1024 : i32
      %mul3A_48 = arith.muli %while3A_46, %mul3A_47 : i32
      "tpu.region"() ({
        %run_scoped3A = tpu.sem_alloc : memref<!tpu.dma_semaphore, #tpu.memory_space<semaphore_mem>>
        %dma_start3A_69 = tpu.memref_slice %arg3[%add3A, %mul3A_48] : memref<32x321024xi32, #tpu.memory_space<hbm>> -> memref<1x1024xi32, #tpu.memory_space<hbm>>
        %dma_start3A_70 = tpu.memref_squeeze %dma_start3A_69 : memref<1x1024xi32, #tpu.memory_space<hbm>> -> memref<1024xi32, #tpu.memory_space<hbm>>
        %dma_start3A_71 = tpu.memref_slice %arg3[%add3A, %mul3A_48] : memref<32x321024xi32, #tpu.memory_space<hbm>> -> memref<1x1024xi32, #tpu.memory_space<hbm>>
        %dma_start3A_72 = tpu.memref_squeeze %dma_start3A_71 : memref<1x1024xi32, #tpu.memory_space<hbm>> -> memref<1024xi32, #tpu.memory_space<hbm>>
        tpu.enqueue_dma source(%dma_start3A_72 : memref<1024xi32, #tpu.memory_space<hbm>>) target(%arg8 : memref<1024xi32, #tpu.memory_space<vmem>>) target_semaphore(%run_scoped3A : memref<!tpu.dma_semaphore, #tpu.memory_space<semaphore_mem>>)
        %dma_wait3A_73 = tpu.memref_slice %arg3[%add3A, %mul3A_48] : memref<32x321024xi32, #tpu.memory_space<hbm>> -> memref<1x1024xi32, #tpu.memory_space<hbm>>
        %dma_wait3A_74 = tpu.memref_squeeze %dma_wait3A_73 : memref<1x1024xi32, #tpu.memory_space<hbm>> -> memref<1024xi32, #tpu.memory_space<hbm>>
        %dma_wait3A_75 = tpu.memref_slice %arg3[%add3A, %mul3A_48] : memref<32x321024xi32, #tpu.memory_space<hbm>> -> memref<1x1024xi32, #tpu.memory_space<hbm>>
        %dma_wait3A_76 = tpu.memref_squeeze %dma_wait3A_75 : memref<1x1024xi32, #tpu.memory_space<hbm>> -> memref<1024xi32, #tpu.memory_space<hbm>>
        tpu.wait_dma2 semaphore(%run_scoped3A : memref<!tpu.dma_semaphore, #tpu.memory_space<semaphore_mem>>) src(%dma_wait3A_76 : memref<1024xi32, #tpu.memory_space<hbm>>) dst(%arg8 : memref<1024xi32, #tpu.memory_space<vmem>>)
        tpu.yield
      }) : () -> ()
      %mul3A_49 = arith.constant 1024 : i32
      %mul3A_50 = arith.muli %while3A_46, %mul3A_49 : i32
      "tpu.region"() ({
        %run_scoped3A = tpu.sem_alloc : memref<!tpu.dma_semaphore, #tpu.memory_space<semaphore_mem>>
        %dma_start3A_69 = tpu.memref_slice %arg4[%add3A, %mul3A_50] : memref<32x321024xi32, #tpu.memory_space<hbm>> -> memref<1x1024xi32, #tpu.memory_space<hbm>>
        %dma_start3A_70 = tpu.memref_squeeze %dma_start3A_69 : memref<1x1024xi32, #tpu.memory_space<hbm>> -> memref<1024xi32, #tpu.memory_space<hbm>>
        %dma_start3A_71 = tpu.memref_slice %arg4[%add3A, %mul3A_50] : memref<32x321024xi32, #tpu.memory_space<hbm>> -> memref<1x1024xi32, #tpu.memory_space<hbm>>
        %dma_start3A_72 = tpu.memref_squeeze %dma_start3A_71 : memref<1x1024xi32, #tpu.memory_space<hbm>> -> memref<1024xi32, #tpu.memory_space<hbm>>
        tpu.enqueue_dma source(%dma_start3A_72 : memref<1024xi32, #tpu.memory_space<hbm>>) target(%arg9 : memref<1024xi32, #tpu.memory_space<vmem>>) target_semaphore(%run_scoped3A : memref<!tpu.dma_semaphore, #tpu.memory_space<semaphore_mem>>)
        %dma_wait3A_73 = tpu.memref_slice %arg4[%add3A, %mul3A_50] : memref<32x321024xi32, #tpu.memory_space<hbm>> -> memref<1x1024xi32, #tpu.memory_space<hbm>>
        %dma_wait3A_74 = tpu.memref_squeeze %dma_wait3A_73 : memref<1x1024xi32, #tpu.memory_space<hbm>> -> memref<1024xi32, #tpu.memory_space<hbm>>
        %dma_wait3A_75 = tpu.memref_slice %arg4[%add3A, %mul3A_50] : memref<32x321024xi32, #tpu.memory_space<hbm>> -> memref<1x1024xi32, #tpu.memory_space<hbm>>
        %dma_wait3A_76 = tpu.memref_squeeze %dma_wait3A_75 : memref<1x1024xi32, #tpu.memory_space<hbm>> -> memref<1024xi32, #tpu.memory_space<hbm>>
        tpu.wait_dma2 semaphore(%run_scoped3A : memref<!tpu.dma_semaphore, #tpu.memory_space<semaphore_mem>>) src(%dma_wait3A_76 : memref<1024xi32, #tpu.memory_space<hbm>>) dst(%arg9 : memref<1024xi32, #tpu.memory_space<vmem>>)
        tpu.yield
      }) : () -> ()
      %dma_start3A = arith.constant 0 : i32
      %dma_start3A_51 = arith.constant 0 : i32
      %dma_start3A_52 = tpu.memref_slice %arg2[%dma_start3A, %dma_start3A_51] : memref<320000x32xf32, #tpu.memory_space<hbm>> -> memref<320000x32xf32, #tpu.memory_space<hbm>>
      tpu.enqueue_indirect_dma source(%dma_start3A_52 : memref<320000x32xf32, #tpu.memory_space<hbm>>) target(%arg10 : memref<1024x32xf32, #tpu.memory_space<vmem>>) offsets(%arg8 : memref<1024xi32, #tpu.memory_space<vmem>>) semaphore(%arg12 : memref<!tpu.dma_semaphore, #tpu.memory_space<semaphore_mem>>)
      %dma_wait3A = arith.constant 0 : i32
      %dma_wait3A_53 = arith.constant 0 : i32
      %dma_wait3A_54 = tpu.memref_slice %arg2[%dma_wait3A, %dma_wait3A_53] : memref<320000x32xf32, #tpu.memory_space<hbm>> -> memref<320000x32xf32, #tpu.memory_space<hbm>>
      tpu.wait_indirect_dma semaphore(%arg12 : memref<!tpu.dma_semaphore, #tpu.memory_space<semaphore_mem>>) src(%dma_wait3A_54 : memref<320000x32xf32, #tpu.memory_space<hbm>>) dst(%arg10 : memref<1024x32xf32, #tpu.memory_space<vmem>>)
      %mul3A_55 = arith.constant 1024 : i32
      %mul3A_56 = arith.muli %while3A_46, %mul3A_55 : i32
      %sub3A_57 = arith.subi %squeeze3A, %mul3A_56 : i32
      %min3A = arith.constant 1024 : i32
      %min3A_58 = arith.minsi %sub3A_57, %min3A : i32
      %while3A_59 = arith.constant 0 : i32
      %while3A_60 = arith.constant 0 : i32
      %while3A_61 = arith.subi %min3A_58, %while3A_60 : i32
      %while3A_62 = arith.addi %while3A_60, %while3A_61 : i32
      %while3A_63 = arith.constant 1 : i32
      %while3A_64 = arith.divsi %while3A_61, %while3A_63 : i32
      %while3A_65 = arith.muli %while3A_64, %while3A_63 : i32
      %while3A_66 = arith.addi %while3A_60, %while3A_65 : i32
      %while3A_67 = arith.constant 1 : i32
      scf.for %while3A_69 = %while3A_60 to %while3A_66 step %while3A_67  : i32 {
        %get3A_70 = arith.index_cast %while3A_69 : i32 to index
        %get3A_71 = tpu.vector_load %arg9[%get3A_70] {strides = array<i32>} : memref<1024xi32, #tpu.memory_space<vmem>>, vector<16xi32>,
        %get3A_72 = vector.shape_cast %get3A_71 : vector<16xi32> to vector<16xi32>
        %slice3A_73 = vector.extract_strided_slice %get3A_72 {offsets = [0], sizes = [1], strides = [1]} : vector<16xi32> to vector<1xi32>
        %squeeze3A_74 = vector.extract %slice3A_73[0] : i32 from vector<1xi32>
        %get3A_75 = arith.index_cast %squeeze3A_74 : i32 to index
        %get3A_76 = arith.constant 0 : index
        %get3A_77 = tpu.vector_load %arg7[%get3A_75, %get3A_76] {strides = array<i32>} : memref<313x32xf32, #tpu.memory_space<vmem>>, vector<1x16xf32>,
        %get3A_78 = vector.shape_cast %get3A_77 : vector<1x16xf32> to vector<16xf32>
        %get3A_79 = arith.index_cast %while3A_69 : i32 to index
        %get3A_80 = arith.constant 0 : index
        %get3A_81 = tpu.vector_load %arg10[%get3A_79, %get3A_80] {strides = array<i32>} : memref<1024x32xf32, #tpu.memory_space<vmem>>, vector<1x16xf32>,
        %get3A_82 = vector.shape_cast %get3A_81 : vector<1x16xf32> to vector<16xf32>
        %min3A_83 = arith.minimumf %get3A_78, %get3A_82 : vector<16xf32>
        %swap3A = arith.index_cast %squeeze3A_74 : i32 to index
        %swap3A_84 = arith.constant 0 : index
        %swap3A_85 = tpu.vector_load %arg7[%swap3A, %swap3A_84] {strides = array<i32>} : memref<313x32xf32, #tpu.memory_space<vmem>>, vector<1x16xf32>,
        %swap3A_86 = vector.shape_cast %swap3A_85 : vector<1x16xf32> to vector<16xf32>
        %swap3A_87 = vector.shape_cast %min3A_83 : vector<16xf32> to vector<1x16xf32>
        tpu.vector_store %arg7[%swap3A, %swap3A_84], %swap3A_87 {strides = array<i32>} : memref<313x32xf32, #tpu.memory_space<vmem>>, vector<1x16xf32>,
        %get3A_88 = arith.index_cast %squeeze3A_74 : i32 to index
        %get3A_89 = arith.constant 16 : index
        %get3A_90 = tpu.vector_load %arg7[%get3A_88, %get3A_89] {strides = array<i32>} : memref<313x32xf32, #tpu.memory_space<vmem>>, vector<1x16xf32>,
        %get3A_91 = vector.shape_cast %get3A_90 : vector<1x16xf32> to vector<16xf32>
        %get3A_92 = arith.index_cast %while3A_69 : i32 to index
        %get3A_93 = arith.constant 16 : index
        %get3A_94 = tpu.vector_load %arg10[%get3A_92, %get3A_93] {strides = array<i32>} : memref<1024x32xf32, #tpu.memory_space<vmem>>, vector<1x16xf32>,
        %get3A_95 = vector.shape_cast %get3A_94 : vector<1x16xf32> to vector<16xf32>
        %min3A_96 = arith.minimumf %get3A_91, %get3A_95 : vector<16xf32>
        %swap3A_97 = arith.index_cast %squeeze3A_74 : i32 to index
        %swap3A_98 = arith.constant 16 : index
        %swap3A_99 = tpu.vector_load %arg7[%swap3A_97, %swap3A_98] {strides = array<i32>} : memref<313x32xf32, #tpu.memory_space<vmem>>, vector<1x16xf32>,
        %swap3A_100 = vector.shape_cast %swap3A_99 : vector<1x16xf32> to vector<16xf32>
        %swap3A_101 = vector.shape_cast %min3A_96 : vector<16xf32> to vector<1x16xf32>
        tpu.vector_store %arg7[%swap3A_97, %swap3A_98], %swap3A_101 {strides = array<i32>} : memref<313x32xf32, #tpu.memory_space<vmem>>, vector<1x16xf32>,
      }
      %while3A_68 = arith.constant 1 : i32
      scf.for %while3A_69 = %while3A_66 to %while3A_62 step %while3A_68  : i32 {
        %get3A_70 = arith.index_cast %while3A_69 : i32 to index
        %get3A_71 = tpu.vector_load %arg9[%get3A_70] {strides = array<i32>} : memref<1024xi32, #tpu.memory_space<vmem>>, vector<16xi32>,
        %get3A_72 = vector.shape_cast %get3A_71 : vector<16xi32> to vector<16xi32>
        %slice3A_73 = vector.extract_strided_slice %get3A_72 {offsets = [0], sizes = [1], strides = [1]} : vector<16xi32> to vector<1xi32>
        %squeeze3A_74 = vector.extract %slice3A_73[0] : i32 from vector<1xi32>
        %get3A_75 = arith.index_cast %squeeze3A_74 : i32 to index
        %get3A_76 = arith.constant 0 : index
        %get3A_77 = tpu.vector_load %arg7[%get3A_75, %get3A_76] {strides = array<i32>} : memref<313x32xf32, #tpu.memory_space<vmem>>, vector<1x16xf32>,
        %get3A_78 = vector.shape_cast %get3A_77 : vector<1x16xf32> to vector<16xf32>
        %get3A_79 = arith.index_cast %while3A_69 : i32 to index
        %get3A_80 = arith.constant 0 : index
        %get3A_81 = tpu.vector_load %arg10[%get3A_79, %get3A_80] {strides = array<i32>} : memref<1024x32xf32, #tpu.memory_space<vmem>>, vector<1x16xf32>,
        %get3A_82 = vector.shape_cast %get3A_81 : vector<1x16xf32> to vector<16xf32>
        %min3A_83 = arith.minimumf %get3A_78, %get3A_82 : vector<16xf32>
        %swap3A = arith.index_cast %squeeze3A_74 : i32 to index
        %swap3A_84 = arith.constant 0 : index
        %swap3A_85 = tpu.vector_load %arg7[%swap3A, %swap3A_84] {strides = array<i32>} : memref<313x32xf32, #tpu.memory_space<vmem>>, vector<1x16xf32>,
        %swap3A_86 = vector.shape_cast %swap3A_85 : vector<1x16xf32> to vector<16xf32>
        %swap3A_87 = vector.shape_cast %min3A_83 : vector<16xf32> to vector<1x16xf32>
        tpu.vector_store %arg7[%swap3A, %swap3A_84], %swap3A_87 {strides = array<i32>} : memref<313x32xf32, #tpu.memory_space<vmem>>, vector<1x16xf32>,
        %get3A_88 = arith.index_cast %squeeze3A_74 : i32 to index
        %get3A_89 = arith.constant 16 : index
        %get3A_90 = tpu.vector_load %arg7[%get3A_88, %get3A_89] {strides = array<i32>} : memref<313x32xf32, #tpu.memory_space<vmem>>, vector<1x16xf32>,
        %get3A_91 = vector.shape_cast %get3A_90 : vector<1x16xf32> to vector<16xf32>
        %get3A_92 = arith.index_cast %while3A_69 : i32 to index
        %get3A_93 = arith.constant 16 : index
        %get3A_94 = tpu.vector_load %arg10[%get3A_92, %get3A_93] {strides = array<i32>} : memref<1024x32xf32, #tpu.memory_space<vmem>>, vector<1x16xf32>,
        %get3A_95 = vector.shape_cast %get3A_94 : vector<1x16xf32> to vector<16xf32>
        %min3A_96 = arith.minimumf %get3A_91, %get3A_95 : vector<16xf32>
        %swap3A_97 = arith.index_cast %squeeze3A_74 : i32 to index
        %swap3A_98 = arith.constant 16 : index
        %swap3A_99 = tpu.vector_load %arg7[%swap3A_97, %swap3A_98] {strides = array<i32>} : memref<313x32xf32, #tpu.memory_space<vmem>>, vector<1x16xf32>,
        %swap3A_100 = vector.shape_cast %swap3A_99 : vector<1x16xf32> to vector<16xf32>
        %swap3A_101 = vector.shape_cast %min3A_96 : vector<16xf32> to vector<1x16xf32>
        tpu.vector_store %arg7[%swap3A_97, %swap3A_98], %swap3A_101 {strides = array<i32>} : memref<313x32xf32, #tpu.memory_space<vmem>>, vector<1x16xf32>,
      }
    }
    %while3A_39 = arith.constant 1 : i32
    scf.for %while3A_46 = %while3A_37 to %while3A_33 step %while3A_39  : i32 {
      %mul3A_47 = arith.constant 1024 : i32
      %mul3A_48 = arith.muli %while3A_46, %mul3A_47 : i32
      "tpu.region"() ({
        %run_scoped3A = tpu.sem_alloc : memref<!tpu.dma_semaphore, #tpu.memory_space<semaphore_mem>>
        %dma_start3A_69 = tpu.memref_slice %arg3[%add3A, %mul3A_48] : memref<32x321024xi32, #tpu.memory_space<hbm>> -> memref<1x1024xi32, #tpu.memory_space<hbm>>
        %dma_start3A_70 = tpu.memref_squeeze %dma_start3A_69 : memref<1x1024xi32, #tpu.memory_space<hbm>> -> memref<1024xi32, #tpu.memory_space<hbm>>
        %dma_start3A_71 = tpu.memref_slice %arg3[%add3A, %mul3A_48] : memref<32x321024xi32, #tpu.memory_space<hbm>> -> memref<1x1024xi32, #tpu.memory_space<hbm>>
        %dma_start3A_72 = tpu.memref_squeeze %dma_start3A_71 : memref<1x1024xi32, #tpu.memory_space<hbm>> -> memref<1024xi32, #tpu.memory_space<hbm>>
        tpu.enqueue_dma source(%dma_start3A_72 : memref<1024xi32, #tpu.memory_space<hbm>>) target(%arg8 : memref<1024xi32, #tpu.memory_space<vmem>>) target_semaphore(%run_scoped3A : memref<!tpu.dma_semaphore, #tpu.memory_space<semaphore_mem>>)
        %dma_wait3A_73 = tpu.memref_slice %arg3[%add3A, %mul3A_48] : memref<32x321024xi32, #tpu.memory_space<hbm>> -> memref<1x1024xi32, #tpu.memory_space<hbm>>
        %dma_wait3A_74 = tpu.memref_squeeze %dma_wait3A_73 : memref<1x1024xi32, #tpu.memory_space<hbm>> -> memref<1024xi32, #tpu.memory_space<hbm>>
        %dma_wait3A_75 = tpu.memref_slice %arg3[%add3A, %mul3A_48] : memref<32x321024xi32, #tpu.memory_space<hbm>> -> memref<1x1024xi32, #tpu.memory_space<hbm>>
        %dma_wait3A_76 = tpu.memref_squeeze %dma_wait3A_75 : memref<1x1024xi32, #tpu.memory_space<hbm>> -> memref<1024xi32, #tpu.memory_space<hbm>>
        tpu.wait_dma2 semaphore(%run_scoped3A : memref<!tpu.dma_semaphore, #tpu.memory_space<semaphore_mem>>) src(%dma_wait3A_76 : memref<1024xi32, #tpu.memory_space<hbm>>) dst(%arg8 : memref<1024xi32, #tpu.memory_space<vmem>>)
        tpu.yield
      }) : () -> ()
      %mul3A_49 = arith.constant 1024 : i32
      %mul3A_50 = arith.muli %while3A_46, %mul3A_49 : i32
      "tpu.region"() ({
        %run_scoped3A = tpu.sem_alloc : memref<!tpu.dma_semaphore, #tpu.memory_space<semaphore_mem>>
        %dma_start3A_69 = tpu.memref_slice %arg4[%add3A, %mul3A_50] : memref<32x321024xi32, #tpu.memory_space<hbm>> -> memref<1x1024xi32, #tpu.memory_space<hbm>>
        %dma_start3A_70 = tpu.memref_squeeze %dma_start3A_69 : memref<1x1024xi32, #tpu.memory_space<hbm>> -> memref<1024xi32, #tpu.memory_space<hbm>>
        %dma_start3A_71 = tpu.memref_slice %arg4[%add3A, %mul3A_50] : memref<32x321024xi32, #tpu.memory_space<hbm>> -> memref<1x1024xi32, #tpu.memory_space<hbm>>
        %dma_start3A_72 = tpu.memref_squeeze %dma_start3A_71 : memref<1x1024xi32, #tpu.memory_space<hbm>> -> memref<1024xi32, #tpu.memory_space<hbm>>
        tpu.enqueue_dma source(%dma_start3A_72 : memref<1024xi32, #tpu.memory_space<hbm>>) target(%arg9 : memref<1024xi32, #tpu.memory_space<vmem>>) target_semaphore(%run_scoped3A : memref<!tpu.dma_semaphore, #tpu.memory_space<semaphore_mem>>)
        %dma_wait3A_73 = tpu.memref_slice %arg4[%add3A, %mul3A_50] : memref<32x321024xi32, #tpu.memory_space<hbm>> -> memref<1x1024xi32, #tpu.memory_space<hbm>>
        %dma_wait3A_74 = tpu.memref_squeeze %dma_wait3A_73 : memref<1x1024xi32, #tpu.memory_space<hbm>> -> memref<1024xi32, #tpu.memory_space<hbm>>
        %dma_wait3A_75 = tpu.memref_slice %arg4[%add3A, %mul3A_50] : memref<32x321024xi32, #tpu.memory_space<hbm>> -> memref<1x1024xi32, #tpu.memory_space<hbm>>
        %dma_wait3A_76 = tpu.memref_squeeze %dma_wait3A_75 : memref<1x1024xi32, #tpu.memory_space<hbm>> -> memref<1024xi32, #tpu.memory_space<hbm>>
        tpu.wait_dma2 semaphore(%run_scoped3A : memref<!tpu.dma_semaphore, #tpu.memory_space<semaphore_mem>>) src(%dma_wait3A_76 : memref<1024xi32, #tpu.memory_space<hbm>>) dst(%arg9 : memref<1024xi32, #tpu.memory_space<vmem>>)
        tpu.yield
      }) : () -> ()
      %dma_start3A = arith.constant 0 : i32
      %dma_start3A_51 = arith.constant 0 : i32
      %dma_start3A_52 = tpu.memref_slice %arg2[%dma_start3A, %dma_start3A_51] : memref<320000x32xf32, #tpu.memory_space<hbm>> -> memref<320000x32xf32, #tpu.memory_space<hbm>>
      tpu.enqueue_indirect_dma source(%dma_start3A_52 : memref<320000x32xf32, #tpu.memory_space<hbm>>) target(%arg10 : memref<1024x32xf32, #tpu.memory_space<vmem>>) offsets(%arg8 : memref<1024xi32, #tpu.memory_space<vmem>>) semaphore(%arg12 : memref<!tpu.dma_semaphore, #tpu.memory_space<semaphore_mem>>)
      %dma_wait3A = arith.constant 0 : i32
      %dma_wait3A_53 = arith.constant 0 : i32
      %dma_wait3A_54 = tpu.memref_slice %arg2[%dma_wait3A, %dma_wait3A_53] : memref<320000x32xf32, #tpu.memory_space<hbm>> -> memref<320000x32xf32, #tpu.memory_space<hbm>>
      tpu.wait_indirect_dma semaphore(%arg12 : memref<!tpu.dma_semaphore, #tpu.memory_space<semaphore_mem>>) src(%dma_wait3A_54 : memref<320000x32xf32, #tpu.memory_space<hbm>>) dst(%arg10 : memref<1024x32xf32, #tpu.memory_space<vmem>>)
      %mul3A_55 = arith.constant 1024 : i32
      %mul3A_56 = arith.muli %while3A_46, %mul3A_55 : i32
      %sub3A_57 = arith.subi %squeeze3A, %mul3A_56 : i32
      %min3A = arith.constant 1024 : i32
      %min3A_58 = arith.minsi %sub3A_57, %min3A : i32
      %while3A_59 = arith.constant 0 : i32
      %while3A_60 = arith.constant 0 : i32
      %while3A_61 = arith.subi %min3A_58, %while3A_60 : i32
      %while3A_62 = arith.addi %while3A_60, %while3A_61 : i32
      %while3A_63 = arith.constant 1 : i32
      %while3A_64 = arith.divsi %while3A_61, %while3A_63 : i32
      %while3A_65 = arith.muli %while3A_64, %while3A_63 : i32
      %while3A_66 = arith.addi %while3A_60, %while3A_65 : i32
      %while3A_67 = arith.constant 1 : i32
      scf.for %while3A_69 = %while3A_60 to %while3A_66 step %while3A_67  : i32 {
        %get3A_70 = arith.index_cast %while3A_69 : i32 to index
        %get3A_71 = tpu.vector_load %arg9[%get3A_70] {strides = array<i32>} : memref<1024xi32, #tpu.memory_space<vmem>>, vector<16xi32>,
        %get3A_72 = vector.shape_cast %get3A_71 : vector<16xi32> to vector<16xi32>
        %slice3A_73 = vector.extract_strided_slice %get3A_72 {offsets = [0], sizes = [1], strides = [1]} : vector<16xi32> to vector<1xi32>
        %squeeze3A_74 = vector.extract %slice3A_73[0] : i32 from vector<1xi32>
        %get3A_75 = arith.index_cast %squeeze3A_74 : i32 to index
        %get3A_76 = arith.constant 0 : index
        %get3A_77 = tpu.vector_load %arg7[%get3A_75, %get3A_76] {strides = array<i32>} : memref<313x32xf32, #tpu.memory_space<vmem>>, vector<1x16xf32>,
        %get3A_78 = vector.shape_cast %get3A_77 : vector<1x16xf32> to vector<16xf32>
        %get3A_79 = arith.index_cast %while3A_69 : i32 to index
        %get3A_80 = arith.constant 0 : index
        %get3A_81 = tpu.vector_load %arg10[%get3A_79, %get3A_80] {strides = array<i32>} : memref<1024x32xf32, #tpu.memory_space<vmem>>, vector<1x16xf32>,
        %get3A_82 = vector.shape_cast %get3A_81 : vector<1x16xf32> to vector<16xf32>
        %min3A_83 = arith.minimumf %get3A_78, %get3A_82 : vector<16xf32>
        %swap3A = arith.index_cast %squeeze3A_74 : i32 to index
        %swap3A_84 = arith.constant 0 : index
        %swap3A_85 = tpu.vector_load %arg7[%swap3A, %swap3A_84] {strides = array<i32>} : memref<313x32xf32, #tpu.memory_space<vmem>>, vector<1x16xf32>,
        %swap3A_86 = vector.shape_cast %swap3A_85 : vector<1x16xf32> to vector<16xf32>
        %swap3A_87 = vector.shape_cast %min3A_83 : vector<16xf32> to vector<1x16xf32>
        tpu.vector_store %arg7[%swap3A, %swap3A_84], %swap3A_87 {strides = array<i32>} : memref<313x32xf32, #tpu.memory_space<vmem>>, vector<1x16xf32>,
        %get3A_88 = arith.index_cast %squeeze3A_74 : i32 to index
        %get3A_89 = arith.constant 16 : index
        %get3A_90 = tpu.vector_load %arg7[%get3A_88, %get3A_89] {strides = array<i32>} : memref<313x32xf32, #tpu.memory_space<vmem>>, vector<1x16xf32>,
        %get3A_91 = vector.shape_cast %get3A_90 : vector<1x16xf32> to vector<16xf32>
        %get3A_92 = arith.index_cast %while3A_69 : i32 to index
        %get3A_93 = arith.constant 16 : index
        %get3A_94 = tpu.vector_load %arg10[%get3A_92, %get3A_93] {strides = array<i32>} : memref<1024x32xf32, #tpu.memory_space<vmem>>, vector<1x16xf32>,
        %get3A_95 = vector.shape_cast %get3A_94 : vector<1x16xf32> to vector<16xf32>
        %min3A_96 = arith.minimumf %get3A_91, %get3A_95 : vector<16xf32>
        %swap3A_97 = arith.index_cast %squeeze3A_74 : i32 to index
        %swap3A_98 = arith.constant 16 : index
        %swap3A_99 = tpu.vector_load %arg7[%swap3A_97, %swap3A_98] {strides = array<i32>} : memref<313x32xf32, #tpu.memory_space<vmem>>, vector<1x16xf32>,
        %swap3A_100 = vector.shape_cast %swap3A_99 : vector<1x16xf32> to vector<16xf32>
        %swap3A_101 = vector.shape_cast %min3A_96 : vector<16xf32> to vector<1x16xf32>
        tpu.vector_store %arg7[%swap3A_97, %swap3A_98], %swap3A_101 {strides = array<i32>} : memref<313x32xf32, #tpu.memory_space<vmem>>, vector<1x16xf32>,
      }
      %while3A_68 = arith.constant 1 : i32
      scf.for %while3A_69 = %while3A_66 to %while3A_62 step %while3A_68  : i32 {
        %get3A_70 = arith.index_cast %while3A_69 : i32 to index
        %get3A_71 = tpu.vector_load %arg9[%get3A_70] {strides = array<i32>} : memref<1024xi32, #tpu.memory_space<vmem>>, vector<16xi32>,
        %get3A_72 = vector.shape_cast %get3A_71 : vector<16xi32> to vector<16xi32>
        %slice3A_73 = vector.extract_strided_slice %get3A_72 {offsets = [0], sizes = [1], strides = [1]} : vector<16xi32> to vector<1xi32>
        %squeeze3A_74 = vector.extract %slice3A_73[0] : i32 from vector<1xi32>
        %get3A_75 = arith.index_cast %squeeze3A_74 : i32 to index
        %get3A_76 = arith.constant 0 : index
        %get3A_77 = tpu.vector_load %arg7[%get3A_75, %get3A_76] {strides = array<i32>} : memref<313x32xf32, #tpu.memory_space<vmem>>, vector<1x16xf32>,
        %get3A_78 = vector.shape_cast %get3A_77 : vector<1x16xf32> to vector<16xf32>
        %get3A_79 = arith.index_cast %while3A_69 : i32 to index
        %get3A_80 = arith.constant 0 : index
        %get3A_81 = tpu.vector_load %arg10[%get3A_79, %get3A_80] {strides = array<i32>} : memref<1024x32xf32, #tpu.memory_space<vmem>>, vector<1x16xf32>,
        %get3A_82 = vector.shape_cast %get3A_81 : vector<1x16xf32> to vector<16xf32>
        %min3A_83 = arith.minimumf %get3A_78, %get3A_82 : vector<16xf32>
        %swap3A = arith.index_cast %squeeze3A_74 : i32 to index
        %swap3A_84 = arith.constant 0 : index
        %swap3A_85 = tpu.vector_load %arg7[%swap3A, %swap3A_84] {strides = array<i32>} : memref<313x32xf32, #tpu.memory_space<vmem>>, vector<1x16xf32>,
        %swap3A_86 = vector.shape_cast %swap3A_85 : vector<1x16xf32> to vector<16xf32>
        %swap3A_87 = vector.shape_cast %min3A_83 : vector<16xf32> to vector<1x16xf32>
        tpu.vector_store %arg7[%swap3A, %swap3A_84], %swap3A_87 {strides = array<i32>} : memref<313x32xf32, #tpu.memory_space<vmem>>, vector<1x16xf32>,
        %get3A_88 = arith.index_cast %squeeze3A_74 : i32 to index
        %get3A_89 = arith.constant 16 : index
        %get3A_90 = tpu.vector_load %arg7[%get3A_88, %get3A_89] {strides = array<i32>} : memref<313x32xf32, #tpu.memory_space<vmem>>, vector<1x16xf32>,
        %get3A_91 = vector.shape_cast %get3A_90 : vector<1x16xf32> to vector<16xf32>
        %get3A_92 = arith.index_cast %while3A_69 : i32 to index
        %get3A_93 = arith.constant 16 : index
        %get3A_94 = tpu.vector_load %arg10[%get3A_92, %get3A_93] {strides = array<i32>} : memref<1024x32xf32, #tpu.memory_space<vmem>>, vector<1x16xf32>,
        %get3A_95 = vector.shape_cast %get3A_94 : vector<1x16xf32> to vector<16xf32>
        %min3A_96 = arith.minimumf %get3A_91, %get3A_95 : vector<16xf32>
        %swap3A_97 = arith.index_cast %squeeze3A_74 : i32 to index
        %swap3A_98 = arith.constant 16 : index
        %swap3A_99 = tpu.vector_load %arg7[%swap3A_97, %swap3A_98] {strides = array<i32>} : memref<313x32xf32, #tpu.memory_space<vmem>>, vector<1x16xf32>,
        %swap3A_100 = vector.shape_cast %swap3A_99 : vector<1x16xf32> to vector<16xf32>
        %swap3A_101 = vector.shape_cast %min3A_96 : vector<16xf32> to vector<1x16xf32>
        tpu.vector_store %arg7[%swap3A_97, %swap3A_98], %swap3A_101 {strides = array<i32>} : memref<313x32xf32, #tpu.memory_space<vmem>>, vector<1x16xf32>,
      }
    }
    %scan3A_40 = arith.constant 0 : i32
    %scan3A_41 = arith.constant 0 : i32
    %scan3A_42 = arith.constant 313 : i32
    %scan3A_43 = arith.addi %scan3A_41, %scan3A_42 : i32
    %scan3A_44 = arith.constant 1 : i32
    scf.for %scan3A_46 = %scan3A_41 to %scan3A_43 step %scan3A_44  : i32 {
      %get3A_47 = arith.index_cast %scan3A_46 : i32 to index
      %get3A_48 = arith.constant 0 : index
      %get3A_49 = tpu.vector_load %arg7[%get3A_47, %get3A_48] {strides = array<i32>} : memref<313x32xf32, #tpu.memory_space<vmem>>, vector<1x16xf32>,
      %get3A_50 = vector.shape_cast %get3A_49 : vector<1x16xf32> to vector<16xf32>
      %eq3A = arith.constant 0x7F800000 : f32
      %eq3A_51 = vector.broadcast %eq3A : f32 to vector<16xf32>
      %eq3A_52 = arith.cmpf oeq, %get3A_50, %eq3A_51 : vector<16xf32>
      %jit3A_53 = arith.constant 0.000000e+00 : f32
      %broadcast_in_dim3A_54 = vector.broadcast %jit3A_53 : f32 to vector<16xf32>
      %select_n3A_55 = arith.select %eq3A_52, %broadcast_in_dim3A_54, %get3A_50 : vector<16xi1>, vector<16xf32>
      %ge3A = arith.constant 0.000000e+00 : f32
      %ge3A_56 = vector.broadcast %ge3A : f32 to vector<16xf32>
      %ge3A_57 = arith.cmpf oge, %select_n3A_55, %ge3A_56 : vector<16xf32>
      %mul3A_58 = arith.constant 0.00999999977 : f32
      %mul3A_59 = vector.broadcast %mul3A_58 : f32 to vector<16xf32>
      %mul3A_60 = arith.mulf %mul3A_59, %select_n3A_55 : vector<16xf32>
      %select_n3A_61 = arith.select %ge3A_57, %select_n3A_55, %mul3A_60 : vector<16xi1>, vector<16xf32>
      %swap3A = arith.index_cast %scan3A_46 : i32 to index
      %swap3A_62 = arith.constant 0 : index
      %swap3A_63 = tpu.vector_load %arg7[%swap3A, %swap3A_62] {strides = array<i32>} : memref<313x32xf32, #tpu.memory_space<vmem>>, vector<1x16xf32>,
      %swap3A_64 = vector.shape_cast %swap3A_63 : vector<1x16xf32> to vector<16xf32>
      %swap3A_65 = vector.shape_cast %select_n3A_61 : vector<16xf32> to vector<1x16xf32>
      tpu.vector_store %arg7[%swap3A, %swap3A_62], %swap3A_65 {strides = array<i32>} : memref<313x32xf32, #tpu.memory_space<vmem>>, vector<1x16xf32>,
      %get3A_66 = arith.index_cast %scan3A_46 : i32 to index
      %get3A_67 = arith.constant 16 : index
      %get3A_68 = tpu.vector_load %arg7[%get3A_66, %get3A_67] {strides = array<i32>} : memref<313x32xf32, #tpu.memory_space<vmem>>, vector<1x16xf32>,
      %get3A_69 = vector.shape_cast %get3A_68 : vector<1x16xf32> to vector<16xf32>
      %eq3A_70 = arith.constant 0x7F800000 : f32
      %eq3A_71 = vector.broadcast %eq3A_70 : f32 to vector<16xf32>
      %eq3A_72 = arith.cmpf oeq, %get3A_69, %eq3A_71 : vector<16xf32>
      %jit3A_73 = arith.constant 0.000000e+00 : f32
      %broadcast_in_dim3A_74 = vector.broadcast %jit3A_73 : f32 to vector<16xf32>
      %select_n3A_75 = arith.select %eq3A_72, %broadcast_in_dim3A_74, %get3A_69 : vector<16xi1>, vector<16xf32>
      %ge3A_76 = arith.constant 0.000000e+00 : f32
      %ge3A_77 = vector.broadcast %ge3A_76 : f32 to vector<16xf32>
      %ge3A_78 = arith.cmpf oge, %select_n3A_75, %ge3A_77 : vector<16xf32>
      %mul3A_79 = arith.constant 0.00999999977 : f32
      %mul3A_80 = vector.broadcast %mul3A_79 : f32 to vector<16xf32>
      %mul3A_81 = arith.mulf %mul3A_80, %select_n3A_75 : vector<16xf32>
      %select_n3A_82 = arith.select %ge3A_78, %select_n3A_75, %mul3A_81 : vector<16xi1>, vector<16xf32>
      %swap3A_83 = arith.index_cast %scan3A_46 : i32 to index
      %swap3A_84 = arith.constant 16 : index
      %swap3A_85 = tpu.vector_load %arg7[%swap3A_83, %swap3A_84] {strides = array<i32>} : memref<313x32xf32, #tpu.memory_space<vmem>>, vector<1x16xf32>,
      %swap3A_86 = vector.shape_cast %swap3A_85 : vector<1x16xf32> to vector<16xf32>
      %swap3A_87 = vector.shape_cast %select_n3A_82 : vector<16xf32> to vector<1x16xf32>
      tpu.vector_store %arg7[%swap3A_83, %swap3A_84], %swap3A_87 {strides = array<i32>} : memref<313x32xf32, #tpu.memory_space<vmem>>, vector<1x16xf32>,
    }
    %scan3A_45 = arith.constant 313 : i32
    "tpu.region"() ({
      %run_scoped3A = tpu.sem_alloc : memref<!tpu.dma_semaphore, #tpu.memory_space<semaphore_mem>>
      %dma_start3A = arith.constant 0 : i32
      %dma_start3A_46 = tpu.memref_slice %arg6[%mul3A_2, %dma_start3A] : memref<10016x32xf32, #tpu.memory_space<hbm>> -> memref<313x32xf32, #tpu.memory_space<hbm>>
      %dma_start3A_47 = arith.constant 0 : i32
      %dma_start3A_48 = tpu.memref_slice %arg6[%mul3A_2, %dma_start3A_47] : memref<10016x32xf32, #tpu.memory_space<hbm>> -> memref<313x32xf32, #tpu.memory_space<hbm>>
      tpu.enqueue_dma source(%arg7 : memref<313x32xf32, #tpu.memory_space<vmem>>) target(%dma_start3A_48 : memref<313x32xf32, #tpu.memory_space<hbm>>) target_semaphore(%run_scoped3A : memref<!tpu.dma_semaphore, #tpu.memory_space<semaphore_mem>>)
      %dma_wait3A = arith.constant 0 : i32
      %dma_wait3A_49 = tpu.memref_slice %arg6[%mul3A_2, %dma_wait3A] : memref<10016x32xf32, #tpu.memory_space<hbm>> -> memref<313x32xf32, #tpu.memory_space<hbm>>
      %dma_wait3A_50 = arith.constant 0 : i32
      %dma_wait3A_51 = tpu.memref_slice %arg6[%mul3A_2, %dma_wait3A_50] : memref<10016x32xf32, #tpu.memory_space<hbm>> -> memref<313x32xf32, #tpu.memory_space<hbm>>
      tpu.wait_dma2 semaphore(%run_scoped3A : memref<!tpu.dma_semaphore, #tpu.memory_space<semaphore_mem>>) src(%arg7 : memref<313x32xf32, #tpu.memory_space<vmem>>) dst(%dma_wait3A_51 : memref<313x32xf32, #tpu.memory_space<hbm>>)
      tpu.yield
    }) : () -> ()
    return
  }
}

#map = affine_map<(d0, d1) -> (0)>
#map1 = affine_map<(d0, d1) -> (0, 0)>
module attributes {stable_mosaic.version = 14 : i64} {
  func.func @_bucket(%arg0: i32, %arg1: i32, %arg2: memref<320000xi32, #tpu.memory_space<hbm>>, %arg3: memref<32x321024xi32, #tpu.memory_space<hbm>>, %arg4: memref<32x321024xi32, #tpu.memory_space<hbm>>, %arg5: memref<32x16xi32, #tpu.memory_space<hbm>>, %arg6: memref<2000xi32, #tpu.memory_space<vmem>>, %arg7: memref<1040xi32, #tpu.memory_space<vmem>>, %arg8: memref<1040xi32, #tpu.memory_space<vmem>>, %arg9: memref<16xi32, #tpu.memory_space<vmem>>) attributes {dimension_semantics = [#tpu.dimension_semantics<core_parallel>, #tpu.dimension_semantics<subcore_parallel>], iteration_bounds = array<i64: 2, 16>, scalar_prefetch = 0 : i64, scratch_operands = 4 : i64, tpu.core_type = #tpu.core_type<sc_vector_subcore>, window_params = [{transform_indices = #map}, {transform_indices = #map1}, {transform_indices = #map1}, {transform_indices = #map1}]} {
    %mul3A = arith.constant 2 : i32
    %mul3A_0 = arith.muli %arg1, %mul3A : i32
    %add3A = arith.addi %mul3A_0, %arg0 : i32
    %mul3A_1 = arith.constant 313 : i32
    %mul3A_2 = arith.muli %add3A, %mul3A_1 : i32
    %add3A_3 = arith.constant 313 : i32
    %add3A_4 = arith.addi %mul3A_2, %add3A_3 : i32
    %broadcast_in_dim3A = arith.constant 0 : i32
    %broadcast_in_dim3A_5 = vector.broadcast %broadcast_in_dim3A : i32 to vector<16xi32>
    %scan3A = arith.constant 0 : i32
    %scan3A_6 = arith.constant 0 : i32
    %scan3A_7 = arith.constant 65 : i32
    %scan3A_8 = arith.addi %scan3A_6, %scan3A_7 : i32
    %scan3A_9 = arith.constant 1 : i32
    scf.for %scan3A_26 = %scan3A_6 to %scan3A_8 step %scan3A_9  : i32 {
      %mul3A_27 = arith.constant 16 : i32
      %mul3A_28 = arith.muli %scan3A_26, %mul3A_27 : i32
      %swap3A_29 = arith.index_cast %mul3A_28 : i32 to index
      %swap3A_30 = tpu.vector_load %arg7[%swap3A_29] {strides = array<i32>} : memref<1040xi32, #tpu.memory_space<vmem>>, vector<16xi32>,
      tpu.vector_store %arg7[%swap3A_29], %broadcast_in_dim3A_5 {strides = array<i32>} : memref<1040xi32, #tpu.memory_space<vmem>>, vector<16xi32>,
      %mul3A_31 = arith.constant 16 : i32
      %mul3A_32 = arith.muli %scan3A_26, %mul3A_31 : i32
      %swap3A_33 = arith.index_cast %mul3A_32 : i32 to index
      %swap3A_34 = tpu.vector_load %arg8[%swap3A_33] {strides = array<i32>} : memref<1040xi32, #tpu.memory_space<vmem>>, vector<16xi32>,
      tpu.vector_store %arg8[%swap3A_33], %broadcast_in_dim3A_5 {strides = array<i32>} : memref<1040xi32, #tpu.memory_space<vmem>>, vector<16xi32>,
    }
    %scan3A_10 = arith.constant 65 : i32
    %scan3A_11 = arith.constant 0 : i32
    %scan3A_12 = arith.constant 0 : i32
    %scan3A_13 = arith.constant 0 : i32
    %scan3A_14 = arith.constant 160 : i32
    %scan3A_15 = arith.addi %scan3A_13, %scan3A_14 : i32
    %scan3A_16 = arith.constant 1 : i32
    %scan3A_17:2 = scf.for %scan3A_26 = %scan3A_13 to %scan3A_15 step %scan3A_16 iter_args(%scan3A_27 = %scan3A_11, %scan3A_28 = %scan3A_12) -> (i32, i32)  : i32 {
      %mul3A_29 = arith.constant 2000 : i32
      %mul3A_30 = arith.muli %scan3A_26, %mul3A_29 : i32
      "tpu.region"() ({
        %run_scoped3A = tpu.sem_alloc : memref<!tpu.dma_semaphore, #tpu.memory_space<semaphore_mem>>
        %dma_start3A = tpu.memref_slice %arg2[%mul3A_30] : memref<320000xi32, #tpu.memory_space<hbm>> -> memref<2000xi32, #tpu.memory_space<hbm>>
        %dma_start3A_37 = tpu.memref_slice %arg2[%mul3A_30] : memref<320000xi32, #tpu.memory_space<hbm>> -> memref<2000xi32, #tpu.memory_space<hbm>>
        tpu.enqueue_dma source(%dma_start3A_37 : memref<2000xi32, #tpu.memory_space<hbm>>) target(%arg6 : memref<2000xi32, #tpu.memory_space<vmem>>) target_semaphore(%run_scoped3A : memref<!tpu.dma_semaphore, #tpu.memory_space<semaphore_mem>>)
        %dma_wait3A = tpu.memref_slice %arg2[%mul3A_30] : memref<320000xi32, #tpu.memory_space<hbm>> -> memref<2000xi32, #tpu.memory_space<hbm>>
        %dma_wait3A_38 = tpu.memref_slice %arg2[%mul3A_30] : memref<320000xi32, #tpu.memory_space<hbm>> -> memref<2000xi32, #tpu.memory_space<hbm>>
        tpu.wait_dma2 semaphore(%run_scoped3A : memref<!tpu.dma_semaphore, #tpu.memory_space<semaphore_mem>>) src(%dma_wait3A_38 : memref<2000xi32, #tpu.memory_space<hbm>>) dst(%arg6 : memref<2000xi32, #tpu.memory_space<vmem>>)
        tpu.yield
      }) : () -> ()
      %scan3A_31 = arith.constant 0 : i32
      %scan3A_32 = arith.constant 125 : i32
      %scan3A_33 = arith.addi %scan3A_31, %scan3A_32 : i32
      %scan3A_34 = arith.constant 1 : i32
      %scan3A_35:2 = scf.for %scan3A_37 = %scan3A_31 to %scan3A_33 step %scan3A_34 iter_args(%scan3A_38 = %scan3A_27, %scan3A_39 = %scan3A_28) -> (i32, i32)  : i32 {
        %mul3A_40 = arith.constant 16 : i32
        %mul3A_41 = arith.muli %scan3A_37, %mul3A_40 : i32
        %get3A = arith.index_cast %mul3A_41 : i32 to index
        %get3A_42 = tpu.vector_load %arg6[%get3A] {strides = array<i32>} : memref<2000xi32, #tpu.memory_space<vmem>>, vector<16xi32>,
        %ge3A = vector.broadcast %mul3A_2 : i32 to vector<16xi32>
        %ge3A_43 = arith.cmpi sge, %get3A_42, %ge3A : vector<16xi32>
        %lt3A = vector.broadcast %add3A_4 : i32 to vector<16xi32>
        %lt3A_44 = arith.cmpi slt, %get3A_42, %lt3A : vector<16xi32>
        %and3A = arith.andi %ge3A_43, %lt3A_44 : vector<16xi1>
        %iota3A = tpu.iota {dimensions = array<i32: 0>} : vector<16xi32>
        %mul3A_45 = arith.constant 16 : i32
        %mul3A_46 = arith.muli %scan3A_37, %mul3A_45 : i32
        %add3A_47 = arith.addi %mul3A_30, %mul3A_46 : i32
        %add3A_48 = vector.broadcast %add3A_47 : i32 to vector<16xi32>
        %add3A_49 = arith.addi %iota3A, %add3A_48 : vector<16xi32>
        %jit3A = arith.constant 1 : i32
        %jit3A_50 = arith.constant 0 : i32
        %broadcast_in_dim3A_51 = vector.broadcast %jit3A : i32 to vector<16xi32>
        %broadcast_in_dim3A_52 = vector.broadcast %jit3A_50 : i32 to vector<16xi32>
        %select_n3A = arith.select %and3A, %broadcast_in_dim3A_51, %broadcast_in_dim3A_52 : vector<16xi1>, vector<16xi32>
        %broadcast_in_dim3A_53 = arith.constant true
        %broadcast_in_dim3A_54 = vector.broadcast %broadcast_in_dim3A_53 : i1 to vector<16xi1>
        %masked_cumsum3A = tpu.scan <sum>, %select_n3A masked %broadcast_in_dim3A_54 : vector<16xi32>, vector<16xi1> -> vector<16xi32>
        %add3A_55 = vector.broadcast %scan3A_38 : i32 to vector<16xi32>
        %add3A_56 = arith.addi %add3A_55, %masked_cumsum3A : vector<16xi32>
        %sub3A = arith.subi %add3A_56, %select_n3A : vector<16xi32>
        tpu.vector_store_idx %arg7[%sub3A], %add3A_49 masked %and3A : memref<1040xi32, #tpu.memory_space<vmem>>[vector<16xi32>], vector<16xi32>, vector<16xi1>
        %sub3A_57 = vector.broadcast %mul3A_2 : i32 to vector<16xi32>
        %sub3A_58 = arith.subi %get3A_42, %sub3A_57 : vector<16xi32>
        tpu.vector_store_idx %arg8[%sub3A], %sub3A_58 masked %and3A : memref<1040xi32, #tpu.memory_space<vmem>>[vector<16xi32>], vector<16xi32>, vector<16xi1>
        %slice3A = vector.extract_strided_slice %masked_cumsum3A {offsets = [15], sizes = [1], strides = [1]} : vector<16xi32> to vector<1xi32>
        %squeeze3A = vector.extract %slice3A[0] : i32 from vector<1xi32>
        %add3A_59 = arith.addi %scan3A_38, %squeeze3A : i32
        %ge3A_60 = arith.constant 1024 : i32
        %ge3A_61 = arith.cmpi sge, %add3A_59, %ge3A_60 : i32
        %convert_element_type3A_62 = arith.extui %ge3A_61 : i1 to i32
        %cond3A_63 = arith.constant 0 : i32
        %cond3A_64 = arith.cmpi ne, %convert_element_type3A_62, %cond3A_63 : i32
        scf.if %cond3A_64 {
          %mul3A_73 = arith.constant 1024 : i32
          %mul3A_74 = arith.muli %scan3A_39, %mul3A_73 : i32
          "tpu.region"() ({
            %run_scoped3A = tpu.sem_alloc : memref<!tpu.dma_semaphore, #tpu.memory_space<semaphore_mem>>
            %dma_start3A = arith.constant 0 : i32
            %dma_start3A_85 = tpu.memref_slice %arg7[%dma_start3A] : memref<1040xi32, #tpu.memory_space<vmem>> -> memref<1024xi32, #tpu.memory_space<vmem>>
            %dma_start3A_86 = tpu.memref_slice %arg3[%add3A, %mul3A_74] : memref<32x321024xi32, #tpu.memory_space<hbm>> -> memref<1x1024xi32, #tpu.memory_space<hbm>>
            %dma_start3A_87 = tpu.memref_squeeze %dma_start3A_86 : memref<1x1024xi32, #tpu.memory_space<hbm>> -> memref<1024xi32, #tpu.memory_space<hbm>>
            %dma_start3A_88 = tpu.memref_slice %arg3[%add3A, %mul3A_74] : memref<32x321024xi32, #tpu.memory_space<hbm>> -> memref<1x1024xi32, #tpu.memory_space<hbm>>
            %dma_start3A_89 = tpu.memref_squeeze %dma_start3A_88 : memref<1x1024xi32, #tpu.memory_space<hbm>> -> memref<1024xi32, #tpu.memory_space<hbm>>
            %dma_start3A_90 = arith.constant 0 : i32
            %dma_start3A_91 = tpu.memref_slice %arg7[%dma_start3A_90] : memref<1040xi32, #tpu.memory_space<vmem>> -> memref<1024xi32, #tpu.memory_space<vmem>>
            tpu.enqueue_dma source(%dma_start3A_91 : memref<1024xi32, #tpu.memory_space<vmem>>) target(%dma_start3A_89 : memref<1024xi32, #tpu.memory_space<hbm>>) target_semaphore(%run_scoped3A : memref<!tpu.dma_semaphore, #tpu.memory_space<semaphore_mem>>)
            %dma_wait3A = arith.constant 0 : i32
            %dma_wait3A_92 = tpu.memref_slice %arg7[%dma_wait3A] : memref<1040xi32, #tpu.memory_space<vmem>> -> memref<1024xi32, #tpu.memory_space<vmem>>
            %dma_wait3A_93 = tpu.memref_slice %arg3[%add3A, %mul3A_74] : memref<32x321024xi32, #tpu.memory_space<hbm>> -> memref<1x1024xi32, #tpu.memory_space<hbm>>
            %dma_wait3A_94 = tpu.memref_squeeze %dma_wait3A_93 : memref<1x1024xi32, #tpu.memory_space<hbm>> -> memref<1024xi32, #tpu.memory_space<hbm>>
            %dma_wait3A_95 = tpu.memref_slice %arg3[%add3A, %mul3A_74] : memref<32x321024xi32, #tpu.memory_space<hbm>> -> memref<1x1024xi32, #tpu.memory_space<hbm>>
            %dma_wait3A_96 = tpu.memref_squeeze %dma_wait3A_95 : memref<1x1024xi32, #tpu.memory_space<hbm>> -> memref<1024xi32, #tpu.memory_space<hbm>>
            %dma_wait3A_97 = arith.constant 0 : i32
            %dma_wait3A_98 = tpu.memref_slice %arg7[%dma_wait3A_97] : memref<1040xi32, #tpu.memory_space<vmem>> -> memref<1024xi32, #tpu.memory_space<vmem>>
            tpu.wait_dma2 semaphore(%run_scoped3A : memref<!tpu.dma_semaphore, #tpu.memory_space<semaphore_mem>>) src(%dma_wait3A_98 : memref<1024xi32, #tpu.memory_space<vmem>>) dst(%dma_wait3A_96 : memref<1024xi32, #tpu.memory_space<hbm>>)
            tpu.yield
          }) : () -> ()
          %mul3A_75 = arith.constant 1024 : i32
          %mul3A_76 = arith.muli %scan3A_39, %mul3A_75 : i32
          "tpu.region"() ({
            %run_scoped3A = tpu.sem_alloc : memref<!tpu.dma_semaphore, #tpu.memory_space<semaphore_mem>>
            %dma_start3A = arith.constant 0 : i32
            %dma_start3A_85 = tpu.memref_slice %arg8[%dma_start3A] : memref<1040xi32, #tpu.memory_space<vmem>> -> memref<1024xi32, #tpu.memory_space<vmem>>
            %dma_start3A_86 = tpu.memref_slice %arg4[%add3A, %mul3A_76] : memref<32x321024xi32, #tpu.memory_space<hbm>> -> memref<1x1024xi32, #tpu.memory_space<hbm>>
            %dma_start3A_87 = tpu.memref_squeeze %dma_start3A_86 : memref<1x1024xi32, #tpu.memory_space<hbm>> -> memref<1024xi32, #tpu.memory_space<hbm>>
            %dma_start3A_88 = tpu.memref_slice %arg4[%add3A, %mul3A_76] : memref<32x321024xi32, #tpu.memory_space<hbm>> -> memref<1x1024xi32, #tpu.memory_space<hbm>>
            %dma_start3A_89 = tpu.memref_squeeze %dma_start3A_88 : memref<1x1024xi32, #tpu.memory_space<hbm>> -> memref<1024xi32, #tpu.memory_space<hbm>>
            %dma_start3A_90 = arith.constant 0 : i32
            %dma_start3A_91 = tpu.memref_slice %arg8[%dma_start3A_90] : memref<1040xi32, #tpu.memory_space<vmem>> -> memref<1024xi32, #tpu.memory_space<vmem>>
            tpu.enqueue_dma source(%dma_start3A_91 : memref<1024xi32, #tpu.memory_space<vmem>>) target(%dma_start3A_89 : memref<1024xi32, #tpu.memory_space<hbm>>) target_semaphore(%run_scoped3A : memref<!tpu.dma_semaphore, #tpu.memory_space<semaphore_mem>>)
            %dma_wait3A = arith.constant 0 : i32
            %dma_wait3A_92 = tpu.memref_slice %arg8[%dma_wait3A] : memref<1040xi32, #tpu.memory_space<vmem>> -> memref<1024xi32, #tpu.memory_space<vmem>>
            %dma_wait3A_93 = tpu.memref_slice %arg4[%add3A, %mul3A_76] : memref<32x321024xi32, #tpu.memory_space<hbm>> -> memref<1x1024xi32, #tpu.memory_space<hbm>>
            %dma_wait3A_94 = tpu.memref_squeeze %dma_wait3A_93 : memref<1x1024xi32, #tpu.memory_space<hbm>> -> memref<1024xi32, #tpu.memory_space<hbm>>
            %dma_wait3A_95 = tpu.memref_slice %arg4[%add3A, %mul3A_76] : memref<32x321024xi32, #tpu.memory_space<hbm>> -> memref<1x1024xi32, #tpu.memory_space<hbm>>
            %dma_wait3A_96 = tpu.memref_squeeze %dma_wait3A_95 : memref<1x1024xi32, #tpu.memory_space<hbm>> -> memref<1024xi32, #tpu.memory_space<hbm>>
            %dma_wait3A_97 = arith.constant 0 : i32
            %dma_wait3A_98 = tpu.memref_slice %arg8[%dma_wait3A_97] : memref<1040xi32, #tpu.memory_space<vmem>> -> memref<1024xi32, #tpu.memory_space<vmem>>
            tpu.wait_dma2 semaphore(%run_scoped3A : memref<!tpu.dma_semaphore, #tpu.memory_space<semaphore_mem>>) src(%dma_wait3A_98 : memref<1024xi32, #tpu.memory_space<vmem>>) dst(%dma_wait3A_96 : memref<1024xi32, #tpu.memory_space<hbm>>)
            tpu.yield
          }) : () -> ()
          %get3A_77 = arith.constant 1024 : index
          %get3A_78 = tpu.vector_load %arg7[%get3A_77] {strides = array<i32>} : memref<1040xi32, #tpu.memory_space<vmem>>, vector<16xi32>,
          %get3A_79 = arith.constant 1024 : index
          %get3A_80 = tpu.vector_load %arg8[%get3A_79] {strides = array<i32>} : memref<1040xi32, #tpu.memory_space<vmem>>, vector<16xi32>,
          %swap3A_81 = arith.constant 0 : index
          %swap3A_82 = tpu.vector_load %arg7[%swap3A_81] {strides = array<i32>} : memref<1040xi32, #tpu.memory_space<vmem>>, vector<16xi32>,
          tpu.vector_store %arg7[%swap3A_81], %get3A_78 {strides = array<i32>} : memref<1040xi32, #tpu.memory_space<vmem>>, vector<16xi32>,
          %swap3A_83 = arith.constant 0 : index
          %swap3A_84 = tpu.vector_load %arg8[%swap3A_83] {strides = array<i32>} : memref<1040xi32, #tpu.memory_space<vmem>>, vector<16xi32>,
          tpu.vector_store %arg8[%swap3A_83], %get3A_80 {strides = array<i32>} : memref<1040xi32, #tpu.memory_space<vmem>>, vector<16xi32>,
        } else {
        }
        %jit3A_65 = arith.constant 1024 : i32
        %jit3A_66 = arith.constant 0 : i32
        %select_n3A_67 = arith.select %ge3A_61, %jit3A_65, %jit3A_66 : i32
        %sub3A_68 = arith.subi %add3A_59, %select_n3A_67 : i32
        %jit3A_69 = arith.constant 1 : i32
        %jit3A_70 = arith.constant 0 : i32
        %select_n3A_71 = arith.select %ge3A_61, %jit3A_69, %jit3A_70 : i32
        %add3A_72 = arith.addi %scan3A_39, %select_n3A_71 : i32
        scf.yield %sub3A_68, %add3A_72 : i32, i32
      }
      %scan3A_36 = arith.constant 125 : i32
      scf.yield %scan3A_35#0, %scan3A_35#1 : i32, i32
    }
    %scan3A_18 = arith.constant 160 : i32
    %gt3A = arith.constant 0 : i32
    %gt3A_19 = arith.cmpi sgt, %scan3A_17#0, %gt3A : i32
    %convert_element_type3A = arith.extui %gt3A_19 : i1 to i32
    %cond3A = arith.constant 0 : i32
    %cond3A_20 = arith.cmpi ne, %convert_element_type3A, %cond3A : i32
    scf.if %cond3A_20 {
      %mul3A_26 = arith.constant 1024 : i32
      %mul3A_27 = arith.muli %scan3A_17#1, %mul3A_26 : i32
      "tpu.region"() ({
        %run_scoped3A = tpu.sem_alloc : memref<!tpu.dma_semaphore, #tpu.memory_space<semaphore_mem>>
        %dma_start3A = arith.constant 0 : i32
        %dma_start3A_30 = tpu.memref_slice %arg7[%dma_start3A] : memref<1040xi32, #tpu.memory_space<vmem>> -> memref<1024xi32, #tpu.memory_space<vmem>>
        %dma_start3A_31 = tpu.memref_slice %arg3[%add3A, %mul3A_27] : memref<32x321024xi32, #tpu.memory_space<hbm>> -> memref<1x1024xi32, #tpu.memory_space<hbm>>
        %dma_start3A_32 = tpu.memref_squeeze %dma_start3A_31 : memref<1x1024xi32, #tpu.memory_space<hbm>> -> memref<1024xi32, #tpu.memory_space<hbm>>
        %dma_start3A_33 = tpu.memref_slice %arg3[%add3A, %mul3A_27] : memref<32x321024xi32, #tpu.memory_space<hbm>> -> memref<1x1024xi32, #tpu.memory_space<hbm>>
        %dma_start3A_34 = tpu.memref_squeeze %dma_start3A_33 : memref<1x1024xi32, #tpu.memory_space<hbm>> -> memref<1024xi32, #tpu.memory_space<hbm>>
        %dma_start3A_35 = arith.constant 0 : i32
        %dma_start3A_36 = tpu.memref_slice %arg7[%dma_start3A_35] : memref<1040xi32, #tpu.memory_space<vmem>> -> memref<1024xi32, #tpu.memory_space<vmem>>
        tpu.enqueue_dma source(%dma_start3A_36 : memref<1024xi32, #tpu.memory_space<vmem>>) target(%dma_start3A_34 : memref<1024xi32, #tpu.memory_space<hbm>>) target_semaphore(%run_scoped3A : memref<!tpu.dma_semaphore, #tpu.memory_space<semaphore_mem>>)
        %dma_wait3A = arith.constant 0 : i32
        %dma_wait3A_37 = tpu.memref_slice %arg7[%dma_wait3A] : memref<1040xi32, #tpu.memory_space<vmem>> -> memref<1024xi32, #tpu.memory_space<vmem>>
        %dma_wait3A_38 = tpu.memref_slice %arg3[%add3A, %mul3A_27] : memref<32x321024xi32, #tpu.memory_space<hbm>> -> memref<1x1024xi32, #tpu.memory_space<hbm>>
        %dma_wait3A_39 = tpu.memref_squeeze %dma_wait3A_38 : memref<1x1024xi32, #tpu.memory_space<hbm>> -> memref<1024xi32, #tpu.memory_space<hbm>>
        %dma_wait3A_40 = tpu.memref_slice %arg3[%add3A, %mul3A_27] : memref<32x321024xi32, #tpu.memory_space<hbm>> -> memref<1x1024xi32, #tpu.memory_space<hbm>>
        %dma_wait3A_41 = tpu.memref_squeeze %dma_wait3A_40 : memref<1x1024xi32, #tpu.memory_space<hbm>> -> memref<1024xi32, #tpu.memory_space<hbm>>
        %dma_wait3A_42 = arith.constant 0 : i32
        %dma_wait3A_43 = tpu.memref_slice %arg7[%dma_wait3A_42] : memref<1040xi32, #tpu.memory_space<vmem>> -> memref<1024xi32, #tpu.memory_space<vmem>>
        tpu.wait_dma2 semaphore(%run_scoped3A : memref<!tpu.dma_semaphore, #tpu.memory_space<semaphore_mem>>) src(%dma_wait3A_43 : memref<1024xi32, #tpu.memory_space<vmem>>) dst(%dma_wait3A_41 : memref<1024xi32, #tpu.memory_space<hbm>>)
        tpu.yield
      }) : () -> ()
      %mul3A_28 = arith.constant 1024 : i32
      %mul3A_29 = arith.muli %scan3A_17#1, %mul3A_28 : i32
      "tpu.region"() ({
        %run_scoped3A = tpu.sem_alloc : memref<!tpu.dma_semaphore, #tpu.memory_space<semaphore_mem>>
        %dma_start3A = arith.constant 0 : i32
        %dma_start3A_30 = tpu.memref_slice %arg8[%dma_start3A] : memref<1040xi32, #tpu.memory_space<vmem>> -> memref<1024xi32, #tpu.memory_space<vmem>>
        %dma_start3A_31 = tpu.memref_slice %arg4[%add3A, %mul3A_29] : memref<32x321024xi32, #tpu.memory_space<hbm>> -> memref<1x1024xi32, #tpu.memory_space<hbm>>
        %dma_start3A_32 = tpu.memref_squeeze %dma_start3A_31 : memref<1x1024xi32, #tpu.memory_space<hbm>> -> memref<1024xi32, #tpu.memory_space<hbm>>
        %dma_start3A_33 = tpu.memref_slice %arg4[%add3A, %mul3A_29] : memref<32x321024xi32, #tpu.memory_space<hbm>> -> memref<1x1024xi32, #tpu.memory_space<hbm>>
        %dma_start3A_34 = tpu.memref_squeeze %dma_start3A_33 : memref<1x1024xi32, #tpu.memory_space<hbm>> -> memref<1024xi32, #tpu.memory_space<hbm>>
        %dma_start3A_35 = arith.constant 0 : i32
        %dma_start3A_36 = tpu.memref_slice %arg8[%dma_start3A_35] : memref<1040xi32, #tpu.memory_space<vmem>> -> memref<1024xi32, #tpu.memory_space<vmem>>
        tpu.enqueue_dma source(%dma_start3A_36 : memref<1024xi32, #tpu.memory_space<vmem>>) target(%dma_start3A_34 : memref<1024xi32, #tpu.memory_space<hbm>>) target_semaphore(%run_scoped3A : memref<!tpu.dma_semaphore, #tpu.memory_space<semaphore_mem>>)
        %dma_wait3A = arith.constant 0 : i32
        %dma_wait3A_37 = tpu.memref_slice %arg8[%dma_wait3A] : memref<1040xi32, #tpu.memory_space<vmem>> -> memref<1024xi32, #tpu.memory_space<vmem>>
        %dma_wait3A_38 = tpu.memref_slice %arg4[%add3A, %mul3A_29] : memref<32x321024xi32, #tpu.memory_space<hbm>> -> memref<1x1024xi32, #tpu.memory_space<hbm>>
        %dma_wait3A_39 = tpu.memref_squeeze %dma_wait3A_38 : memref<1x1024xi32, #tpu.memory_space<hbm>> -> memref<1024xi32, #tpu.memory_space<hbm>>
        %dma_wait3A_40 = tpu.memref_slice %arg4[%add3A, %mul3A_29] : memref<32x321024xi32, #tpu.memory_space<hbm>> -> memref<1x1024xi32, #tpu.memory_space<hbm>>
        %dma_wait3A_41 = tpu.memref_squeeze %dma_wait3A_40 : memref<1x1024xi32, #tpu.memory_space<hbm>> -> memref<1024xi32, #tpu.memory_space<hbm>>
        %dma_wait3A_42 = arith.constant 0 : i32
        %dma_wait3A_43 = tpu.memref_slice %arg8[%dma_wait3A_42] : memref<1040xi32, #tpu.memory_space<vmem>> -> memref<1024xi32, #tpu.memory_space<vmem>>
        tpu.wait_dma2 semaphore(%run_scoped3A : memref<!tpu.dma_semaphore, #tpu.memory_space<semaphore_mem>>) src(%dma_wait3A_43 : memref<1024xi32, #tpu.memory_space<vmem>>) dst(%dma_wait3A_41 : memref<1024xi32, #tpu.memory_space<hbm>>)
        tpu.yield
      }) : () -> ()
    } else {
    }
    %mul3A_21 = arith.constant 1024 : i32
    %mul3A_22 = arith.muli %scan3A_17#1, %mul3A_21 : i32
    %add3A_23 = arith.addi %mul3A_22, %scan3A_17#0 : i32
    %broadcast_in_dim3A_24 = vector.broadcast %add3A_23 : i32 to vector<16xi32>
    %swap3A = arith.constant 0 : index
    %swap3A_25 = tpu.vector_load %arg9[%swap3A] {strides = array<i32>} : memref<16xi32, #tpu.memory_space<vmem>>, vector<16xi32>,
    tpu.vector_store %arg9[%swap3A], %broadcast_in_dim3A_24 {strides = array<i32>} : memref<16xi32, #tpu.memory_space<vmem>>, vector<16xi32>,
    "tpu.region"() ({
      %run_scoped3A = tpu.sem_alloc : memref<!tpu.dma_semaphore, #tpu.memory_space<semaphore_mem>>
      %dma_start3A = arith.constant 0 : i32
      %dma_start3A_26 = tpu.memref_slice %arg5[%add3A, %dma_start3A] : memref<32x16xi32, #tpu.memory_space<hbm>> -> memref<1x16xi32, #tpu.memory_space<hbm>>
      %dma_start3A_27 = tpu.memref_squeeze %dma_start3A_26 : memref<1x16xi32, #tpu.memory_space<hbm>> -> memref<16xi32, #tpu.memory_space<hbm>>
      %dma_start3A_28 = arith.constant 0 : i32
      %dma_start3A_29 = tpu.memref_slice %arg5[%add3A, %dma_start3A_28] : memref<32x16xi32, #tpu.memory_space<hbm>> -> memref<1x16xi32, #tpu.memory_space<hbm>>
      %dma_start3A_30 = tpu.memref_squeeze %dma_start3A_29 : memref<1x16xi32, #tpu.memory_space<hbm>> -> memref<16xi32, #tpu.memory_space<hbm>>
      tpu.enqueue_dma source(%arg9 : memref<16xi32, #tpu.memory_space<vmem>>) target(%dma_start3A_30 : memref<16xi32, #tpu.memory_space<hbm>>) target_semaphore(%run_scoped3A : memref<!tpu.dma_semaphore, #tpu.memory_space<semaphore_mem>>)
      %dma_wait3A = arith.constant 0 : i32
      %dma_wait3A_31 = tpu.memref_slice %arg5[%add3A, %dma_wait3A] : memref<32x16xi32, #tpu.memory_space<hbm>> -> memref<1x16xi32, #tpu.memory_space<hbm>>
      %dma_wait3A_32 = tpu.memref_squeeze %dma_wait3A_31 : memref<1x16xi32, #tpu.memory_space<hbm>> -> memref<16xi32, #tpu.memory_space<hbm>>
      %dma_wait3A_33 = arith.constant 0 : i32
      %dma_wait3A_34 = tpu.memref_slice %arg5[%add3A, %dma_wait3A_33] : memref<32x16xi32, #tpu.memory_space<hbm>> -> memref<1x16xi32, #tpu.memory_space<hbm>>
      %dma_wait3A_35 = tpu.memref_squeeze %dma_wait3A_34 : memref<1x16xi32, #tpu.memory_space<hbm>> -> memref<16xi32, #tpu.memory_space<hbm>>
      tpu.wait_dma2 semaphore(%run_scoped3A : memref<!tpu.dma_semaphore, #tpu.memory_space<semaphore_mem>>) src(%arg9 : memref<16xi32, #tpu.memory_space<vmem>>) dst(%dma_wait3A_35 : memref<16xi32, #tpu.memory_space<hbm>>)
      tpu.yield
    }) : () -> ()
    return
  }
}

#map = affine_map<(d0, d1) -> (0, 0)>
#map1 = affine_map<(d0, d1) -> (0)>
module attributes {stable_mosaic.version = 14 : i64} {
  func.func @_gather_pre(%arg0: i32, %arg1: i32, %arg2: memref<10000x32xf32, #tpu.memory_space<hbm>>, %arg3: memref<10000x32xf32, #tpu.memory_space<hbm>>, %arg4: memref<320000x32xf32, #tpu.memory_space<hbm>>, %arg5: memref<320000xi32, #tpu.memory_space<hbm>>, %arg6: memref<320000xi32, #tpu.memory_space<hbm>>, %arg7: memref<320000x32xf32, #tpu.memory_space<hbm>>, %arg8: memref<1000xi32, #tpu.memory_space<vmem>>, %arg9: memref<1000xi32, #tpu.memory_space<vmem>>, %arg10: memref<1000x32xf32, #tpu.memory_space<vmem>>, %arg11: memref<1000x32xf32, #tpu.memory_space<vmem>>, %arg12: memref<1000x32xf32, #tpu.memory_space<vmem>>, %arg13: memref<!tpu.dma_semaphore, #tpu.memory_space<semaphore_mem>>, %arg14: memref<!tpu.dma_semaphore, #tpu.memory_space<semaphore_mem>>) attributes {dimension_semantics = [#tpu.dimension_semantics<core_parallel>, #tpu.dimension_semantics<subcore_parallel>], iteration_bounds = array<i64: 2, 16>, scalar_prefetch = 0 : i64, scratch_operands = 7 : i64, tpu.core_type = #tpu.core_type<sc_vector_subcore>, window_params = [{transform_indices = #map}, {transform_indices = #map}, {transform_indices = #map}, {transform_indices = #map1}, {transform_indices = #map1}, {transform_indices = #map}]} {
    %mul3A = arith.constant 2 : i32
    %mul3A_0 = arith.muli %arg1, %mul3A : i32
    %add3A = arith.addi %mul3A_0, %arg0 : i32
    %scan3A = arith.constant 0 : i32
    %scan3A_1 = arith.constant 0 : i32
    %scan3A_2 = arith.constant 10 : i32
    %scan3A_3 = arith.addi %scan3A_1, %scan3A_2 : i32
    %scan3A_4 = arith.constant 1 : i32
    scf.for %scan3A_6 = %scan3A_1 to %scan3A_3 step %scan3A_4  : i32 {
      %mul3A_7 = arith.constant 10000 : i32
      %mul3A_8 = arith.muli %add3A, %mul3A_7 : i32
      %mul3A_9 = arith.constant 1000 : i32
      %mul3A_10 = arith.muli %scan3A_6, %mul3A_9 : i32
      %add3A_11 = arith.addi %mul3A_8, %mul3A_10 : i32
      "tpu.region"() ({
        %run_scoped3A = tpu.sem_alloc : memref<!tpu.dma_semaphore, #tpu.memory_space<semaphore_mem>>
        %dma_start3A_28 = tpu.memref_slice %arg6[%add3A_11] : memref<320000xi32, #tpu.memory_space<hbm>> -> memref<1000xi32, #tpu.memory_space<hbm>>
        %dma_start3A_29 = tpu.memref_slice %arg6[%add3A_11] : memref<320000xi32, #tpu.memory_space<hbm>> -> memref<1000xi32, #tpu.memory_space<hbm>>
        tpu.enqueue_dma source(%dma_start3A_29 : memref<1000xi32, #tpu.memory_space<hbm>>) target(%arg9 : memref<1000xi32, #tpu.memory_space<vmem>>) target_semaphore(%run_scoped3A : memref<!tpu.dma_semaphore, #tpu.memory_space<semaphore_mem>>)
        %dma_wait3A_30 = tpu.memref_slice %arg6[%add3A_11] : memref<320000xi32, #tpu.memory_space<hbm>> -> memref<1000xi32, #tpu.memory_space<hbm>>
        %dma_wait3A_31 = tpu.memref_slice %arg6[%add3A_11] : memref<320000xi32, #tpu.memory_space<hbm>> -> memref<1000xi32, #tpu.memory_space<hbm>>
        tpu.wait_dma2 semaphore(%run_scoped3A : memref<!tpu.dma_semaphore, #tpu.memory_space<semaphore_mem>>) src(%dma_wait3A_31 : memref<1000xi32, #tpu.memory_space<hbm>>) dst(%arg9 : memref<1000xi32, #tpu.memory_space<vmem>>)
        tpu.yield
      }) : () -> ()
      "tpu.region"() ({
        %run_scoped3A = tpu.sem_alloc : memref<!tpu.dma_semaphore, #tpu.memory_space<semaphore_mem>>
        %dma_start3A_28 = tpu.memref_slice %arg5[%add3A_11] : memref<320000xi32, #tpu.memory_space<hbm>> -> memref<1000xi32, #tpu.memory_space<hbm>>
        %dma_start3A_29 = tpu.memref_slice %arg5[%add3A_11] : memref<320000xi32, #tpu.memory_space<hbm>> -> memref<1000xi32, #tpu.memory_space<hbm>>
        tpu.enqueue_dma source(%dma_start3A_29 : memref<1000xi32, #tpu.memory_space<hbm>>) target(%arg8 : memref<1000xi32, #tpu.memory_space<vmem>>) target_semaphore(%run_scoped3A : memref<!tpu.dma_semaphore, #tpu.memory_space<semaphore_mem>>)
        %dma_wait3A_30 = tpu.memref_slice %arg5[%add3A_11] : memref<320000xi32, #tpu.memory_space<hbm>> -> memref<1000xi32, #tpu.memory_space<hbm>>
        %dma_wait3A_31 = tpu.memref_slice %arg5[%add3A_11] : memref<320000xi32, #tpu.memory_space<hbm>> -> memref<1000xi32, #tpu.memory_space<hbm>>
        tpu.wait_dma2 semaphore(%run_scoped3A : memref<!tpu.dma_semaphore, #tpu.memory_space<semaphore_mem>>) src(%dma_wait3A_31 : memref<1000xi32, #tpu.memory_space<hbm>>) dst(%arg8 : memref<1000xi32, #tpu.memory_space<vmem>>)
        tpu.yield
      }) : () -> ()
      %dma_start3A = arith.constant 0 : i32
      %dma_start3A_12 = arith.constant 0 : i32
      %dma_start3A_13 = tpu.memref_slice %arg2[%dma_start3A, %dma_start3A_12] : memref<10000x32xf32, #tpu.memory_space<hbm>> -> memref<10000x32xf32, #tpu.memory_space<hbm>>
      tpu.enqueue_indirect_dma source(%dma_start3A_13 : memref<10000x32xf32, #tpu.memory_space<hbm>>) target(%arg10 : memref<1000x32xf32, #tpu.memory_space<vmem>>) offsets(%arg9 : memref<1000xi32, #tpu.memory_space<vmem>>) semaphore(%arg13 : memref<!tpu.dma_semaphore, #tpu.memory_space<semaphore_mem>>)
      %dma_start3A_14 = arith.constant 0 : i32
      %dma_start3A_15 = arith.constant 0 : i32
      %dma_start3A_16 = tpu.memref_slice %arg3[%dma_start3A_14, %dma_start3A_15] : memref<10000x32xf32, #tpu.memory_space<hbm>> -> memref<10000x32xf32, #tpu.memory_space<hbm>>
      tpu.enqueue_indirect_dma source(%dma_start3A_16 : memref<10000x32xf32, #tpu.memory_space<hbm>>) target(%arg11 : memref<1000x32xf32, #tpu.memory_space<vmem>>) offsets(%arg8 : memref<1000xi32, #tpu.memory_space<vmem>>) semaphore(%arg14 : memref<!tpu.dma_semaphore, #tpu.memory_space<semaphore_mem>>)
      "tpu.region"() ({
        %run_scoped3A = tpu.sem_alloc : memref<!tpu.dma_semaphore, #tpu.memory_space<semaphore_mem>>
        %dma_start3A_28 = arith.constant 0 : i32
        %dma_start3A_29 = tpu.memref_slice %arg4[%add3A_11, %dma_start3A_28] : memref<320000x32xf32, #tpu.memory_space<hbm>> -> memref<1000x32xf32, #tpu.memory_space<hbm>>
        %dma_start3A_30 = arith.constant 0 : i32
        %dma_start3A_31 = tpu.memref_slice %arg4[%add3A_11, %dma_start3A_30] : memref<320000x32xf32, #tpu.memory_space<hbm>> -> memref<1000x32xf32, #tpu.memory_space<hbm>>
        tpu.enqueue_dma source(%dma_start3A_31 : memref<1000x32xf32, #tpu.memory_space<hbm>>) target(%arg12 : memref<1000x32xf32, #tpu.memory_space<vmem>>) target_semaphore(%run_scoped3A : memref<!tpu.dma_semaphore, #tpu.memory_space<semaphore_mem>>)
        %dma_wait3A_32 = arith.constant 0 : i32
        %dma_wait3A_33 = tpu.memref_slice %arg4[%add3A_11, %dma_wait3A_32] : memref<320000x32xf32, #tpu.memory_space<hbm>> -> memref<1000x32xf32, #tpu.memory_space<hbm>>
        %dma_wait3A_34 = arith.constant 0 : i32
        %dma_wait3A_35 = tpu.memref_slice %arg4[%add3A_11, %dma_wait3A_34] : memref<320000x32xf32, #tpu.memory_space<hbm>> -> memref<1000x32xf32, #tpu.memory_space<hbm>>
        tpu.wait_dma2 semaphore(%run_scoped3A : memref<!tpu.dma_semaphore, #tpu.memory_space<semaphore_mem>>) src(%dma_wait3A_35 : memref<1000x32xf32, #tpu.memory_space<hbm>>) dst(%arg12 : memref<1000x32xf32, #tpu.memory_space<vmem>>)
        tpu.yield
      }) : () -> ()
      %dma_wait3A = arith.constant 0 : i32
      %dma_wait3A_17 = arith.constant 0 : i32
      %dma_wait3A_18 = tpu.memref_slice %arg2[%dma_wait3A, %dma_wait3A_17] : memref<10000x32xf32, #tpu.memory_space<hbm>> -> memref<10000x32xf32, #tpu.memory_space<hbm>>
      tpu.wait_indirect_dma semaphore(%arg13 : memref<!tpu.dma_semaphore, #tpu.memory_space<semaphore_mem>>) src(%dma_wait3A_18 : memref<10000x32xf32, #tpu.memory_space<hbm>>) dst(%arg10 : memref<1000x32xf32, #tpu.memory_space<vmem>>)
      %dma_wait3A_19 = arith.constant 0 : i32
      %dma_wait3A_20 = arith.constant 0 : i32
      %dma_wait3A_21 = tpu.memref_slice %arg3[%dma_wait3A_19, %dma_wait3A_20] : memref<10000x32xf32, #tpu.memory_space<hbm>> -> memref<10000x32xf32, #tpu.memory_space<hbm>>
      tpu.wait_indirect_dma semaphore(%arg14 : memref<!tpu.dma_semaphore, #tpu.memory_space<semaphore_mem>>) src(%dma_wait3A_21 : memref<10000x32xf32, #tpu.memory_space<hbm>>) dst(%arg11 : memref<1000x32xf32, #tpu.memory_space<vmem>>)
      %scan3A_22 = arith.constant 0 : i32
      %scan3A_23 = arith.constant 0 : i32
      %scan3A_24 = arith.constant 1000 : i32
      %scan3A_25 = arith.addi %scan3A_23, %scan3A_24 : i32
      %scan3A_26 = arith.constant 2 : i32
      scf.for %scan3A_28 = %scan3A_23 to %scan3A_25 step %scan3A_26  : i32 {
        %get3A = arith.index_cast %scan3A_28 : i32 to index
        %get3A_29 = arith.constant 0 : index
        %get3A_30 = tpu.vector_load %arg10[%get3A, %get3A_29] {strides = array<i32>} : memref<1000x32xf32, #tpu.memory_space<vmem>>, vector<1x16xf32>,
        %get3A_31 = vector.shape_cast %get3A_30 : vector<1x16xf32> to vector<16xf32>
        %get3A_32 = arith.index_cast %scan3A_28 : i32 to index
        %get3A_33 = arith.constant 0 : index
        %get3A_34 = tpu.vector_load %arg11[%get3A_32, %get3A_33] {strides = array<i32>} : memref<1000x32xf32, #tpu.memory_space<vmem>>, vector<1x16xf32>,
        %get3A_35 = vector.shape_cast %get3A_34 : vector<1x16xf32> to vector<16xf32>
        %add3A_36 = arith.addf %get3A_31, %get3A_35 : vector<16xf32>
        %get3A_37 = arith.index_cast %scan3A_28 : i32 to index
        %get3A_38 = arith.constant 0 : index
        %get3A_39 = tpu.vector_load %arg12[%get3A_37, %get3A_38] {strides = array<i32>} : memref<1000x32xf32, #tpu.memory_space<vmem>>, vector<1x16xf32>,
        %get3A_40 = vector.shape_cast %get3A_39 : vector<1x16xf32> to vector<16xf32>
        %add3A_41 = arith.addf %add3A_36, %get3A_40 : vector<16xf32>
        %swap3A = arith.index_cast %scan3A_28 : i32 to index
        %swap3A_42 = arith.constant 0 : index
        %swap3A_43 = tpu.vector_load %arg12[%swap3A, %swap3A_42] {strides = array<i32>} : memref<1000x32xf32, #tpu.memory_space<vmem>>, vector<1x16xf32>,
        %swap3A_44 = vector.shape_cast %swap3A_43 : vector<1x16xf32> to vector<16xf32>
        %swap3A_45 = vector.shape_cast %add3A_41 : vector<16xf32> to vector<1x16xf32>
        tpu.vector_store %arg12[%swap3A, %swap3A_42], %swap3A_45 {strides = array<i32>} : memref<1000x32xf32, #tpu.memory_space<vmem>>, vector<1x16xf32>,
        %get3A_46 = arith.index_cast %scan3A_28 : i32 to index
        %get3A_47 = arith.constant 16 : index
        %get3A_48 = tpu.vector_load %arg10[%get3A_46, %get3A_47] {strides = array<i32>} : memref<1000x32xf32, #tpu.memory_space<vmem>>, vector<1x16xf32>,
        %get3A_49 = vector.shape_cast %get3A_48 : vector<1x16xf32> to vector<16xf32>
        %get3A_50 = arith.index_cast %scan3A_28 : i32 to index
        %get3A_51 = arith.constant 16 : index
        %get3A_52 = tpu.vector_load %arg11[%get3A_50, %get3A_51] {strides = array<i32>} : memref<1000x32xf32, #tpu.memory_space<vmem>>, vector<1x16xf32>,
        %get3A_53 = vector.shape_cast %get3A_52 : vector<1x16xf32> to vector<16xf32>
        %add3A_54 = arith.addf %get3A_49, %get3A_53 : vector<16xf32>
        %get3A_55 = arith.index_cast %scan3A_28 : i32 to index
        %get3A_56 = arith.constant 16 : index
        %get3A_57 = tpu.vector_load %arg12[%get3A_55, %get3A_56] {strides = array<i32>} : memref<1000x32xf32, #tpu.memory_space<vmem>>, vector<1x16xf32>,
        %get3A_58 = vector.shape_cast %get3A_57 : vector<1x16xf32> to vector<16xf32>
        %add3A_59 = arith.addf %add3A_54, %get3A_58 : vector<16xf32>
        %swap3A_60 = arith.index_cast %scan3A_28 : i32 to index
        %swap3A_61 = arith.constant 16 : index
        %swap3A_62 = tpu.vector_load %arg12[%swap3A_60, %swap3A_61] {strides = array<i32>} : memref<1000x32xf32, #tpu.memory_space<vmem>>, vector<1x16xf32>,
        %swap3A_63 = vector.shape_cast %swap3A_62 : vector<1x16xf32> to vector<16xf32>
        %swap3A_64 = vector.shape_cast %add3A_59 : vector<16xf32> to vector<1x16xf32>
        tpu.vector_store %arg12[%swap3A_60, %swap3A_61], %swap3A_64 {strides = array<i32>} : memref<1000x32xf32, #tpu.memory_space<vmem>>, vector<1x16xf32>,
        %scan3A_65 = arith.constant 1 : i32
        %scan3A_66 = arith.addi %scan3A_28, %scan3A_65 : i32
        %get3A_67 = arith.index_cast %scan3A_66 : i32 to index
        %get3A_68 = arith.constant 0 : index
        %get3A_69 = tpu.vector_load %arg10[%get3A_67, %get3A_68] {strides = array<i32>} : memref<1000x32xf32, #tpu.memory_space<vmem>>, vector<1x16xf32>,
        %get3A_70 = vector.shape_cast %get3A_69 : vector<1x16xf32> to vector<16xf32>
        %get3A_71 = arith.index_cast %scan3A_66 : i32 to index
        %get3A_72 = arith.constant 0 : index
        %get3A_73 = tpu.vector_load %arg11[%get3A_71, %get3A_72] {strides = array<i32>} : memref<1000x32xf32, #tpu.memory_space<vmem>>, vector<1x16xf32>,
        %get3A_74 = vector.shape_cast %get3A_73 : vector<1x16xf32> to vector<16xf32>
        %add3A_75 = arith.addf %get3A_70, %get3A_74 : vector<16xf32>
        %get3A_76 = arith.index_cast %scan3A_66 : i32 to index
        %get3A_77 = arith.constant 0 : index
        %get3A_78 = tpu.vector_load %arg12[%get3A_76, %get3A_77] {strides = array<i32>} : memref<1000x32xf32, #tpu.memory_space<vmem>>, vector<1x16xf32>,
        %get3A_79 = vector.shape_cast %get3A_78 : vector<1x16xf32> to vector<16xf32>
        %add3A_80 = arith.addf %add3A_75, %get3A_79 : vector<16xf32>
        %swap3A_81 = arith.index_cast %scan3A_66 : i32 to index
        %swap3A_82 = arith.constant 0 : index
        %swap3A_83 = tpu.vector_load %arg12[%swap3A_81, %swap3A_82] {strides = array<i32>} : memref<1000x32xf32, #tpu.memory_space<vmem>>, vector<1x16xf32>,
        %swap3A_84 = vector.shape_cast %swap3A_83 : vector<1x16xf32> to vector<16xf32>
        %swap3A_85 = vector.shape_cast %add3A_80 : vector<16xf32> to vector<1x16xf32>
        tpu.vector_store %arg12[%swap3A_81, %swap3A_82], %swap3A_85 {strides = array<i32>} : memref<1000x32xf32, #tpu.memory_space<vmem>>, vector<1x16xf32>,
        %get3A_86 = arith.index_cast %scan3A_66 : i32 to index
        %get3A_87 = arith.constant 16 : index
        %get3A_88 = tpu.vector_load %arg10[%get3A_86, %get3A_87] {strides = array<i32>} : memref<1000x32xf32, #tpu.memory_space<vmem>>, vector<1x16xf32>,
        %get3A_89 = vector.shape_cast %get3A_88 : vector<1x16xf32> to vector<16xf32>
        %get3A_90 = arith.index_cast %scan3A_66 : i32 to index
        %get3A_91 = arith.constant 16 : index
        %get3A_92 = tpu.vector_load %arg11[%get3A_90, %get3A_91] {strides = array<i32>} : memref<1000x32xf32, #tpu.memory_space<vmem>>, vector<1x16xf32>,
        %get3A_93 = vector.shape_cast %get3A_92 : vector<1x16xf32> to vector<16xf32>
        %add3A_94 = arith.addf %get3A_89, %get3A_93 : vector<16xf32>
        %get3A_95 = arith.index_cast %scan3A_66 : i32 to index
        %get3A_96 = arith.constant 16 : index
        %get3A_97 = tpu.vector_load %arg12[%get3A_95, %get3A_96] {strides = array<i32>} : memref<1000x32xf32, #tpu.memory_space<vmem>>, vector<1x16xf32>,
        %get3A_98 = vector.shape_cast %get3A_97 : vector<1x16xf32> to vector<16xf32>
        %add3A_99 = arith.addf %add3A_94, %get3A_98 : vector<16xf32>
        %swap3A_100 = arith.index_cast %scan3A_66 : i32 to index
        %swap3A_101 = arith.constant 16 : index
        %swap3A_102 = tpu.vector_load %arg12[%swap3A_100, %swap3A_101] {strides = array<i32>} : memref<1000x32xf32, #tpu.memory_space<vmem>>, vector<1x16xf32>,
        %swap3A_103 = vector.shape_cast %swap3A_102 : vector<1x16xf32> to vector<16xf32>
        %swap3A_104 = vector.shape_cast %add3A_99 : vector<16xf32> to vector<1x16xf32>
        tpu.vector_store %arg12[%swap3A_100, %swap3A_101], %swap3A_104 {strides = array<i32>} : memref<1000x32xf32, #tpu.memory_space<vmem>>, vector<1x16xf32>,
      }
      %scan3A_27 = arith.constant 1000 : i32
      "tpu.region"() ({
        %run_scoped3A = tpu.sem_alloc : memref<!tpu.dma_semaphore, #tpu.memory_space<semaphore_mem>>
        %dma_start3A_28 = arith.constant 0 : i32
        %dma_start3A_29 = tpu.memref_slice %arg7[%add3A_11, %dma_start3A_28] : memref<320000x32xf32, #tpu.memory_space<hbm>> -> memref<1000x32xf32, #tpu.memory_space<hbm>>
        %dma_start3A_30 = arith.constant 0 : i32
        %dma_start3A_31 = tpu.memref_slice %arg7[%add3A_11, %dma_start3A_30] : memref<320000x32xf32, #tpu.memory_space<hbm>> -> memref<1000x32xf32, #tpu.memory_space<hbm>>
        tpu.enqueue_dma source(%arg12 : memref<1000x32xf32, #tpu.memory_space<vmem>>) target(%dma_start3A_31 : memref<1000x32xf32, #tpu.memory_space<hbm>>) target_semaphore(%run_scoped3A : memref<!tpu.dma_semaphore, #tpu.memory_space<semaphore_mem>>)
        %dma_wait3A_32 = arith.constant 0 : i32
        %dma_wait3A_33 = tpu.memref_slice %arg7[%add3A_11, %dma_wait3A_32] : memref<320000x32xf32, #tpu.memory_space<hbm>> -> memref<1000x32xf32, #tpu.memory_space<hbm>>
        %dma_wait3A_34 = arith.constant 0 : i32
        %dma_wait3A_35 = tpu.memref_slice %arg7[%add3A_11, %dma_wait3A_34] : memref<320000x32xf32, #tpu.memory_space<hbm>> -> memref<1000x32xf32, #tpu.memory_space<hbm>>
        tpu.wait_dma2 semaphore(%run_scoped3A : memref<!tpu.dma_semaphore, #tpu.memory_space<semaphore_mem>>) src(%arg12 : memref<1000x32xf32, #tpu.memory_space<vmem>>) dst(%dma_wait3A_35 : memref<1000x32xf32, #tpu.memory_space<hbm>>)
        tpu.yield
      }) : () -> ()
    }
    %scan3A_5 = arith.constant 10 : i32
    return
  }
}

#map = affine_map<(d0, d1) -> (0, 0)>
module attributes {stable_mosaic.version = 14 : i64} {
  func.func @_seg_min(%arg0: i32, %arg1: i32, %arg2: memref<320000x32xf32, #tpu.memory_space<hbm>>, %arg3: memref<32x321024xi32, #tpu.memory_space<hbm>>, %arg4: memref<32x321024xi32, #tpu.memory_space<hbm>>, %arg5: memref<32x16xi32, #tpu.memory_space<hbm>>, %arg6: memref<10016x32xf32, #tpu.memory_space<hbm>>, %arg7: memref<313x32xf32, #tpu.memory_space<vmem>>, %arg8: memref<1024xi32, #tpu.memory_space<vmem>>, %arg9: memref<1024xi32, #tpu.memory_space<vmem>>, %arg10: memref<1024x32xf32, #tpu.memory_space<vmem>>, %arg11: memref<16xi32, #tpu.memory_space<vmem>>, %arg12: memref<!tpu.dma_semaphore, #tpu.memory_space<semaphore_mem>>) attributes {dimension_semantics = [#tpu.dimension_semantics<core_parallel>, #tpu.dimension_semantics<subcore_parallel>], iteration_bounds = array<i64: 2, 16>, scalar_prefetch = 0 : i64, scratch_operands = 6 : i64, tpu.core_type = #tpu.core_type<sc_vector_subcore>, window_params = [{transform_indices = #map}, {transform_indices = #map}, {transform_indices = #map}, {transform_indices = #map}, {transform_indices = #map}]} {
    %mul3A = arith.constant 2 : i32
    %mul3A_0 = arith.muli %arg1, %mul3A : i32
    %add3A = arith.addi %mul3A_0, %arg0 : i32
    %mul3A_1 = arith.constant 313 : i32
    %mul3A_2 = arith.muli %add3A, %mul3A_1 : i32
    %broadcast_in_dim3A = arith.constant 0x7F800000 : f32
    %broadcast_in_dim3A_3 = vector.broadcast %broadcast_in_dim3A : f32 to vector<16xf32>
    %scan3A = arith.constant 0 : i32
    %scan3A_4 = arith.constant 0 : i32
    %scan3A_5 = arith.constant 313 : i32
    %scan3A_6 = arith.addi %scan3A_4, %scan3A_5 : i32
    %scan3A_7 = arith.constant 1 : i32
    scf.for %scan3A_46 = %scan3A_4 to %scan3A_6 step %scan3A_7  : i32 {
      %swap3A = arith.index_cast %scan3A_46 : i32 to index
      %swap3A_47 = arith.constant 0 : index
      %swap3A_48 = tpu.vector_load %arg7[%swap3A, %swap3A_47] {strides = array<i32>} : memref<313x32xf32, #tpu.memory_space<vmem>>, vector<1x16xf32>,
      %swap3A_49 = vector.shape_cast %swap3A_48 : vector<1x16xf32> to vector<16xf32>
      %swap3A_50 = vector.shape_cast %broadcast_in_dim3A_3 : vector<16xf32> to vector<1x16xf32>
      tpu.vector_store %arg7[%swap3A, %swap3A_47], %swap3A_50 {strides = array<i32>} : memref<313x32xf32, #tpu.memory_space<vmem>>, vector<1x16xf32>,
      %swap3A_51 = arith.index_cast %scan3A_46 : i32 to index
      %swap3A_52 = arith.constant 16 : index
      %swap3A_53 = tpu.vector_load %arg7[%swap3A_51, %swap3A_52] {strides = array<i32>} : memref<313x32xf32, #tpu.memory_space<vmem>>, vector<1x16xf32>,
      %swap3A_54 = vector.shape_cast %swap3A_53 : vector<1x16xf32> to vector<16xf32>
      %swap3A_55 = vector.shape_cast %broadcast_in_dim3A_3 : vector<16xf32> to vector<1x16xf32>
      tpu.vector_store %arg7[%swap3A_51, %swap3A_52], %swap3A_55 {strides = array<i32>} : memref<313x32xf32, #tpu.memory_space<vmem>>, vector<1x16xf32>,
    }
    %scan3A_8 = arith.constant 313 : i32
    "tpu.region"() ({
      %run_scoped3A = tpu.sem_alloc : memref<!tpu.dma_semaphore, #tpu.memory_space<semaphore_mem>>
      %dma_start3A = arith.constant 0 : i32
      %dma_start3A_46 = tpu.memref_slice %arg5[%add3A, %dma_start3A] : memref<32x16xi32, #tpu.memory_space<hbm>> -> memref<1x16xi32, #tpu.memory_space<hbm>>
      %dma_start3A_47 = tpu.memref_squeeze %dma_start3A_46 : memref<1x16xi32, #tpu.memory_space<hbm>> -> memref<16xi32, #tpu.memory_space<hbm>>
      %dma_start3A_48 = arith.constant 0 : i32
      %dma_start3A_49 = tpu.memref_slice %arg5[%add3A, %dma_start3A_48] : memref<32x16xi32, #tpu.memory_space<hbm>> -> memref<1x16xi32, #tpu.memory_space<hbm>>
      %dma_start3A_50 = tpu.memref_squeeze %dma_start3A_49 : memref<1x16xi32, #tpu.memory_space<hbm>> -> memref<16xi32, #tpu.memory_space<hbm>>
      tpu.enqueue_dma source(%dma_start3A_50 : memref<16xi32, #tpu.memory_space<hbm>>) target(%arg11 : memref<16xi32, #tpu.memory_space<vmem>>) target_semaphore(%run_scoped3A : memref<!tpu.dma_semaphore, #tpu.memory_space<semaphore_mem>>)
      %dma_wait3A = arith.constant 0 : i32
      %dma_wait3A_51 = tpu.memref_slice %arg5[%add3A, %dma_wait3A] : memref<32x16xi32, #tpu.memory_space<hbm>> -> memref<1x16xi32, #tpu.memory_space<hbm>>
      %dma_wait3A_52 = tpu.memref_squeeze %dma_wait3A_51 : memref<1x16xi32, #tpu.memory_space<hbm>> -> memref<16xi32, #tpu.memory_space<hbm>>
      %dma_wait3A_53 = arith.constant 0 : i32
      %dma_wait3A_54 = tpu.memref_slice %arg5[%add3A, %dma_wait3A_53] : memref<32x16xi32, #tpu.memory_space<hbm>> -> memref<1x16xi32, #tpu.memory_space<hbm>>
      %dma_wait3A_55 = tpu.memref_squeeze %dma_wait3A_54 : memref<1x16xi32, #tpu.memory_space<hbm>> -> memref<16xi32, #tpu.memory_space<hbm>>
      tpu.wait_dma2 semaphore(%run_scoped3A : memref<!tpu.dma_semaphore, #tpu.memory_space<semaphore_mem>>) src(%dma_wait3A_55 : memref<16xi32, #tpu.memory_space<hbm>>) dst(%arg11 : memref<16xi32, #tpu.memory_space<vmem>>)
      tpu.yield
    }) : () -> ()
    %get3A = arith.constant 0 : index
    %get3A_9 = tpu.vector_load %arg11[%get3A] {strides = array<i32>} : memref<16xi32, #tpu.memory_space<vmem>>, vector<16xi32>,
    %get3A_10 = vector.shape_cast %get3A_9 : vector<16xi32> to vector<16xi32>
    %slice3A = vector.extract_strided_slice %get3A_10 {offsets = [0], sizes = [1], strides = [1]} : vector<16xi32> to vector<1xi32>
    %squeeze3A = vector.extract %slice3A[0] : i32 from vector<1xi32>
    %add3A_11 = arith.constant 1024 : i32
    %add3A_12 = arith.addi %squeeze3A, %add3A_11 : i32
    %sub3A = arith.constant 1 : i32
    %sub3A_13 = arith.subi %add3A_12, %sub3A : i32
    %jit3A = arith.constant 1024 : i32
    %div3A = arith.divsi %sub3A_13, %jit3A : i32
    %sign3A = arith.constant 0 : i32
    %sign3A_14 = arith.cmpi sgt, %sub3A_13, %sign3A : i32
    %sign3A_15 = arith.extui %sign3A_14 : i1 to i32
    %sign3A_16 = arith.constant 0 : i32
    %sign3A_17 = arith.cmpi slt, %sub3A_13, %sign3A_16 : i32
    %sign3A_18 = arith.extui %sign3A_17 : i1 to i32
    %sign3A_19 = arith.subi %sign3A_15, %sign3A_18 : i32
    %sign3A_20 = arith.constant 0 : i32
    %sign3A_21 = arith.cmpi sgt, %jit3A, %sign3A_20 : i32
    %sign3A_22 = arith.extui %sign3A_21 : i1 to i32
    %sign3A_23 = arith.constant 0 : i32
    %sign3A_24 = arith.cmpi slt, %jit3A, %sign3A_23 : i32
    %sign3A_25 = arith.extui %sign3A_24 : i1 to i32
    %sign3A_26 = arith.subi %sign3A_22, %sign3A_25 : i32
    %ne3A = arith.cmpi ne, %sign3A_19, %sign3A_26 : i32
    %rem3A = arith.remsi %sub3A_13, %jit3A : i32
    %ne3A_27 = arith.constant 0 : i32
    %ne3A_28 = arith.cmpi ne, %rem3A, %ne3A_27 : i32
    %and3A = arith.andi %ne3A, %ne3A_28 : i1
    %sub3A_29 = arith.constant 1 : i32
    %sub3A_30 = arith.subi %div3A, %sub3A_29 : i32
    %select_n3A = arith.select %and3A, %sub3A_30, %div3A : i32
    %while3A = arith.constant 0 : i32
    %while3A_31 = arith.constant 0 : i32
    %while3A_32 = arith.subi %select_n3A, %while3A_31 : i32
    %while3A_33 = arith.addi %while3A_31, %while3A_32 : i32
    %while3A_34 = arith.constant 1 : i32
    %while3A_35 = arith.divsi %while3A_32, %while3A_34 : i32
    %while3A_36 = arith.muli %while3A_35, %while3A_34 : i32
    %while3A_37 = arith.addi %while3A_31, %while3A_36 : i32
    %while3A_38 = arith.constant 1 : i32
    scf.for %while3A_46 = %while3A_31 to %while3A_37 step %while3A_38  : i32 {
      %mul3A_47 = arith.constant 1024 : i32
      %mul3A_48 = arith.muli %while3A_46, %mul3A_47 : i32
      "tpu.region"() ({
        %run_scoped3A = tpu.sem_alloc : memref<!tpu.dma_semaphore, #tpu.memory_space<semaphore_mem>>
        %dma_start3A_69 = tpu.memref_slice %arg3[%add3A, %mul3A_48] : memref<32x321024xi32, #tpu.memory_space<hbm>> -> memref<1x1024xi32, #tpu.memory_space<hbm>>
        %dma_start3A_70 = tpu.memref_squeeze %dma_start3A_69 : memref<1x1024xi32, #tpu.memory_space<hbm>> -> memref<1024xi32, #tpu.memory_space<hbm>>
        %dma_start3A_71 = tpu.memref_slice %arg3[%add3A, %mul3A_48] : memref<32x321024xi32, #tpu.memory_space<hbm>> -> memref<1x1024xi32, #tpu.memory_space<hbm>>
        %dma_start3A_72 = tpu.memref_squeeze %dma_start3A_71 : memref<1x1024xi32, #tpu.memory_space<hbm>> -> memref<1024xi32, #tpu.memory_space<hbm>>
        tpu.enqueue_dma source(%dma_start3A_72 : memref<1024xi32, #tpu.memory_space<hbm>>) target(%arg8 : memref<1024xi32, #tpu.memory_space<vmem>>) target_semaphore(%run_scoped3A : memref<!tpu.dma_semaphore, #tpu.memory_space<semaphore_mem>>)
        %dma_wait3A_73 = tpu.memref_slice %arg3[%add3A, %mul3A_48] : memref<32x321024xi32, #tpu.memory_space<hbm>> -> memref<1x1024xi32, #tpu.memory_space<hbm>>
        %dma_wait3A_74 = tpu.memref_squeeze %dma_wait3A_73 : memref<1x1024xi32, #tpu.memory_space<hbm>> -> memref<1024xi32, #tpu.memory_space<hbm>>
        %dma_wait3A_75 = tpu.memref_slice %arg3[%add3A, %mul3A_48] : memref<32x321024xi32, #tpu.memory_space<hbm>> -> memref<1x1024xi32, #tpu.memory_space<hbm>>
        %dma_wait3A_76 = tpu.memref_squeeze %dma_wait3A_75 : memref<1x1024xi32, #tpu.memory_space<hbm>> -> memref<1024xi32, #tpu.memory_space<hbm>>
        tpu.wait_dma2 semaphore(%run_scoped3A : memref<!tpu.dma_semaphore, #tpu.memory_space<semaphore_mem>>) src(%dma_wait3A_76 : memref<1024xi32, #tpu.memory_space<hbm>>) dst(%arg8 : memref<1024xi32, #tpu.memory_space<vmem>>)
        tpu.yield
      }) : () -> ()
      %mul3A_49 = arith.constant 1024 : i32
      %mul3A_50 = arith.muli %while3A_46, %mul3A_49 : i32
      "tpu.region"() ({
        %run_scoped3A = tpu.sem_alloc : memref<!tpu.dma_semaphore, #tpu.memory_space<semaphore_mem>>
        %dma_start3A_69 = tpu.memref_slice %arg4[%add3A, %mul3A_50] : memref<32x321024xi32, #tpu.memory_space<hbm>> -> memref<1x1024xi32, #tpu.memory_space<hbm>>
        %dma_start3A_70 = tpu.memref_squeeze %dma_start3A_69 : memref<1x1024xi32, #tpu.memory_space<hbm>> -> memref<1024xi32, #tpu.memory_space<hbm>>
        %dma_start3A_71 = tpu.memref_slice %arg4[%add3A, %mul3A_50] : memref<32x321024xi32, #tpu.memory_space<hbm>> -> memref<1x1024xi32, #tpu.memory_space<hbm>>
        %dma_start3A_72 = tpu.memref_squeeze %dma_start3A_71 : memref<1x1024xi32, #tpu.memory_space<hbm>> -> memref<1024xi32, #tpu.memory_space<hbm>>
        tpu.enqueue_dma source(%dma_start3A_72 : memref<1024xi32, #tpu.memory_space<hbm>>) target(%arg9 : memref<1024xi32, #tpu.memory_space<vmem>>) target_semaphore(%run_scoped3A : memref<!tpu.dma_semaphore, #tpu.memory_space<semaphore_mem>>)
        %dma_wait3A_73 = tpu.memref_slice %arg4[%add3A, %mul3A_50] : memref<32x321024xi32, #tpu.memory_space<hbm>> -> memref<1x1024xi32, #tpu.memory_space<hbm>>
        %dma_wait3A_74 = tpu.memref_squeeze %dma_wait3A_73 : memref<1x1024xi32, #tpu.memory_space<hbm>> -> memref<1024xi32, #tpu.memory_space<hbm>>
        %dma_wait3A_75 = tpu.memref_slice %arg4[%add3A, %mul3A_50] : memref<32x321024xi32, #tpu.memory_space<hbm>> -> memref<1x1024xi32, #tpu.memory_space<hbm>>
        %dma_wait3A_76 = tpu.memref_squeeze %dma_wait3A_75 : memref<1x1024xi32, #tpu.memory_space<hbm>> -> memref<1024xi32, #tpu.memory_space<hbm>>
        tpu.wait_dma2 semaphore(%run_scoped3A : memref<!tpu.dma_semaphore, #tpu.memory_space<semaphore_mem>>) src(%dma_wait3A_76 : memref<1024xi32, #tpu.memory_space<hbm>>) dst(%arg9 : memref<1024xi32, #tpu.memory_space<vmem>>)
        tpu.yield
      }) : () -> ()
      %dma_start3A = arith.constant 0 : i32
      %dma_start3A_51 = arith.constant 0 : i32
      %dma_start3A_52 = tpu.memref_slice %arg2[%dma_start3A, %dma_start3A_51] : memref<320000x32xf32, #tpu.memory_space<hbm>> -> memref<320000x32xf32, #tpu.memory_space<hbm>>
      tpu.enqueue_indirect_dma source(%dma_start3A_52 : memref<320000x32xf32, #tpu.memory_space<hbm>>) target(%arg10 : memref<1024x32xf32, #tpu.memory_space<vmem>>) offsets(%arg8 : memref<1024xi32, #tpu.memory_space<vmem>>) semaphore(%arg12 : memref<!tpu.dma_semaphore, #tpu.memory_space<semaphore_mem>>)
      %dma_wait3A = arith.constant 0 : i32
      %dma_wait3A_53 = arith.constant 0 : i32
      %dma_wait3A_54 = tpu.memref_slice %arg2[%dma_wait3A, %dma_wait3A_53] : memref<320000x32xf32, #tpu.memory_space<hbm>> -> memref<320000x32xf32, #tpu.memory_space<hbm>>
      tpu.wait_indirect_dma semaphore(%arg12 : memref<!tpu.dma_semaphore, #tpu.memory_space<semaphore_mem>>) src(%dma_wait3A_54 : memref<320000x32xf32, #tpu.memory_space<hbm>>) dst(%arg10 : memref<1024x32xf32, #tpu.memory_space<vmem>>)
      %mul3A_55 = arith.constant 1024 : i32
      %mul3A_56 = arith.muli %while3A_46, %mul3A_55 : i32
      %sub3A_57 = arith.subi %squeeze3A, %mul3A_56 : i32
      %min3A = arith.constant 1024 : i32
      %min3A_58 = arith.minsi %sub3A_57, %min3A : i32
      %while3A_59 = arith.constant 0 : i32
      %while3A_60 = arith.constant 0 : i32
      %while3A_61 = arith.subi %min3A_58, %while3A_60 : i32
      %while3A_62 = arith.addi %while3A_60, %while3A_61 : i32
      %while3A_63 = arith.constant 1 : i32
      %while3A_64 = arith.divsi %while3A_61, %while3A_63 : i32
      %while3A_65 = arith.muli %while3A_64, %while3A_63 : i32
      %while3A_66 = arith.addi %while3A_60, %while3A_65 : i32
      %while3A_67 = arith.constant 1 : i32
      scf.for %while3A_69 = %while3A_60 to %while3A_66 step %while3A_67  : i32 {
        %get3A_70 = arith.index_cast %while3A_69 : i32 to index
        %get3A_71 = tpu.vector_load %arg9[%get3A_70] {strides = array<i32>} : memref<1024xi32, #tpu.memory_space<vmem>>, vector<16xi32>,
        %get3A_72 = vector.shape_cast %get3A_71 : vector<16xi32> to vector<16xi32>
        %slice3A_73 = vector.extract_strided_slice %get3A_72 {offsets = [0], sizes = [1], strides = [1]} : vector<16xi32> to vector<1xi32>
        %squeeze3A_74 = vector.extract %slice3A_73[0] : i32 from vector<1xi32>
        %get3A_75 = arith.index_cast %squeeze3A_74 : i32 to index
        %get3A_76 = arith.constant 0 : index
        %get3A_77 = tpu.vector_load %arg7[%get3A_75, %get3A_76] {strides = array<i32>} : memref<313x32xf32, #tpu.memory_space<vmem>>, vector<1x16xf32>,
        %get3A_78 = vector.shape_cast %get3A_77 : vector<1x16xf32> to vector<16xf32>
        %get3A_79 = arith.index_cast %while3A_69 : i32 to index
        %get3A_80 = arith.constant 0 : index
        %get3A_81 = tpu.vector_load %arg10[%get3A_79, %get3A_80] {strides = array<i32>} : memref<1024x32xf32, #tpu.memory_space<vmem>>, vector<1x16xf32>,
        %get3A_82 = vector.shape_cast %get3A_81 : vector<1x16xf32> to vector<16xf32>
        %min3A_83 = arith.minimumf %get3A_78, %get3A_82 : vector<16xf32>
        %swap3A = arith.index_cast %squeeze3A_74 : i32 to index
        %swap3A_84 = arith.constant 0 : index
        %swap3A_85 = tpu.vector_load %arg7[%swap3A, %swap3A_84] {strides = array<i32>} : memref<313x32xf32, #tpu.memory_space<vmem>>, vector<1x16xf32>,
        %swap3A_86 = vector.shape_cast %swap3A_85 : vector<1x16xf32> to vector<16xf32>
        %swap3A_87 = vector.shape_cast %min3A_83 : vector<16xf32> to vector<1x16xf32>
        tpu.vector_store %arg7[%swap3A, %swap3A_84], %swap3A_87 {strides = array<i32>} : memref<313x32xf32, #tpu.memory_space<vmem>>, vector<1x16xf32>,
        %get3A_88 = arith.index_cast %squeeze3A_74 : i32 to index
        %get3A_89 = arith.constant 16 : index
        %get3A_90 = tpu.vector_load %arg7[%get3A_88, %get3A_89] {strides = array<i32>} : memref<313x32xf32, #tpu.memory_space<vmem>>, vector<1x16xf32>,
        %get3A_91 = vector.shape_cast %get3A_90 : vector<1x16xf32> to vector<16xf32>
        %get3A_92 = arith.index_cast %while3A_69 : i32 to index
        %get3A_93 = arith.constant 16 : index
        %get3A_94 = tpu.vector_load %arg10[%get3A_92, %get3A_93] {strides = array<i32>} : memref<1024x32xf32, #tpu.memory_space<vmem>>, vector<1x16xf32>,
        %get3A_95 = vector.shape_cast %get3A_94 : vector<1x16xf32> to vector<16xf32>
        %min3A_96 = arith.minimumf %get3A_91, %get3A_95 : vector<16xf32>
        %swap3A_97 = arith.index_cast %squeeze3A_74 : i32 to index
        %swap3A_98 = arith.constant 16 : index
        %swap3A_99 = tpu.vector_load %arg7[%swap3A_97, %swap3A_98] {strides = array<i32>} : memref<313x32xf32, #tpu.memory_space<vmem>>, vector<1x16xf32>,
        %swap3A_100 = vector.shape_cast %swap3A_99 : vector<1x16xf32> to vector<16xf32>
        %swap3A_101 = vector.shape_cast %min3A_96 : vector<16xf32> to vector<1x16xf32>
        tpu.vector_store %arg7[%swap3A_97, %swap3A_98], %swap3A_101 {strides = array<i32>} : memref<313x32xf32, #tpu.memory_space<vmem>>, vector<1x16xf32>,
      }
      %while3A_68 = arith.constant 1 : i32
      scf.for %while3A_69 = %while3A_66 to %while3A_62 step %while3A_68  : i32 {
        %get3A_70 = arith.index_cast %while3A_69 : i32 to index
        %get3A_71 = tpu.vector_load %arg9[%get3A_70] {strides = array<i32>} : memref<1024xi32, #tpu.memory_space<vmem>>, vector<16xi32>,
        %get3A_72 = vector.shape_cast %get3A_71 : vector<16xi32> to vector<16xi32>
        %slice3A_73 = vector.extract_strided_slice %get3A_72 {offsets = [0], sizes = [1], strides = [1]} : vector<16xi32> to vector<1xi32>
        %squeeze3A_74 = vector.extract %slice3A_73[0] : i32 from vector<1xi32>
        %get3A_75 = arith.index_cast %squeeze3A_74 : i32 to index
        %get3A_76 = arith.constant 0 : index
        %get3A_77 = tpu.vector_load %arg7[%get3A_75, %get3A_76] {strides = array<i32>} : memref<313x32xf32, #tpu.memory_space<vmem>>, vector<1x16xf32>,
        %get3A_78 = vector.shape_cast %get3A_77 : vector<1x16xf32> to vector<16xf32>
        %get3A_79 = arith.index_cast %while3A_69 : i32 to index
        %get3A_80 = arith.constant 0 : index
        %get3A_81 = tpu.vector_load %arg10[%get3A_79, %get3A_80] {strides = array<i32>} : memref<1024x32xf32, #tpu.memory_space<vmem>>, vector<1x16xf32>,
        %get3A_82 = vector.shape_cast %get3A_81 : vector<1x16xf32> to vector<16xf32>
        %min3A_83 = arith.minimumf %get3A_78, %get3A_82 : vector<16xf32>
        %swap3A = arith.index_cast %squeeze3A_74 : i32 to index
        %swap3A_84 = arith.constant 0 : index
        %swap3A_85 = tpu.vector_load %arg7[%swap3A, %swap3A_84] {strides = array<i32>} : memref<313x32xf32, #tpu.memory_space<vmem>>, vector<1x16xf32>,
        %swap3A_86 = vector.shape_cast %swap3A_85 : vector<1x16xf32> to vector<16xf32>
        %swap3A_87 = vector.shape_cast %min3A_83 : vector<16xf32> to vector<1x16xf32>
        tpu.vector_store %arg7[%swap3A, %swap3A_84], %swap3A_87 {strides = array<i32>} : memref<313x32xf32, #tpu.memory_space<vmem>>, vector<1x16xf32>,
        %get3A_88 = arith.index_cast %squeeze3A_74 : i32 to index
        %get3A_89 = arith.constant 16 : index
        %get3A_90 = tpu.vector_load %arg7[%get3A_88, %get3A_89] {strides = array<i32>} : memref<313x32xf32, #tpu.memory_space<vmem>>, vector<1x16xf32>,
        %get3A_91 = vector.shape_cast %get3A_90 : vector<1x16xf32> to vector<16xf32>
        %get3A_92 = arith.index_cast %while3A_69 : i32 to index
        %get3A_93 = arith.constant 16 : index
        %get3A_94 = tpu.vector_load %arg10[%get3A_92, %get3A_93] {strides = array<i32>} : memref<1024x32xf32, #tpu.memory_space<vmem>>, vector<1x16xf32>,
        %get3A_95 = vector.shape_cast %get3A_94 : vector<1x16xf32> to vector<16xf32>
        %min3A_96 = arith.minimumf %get3A_91, %get3A_95 : vector<16xf32>
        %swap3A_97 = arith.index_cast %squeeze3A_74 : i32 to index
        %swap3A_98 = arith.constant 16 : index
        %swap3A_99 = tpu.vector_load %arg7[%swap3A_97, %swap3A_98] {strides = array<i32>} : memref<313x32xf32, #tpu.memory_space<vmem>>, vector<1x16xf32>,
        %swap3A_100 = vector.shape_cast %swap3A_99 : vector<1x16xf32> to vector<16xf32>
        %swap3A_101 = vector.shape_cast %min3A_96 : vector<16xf32> to vector<1x16xf32>
        tpu.vector_store %arg7[%swap3A_97, %swap3A_98], %swap3A_101 {strides = array<i32>} : memref<313x32xf32, #tpu.memory_space<vmem>>, vector<1x16xf32>,
      }
    }
    %while3A_39 = arith.constant 1 : i32
    scf.for %while3A_46 = %while3A_37 to %while3A_33 step %while3A_39  : i32 {
      %mul3A_47 = arith.constant 1024 : i32
      %mul3A_48 = arith.muli %while3A_46, %mul3A_47 : i32
      "tpu.region"() ({
        %run_scoped3A = tpu.sem_alloc : memref<!tpu.dma_semaphore, #tpu.memory_space<semaphore_mem>>
        %dma_start3A_69 = tpu.memref_slice %arg3[%add3A, %mul3A_48] : memref<32x321024xi32, #tpu.memory_space<hbm>> -> memref<1x1024xi32, #tpu.memory_space<hbm>>
        %dma_start3A_70 = tpu.memref_squeeze %dma_start3A_69 : memref<1x1024xi32, #tpu.memory_space<hbm>> -> memref<1024xi32, #tpu.memory_space<hbm>>
        %dma_start3A_71 = tpu.memref_slice %arg3[%add3A, %mul3A_48] : memref<32x321024xi32, #tpu.memory_space<hbm>> -> memref<1x1024xi32, #tpu.memory_space<hbm>>
        %dma_start3A_72 = tpu.memref_squeeze %dma_start3A_71 : memref<1x1024xi32, #tpu.memory_space<hbm>> -> memref<1024xi32, #tpu.memory_space<hbm>>
        tpu.enqueue_dma source(%dma_start3A_72 : memref<1024xi32, #tpu.memory_space<hbm>>) target(%arg8 : memref<1024xi32, #tpu.memory_space<vmem>>) target_semaphore(%run_scoped3A : memref<!tpu.dma_semaphore, #tpu.memory_space<semaphore_mem>>)
        %dma_wait3A_73 = tpu.memref_slice %arg3[%add3A, %mul3A_48] : memref<32x321024xi32, #tpu.memory_space<hbm>> -> memref<1x1024xi32, #tpu.memory_space<hbm>>
        %dma_wait3A_74 = tpu.memref_squeeze %dma_wait3A_73 : memref<1x1024xi32, #tpu.memory_space<hbm>> -> memref<1024xi32, #tpu.memory_space<hbm>>
        %dma_wait3A_75 = tpu.memref_slice %arg3[%add3A, %mul3A_48] : memref<32x321024xi32, #tpu.memory_space<hbm>> -> memref<1x1024xi32, #tpu.memory_space<hbm>>
        %dma_wait3A_76 = tpu.memref_squeeze %dma_wait3A_75 : memref<1x1024xi32, #tpu.memory_space<hbm>> -> memref<1024xi32, #tpu.memory_space<hbm>>
        tpu.wait_dma2 semaphore(%run_scoped3A : memref<!tpu.dma_semaphore, #tpu.memory_space<semaphore_mem>>) src(%dma_wait3A_76 : memref<1024xi32, #tpu.memory_space<hbm>>) dst(%arg8 : memref<1024xi32, #tpu.memory_space<vmem>>)
        tpu.yield
      }) : () -> ()
      %mul3A_49 = arith.constant 1024 : i32
      %mul3A_50 = arith.muli %while3A_46, %mul3A_49 : i32
      "tpu.region"() ({
        %run_scoped3A = tpu.sem_alloc : memref<!tpu.dma_semaphore, #tpu.memory_space<semaphore_mem>>
        %dma_start3A_69 = tpu.memref_slice %arg4[%add3A, %mul3A_50] : memref<32x321024xi32, #tpu.memory_space<hbm>> -> memref<1x1024xi32, #tpu.memory_space<hbm>>
        %dma_start3A_70 = tpu.memref_squeeze %dma_start3A_69 : memref<1x1024xi32, #tpu.memory_space<hbm>> -> memref<1024xi32, #tpu.memory_space<hbm>>
        %dma_start3A_71 = tpu.memref_slice %arg4[%add3A, %mul3A_50] : memref<32x321024xi32, #tpu.memory_space<hbm>> -> memref<1x1024xi32, #tpu.memory_space<hbm>>
        %dma_start3A_72 = tpu.memref_squeeze %dma_start3A_71 : memref<1x1024xi32, #tpu.memory_space<hbm>> -> memref<1024xi32, #tpu.memory_space<hbm>>
        tpu.enqueue_dma source(%dma_start3A_72 : memref<1024xi32, #tpu.memory_space<hbm>>) target(%arg9 : memref<1024xi32, #tpu.memory_space<vmem>>) target_semaphore(%run_scoped3A : memref<!tpu.dma_semaphore, #tpu.memory_space<semaphore_mem>>)
        %dma_wait3A_73 = tpu.memref_slice %arg4[%add3A, %mul3A_50] : memref<32x321024xi32, #tpu.memory_space<hbm>> -> memref<1x1024xi32, #tpu.memory_space<hbm>>
        %dma_wait3A_74 = tpu.memref_squeeze %dma_wait3A_73 : memref<1x1024xi32, #tpu.memory_space<hbm>> -> memref<1024xi32, #tpu.memory_space<hbm>>
        %dma_wait3A_75 = tpu.memref_slice %arg4[%add3A, %mul3A_50] : memref<32x321024xi32, #tpu.memory_space<hbm>> -> memref<1x1024xi32, #tpu.memory_space<hbm>>
        %dma_wait3A_76 = tpu.memref_squeeze %dma_wait3A_75 : memref<1x1024xi32, #tpu.memory_space<hbm>> -> memref<1024xi32, #tpu.memory_space<hbm>>
        tpu.wait_dma2 semaphore(%run_scoped3A : memref<!tpu.dma_semaphore, #tpu.memory_space<semaphore_mem>>) src(%dma_wait3A_76 : memref<1024xi32, #tpu.memory_space<hbm>>) dst(%arg9 : memref<1024xi32, #tpu.memory_space<vmem>>)
        tpu.yield
      }) : () -> ()
      %dma_start3A = arith.constant 0 : i32
      %dma_start3A_51 = arith.constant 0 : i32
      %dma_start3A_52 = tpu.memref_slice %arg2[%dma_start3A, %dma_start3A_51] : memref<320000x32xf32, #tpu.memory_space<hbm>> -> memref<320000x32xf32, #tpu.memory_space<hbm>>
      tpu.enqueue_indirect_dma source(%dma_start3A_52 : memref<320000x32xf32, #tpu.memory_space<hbm>>) target(%arg10 : memref<1024x32xf32, #tpu.memory_space<vmem>>) offsets(%arg8 : memref<1024xi32, #tpu.memory_space<vmem>>) semaphore(%arg12 : memref<!tpu.dma_semaphore, #tpu.memory_space<semaphore_mem>>)
      %dma_wait3A = arith.constant 0 : i32
      %dma_wait3A_53 = arith.constant 0 : i32
      %dma_wait3A_54 = tpu.memref_slice %arg2[%dma_wait3A, %dma_wait3A_53] : memref<320000x32xf32, #tpu.memory_space<hbm>> -> memref<320000x32xf32, #tpu.memory_space<hbm>>
      tpu.wait_indirect_dma semaphore(%arg12 : memref<!tpu.dma_semaphore, #tpu.memory_space<semaphore_mem>>) src(%dma_wait3A_54 : memref<320000x32xf32, #tpu.memory_space<hbm>>) dst(%arg10 : memref<1024x32xf32, #tpu.memory_space<vmem>>)
      %mul3A_55 = arith.constant 1024 : i32
      %mul3A_56 = arith.muli %while3A_46, %mul3A_55 : i32
      %sub3A_57 = arith.subi %squeeze3A, %mul3A_56 : i32
      %min3A = arith.constant 1024 : i32
      %min3A_58 = arith.minsi %sub3A_57, %min3A : i32
      %while3A_59 = arith.constant 0 : i32
      %while3A_60 = arith.constant 0 : i32
      %while3A_61 = arith.subi %min3A_58, %while3A_60 : i32
      %while3A_62 = arith.addi %while3A_60, %while3A_61 : i32
      %while3A_63 = arith.constant 1 : i32
      %while3A_64 = arith.divsi %while3A_61, %while3A_63 : i32
      %while3A_65 = arith.muli %while3A_64, %while3A_63 : i32
      %while3A_66 = arith.addi %while3A_60, %while3A_65 : i32
      %while3A_67 = arith.constant 1 : i32
      scf.for %while3A_69 = %while3A_60 to %while3A_66 step %while3A_67  : i32 {
        %get3A_70 = arith.index_cast %while3A_69 : i32 to index
        %get3A_71 = tpu.vector_load %arg9[%get3A_70] {strides = array<i32>} : memref<1024xi32, #tpu.memory_space<vmem>>, vector<16xi32>,
        %get3A_72 = vector.shape_cast %get3A_71 : vector<16xi32> to vector<16xi32>
        %slice3A_73 = vector.extract_strided_slice %get3A_72 {offsets = [0], sizes = [1], strides = [1]} : vector<16xi32> to vector<1xi32>
        %squeeze3A_74 = vector.extract %slice3A_73[0] : i32 from vector<1xi32>
        %get3A_75 = arith.index_cast %squeeze3A_74 : i32 to index
        %get3A_76 = arith.constant 0 : index
        %get3A_77 = tpu.vector_load %arg7[%get3A_75, %get3A_76] {strides = array<i32>} : memref<313x32xf32, #tpu.memory_space<vmem>>, vector<1x16xf32>,
        %get3A_78 = vector.shape_cast %get3A_77 : vector<1x16xf32> to vector<16xf32>
        %get3A_79 = arith.index_cast %while3A_69 : i32 to index
        %get3A_80 = arith.constant 0 : index
        %get3A_81 = tpu.vector_load %arg10[%get3A_79, %get3A_80] {strides = array<i32>} : memref<1024x32xf32, #tpu.memory_space<vmem>>, vector<1x16xf32>,
        %get3A_82 = vector.shape_cast %get3A_81 : vector<1x16xf32> to vector<16xf32>
        %min3A_83 = arith.minimumf %get3A_78, %get3A_82 : vector<16xf32>
        %swap3A = arith.index_cast %squeeze3A_74 : i32 to index
        %swap3A_84 = arith.constant 0 : index
        %swap3A_85 = tpu.vector_load %arg7[%swap3A, %swap3A_84] {strides = array<i32>} : memref<313x32xf32, #tpu.memory_space<vmem>>, vector<1x16xf32>,
        %swap3A_86 = vector.shape_cast %swap3A_85 : vector<1x16xf32> to vector<16xf32>
        %swap3A_87 = vector.shape_cast %min3A_83 : vector<16xf32> to vector<1x16xf32>
        tpu.vector_store %arg7[%swap3A, %swap3A_84], %swap3A_87 {strides = array<i32>} : memref<313x32xf32, #tpu.memory_space<vmem>>, vector<1x16xf32>,
        %get3A_88 = arith.index_cast %squeeze3A_74 : i32 to index
        %get3A_89 = arith.constant 16 : index
        %get3A_90 = tpu.vector_load %arg7[%get3A_88, %get3A_89] {strides = array<i32>} : memref<313x32xf32, #tpu.memory_space<vmem>>, vector<1x16xf32>,
        %get3A_91 = vector.shape_cast %get3A_90 : vector<1x16xf32> to vector<16xf32>
        %get3A_92 = arith.index_cast %while3A_69 : i32 to index
        %get3A_93 = arith.constant 16 : index
        %get3A_94 = tpu.vector_load %arg10[%get3A_92, %get3A_93] {strides = array<i32>} : memref<1024x32xf32, #tpu.memory_space<vmem>>, vector<1x16xf32>,
        %get3A_95 = vector.shape_cast %get3A_94 : vector<1x16xf32> to vector<16xf32>
        %min3A_96 = arith.minimumf %get3A_91, %get3A_95 : vector<16xf32>
        %swap3A_97 = arith.index_cast %squeeze3A_74 : i32 to index
        %swap3A_98 = arith.constant 16 : index
        %swap3A_99 = tpu.vector_load %arg7[%swap3A_97, %swap3A_98] {strides = array<i32>} : memref<313x32xf32, #tpu.memory_space<vmem>>, vector<1x16xf32>,
        %swap3A_100 = vector.shape_cast %swap3A_99 : vector<1x16xf32> to vector<16xf32>
        %swap3A_101 = vector.shape_cast %min3A_96 : vector<16xf32> to vector<1x16xf32>
        tpu.vector_store %arg7[%swap3A_97, %swap3A_98], %swap3A_101 {strides = array<i32>} : memref<313x32xf32, #tpu.memory_space<vmem>>, vector<1x16xf32>,
      }
      %while3A_68 = arith.constant 1 : i32
      scf.for %while3A_69 = %while3A_66 to %while3A_62 step %while3A_68  : i32 {
        %get3A_70 = arith.index_cast %while3A_69 : i32 to index
        %get3A_71 = tpu.vector_load %arg9[%get3A_70] {strides = array<i32>} : memref<1024xi32, #tpu.memory_space<vmem>>, vector<16xi32>,
        %get3A_72 = vector.shape_cast %get3A_71 : vector<16xi32> to vector<16xi32>
        %slice3A_73 = vector.extract_strided_slice %get3A_72 {offsets = [0], sizes = [1], strides = [1]} : vector<16xi32> to vector<1xi32>
        %squeeze3A_74 = vector.extract %slice3A_73[0] : i32 from vector<1xi32>
        %get3A_75 = arith.index_cast %squeeze3A_74 : i32 to index
        %get3A_76 = arith.constant 0 : index
        %get3A_77 = tpu.vector_load %arg7[%get3A_75, %get3A_76] {strides = array<i32>} : memref<313x32xf32, #tpu.memory_space<vmem>>, vector<1x16xf32>,
        %get3A_78 = vector.shape_cast %get3A_77 : vector<1x16xf32> to vector<16xf32>
        %get3A_79 = arith.index_cast %while3A_69 : i32 to index
        %get3A_80 = arith.constant 0 : index
        %get3A_81 = tpu.vector_load %arg10[%get3A_79, %get3A_80] {strides = array<i32>} : memref<1024x32xf32, #tpu.memory_space<vmem>>, vector<1x16xf32>,
        %get3A_82 = vector.shape_cast %get3A_81 : vector<1x16xf32> to vector<16xf32>
        %min3A_83 = arith.minimumf %get3A_78, %get3A_82 : vector<16xf32>
        %swap3A = arith.index_cast %squeeze3A_74 : i32 to index
        %swap3A_84 = arith.constant 0 : index
        %swap3A_85 = tpu.vector_load %arg7[%swap3A, %swap3A_84] {strides = array<i32>} : memref<313x32xf32, #tpu.memory_space<vmem>>, vector<1x16xf32>,
        %swap3A_86 = vector.shape_cast %swap3A_85 : vector<1x16xf32> to vector<16xf32>
        %swap3A_87 = vector.shape_cast %min3A_83 : vector<16xf32> to vector<1x16xf32>
        tpu.vector_store %arg7[%swap3A, %swap3A_84], %swap3A_87 {strides = array<i32>} : memref<313x32xf32, #tpu.memory_space<vmem>>, vector<1x16xf32>,
        %get3A_88 = arith.index_cast %squeeze3A_74 : i32 to index
        %get3A_89 = arith.constant 16 : index
        %get3A_90 = tpu.vector_load %arg7[%get3A_88, %get3A_89] {strides = array<i32>} : memref<313x32xf32, #tpu.memory_space<vmem>>, vector<1x16xf32>,
        %get3A_91 = vector.shape_cast %get3A_90 : vector<1x16xf32> to vector<16xf32>
        %get3A_92 = arith.index_cast %while3A_69 : i32 to index
        %get3A_93 = arith.constant 16 : index
        %get3A_94 = tpu.vector_load %arg10[%get3A_92, %get3A_93] {strides = array<i32>} : memref<1024x32xf32, #tpu.memory_space<vmem>>, vector<1x16xf32>,
        %get3A_95 = vector.shape_cast %get3A_94 : vector<1x16xf32> to vector<16xf32>
        %min3A_96 = arith.minimumf %get3A_91, %get3A_95 : vector<16xf32>
        %swap3A_97 = arith.index_cast %squeeze3A_74 : i32 to index
        %swap3A_98 = arith.constant 16 : index
        %swap3A_99 = tpu.vector_load %arg7[%swap3A_97, %swap3A_98] {strides = array<i32>} : memref<313x32xf32, #tpu.memory_space<vmem>>, vector<1x16xf32>,
        %swap3A_100 = vector.shape_cast %swap3A_99 : vector<1x16xf32> to vector<16xf32>
        %swap3A_101 = vector.shape_cast %min3A_96 : vector<16xf32> to vector<1x16xf32>
        tpu.vector_store %arg7[%swap3A_97, %swap3A_98], %swap3A_101 {strides = array<i32>} : memref<313x32xf32, #tpu.memory_space<vmem>>, vector<1x16xf32>,
      }
    }
    %scan3A_40 = arith.constant 0 : i32
    %scan3A_41 = arith.constant 0 : i32
    %scan3A_42 = arith.constant 313 : i32
    %scan3A_43 = arith.addi %scan3A_41, %scan3A_42 : i32
    %scan3A_44 = arith.constant 1 : i32
    scf.for %scan3A_46 = %scan3A_41 to %scan3A_43 step %scan3A_44  : i32 {
      %get3A_47 = arith.index_cast %scan3A_46 : i32 to index
      %get3A_48 = arith.constant 0 : index
      %get3A_49 = tpu.vector_load %arg7[%get3A_47, %get3A_48] {strides = array<i32>} : memref<313x32xf32, #tpu.memory_space<vmem>>, vector<1x16xf32>,
      %get3A_50 = vector.shape_cast %get3A_49 : vector<1x16xf32> to vector<16xf32>
      %eq3A = arith.constant 0x7F800000 : f32
      %eq3A_51 = vector.broadcast %eq3A : f32 to vector<16xf32>
      %eq3A_52 = arith.cmpf oeq, %get3A_50, %eq3A_51 : vector<16xf32>
      %jit3A_53 = arith.constant 0.000000e+00 : f32
      %broadcast_in_dim3A_54 = vector.broadcast %jit3A_53 : f32 to vector<16xf32>
      %select_n3A_55 = arith.select %eq3A_52, %broadcast_in_dim3A_54, %get3A_50 : vector<16xi1>, vector<16xf32>
      %ge3A = arith.constant 0.000000e+00 : f32
      %ge3A_56 = vector.broadcast %ge3A : f32 to vector<16xf32>
      %ge3A_57 = arith.cmpf oge, %select_n3A_55, %ge3A_56 : vector<16xf32>
      %mul3A_58 = arith.constant 0.00999999977 : f32
      %mul3A_59 = vector.broadcast %mul3A_58 : f32 to vector<16xf32>
      %mul3A_60 = arith.mulf %mul3A_59, %select_n3A_55 : vector<16xf32>
      %select_n3A_61 = arith.select %ge3A_57, %select_n3A_55, %mul3A_60 : vector<16xi1>, vector<16xf32>
      %swap3A = arith.index_cast %scan3A_46 : i32 to index
      %swap3A_62 = arith.constant 0 : index
      %swap3A_63 = tpu.vector_load %arg7[%swap3A, %swap3A_62] {strides = array<i32>} : memref<313x32xf32, #tpu.memory_space<vmem>>, vector<1x16xf32>,
      %swap3A_64 = vector.shape_cast %swap3A_63 : vector<1x16xf32> to vector<16xf32>
      %swap3A_65 = vector.shape_cast %select_n3A_61 : vector<16xf32> to vector<1x16xf32>
      tpu.vector_store %arg7[%swap3A, %swap3A_62], %swap3A_65 {strides = array<i32>} : memref<313x32xf32, #tpu.memory_space<vmem>>, vector<1x16xf32>,
      %get3A_66 = arith.index_cast %scan3A_46 : i32 to index
      %get3A_67 = arith.constant 16 : index
      %get3A_68 = tpu.vector_load %arg7[%get3A_66, %get3A_67] {strides = array<i32>} : memref<313x32xf32, #tpu.memory_space<vmem>>, vector<1x16xf32>,
      %get3A_69 = vector.shape_cast %get3A_68 : vector<1x16xf32> to vector<16xf32>
      %eq3A_70 = arith.constant 0x7F800000 : f32
      %eq3A_71 = vector.broadcast %eq3A_70 : f32 to vector<16xf32>
      %eq3A_72 = arith.cmpf oeq, %get3A_69, %eq3A_71 : vector<16xf32>
      %jit3A_73 = arith.constant 0.000000e+00 : f32
      %broadcast_in_dim3A_74 = vector.broadcast %jit3A_73 : f32 to vector<16xf32>
      %select_n3A_75 = arith.select %eq3A_72, %broadcast_in_dim3A_74, %get3A_69 : vector<16xi1>, vector<16xf32>
      %ge3A_76 = arith.constant 0.000000e+00 : f32
      %ge3A_77 = vector.broadcast %ge3A_76 : f32 to vector<16xf32>
      %ge3A_78 = arith.cmpf oge, %select_n3A_75, %ge3A_77 : vector<16xf32>
      %mul3A_79 = arith.constant 0.00999999977 : f32
      %mul3A_80 = vector.broadcast %mul3A_79 : f32 to vector<16xf32>
      %mul3A_81 = arith.mulf %mul3A_80, %select_n3A_75 : vector<16xf32>
      %select_n3A_82 = arith.select %ge3A_78, %select_n3A_75, %mul3A_81 : vector<16xi1>, vector<16xf32>
      %swap3A_83 = arith.index_cast %scan3A_46 : i32 to index
      %swap3A_84 = arith.constant 16 : index
      %swap3A_85 = tpu.vector_load %arg7[%swap3A_83, %swap3A_84] {strides = array<i32>} : memref<313x32xf32, #tpu.memory_space<vmem>>, vector<1x16xf32>,
      %swap3A_86 = vector.shape_cast %swap3A_85 : vector<1x16xf32> to vector<16xf32>
      %swap3A_87 = vector.shape_cast %select_n3A_82 : vector<16xf32> to vector<1x16xf32>
      tpu.vector_store %arg7[%swap3A_83, %swap3A_84], %swap3A_87 {strides = array<i32>} : memref<313x32xf32, #tpu.memory_space<vmem>>, vector<1x16xf32>,
    }
    %scan3A_45 = arith.constant 313 : i32
    "tpu.region"() ({
      %run_scoped3A = tpu.sem_alloc : memref<!tpu.dma_semaphore, #tpu.memory_space<semaphore_mem>>
      %dma_start3A = arith.constant 0 : i32
      %dma_start3A_46 = tpu.memref_slice %arg6[%mul3A_2, %dma_start3A] : memref<10016x32xf32, #tpu.memory_space<hbm>> -> memref<313x32xf32, #tpu.memory_space<hbm>>
      %dma_start3A_47 = arith.constant 0 : i32
      %dma_start3A_48 = tpu.memref_slice %arg6[%mul3A_2, %dma_start3A_47] : memref<10016x32xf32, #tpu.memory_space<hbm>> -> memref<313x32xf32, #tpu.memory_space<hbm>>
      tpu.enqueue_dma source(%arg7 : memref<313x32xf32, #tpu.memory_space<vmem>>) target(%dma_start3A_48 : memref<313x32xf32, #tpu.memory_space<hbm>>) target_semaphore(%run_scoped3A : memref<!tpu.dma_semaphore, #tpu.memory_space<semaphore_mem>>)
      %dma_wait3A = arith.constant 0 : i32
      %dma_wait3A_49 = tpu.memref_slice %arg6[%mul3A_2, %dma_wait3A] : memref<10016x32xf32, #tpu.memory_space<hbm>> -> memref<313x32xf32, #tpu.memory_space<hbm>>
      %dma_wait3A_50 = arith.constant 0 : i32
      %dma_wait3A_51 = tpu.memref_slice %arg6[%mul3A_2, %dma_wait3A_50] : memref<10016x32xf32, #tpu.memory_space<hbm>> -> memref<313x32xf32, #tpu.memory_space<hbm>>
      tpu.wait_dma2 semaphore(%run_scoped3A : memref<!tpu.dma_semaphore, #tpu.memory_space<semaphore_mem>>) src(%arg7 : memref<313x32xf32, #tpu.memory_space<vmem>>) dst(%dma_wait3A_51 : memref<313x32xf32, #tpu.memory_space<hbm>>)
      tpu.yield
    }) : () -> ()
    return
  }
}

#map = affine_map<(d0, d1) -> (0, 0)>
#map1 = affine_map<(d0, d1) -> (0)>
module attributes {stable_mosaic.version = 14 : i64} {
  func.func @_gather_pre(%arg0: i32, %arg1: i32, %arg2: memref<10016x32xf32, #tpu.memory_space<hbm>>, %arg3: memref<10016x32xf32, #tpu.memory_space<hbm>>, %arg4: memref<320000x32xf32, #tpu.memory_space<hbm>>, %arg5: memref<320000xi32, #tpu.memory_space<hbm>>, %arg6: memref<320000xi32, #tpu.memory_space<hbm>>, %arg7: memref<320000x32xf32, #tpu.memory_space<hbm>>, %arg8: memref<1000xi32, #tpu.memory_space<vmem>>, %arg9: memref<1000xi32, #tpu.memory_space<vmem>>, %arg10: memref<1000x32xf32, #tpu.memory_space<vmem>>, %arg11: memref<1000x32xf32, #tpu.memory_space<vmem>>, %arg12: memref<1000x32xf32, #tpu.memory_space<vmem>>, %arg13: memref<!tpu.dma_semaphore, #tpu.memory_space<semaphore_mem>>, %arg14: memref<!tpu.dma_semaphore, #tpu.memory_space<semaphore_mem>>) attributes {dimension_semantics = [#tpu.dimension_semantics<core_parallel>, #tpu.dimension_semantics<subcore_parallel>], iteration_bounds = array<i64: 2, 16>, scalar_prefetch = 0 : i64, scratch_operands = 7 : i64, tpu.core_type = #tpu.core_type<sc_vector_subcore>, window_params = [{transform_indices = #map}, {transform_indices = #map}, {transform_indices = #map}, {transform_indices = #map1}, {transform_indices = #map1}, {transform_indices = #map}]} {
    %mul3A = arith.constant 2 : i32
    %mul3A_0 = arith.muli %arg1, %mul3A : i32
    %add3A = arith.addi %mul3A_0, %arg0 : i32
    %scan3A = arith.constant 0 : i32
    %scan3A_1 = arith.constant 0 : i32
    %scan3A_2 = arith.constant 10 : i32
    %scan3A_3 = arith.addi %scan3A_1, %scan3A_2 : i32
    %scan3A_4 = arith.constant 1 : i32
    scf.for %scan3A_6 = %scan3A_1 to %scan3A_3 step %scan3A_4  : i32 {
      %mul3A_7 = arith.constant 10000 : i32
      %mul3A_8 = arith.muli %add3A, %mul3A_7 : i32
      %mul3A_9 = arith.constant 1000 : i32
      %mul3A_10 = arith.muli %scan3A_6, %mul3A_9 : i32
      %add3A_11 = arith.addi %mul3A_8, %mul3A_10 : i32
      "tpu.region"() ({
        %run_scoped3A = tpu.sem_alloc : memref<!tpu.dma_semaphore, #tpu.memory_space<semaphore_mem>>
        %dma_start3A_28 = tpu.memref_slice %arg6[%add3A_11] : memref<320000xi32, #tpu.memory_space<hbm>> -> memref<1000xi32, #tpu.memory_space<hbm>>
        %dma_start3A_29 = tpu.memref_slice %arg6[%add3A_11] : memref<320000xi32, #tpu.memory_space<hbm>> -> memref<1000xi32, #tpu.memory_space<hbm>>
        tpu.enqueue_dma source(%dma_start3A_29 : memref<1000xi32, #tpu.memory_space<hbm>>) target(%arg9 : memref<1000xi32, #tpu.memory_space<vmem>>) target_semaphore(%run_scoped3A : memref<!tpu.dma_semaphore, #tpu.memory_space<semaphore_mem>>)
        %dma_wait3A_30 = tpu.memref_slice %arg6[%add3A_11] : memref<320000xi32, #tpu.memory_space<hbm>> -> memref<1000xi32, #tpu.memory_space<hbm>>
        %dma_wait3A_31 = tpu.memref_slice %arg6[%add3A_11] : memref<320000xi32, #tpu.memory_space<hbm>> -> memref<1000xi32, #tpu.memory_space<hbm>>
        tpu.wait_dma2 semaphore(%run_scoped3A : memref<!tpu.dma_semaphore, #tpu.memory_space<semaphore_mem>>) src(%dma_wait3A_31 : memref<1000xi32, #tpu.memory_space<hbm>>) dst(%arg9 : memref<1000xi32, #tpu.memory_space<vmem>>)
        tpu.yield
      }) : () -> ()
      "tpu.region"() ({
        %run_scoped3A = tpu.sem_alloc : memref<!tpu.dma_semaphore, #tpu.memory_space<semaphore_mem>>
        %dma_start3A_28 = tpu.memref_slice %arg5[%add3A_11] : memref<320000xi32, #tpu.memory_space<hbm>> -> memref<1000xi32, #tpu.memory_space<hbm>>
        %dma_start3A_29 = tpu.memref_slice %arg5[%add3A_11] : memref<320000xi32, #tpu.memory_space<hbm>> -> memref<1000xi32, #tpu.memory_space<hbm>>
        tpu.enqueue_dma source(%dma_start3A_29 : memref<1000xi32, #tpu.memory_space<hbm>>) target(%arg8 : memref<1000xi32, #tpu.memory_space<vmem>>) target_semaphore(%run_scoped3A : memref<!tpu.dma_semaphore, #tpu.memory_space<semaphore_mem>>)
        %dma_wait3A_30 = tpu.memref_slice %arg5[%add3A_11] : memref<320000xi32, #tpu.memory_space<hbm>> -> memref<1000xi32, #tpu.memory_space<hbm>>
        %dma_wait3A_31 = tpu.memref_slice %arg5[%add3A_11] : memref<320000xi32, #tpu.memory_space<hbm>> -> memref<1000xi32, #tpu.memory_space<hbm>>
        tpu.wait_dma2 semaphore(%run_scoped3A : memref<!tpu.dma_semaphore, #tpu.memory_space<semaphore_mem>>) src(%dma_wait3A_31 : memref<1000xi32, #tpu.memory_space<hbm>>) dst(%arg8 : memref<1000xi32, #tpu.memory_space<vmem>>)
        tpu.yield
      }) : () -> ()
      %dma_start3A = arith.constant 0 : i32
      %dma_start3A_12 = arith.constant 0 : i32
      %dma_start3A_13 = tpu.memref_slice %arg2[%dma_start3A, %dma_start3A_12] : memref<10016x32xf32, #tpu.memory_space<hbm>> -> memref<10016x32xf32, #tpu.memory_space<hbm>>
      tpu.enqueue_indirect_dma source(%dma_start3A_13 : memref<10016x32xf32, #tpu.memory_space<hbm>>) target(%arg10 : memref<1000x32xf32, #tpu.memory_space<vmem>>) offsets(%arg9 : memref<1000xi32, #tpu.memory_space<vmem>>) semaphore(%arg13 : memref<!tpu.dma_semaphore, #tpu.memory_space<semaphore_mem>>)
      %dma_start3A_14 = arith.constant 0 : i32
      %dma_start3A_15 = arith.constant 0 : i32
      %dma_start3A_16 = tpu.memref_slice %arg3[%dma_start3A_14, %dma_start3A_15] : memref<10016x32xf32, #tpu.memory_space<hbm>> -> memref<10016x32xf32, #tpu.memory_space<hbm>>
      tpu.enqueue_indirect_dma source(%dma_start3A_16 : memref<10016x32xf32, #tpu.memory_space<hbm>>) target(%arg11 : memref<1000x32xf32, #tpu.memory_space<vmem>>) offsets(%arg8 : memref<1000xi32, #tpu.memory_space<vmem>>) semaphore(%arg14 : memref<!tpu.dma_semaphore, #tpu.memory_space<semaphore_mem>>)
      "tpu.region"() ({
        %run_scoped3A = tpu.sem_alloc : memref<!tpu.dma_semaphore, #tpu.memory_space<semaphore_mem>>
        %dma_start3A_28 = arith.constant 0 : i32
        %dma_start3A_29 = tpu.memref_slice %arg4[%add3A_11, %dma_start3A_28] : memref<320000x32xf32, #tpu.memory_space<hbm>> -> memref<1000x32xf32, #tpu.memory_space<hbm>>
        %dma_start3A_30 = arith.constant 0 : i32
        %dma_start3A_31 = tpu.memref_slice %arg4[%add3A_11, %dma_start3A_30] : memref<320000x32xf32, #tpu.memory_space<hbm>> -> memref<1000x32xf32, #tpu.memory_space<hbm>>
        tpu.enqueue_dma source(%dma_start3A_31 : memref<1000x32xf32, #tpu.memory_space<hbm>>) target(%arg12 : memref<1000x32xf32, #tpu.memory_space<vmem>>) target_semaphore(%run_scoped3A : memref<!tpu.dma_semaphore, #tpu.memory_space<semaphore_mem>>)
        %dma_wait3A_32 = arith.constant 0 : i32
        %dma_wait3A_33 = tpu.memref_slice %arg4[%add3A_11, %dma_wait3A_32] : memref<320000x32xf32, #tpu.memory_space<hbm>> -> memref<1000x32xf32, #tpu.memory_space<hbm>>
        %dma_wait3A_34 = arith.constant 0 : i32
        %dma_wait3A_35 = tpu.memref_slice %arg4[%add3A_11, %dma_wait3A_34] : memref<320000x32xf32, #tpu.memory_space<hbm>> -> memref<1000x32xf32, #tpu.memory_space<hbm>>
        tpu.wait_dma2 semaphore(%run_scoped3A : memref<!tpu.dma_semaphore, #tpu.memory_space<semaphore_mem>>) src(%dma_wait3A_35 : memref<1000x32xf32, #tpu.memory_space<hbm>>) dst(%arg12 : memref<1000x32xf32, #tpu.memory_space<vmem>>)
        tpu.yield
      }) : () -> ()
      %dma_wait3A = arith.constant 0 : i32
      %dma_wait3A_17 = arith.constant 0 : i32
      %dma_wait3A_18 = tpu.memref_slice %arg2[%dma_wait3A, %dma_wait3A_17] : memref<10016x32xf32, #tpu.memory_space<hbm>> -> memref<10016x32xf32, #tpu.memory_space<hbm>>
      tpu.wait_indirect_dma semaphore(%arg13 : memref<!tpu.dma_semaphore, #tpu.memory_space<semaphore_mem>>) src(%dma_wait3A_18 : memref<10016x32xf32, #tpu.memory_space<hbm>>) dst(%arg10 : memref<1000x32xf32, #tpu.memory_space<vmem>>)
      %dma_wait3A_19 = arith.constant 0 : i32
      %dma_wait3A_20 = arith.constant 0 : i32
      %dma_wait3A_21 = tpu.memref_slice %arg3[%dma_wait3A_19, %dma_wait3A_20] : memref<10016x32xf32, #tpu.memory_space<hbm>> -> memref<10016x32xf32, #tpu.memory_space<hbm>>
      tpu.wait_indirect_dma semaphore(%arg14 : memref<!tpu.dma_semaphore, #tpu.memory_space<semaphore_mem>>) src(%dma_wait3A_21 : memref<10016x32xf32, #tpu.memory_space<hbm>>) dst(%arg11 : memref<1000x32xf32, #tpu.memory_space<vmem>>)
      %scan3A_22 = arith.constant 0 : i32
      %scan3A_23 = arith.constant 0 : i32
      %scan3A_24 = arith.constant 1000 : i32
      %scan3A_25 = arith.addi %scan3A_23, %scan3A_24 : i32
      %scan3A_26 = arith.constant 2 : i32
      scf.for %scan3A_28 = %scan3A_23 to %scan3A_25 step %scan3A_26  : i32 {
        %get3A = arith.index_cast %scan3A_28 : i32 to index
        %get3A_29 = arith.constant 0 : index
        %get3A_30 = tpu.vector_load %arg10[%get3A, %get3A_29] {strides = array<i32>} : memref<1000x32xf32, #tpu.memory_space<vmem>>, vector<1x16xf32>,
        %get3A_31 = vector.shape_cast %get3A_30 : vector<1x16xf32> to vector<16xf32>
        %get3A_32 = arith.index_cast %scan3A_28 : i32 to index
        %get3A_33 = arith.constant 0 : index
        %get3A_34 = tpu.vector_load %arg11[%get3A_32, %get3A_33] {strides = array<i32>} : memref<1000x32xf32, #tpu.memory_space<vmem>>, vector<1x16xf32>,
        %get3A_35 = vector.shape_cast %get3A_34 : vector<1x16xf32> to vector<16xf32>
        %add3A_36 = arith.addf %get3A_31, %get3A_35 : vector<16xf32>
        %get3A_37 = arith.index_cast %scan3A_28 : i32 to index
        %get3A_38 = arith.constant 0 : index
        %get3A_39 = tpu.vector_load %arg12[%get3A_37, %get3A_38] {strides = array<i32>} : memref<1000x32xf32, #tpu.memory_space<vmem>>, vector<1x16xf32>,
        %get3A_40 = vector.shape_cast %get3A_39 : vector<1x16xf32> to vector<16xf32>
        %add3A_41 = arith.addf %add3A_36, %get3A_40 : vector<16xf32>
        %swap3A = arith.index_cast %scan3A_28 : i32 to index
        %swap3A_42 = arith.constant 0 : index
        %swap3A_43 = tpu.vector_load %arg12[%swap3A, %swap3A_42] {strides = array<i32>} : memref<1000x32xf32, #tpu.memory_space<vmem>>, vector<1x16xf32>,
        %swap3A_44 = vector.shape_cast %swap3A_43 : vector<1x16xf32> to vector<16xf32>
        %swap3A_45 = vector.shape_cast %add3A_41 : vector<16xf32> to vector<1x16xf32>
        tpu.vector_store %arg12[%swap3A, %swap3A_42], %swap3A_45 {strides = array<i32>} : memref<1000x32xf32, #tpu.memory_space<vmem>>, vector<1x16xf32>,
        %get3A_46 = arith.index_cast %scan3A_28 : i32 to index
        %get3A_47 = arith.constant 16 : index
        %get3A_48 = tpu.vector_load %arg10[%get3A_46, %get3A_47] {strides = array<i32>} : memref<1000x32xf32, #tpu.memory_space<vmem>>, vector<1x16xf32>,
        %get3A_49 = vector.shape_cast %get3A_48 : vector<1x16xf32> to vector<16xf32>
        %get3A_50 = arith.index_cast %scan3A_28 : i32 to index
        %get3A_51 = arith.constant 16 : index
        %get3A_52 = tpu.vector_load %arg11[%get3A_50, %get3A_51] {strides = array<i32>} : memref<1000x32xf32, #tpu.memory_space<vmem>>, vector<1x16xf32>,
        %get3A_53 = vector.shape_cast %get3A_52 : vector<1x16xf32> to vector<16xf32>
        %add3A_54 = arith.addf %get3A_49, %get3A_53 : vector<16xf32>
        %get3A_55 = arith.index_cast %scan3A_28 : i32 to index
        %get3A_56 = arith.constant 16 : index
        %get3A_57 = tpu.vector_load %arg12[%get3A_55, %get3A_56] {strides = array<i32>} : memref<1000x32xf32, #tpu.memory_space<vmem>>, vector<1x16xf32>,
        %get3A_58 = vector.shape_cast %get3A_57 : vector<1x16xf32> to vector<16xf32>
        %add3A_59 = arith.addf %add3A_54, %get3A_58 : vector<16xf32>
        %swap3A_60 = arith.index_cast %scan3A_28 : i32 to index
        %swap3A_61 = arith.constant 16 : index
        %swap3A_62 = tpu.vector_load %arg12[%swap3A_60, %swap3A_61] {strides = array<i32>} : memref<1000x32xf32, #tpu.memory_space<vmem>>, vector<1x16xf32>,
        %swap3A_63 = vector.shape_cast %swap3A_62 : vector<1x16xf32> to vector<16xf32>
        %swap3A_64 = vector.shape_cast %add3A_59 : vector<16xf32> to vector<1x16xf32>
        tpu.vector_store %arg12[%swap3A_60, %swap3A_61], %swap3A_64 {strides = array<i32>} : memref<1000x32xf32, #tpu.memory_space<vmem>>, vector<1x16xf32>,
        %scan3A_65 = arith.constant 1 : i32
        %scan3A_66 = arith.addi %scan3A_28, %scan3A_65 : i32
        %get3A_67 = arith.index_cast %scan3A_66 : i32 to index
        %get3A_68 = arith.constant 0 : index
        %get3A_69 = tpu.vector_load %arg10[%get3A_67, %get3A_68] {strides = array<i32>} : memref<1000x32xf32, #tpu.memory_space<vmem>>, vector<1x16xf32>,
        %get3A_70 = vector.shape_cast %get3A_69 : vector<1x16xf32> to vector<16xf32>
        %get3A_71 = arith.index_cast %scan3A_66 : i32 to index
        %get3A_72 = arith.constant 0 : index
        %get3A_73 = tpu.vector_load %arg11[%get3A_71, %get3A_72] {strides = array<i32>} : memref<1000x32xf32, #tpu.memory_space<vmem>>, vector<1x16xf32>,
        %get3A_74 = vector.shape_cast %get3A_73 : vector<1x16xf32> to vector<16xf32>
        %add3A_75 = arith.addf %get3A_70, %get3A_74 : vector<16xf32>
        %get3A_76 = arith.index_cast %scan3A_66 : i32 to index
        %get3A_77 = arith.constant 0 : index
        %get3A_78 = tpu.vector_load %arg12[%get3A_76, %get3A_77] {strides = array<i32>} : memref<1000x32xf32, #tpu.memory_space<vmem>>, vector<1x16xf32>,
        %get3A_79 = vector.shape_cast %get3A_78 : vector<1x16xf32> to vector<16xf32>
        %add3A_80 = arith.addf %add3A_75, %get3A_79 : vector<16xf32>
        %swap3A_81 = arith.index_cast %scan3A_66 : i32 to index
        %swap3A_82 = arith.constant 0 : index
        %swap3A_83 = tpu.vector_load %arg12[%swap3A_81, %swap3A_82] {strides = array<i32>} : memref<1000x32xf32, #tpu.memory_space<vmem>>, vector<1x16xf32>,
        %swap3A_84 = vector.shape_cast %swap3A_83 : vector<1x16xf32> to vector<16xf32>
        %swap3A_85 = vector.shape_cast %add3A_80 : vector<16xf32> to vector<1x16xf32>
        tpu.vector_store %arg12[%swap3A_81, %swap3A_82], %swap3A_85 {strides = array<i32>} : memref<1000x32xf32, #tpu.memory_space<vmem>>, vector<1x16xf32>,
        %get3A_86 = arith.index_cast %scan3A_66 : i32 to index
        %get3A_87 = arith.constant 16 : index
        %get3A_88 = tpu.vector_load %arg10[%get3A_86, %get3A_87] {strides = array<i32>} : memref<1000x32xf32, #tpu.memory_space<vmem>>, vector<1x16xf32>,
        %get3A_89 = vector.shape_cast %get3A_88 : vector<1x16xf32> to vector<16xf32>
        %get3A_90 = arith.index_cast %scan3A_66 : i32 to index
        %get3A_91 = arith.constant 16 : index
        %get3A_92 = tpu.vector_load %arg11[%get3A_90, %get3A_91] {strides = array<i32>} : memref<1000x32xf32, #tpu.memory_space<vmem>>, vector<1x16xf32>,
        %get3A_93 = vector.shape_cast %get3A_92 : vector<1x16xf32> to vector<16xf32>
        %add3A_94 = arith.addf %get3A_89, %get3A_93 : vector<16xf32>
        %get3A_95 = arith.index_cast %scan3A_66 : i32 to index
        %get3A_96 = arith.constant 16 : index
        %get3A_97 = tpu.vector_load %arg12[%get3A_95, %get3A_96] {strides = array<i32>} : memref<1000x32xf32, #tpu.memory_space<vmem>>, vector<1x16xf32>,
        %get3A_98 = vector.shape_cast %get3A_97 : vector<1x16xf32> to vector<16xf32>
        %add3A_99 = arith.addf %add3A_94, %get3A_98 : vector<16xf32>
        %swap3A_100 = arith.index_cast %scan3A_66 : i32 to index
        %swap3A_101 = arith.constant 16 : index
        %swap3A_102 = tpu.vector_load %arg12[%swap3A_100, %swap3A_101] {strides = array<i32>} : memref<1000x32xf32, #tpu.memory_space<vmem>>, vector<1x16xf32>,
        %swap3A_103 = vector.shape_cast %swap3A_102 : vector<1x16xf32> to vector<16xf32>
        %swap3A_104 = vector.shape_cast %add3A_99 : vector<16xf32> to vector<1x16xf32>
        tpu.vector_store %arg12[%swap3A_100, %swap3A_101], %swap3A_104 {strides = array<i32>} : memref<1000x32xf32, #tpu.memory_space<vmem>>, vector<1x16xf32>,
      }
      %scan3A_27 = arith.constant 1000 : i32
      "tpu.region"() ({
        %run_scoped3A = tpu.sem_alloc : memref<!tpu.dma_semaphore, #tpu.memory_space<semaphore_mem>>
        %dma_start3A_28 = arith.constant 0 : i32
        %dma_start3A_29 = tpu.memref_slice %arg7[%add3A_11, %dma_start3A_28] : memref<320000x32xf32, #tpu.memory_space<hbm>> -> memref<1000x32xf32, #tpu.memory_space<hbm>>
        %dma_start3A_30 = arith.constant 0 : i32
        %dma_start3A_31 = tpu.memref_slice %arg7[%add3A_11, %dma_start3A_30] : memref<320000x32xf32, #tpu.memory_space<hbm>> -> memref<1000x32xf32, #tpu.memory_space<hbm>>
        tpu.enqueue_dma source(%arg12 : memref<1000x32xf32, #tpu.memory_space<vmem>>) target(%dma_start3A_31 : memref<1000x32xf32, #tpu.memory_space<hbm>>) target_semaphore(%run_scoped3A : memref<!tpu.dma_semaphore, #tpu.memory_space<semaphore_mem>>)
        %dma_wait3A_32 = arith.constant 0 : i32
        %dma_wait3A_33 = tpu.memref_slice %arg7[%add3A_11, %dma_wait3A_32] : memref<320000x32xf32, #tpu.memory_space<hbm>> -> memref<1000x32xf32, #tpu.memory_space<hbm>>
        %dma_wait3A_34 = arith.constant 0 : i32
        %dma_wait3A_35 = tpu.memref_slice %arg7[%add3A_11, %dma_wait3A_34] : memref<320000x32xf32, #tpu.memory_space<hbm>> -> memref<1000x32xf32, #tpu.memory_space<hbm>>
        tpu.wait_dma2 semaphore(%run_scoped3A : memref<!tpu.dma_semaphore, #tpu.memory_space<semaphore_mem>>) src(%arg12 : memref<1000x32xf32, #tpu.memory_space<vmem>>) dst(%dma_wait3A_35 : memref<1000x32xf32, #tpu.memory_space<hbm>>)
        tpu.yield
      }) : () -> ()
    }
    %scan3A_5 = arith.constant 10 : i32
    return
  }
}

#map = affine_map<(d0, d1) -> (0, 0)>
module attributes {stable_mosaic.version = 14 : i64} {
  func.func @_seg_min(%arg0: i32, %arg1: i32, %arg2: memref<320000x32xf32, #tpu.memory_space<hbm>>, %arg3: memref<32x321024xi32, #tpu.memory_space<hbm>>, %arg4: memref<32x321024xi32, #tpu.memory_space<hbm>>, %arg5: memref<32x16xi32, #tpu.memory_space<hbm>>, %arg6: memref<10016x32xf32, #tpu.memory_space<hbm>>, %arg7: memref<313x32xf32, #tpu.memory_space<vmem>>, %arg8: memref<1024xi32, #tpu.memory_space<vmem>>, %arg9: memref<1024xi32, #tpu.memory_space<vmem>>, %arg10: memref<1024x32xf32, #tpu.memory_space<vmem>>, %arg11: memref<16xi32, #tpu.memory_space<vmem>>, %arg12: memref<!tpu.dma_semaphore, #tpu.memory_space<semaphore_mem>>) attributes {dimension_semantics = [#tpu.dimension_semantics<core_parallel>, #tpu.dimension_semantics<subcore_parallel>], iteration_bounds = array<i64: 2, 16>, scalar_prefetch = 0 : i64, scratch_operands = 6 : i64, tpu.core_type = #tpu.core_type<sc_vector_subcore>, window_params = [{transform_indices = #map}, {transform_indices = #map}, {transform_indices = #map}, {transform_indices = #map}, {transform_indices = #map}]} {
    %mul3A = arith.constant 2 : i32
    %mul3A_0 = arith.muli %arg1, %mul3A : i32
    %add3A = arith.addi %mul3A_0, %arg0 : i32
    %mul3A_1 = arith.constant 313 : i32
    %mul3A_2 = arith.muli %add3A, %mul3A_1 : i32
    %broadcast_in_dim3A = arith.constant 0x7F800000 : f32
    %broadcast_in_dim3A_3 = vector.broadcast %broadcast_in_dim3A : f32 to vector<16xf32>
    %scan3A = arith.constant 0 : i32
    %scan3A_4 = arith.constant 0 : i32
    %scan3A_5 = arith.constant 313 : i32
    %scan3A_6 = arith.addi %scan3A_4, %scan3A_5 : i32
    %scan3A_7 = arith.constant 1 : i32
    scf.for %scan3A_46 = %scan3A_4 to %scan3A_6 step %scan3A_7  : i32 {
      %swap3A = arith.index_cast %scan3A_46 : i32 to index
      %swap3A_47 = arith.constant 0 : index
      %swap3A_48 = tpu.vector_load %arg7[%swap3A, %swap3A_47] {strides = array<i32>} : memref<313x32xf32, #tpu.memory_space<vmem>>, vector<1x16xf32>,
      %swap3A_49 = vector.shape_cast %swap3A_48 : vector<1x16xf32> to vector<16xf32>
      %swap3A_50 = vector.shape_cast %broadcast_in_dim3A_3 : vector<16xf32> to vector<1x16xf32>
      tpu.vector_store %arg7[%swap3A, %swap3A_47], %swap3A_50 {strides = array<i32>} : memref<313x32xf32, #tpu.memory_space<vmem>>, vector<1x16xf32>,
      %swap3A_51 = arith.index_cast %scan3A_46 : i32 to index
      %swap3A_52 = arith.constant 16 : index
      %swap3A_53 = tpu.vector_load %arg7[%swap3A_51, %swap3A_52] {strides = array<i32>} : memref<313x32xf32, #tpu.memory_space<vmem>>, vector<1x16xf32>,
      %swap3A_54 = vector.shape_cast %swap3A_53 : vector<1x16xf32> to vector<16xf32>
      %swap3A_55 = vector.shape_cast %broadcast_in_dim3A_3 : vector<16xf32> to vector<1x16xf32>
      tpu.vector_store %arg7[%swap3A_51, %swap3A_52], %swap3A_55 {strides = array<i32>} : memref<313x32xf32, #tpu.memory_space<vmem>>, vector<1x16xf32>,
    }
    %scan3A_8 = arith.constant 313 : i32
    "tpu.region"() ({
      %run_scoped3A = tpu.sem_alloc : memref<!tpu.dma_semaphore, #tpu.memory_space<semaphore_mem>>
      %dma_start3A = arith.constant 0 : i32
      %dma_start3A_46 = tpu.memref_slice %arg5[%add3A, %dma_start3A] : memref<32x16xi32, #tpu.memory_space<hbm>> -> memref<1x16xi32, #tpu.memory_space<hbm>>
      %dma_start3A_47 = tpu.memref_squeeze %dma_start3A_46 : memref<1x16xi32, #tpu.memory_space<hbm>> -> memref<16xi32, #tpu.memory_space<hbm>>
      %dma_start3A_48 = arith.constant 0 : i32
      %dma_start3A_49 = tpu.memref_slice %arg5[%add3A, %dma_start3A_48] : memref<32x16xi32, #tpu.memory_space<hbm>> -> memref<1x16xi32, #tpu.memory_space<hbm>>
      %dma_start3A_50 = tpu.memref_squeeze %dma_start3A_49 : memref<1x16xi32, #tpu.memory_space<hbm>> -> memref<16xi32, #tpu.memory_space<hbm>>
      tpu.enqueue_dma source(%dma_start3A_50 : memref<16xi32, #tpu.memory_space<hbm>>) target(%arg11 : memref<16xi32, #tpu.memory_space<vmem>>) target_semaphore(%run_scoped3A : memref<!tpu.dma_semaphore, #tpu.memory_space<semaphore_mem>>)
      %dma_wait3A = arith.constant 0 : i32
      %dma_wait3A_51 = tpu.memref_slice %arg5[%add3A, %dma_wait3A] : memref<32x16xi32, #tpu.memory_space<hbm>> -> memref<1x16xi32, #tpu.memory_space<hbm>>
      %dma_wait3A_52 = tpu.memref_squeeze %dma_wait3A_51 : memref<1x16xi32, #tpu.memory_space<hbm>> -> memref<16xi32, #tpu.memory_space<hbm>>
      %dma_wait3A_53 = arith.constant 0 : i32
      %dma_wait3A_54 = tpu.memref_slice %arg5[%add3A, %dma_wait3A_53] : memref<32x16xi32, #tpu.memory_space<hbm>> -> memref<1x16xi32, #tpu.memory_space<hbm>>
      %dma_wait3A_55 = tpu.memref_squeeze %dma_wait3A_54 : memref<1x16xi32, #tpu.memory_space<hbm>> -> memref<16xi32, #tpu.memory_space<hbm>>
      tpu.wait_dma2 semaphore(%run_scoped3A : memref<!tpu.dma_semaphore, #tpu.memory_space<semaphore_mem>>) src(%dma_wait3A_55 : memref<16xi32, #tpu.memory_space<hbm>>) dst(%arg11 : memref<16xi32, #tpu.memory_space<vmem>>)
      tpu.yield
    }) : () -> ()
    %get3A = arith.constant 0 : index
    %get3A_9 = tpu.vector_load %arg11[%get3A] {strides = array<i32>} : memref<16xi32, #tpu.memory_space<vmem>>, vector<16xi32>,
    %get3A_10 = vector.shape_cast %get3A_9 : vector<16xi32> to vector<16xi32>
    %slice3A = vector.extract_strided_slice %get3A_10 {offsets = [0], sizes = [1], strides = [1]} : vector<16xi32> to vector<1xi32>
    %squeeze3A = vector.extract %slice3A[0] : i32 from vector<1xi32>
    %add3A_11 = arith.constant 1024 : i32
    %add3A_12 = arith.addi %squeeze3A, %add3A_11 : i32
    %sub3A = arith.constant 1 : i32
    %sub3A_13 = arith.subi %add3A_12, %sub3A : i32
    %jit3A = arith.constant 1024 : i32
    %div3A = arith.divsi %sub3A_13, %jit3A : i32
    %sign3A = arith.constant 0 : i32
    %sign3A_14 = arith.cmpi sgt, %sub3A_13, %sign3A : i32
    %sign3A_15 = arith.extui %sign3A_14 : i1 to i32
    %sign3A_16 = arith.constant 0 : i32
    %sign3A_17 = arith.cmpi slt, %sub3A_13, %sign3A_16 : i32
    %sign3A_18 = arith.extui %sign3A_17 : i1 to i32
    %sign3A_19 = arith.subi %sign3A_15, %sign3A_18 : i32
    %sign3A_20 = arith.constant 0 : i32
    %sign3A_21 = arith.cmpi sgt, %jit3A, %sign3A_20 : i32
    %sign3A_22 = arith.extui %sign3A_21 : i1 to i32
    %sign3A_23 = arith.constant 0 : i32
    %sign3A_24 = arith.cmpi slt, %jit3A, %sign3A_23 : i32
    %sign3A_25 = arith.extui %sign3A_24 : i1 to i32
    %sign3A_26 = arith.subi %sign3A_22, %sign3A_25 : i32
    %ne3A = arith.cmpi ne, %sign3A_19, %sign3A_26 : i32
    %rem3A = arith.remsi %sub3A_13, %jit3A : i32
    %ne3A_27 = arith.constant 0 : i32
    %ne3A_28 = arith.cmpi ne, %rem3A, %ne3A_27 : i32
    %and3A = arith.andi %ne3A, %ne3A_28 : i1
    %sub3A_29 = arith.constant 1 : i32
    %sub3A_30 = arith.subi %div3A, %sub3A_29 : i32
    %select_n3A = arith.select %and3A, %sub3A_30, %div3A : i32
    %while3A = arith.constant 0 : i32
    %while3A_31 = arith.constant 0 : i32
    %while3A_32 = arith.subi %select_n3A, %while3A_31 : i32
    %while3A_33 = arith.addi %while3A_31, %while3A_32 : i32
    %while3A_34 = arith.constant 1 : i32
    %while3A_35 = arith.divsi %while3A_32, %while3A_34 : i32
    %while3A_36 = arith.muli %while3A_35, %while3A_34 : i32
    %while3A_37 = arith.addi %while3A_31, %while3A_36 : i32
    %while3A_38 = arith.constant 1 : i32
    scf.for %while3A_46 = %while3A_31 to %while3A_37 step %while3A_38  : i32 {
      %mul3A_47 = arith.constant 1024 : i32
      %mul3A_48 = arith.muli %while3A_46, %mul3A_47 : i32
      "tpu.region"() ({
        %run_scoped3A = tpu.sem_alloc : memref<!tpu.dma_semaphore, #tpu.memory_space<semaphore_mem>>
        %dma_start3A_69 = tpu.memref_slice %arg3[%add3A, %mul3A_48] : memref<32x321024xi32, #tpu.memory_space<hbm>> -> memref<1x1024xi32, #tpu.memory_space<hbm>>
        %dma_start3A_70 = tpu.memref_squeeze %dma_start3A_69 : memref<1x1024xi32, #tpu.memory_space<hbm>> -> memref<1024xi32, #tpu.memory_space<hbm>>
        %dma_start3A_71 = tpu.memref_slice %arg3[%add3A, %mul3A_48] : memref<32x321024xi32, #tpu.memory_space<hbm>> -> memref<1x1024xi32, #tpu.memory_space<hbm>>
        %dma_start3A_72 = tpu.memref_squeeze %dma_start3A_71 : memref<1x1024xi32, #tpu.memory_space<hbm>> -> memref<1024xi32, #tpu.memory_space<hbm>>
        tpu.enqueue_dma source(%dma_start3A_72 : memref<1024xi32, #tpu.memory_space<hbm>>) target(%arg8 : memref<1024xi32, #tpu.memory_space<vmem>>) target_semaphore(%run_scoped3A : memref<!tpu.dma_semaphore, #tpu.memory_space<semaphore_mem>>)
        %dma_wait3A_73 = tpu.memref_slice %arg3[%add3A, %mul3A_48] : memref<32x321024xi32, #tpu.memory_space<hbm>> -> memref<1x1024xi32, #tpu.memory_space<hbm>>
        %dma_wait3A_74 = tpu.memref_squeeze %dma_wait3A_73 : memref<1x1024xi32, #tpu.memory_space<hbm>> -> memref<1024xi32, #tpu.memory_space<hbm>>
        %dma_wait3A_75 = tpu.memref_slice %arg3[%add3A, %mul3A_48] : memref<32x321024xi32, #tpu.memory_space<hbm>> -> memref<1x1024xi32, #tpu.memory_space<hbm>>
        %dma_wait3A_76 = tpu.memref_squeeze %dma_wait3A_75 : memref<1x1024xi32, #tpu.memory_space<hbm>> -> memref<1024xi32, #tpu.memory_space<hbm>>
        tpu.wait_dma2 semaphore(%run_scoped3A : memref<!tpu.dma_semaphore, #tpu.memory_space<semaphore_mem>>) src(%dma_wait3A_76 : memref<1024xi32, #tpu.memory_space<hbm>>) dst(%arg8 : memref<1024xi32, #tpu.memory_space<vmem>>)
        tpu.yield
      }) : () -> ()
      %mul3A_49 = arith.constant 1024 : i32
      %mul3A_50 = arith.muli %while3A_46, %mul3A_49 : i32
      "tpu.region"() ({
        %run_scoped3A = tpu.sem_alloc : memref<!tpu.dma_semaphore, #tpu.memory_space<semaphore_mem>>
        %dma_start3A_69 = tpu.memref_slice %arg4[%add3A, %mul3A_50] : memref<32x321024xi32, #tpu.memory_space<hbm>> -> memref<1x1024xi32, #tpu.memory_space<hbm>>
        %dma_start3A_70 = tpu.memref_squeeze %dma_start3A_69 : memref<1x1024xi32, #tpu.memory_space<hbm>> -> memref<1024xi32, #tpu.memory_space<hbm>>
        %dma_start3A_71 = tpu.memref_slice %arg4[%add3A, %mul3A_50] : memref<32x321024xi32, #tpu.memory_space<hbm>> -> memref<1x1024xi32, #tpu.memory_space<hbm>>
        %dma_start3A_72 = tpu.memref_squeeze %dma_start3A_71 : memref<1x1024xi32, #tpu.memory_space<hbm>> -> memref<1024xi32, #tpu.memory_space<hbm>>
        tpu.enqueue_dma source(%dma_start3A_72 : memref<1024xi32, #tpu.memory_space<hbm>>) target(%arg9 : memref<1024xi32, #tpu.memory_space<vmem>>) target_semaphore(%run_scoped3A : memref<!tpu.dma_semaphore, #tpu.memory_space<semaphore_mem>>)
        %dma_wait3A_73 = tpu.memref_slice %arg4[%add3A, %mul3A_50] : memref<32x321024xi32, #tpu.memory_space<hbm>> -> memref<1x1024xi32, #tpu.memory_space<hbm>>
        %dma_wait3A_74 = tpu.memref_squeeze %dma_wait3A_73 : memref<1x1024xi32, #tpu.memory_space<hbm>> -> memref<1024xi32, #tpu.memory_space<hbm>>
        %dma_wait3A_75 = tpu.memref_slice %arg4[%add3A, %mul3A_50] : memref<32x321024xi32, #tpu.memory_space<hbm>> -> memref<1x1024xi32, #tpu.memory_space<hbm>>
        %dma_wait3A_76 = tpu.memref_squeeze %dma_wait3A_75 : memref<1x1024xi32, #tpu.memory_space<hbm>> -> memref<1024xi32, #tpu.memory_space<hbm>>
        tpu.wait_dma2 semaphore(%run_scoped3A : memref<!tpu.dma_semaphore, #tpu.memory_space<semaphore_mem>>) src(%dma_wait3A_76 : memref<1024xi32, #tpu.memory_space<hbm>>) dst(%arg9 : memref<1024xi32, #tpu.memory_space<vmem>>)
        tpu.yield
      }) : () -> ()
      %dma_start3A = arith.constant 0 : i32
      %dma_start3A_51 = arith.constant 0 : i32
      %dma_start3A_52 = tpu.memref_slice %arg2[%dma_start3A, %dma_start3A_51] : memref<320000x32xf32, #tpu.memory_space<hbm>> -> memref<320000x32xf32, #tpu.memory_space<hbm>>
      tpu.enqueue_indirect_dma source(%dma_start3A_52 : memref<320000x32xf32, #tpu.memory_space<hbm>>) target(%arg10 : memref<1024x32xf32, #tpu.memory_space<vmem>>) offsets(%arg8 : memref<1024xi32, #tpu.memory_space<vmem>>) semaphore(%arg12 : memref<!tpu.dma_semaphore, #tpu.memory_space<semaphore_mem>>)
      %dma_wait3A = arith.constant 0 : i32
      %dma_wait3A_53 = arith.constant 0 : i32
      %dma_wait3A_54 = tpu.memref_slice %arg2[%dma_wait3A, %dma_wait3A_53] : memref<320000x32xf32, #tpu.memory_space<hbm>> -> memref<320000x32xf32, #tpu.memory_space<hbm>>
      tpu.wait_indirect_dma semaphore(%arg12 : memref<!tpu.dma_semaphore, #tpu.memory_space<semaphore_mem>>) src(%dma_wait3A_54 : memref<320000x32xf32, #tpu.memory_space<hbm>>) dst(%arg10 : memref<1024x32xf32, #tpu.memory_space<vmem>>)
      %mul3A_55 = arith.constant 1024 : i32
      %mul3A_56 = arith.muli %while3A_46, %mul3A_55 : i32
      %sub3A_57 = arith.subi %squeeze3A, %mul3A_56 : i32
      %min3A = arith.constant 1024 : i32
      %min3A_58 = arith.minsi %sub3A_57, %min3A : i32
      %while3A_59 = arith.constant 0 : i32
      %while3A_60 = arith.constant 0 : i32
      %while3A_61 = arith.subi %min3A_58, %while3A_60 : i32
      %while3A_62 = arith.addi %while3A_60, %while3A_61 : i32
      %while3A_63 = arith.constant 1 : i32
      %while3A_64 = arith.divsi %while3A_61, %while3A_63 : i32
      %while3A_65 = arith.muli %while3A_64, %while3A_63 : i32
      %while3A_66 = arith.addi %while3A_60, %while3A_65 : i32
      %while3A_67 = arith.constant 1 : i32
      scf.for %while3A_69 = %while3A_60 to %while3A_66 step %while3A_67  : i32 {
        %get3A_70 = arith.index_cast %while3A_69 : i32 to index
        %get3A_71 = tpu.vector_load %arg9[%get3A_70] {strides = array<i32>} : memref<1024xi32, #tpu.memory_space<vmem>>, vector<16xi32>,
        %get3A_72 = vector.shape_cast %get3A_71 : vector<16xi32> to vector<16xi32>
        %slice3A_73 = vector.extract_strided_slice %get3A_72 {offsets = [0], sizes = [1], strides = [1]} : vector<16xi32> to vector<1xi32>
        %squeeze3A_74 = vector.extract %slice3A_73[0] : i32 from vector<1xi32>
        %get3A_75 = arith.index_cast %squeeze3A_74 : i32 to index
        %get3A_76 = arith.constant 0 : index
        %get3A_77 = tpu.vector_load %arg7[%get3A_75, %get3A_76] {strides = array<i32>} : memref<313x32xf32, #tpu.memory_space<vmem>>, vector<1x16xf32>,
        %get3A_78 = vector.shape_cast %get3A_77 : vector<1x16xf32> to vector<16xf32>
        %get3A_79 = arith.index_cast %while3A_69 : i32 to index
        %get3A_80 = arith.constant 0 : index
        %get3A_81 = tpu.vector_load %arg10[%get3A_79, %get3A_80] {strides = array<i32>} : memref<1024x32xf32, #tpu.memory_space<vmem>>, vector<1x16xf32>,
        %get3A_82 = vector.shape_cast %get3A_81 : vector<1x16xf32> to vector<16xf32>
        %min3A_83 = arith.minimumf %get3A_78, %get3A_82 : vector<16xf32>
        %swap3A = arith.index_cast %squeeze3A_74 : i32 to index
        %swap3A_84 = arith.constant 0 : index
        %swap3A_85 = tpu.vector_load %arg7[%swap3A, %swap3A_84] {strides = array<i32>} : memref<313x32xf32, #tpu.memory_space<vmem>>, vector<1x16xf32>,
        %swap3A_86 = vector.shape_cast %swap3A_85 : vector<1x16xf32> to vector<16xf32>
        %swap3A_87 = vector.shape_cast %min3A_83 : vector<16xf32> to vector<1x16xf32>
        tpu.vector_store %arg7[%swap3A, %swap3A_84], %swap3A_87 {strides = array<i32>} : memref<313x32xf32, #tpu.memory_space<vmem>>, vector<1x16xf32>,
        %get3A_88 = arith.index_cast %squeeze3A_74 : i32 to index
        %get3A_89 = arith.constant 16 : index
        %get3A_90 = tpu.vector_load %arg7[%get3A_88, %get3A_89] {strides = array<i32>} : memref<313x32xf32, #tpu.memory_space<vmem>>, vector<1x16xf32>,
        %get3A_91 = vector.shape_cast %get3A_90 : vector<1x16xf32> to vector<16xf32>
        %get3A_92 = arith.index_cast %while3A_69 : i32 to index
        %get3A_93 = arith.constant 16 : index
        %get3A_94 = tpu.vector_load %arg10[%get3A_92, %get3A_93] {strides = array<i32>} : memref<1024x32xf32, #tpu.memory_space<vmem>>, vector<1x16xf32>,
        %get3A_95 = vector.shape_cast %get3A_94 : vector<1x16xf32> to vector<16xf32>
        %min3A_96 = arith.minimumf %get3A_91, %get3A_95 : vector<16xf32>
        %swap3A_97 = arith.index_cast %squeeze3A_74 : i32 to index
        %swap3A_98 = arith.constant 16 : index
        %swap3A_99 = tpu.vector_load %arg7[%swap3A_97, %swap3A_98] {strides = array<i32>} : memref<313x32xf32, #tpu.memory_space<vmem>>, vector<1x16xf32>,
        %swap3A_100 = vector.shape_cast %swap3A_99 : vector<1x16xf32> to vector<16xf32>
        %swap3A_101 = vector.shape_cast %min3A_96 : vector<16xf32> to vector<1x16xf32>
        tpu.vector_store %arg7[%swap3A_97, %swap3A_98], %swap3A_101 {strides = array<i32>} : memref<313x32xf32, #tpu.memory_space<vmem>>, vector<1x16xf32>,
      }
      %while3A_68 = arith.constant 1 : i32
      scf.for %while3A_69 = %while3A_66 to %while3A_62 step %while3A_68  : i32 {
        %get3A_70 = arith.index_cast %while3A_69 : i32 to index
        %get3A_71 = tpu.vector_load %arg9[%get3A_70] {strides = array<i32>} : memref<1024xi32, #tpu.memory_space<vmem>>, vector<16xi32>,
        %get3A_72 = vector.shape_cast %get3A_71 : vector<16xi32> to vector<16xi32>
        %slice3A_73 = vector.extract_strided_slice %get3A_72 {offsets = [0], sizes = [1], strides = [1]} : vector<16xi32> to vector<1xi32>
        %squeeze3A_74 = vector.extract %slice3A_73[0] : i32 from vector<1xi32>
        %get3A_75 = arith.index_cast %squeeze3A_74 : i32 to index
        %get3A_76 = arith.constant 0 : index
        %get3A_77 = tpu.vector_load %arg7[%get3A_75, %get3A_76] {strides = array<i32>} : memref<313x32xf32, #tpu.memory_space<vmem>>, vector<1x16xf32>,
        %get3A_78 = vector.shape_cast %get3A_77 : vector<1x16xf32> to vector<16xf32>
        %get3A_79 = arith.index_cast %while3A_69 : i32 to index
        %get3A_80 = arith.constant 0 : index
        %get3A_81 = tpu.vector_load %arg10[%get3A_79, %get3A_80] {strides = array<i32>} : memref<1024x32xf32, #tpu.memory_space<vmem>>, vector<1x16xf32>,
        %get3A_82 = vector.shape_cast %get3A_81 : vector<1x16xf32> to vector<16xf32>
        %min3A_83 = arith.minimumf %get3A_78, %get3A_82 : vector<16xf32>
        %swap3A = arith.index_cast %squeeze3A_74 : i32 to index
        %swap3A_84 = arith.constant 0 : index
        %swap3A_85 = tpu.vector_load %arg7[%swap3A, %swap3A_84] {strides = array<i32>} : memref<313x32xf32, #tpu.memory_space<vmem>>, vector<1x16xf32>,
        %swap3A_86 = vector.shape_cast %swap3A_85 : vector<1x16xf32> to vector<16xf32>
        %swap3A_87 = vector.shape_cast %min3A_83 : vector<16xf32> to vector<1x16xf32>
        tpu.vector_store %arg7[%swap3A, %swap3A_84], %swap3A_87 {strides = array<i32>} : memref<313x32xf32, #tpu.memory_space<vmem>>, vector<1x16xf32>,
        %get3A_88 = arith.index_cast %squeeze3A_74 : i32 to index
        %get3A_89 = arith.constant 16 : index
        %get3A_90 = tpu.vector_load %arg7[%get3A_88, %get3A_89] {strides = array<i32>} : memref<313x32xf32, #tpu.memory_space<vmem>>, vector<1x16xf32>,
        %get3A_91 = vector.shape_cast %get3A_90 : vector<1x16xf32> to vector<16xf32>
        %get3A_92 = arith.index_cast %while3A_69 : i32 to index
        %get3A_93 = arith.constant 16 : index
        %get3A_94 = tpu.vector_load %arg10[%get3A_92, %get3A_93] {strides = array<i32>} : memref<1024x32xf32, #tpu.memory_space<vmem>>, vector<1x16xf32>,
        %get3A_95 = vector.shape_cast %get3A_94 : vector<1x16xf32> to vector<16xf32>
        %min3A_96 = arith.minimumf %get3A_91, %get3A_95 : vector<16xf32>
        %swap3A_97 = arith.index_cast %squeeze3A_74 : i32 to index
        %swap3A_98 = arith.constant 16 : index
        %swap3A_99 = tpu.vector_load %arg7[%swap3A_97, %swap3A_98] {strides = array<i32>} : memref<313x32xf32, #tpu.memory_space<vmem>>, vector<1x16xf32>,
        %swap3A_100 = vector.shape_cast %swap3A_99 : vector<1x16xf32> to vector<16xf32>
        %swap3A_101 = vector.shape_cast %min3A_96 : vector<16xf32> to vector<1x16xf32>
        tpu.vector_store %arg7[%swap3A_97, %swap3A_98], %swap3A_101 {strides = array<i32>} : memref<313x32xf32, #tpu.memory_space<vmem>>, vector<1x16xf32>,
      }
    }
    %while3A_39 = arith.constant 1 : i32
    scf.for %while3A_46 = %while3A_37 to %while3A_33 step %while3A_39  : i32 {
      %mul3A_47 = arith.constant 1024 : i32
      %mul3A_48 = arith.muli %while3A_46, %mul3A_47 : i32
      "tpu.region"() ({
        %run_scoped3A = tpu.sem_alloc : memref<!tpu.dma_semaphore, #tpu.memory_space<semaphore_mem>>
        %dma_start3A_69 = tpu.memref_slice %arg3[%add3A, %mul3A_48] : memref<32x321024xi32, #tpu.memory_space<hbm>> -> memref<1x1024xi32, #tpu.memory_space<hbm>>
        %dma_start3A_70 = tpu.memref_squeeze %dma_start3A_69 : memref<1x1024xi32, #tpu.memory_space<hbm>> -> memref<1024xi32, #tpu.memory_space<hbm>>
        %dma_start3A_71 = tpu.memref_slice %arg3[%add3A, %mul3A_48] : memref<32x321024xi32, #tpu.memory_space<hbm>> -> memref<1x1024xi32, #tpu.memory_space<hbm>>
        %dma_start3A_72 = tpu.memref_squeeze %dma_start3A_71 : memref<1x1024xi32, #tpu.memory_space<hbm>> -> memref<1024xi32, #tpu.memory_space<hbm>>
        tpu.enqueue_dma source(%dma_start3A_72 : memref<1024xi32, #tpu.memory_space<hbm>>) target(%arg8 : memref<1024xi32, #tpu.memory_space<vmem>>) target_semaphore(%run_scoped3A : memref<!tpu.dma_semaphore, #tpu.memory_space<semaphore_mem>>)
        %dma_wait3A_73 = tpu.memref_slice %arg3[%add3A, %mul3A_48] : memref<32x321024xi32, #tpu.memory_space<hbm>> -> memref<1x1024xi32, #tpu.memory_space<hbm>>
        %dma_wait3A_74 = tpu.memref_squeeze %dma_wait3A_73 : memref<1x1024xi32, #tpu.memory_space<hbm>> -> memref<1024xi32, #tpu.memory_space<hbm>>
        %dma_wait3A_75 = tpu.memref_slice %arg3[%add3A, %mul3A_48] : memref<32x321024xi32, #tpu.memory_space<hbm>> -> memref<1x1024xi32, #tpu.memory_space<hbm>>
        %dma_wait3A_76 = tpu.memref_squeeze %dma_wait3A_75 : memref<1x1024xi32, #tpu.memory_space<hbm>> -> memref<1024xi32, #tpu.memory_space<hbm>>
        tpu.wait_dma2 semaphore(%run_scoped3A : memref<!tpu.dma_semaphore, #tpu.memory_space<semaphore_mem>>) src(%dma_wait3A_76 : memref<1024xi32, #tpu.memory_space<hbm>>) dst(%arg8 : memref<1024xi32, #tpu.memory_space<vmem>>)
        tpu.yield
      }) : () -> ()
      %mul3A_49 = arith.constant 1024 : i32
      %mul3A_50 = arith.muli %while3A_46, %mul3A_49 : i32
      "tpu.region"() ({
        %run_scoped3A = tpu.sem_alloc : memref<!tpu.dma_semaphore, #tpu.memory_space<semaphore_mem>>
        %dma_start3A_69 = tpu.memref_slice %arg4[%add3A, %mul3A_50] : memref<32x321024xi32, #tpu.memory_space<hbm>> -> memref<1x1024xi32, #tpu.memory_space<hbm>>
        %dma_start3A_70 = tpu.memref_squeeze %dma_start3A_69 : memref<1x1024xi32, #tpu.memory_space<hbm>> -> memref<1024xi32, #tpu.memory_space<hbm>>
        %dma_start3A_71 = tpu.memref_slice %arg4[%add3A, %mul3A_50] : memref<32x321024xi32, #tpu.memory_space<hbm>> -> memref<1x1024xi32, #tpu.memory_space<hbm>>
        %dma_start3A_72 = tpu.memref_squeeze %dma_start3A_71 : memref<1x1024xi32, #tpu.memory_space<hbm>> -> memref<1024xi32, #tpu.memory_space<hbm>>
        tpu.enqueue_dma source(%dma_start3A_72 : memref<1024xi32, #tpu.memory_space<hbm>>) target(%arg9 : memref<1024xi32, #tpu.memory_space<vmem>>) target_semaphore(%run_scoped3A : memref<!tpu.dma_semaphore, #tpu.memory_space<semaphore_mem>>)
        %dma_wait3A_73 = tpu.memref_slice %arg4[%add3A, %mul3A_50] : memref<32x321024xi32, #tpu.memory_space<hbm>> -> memref<1x1024xi32, #tpu.memory_space<hbm>>
        %dma_wait3A_74 = tpu.memref_squeeze %dma_wait3A_73 : memref<1x1024xi32, #tpu.memory_space<hbm>> -> memref<1024xi32, #tpu.memory_space<hbm>>
        %dma_wait3A_75 = tpu.memref_slice %arg4[%add3A, %mul3A_50] : memref<32x321024xi32, #tpu.memory_space<hbm>> -> memref<1x1024xi32, #tpu.memory_space<hbm>>
        %dma_wait3A_76 = tpu.memref_squeeze %dma_wait3A_75 : memref<1x1024xi32, #tpu.memory_space<hbm>> -> memref<1024xi32, #tpu.memory_space<hbm>>
        tpu.wait_dma2 semaphore(%run_scoped3A : memref<!tpu.dma_semaphore, #tpu.memory_space<semaphore_mem>>) src(%dma_wait3A_76 : memref<1024xi32, #tpu.memory_space<hbm>>) dst(%arg9 : memref<1024xi32, #tpu.memory_space<vmem>>)
        tpu.yield
      }) : () -> ()
      %dma_start3A = arith.constant 0 : i32
      %dma_start3A_51 = arith.constant 0 : i32
      %dma_start3A_52 = tpu.memref_slice %arg2[%dma_start3A, %dma_start3A_51] : memref<320000x32xf32, #tpu.memory_space<hbm>> -> memref<320000x32xf32, #tpu.memory_space<hbm>>
      tpu.enqueue_indirect_dma source(%dma_start3A_52 : memref<320000x32xf32, #tpu.memory_space<hbm>>) target(%arg10 : memref<1024x32xf32, #tpu.memory_space<vmem>>) offsets(%arg8 : memref<1024xi32, #tpu.memory_space<vmem>>) semaphore(%arg12 : memref<!tpu.dma_semaphore, #tpu.memory_space<semaphore_mem>>)
      %dma_wait3A = arith.constant 0 : i32
      %dma_wait3A_53 = arith.constant 0 : i32
      %dma_wait3A_54 = tpu.memref_slice %arg2[%dma_wait3A, %dma_wait3A_53] : memref<320000x32xf32, #tpu.memory_space<hbm>> -> memref<320000x32xf32, #tpu.memory_space<hbm>>
      tpu.wait_indirect_dma semaphore(%arg12 : memref<!tpu.dma_semaphore, #tpu.memory_space<semaphore_mem>>) src(%dma_wait3A_54 : memref<320000x32xf32, #tpu.memory_space<hbm>>) dst(%arg10 : memref<1024x32xf32, #tpu.memory_space<vmem>>)
      %mul3A_55 = arith.constant 1024 : i32
      %mul3A_56 = arith.muli %while3A_46, %mul3A_55 : i32
      %sub3A_57 = arith.subi %squeeze3A, %mul3A_56 : i32
      %min3A = arith.constant 1024 : i32
      %min3A_58 = arith.minsi %sub3A_57, %min3A : i32
      %while3A_59 = arith.constant 0 : i32
      %while3A_60 = arith.constant 0 : i32
      %while3A_61 = arith.subi %min3A_58, %while3A_60 : i32
      %while3A_62 = arith.addi %while3A_60, %while3A_61 : i32
      %while3A_63 = arith.constant 1 : i32
      %while3A_64 = arith.divsi %while3A_61, %while3A_63 : i32
      %while3A_65 = arith.muli %while3A_64, %while3A_63 : i32
      %while3A_66 = arith.addi %while3A_60, %while3A_65 : i32
      %while3A_67 = arith.constant 1 : i32
      scf.for %while3A_69 = %while3A_60 to %while3A_66 step %while3A_67  : i32 {
        %get3A_70 = arith.index_cast %while3A_69 : i32 to index
        %get3A_71 = tpu.vector_load %arg9[%get3A_70] {strides = array<i32>} : memref<1024xi32, #tpu.memory_space<vmem>>, vector<16xi32>,
        %get3A_72 = vector.shape_cast %get3A_71 : vector<16xi32> to vector<16xi32>
        %slice3A_73 = vector.extract_strided_slice %get3A_72 {offsets = [0], sizes = [1], strides = [1]} : vector<16xi32> to vector<1xi32>
        %squeeze3A_74 = vector.extract %slice3A_73[0] : i32 from vector<1xi32>
        %get3A_75 = arith.index_cast %squeeze3A_74 : i32 to index
        %get3A_76 = arith.constant 0 : index
        %get3A_77 = tpu.vector_load %arg7[%get3A_75, %get3A_76] {strides = array<i32>} : memref<313x32xf32, #tpu.memory_space<vmem>>, vector<1x16xf32>,
        %get3A_78 = vector.shape_cast %get3A_77 : vector<1x16xf32> to vector<16xf32>
        %get3A_79 = arith.index_cast %while3A_69 : i32 to index
        %get3A_80 = arith.constant 0 : index
        %get3A_81 = tpu.vector_load %arg10[%get3A_79, %get3A_80] {strides = array<i32>} : memref<1024x32xf32, #tpu.memory_space<vmem>>, vector<1x16xf32>,
        %get3A_82 = vector.shape_cast %get3A_81 : vector<1x16xf32> to vector<16xf32>
        %min3A_83 = arith.minimumf %get3A_78, %get3A_82 : vector<16xf32>
        %swap3A = arith.index_cast %squeeze3A_74 : i32 to index
        %swap3A_84 = arith.constant 0 : index
        %swap3A_85 = tpu.vector_load %arg7[%swap3A, %swap3A_84] {strides = array<i32>} : memref<313x32xf32, #tpu.memory_space<vmem>>, vector<1x16xf32>,
        %swap3A_86 = vector.shape_cast %swap3A_85 : vector<1x16xf32> to vector<16xf32>
        %swap3A_87 = vector.shape_cast %min3A_83 : vector<16xf32> to vector<1x16xf32>
        tpu.vector_store %arg7[%swap3A, %swap3A_84], %swap3A_87 {strides = array<i32>} : memref<313x32xf32, #tpu.memory_space<vmem>>, vector<1x16xf32>,
        %get3A_88 = arith.index_cast %squeeze3A_74 : i32 to index
        %get3A_89 = arith.constant 16 : index
        %get3A_90 = tpu.vector_load %arg7[%get3A_88, %get3A_89] {strides = array<i32>} : memref<313x32xf32, #tpu.memory_space<vmem>>, vector<1x16xf32>,
        %get3A_91 = vector.shape_cast %get3A_90 : vector<1x16xf32> to vector<16xf32>
        %get3A_92 = arith.index_cast %while3A_69 : i32 to index
        %get3A_93 = arith.constant 16 : index
        %get3A_94 = tpu.vector_load %arg10[%get3A_92, %get3A_93] {strides = array<i32>} : memref<1024x32xf32, #tpu.memory_space<vmem>>, vector<1x16xf32>,
        %get3A_95 = vector.shape_cast %get3A_94 : vector<1x16xf32> to vector<16xf32>
        %min3A_96 = arith.minimumf %get3A_91, %get3A_95 : vector<16xf32>
        %swap3A_97 = arith.index_cast %squeeze3A_74 : i32 to index
        %swap3A_98 = arith.constant 16 : index
        %swap3A_99 = tpu.vector_load %arg7[%swap3A_97, %swap3A_98] {strides = array<i32>} : memref<313x32xf32, #tpu.memory_space<vmem>>, vector<1x16xf32>,
        %swap3A_100 = vector.shape_cast %swap3A_99 : vector<1x16xf32> to vector<16xf32>
        %swap3A_101 = vector.shape_cast %min3A_96 : vector<16xf32> to vector<1x16xf32>
        tpu.vector_store %arg7[%swap3A_97, %swap3A_98], %swap3A_101 {strides = array<i32>} : memref<313x32xf32, #tpu.memory_space<vmem>>, vector<1x16xf32>,
      }
      %while3A_68 = arith.constant 1 : i32
      scf.for %while3A_69 = %while3A_66 to %while3A_62 step %while3A_68  : i32 {
        %get3A_70 = arith.index_cast %while3A_69 : i32 to index
        %get3A_71 = tpu.vector_load %arg9[%get3A_70] {strides = array<i32>} : memref<1024xi32, #tpu.memory_space<vmem>>, vector<16xi32>,
        %get3A_72 = vector.shape_cast %get3A_71 : vector<16xi32> to vector<16xi32>
        %slice3A_73 = vector.extract_strided_slice %get3A_72 {offsets = [0], sizes = [1], strides = [1]} : vector<16xi32> to vector<1xi32>
        %squeeze3A_74 = vector.extract %slice3A_73[0] : i32 from vector<1xi32>
        %get3A_75 = arith.index_cast %squeeze3A_74 : i32 to index
        %get3A_76 = arith.constant 0 : index
        %get3A_77 = tpu.vector_load %arg7[%get3A_75, %get3A_76] {strides = array<i32>} : memref<313x32xf32, #tpu.memory_space<vmem>>, vector<1x16xf32>,
        %get3A_78 = vector.shape_cast %get3A_77 : vector<1x16xf32> to vector<16xf32>
        %get3A_79 = arith.index_cast %while3A_69 : i32 to index
        %get3A_80 = arith.constant 0 : index
        %get3A_81 = tpu.vector_load %arg10[%get3A_79, %get3A_80] {strides = array<i32>} : memref<1024x32xf32, #tpu.memory_space<vmem>>, vector<1x16xf32>,
        %get3A_82 = vector.shape_cast %get3A_81 : vector<1x16xf32> to vector<16xf32>
        %min3A_83 = arith.minimumf %get3A_78, %get3A_82 : vector<16xf32>
        %swap3A = arith.index_cast %squeeze3A_74 : i32 to index
        %swap3A_84 = arith.constant 0 : index
        %swap3A_85 = tpu.vector_load %arg7[%swap3A, %swap3A_84] {strides = array<i32>} : memref<313x32xf32, #tpu.memory_space<vmem>>, vector<1x16xf32>,
        %swap3A_86 = vector.shape_cast %swap3A_85 : vector<1x16xf32> to vector<16xf32>
        %swap3A_87 = vector.shape_cast %min3A_83 : vector<16xf32> to vector<1x16xf32>
        tpu.vector_store %arg7[%swap3A, %swap3A_84], %swap3A_87 {strides = array<i32>} : memref<313x32xf32, #tpu.memory_space<vmem>>, vector<1x16xf32>,
        %get3A_88 = arith.index_cast %squeeze3A_74 : i32 to index
        %get3A_89 = arith.constant 16 : index
        %get3A_90 = tpu.vector_load %arg7[%get3A_88, %get3A_89] {strides = array<i32>} : memref<313x32xf32, #tpu.memory_space<vmem>>, vector<1x16xf32>,
        %get3A_91 = vector.shape_cast %get3A_90 : vector<1x16xf32> to vector<16xf32>
        %get3A_92 = arith.index_cast %while3A_69 : i32 to index
        %get3A_93 = arith.constant 16 : index
        %get3A_94 = tpu.vector_load %arg10[%get3A_92, %get3A_93] {strides = array<i32>} : memref<1024x32xf32, #tpu.memory_space<vmem>>, vector<1x16xf32>,
        %get3A_95 = vector.shape_cast %get3A_94 : vector<1x16xf32> to vector<16xf32>
        %min3A_96 = arith.minimumf %get3A_91, %get3A_95 : vector<16xf32>
        %swap3A_97 = arith.index_cast %squeeze3A_74 : i32 to index
        %swap3A_98 = arith.constant 16 : index
        %swap3A_99 = tpu.vector_load %arg7[%swap3A_97, %swap3A_98] {strides = array<i32>} : memref<313x32xf32, #tpu.memory_space<vmem>>, vector<1x16xf32>,
        %swap3A_100 = vector.shape_cast %swap3A_99 : vector<1x16xf32> to vector<16xf32>
        %swap3A_101 = vector.shape_cast %min3A_96 : vector<16xf32> to vector<1x16xf32>
        tpu.vector_store %arg7[%swap3A_97, %swap3A_98], %swap3A_101 {strides = array<i32>} : memref<313x32xf32, #tpu.memory_space<vmem>>, vector<1x16xf32>,
      }
    }
    %scan3A_40 = arith.constant 0 : i32
    %scan3A_41 = arith.constant 0 : i32
    %scan3A_42 = arith.constant 313 : i32
    %scan3A_43 = arith.addi %scan3A_41, %scan3A_42 : i32
    %scan3A_44 = arith.constant 1 : i32
    scf.for %scan3A_46 = %scan3A_41 to %scan3A_43 step %scan3A_44  : i32 {
      %get3A_47 = arith.index_cast %scan3A_46 : i32 to index
      %get3A_48 = arith.constant 0 : index
      %get3A_49 = tpu.vector_load %arg7[%get3A_47, %get3A_48] {strides = array<i32>} : memref<313x32xf32, #tpu.memory_space<vmem>>, vector<1x16xf32>,
      %get3A_50 = vector.shape_cast %get3A_49 : vector<1x16xf32> to vector<16xf32>
      %eq3A = arith.constant 0x7F800000 : f32
      %eq3A_51 = vector.broadcast %eq3A : f32 to vector<16xf32>
      %eq3A_52 = arith.cmpf oeq, %get3A_50, %eq3A_51 : vector<16xf32>
      %jit3A_53 = arith.constant 0.000000e+00 : f32
      %broadcast_in_dim3A_54 = vector.broadcast %jit3A_53 : f32 to vector<16xf32>
      %select_n3A_55 = arith.select %eq3A_52, %broadcast_in_dim3A_54, %get3A_50 : vector<16xi1>, vector<16xf32>
      %ge3A = arith.constant 0.000000e+00 : f32
      %ge3A_56 = vector.broadcast %ge3A : f32 to vector<16xf32>
      %ge3A_57 = arith.cmpf oge, %select_n3A_55, %ge3A_56 : vector<16xf32>
      %mul3A_58 = arith.constant 0.00999999977 : f32
      %mul3A_59 = vector.broadcast %mul3A_58 : f32 to vector<16xf32>
      %mul3A_60 = arith.mulf %mul3A_59, %select_n3A_55 : vector<16xf32>
      %select_n3A_61 = arith.select %ge3A_57, %select_n3A_55, %mul3A_60 : vector<16xi1>, vector<16xf32>
      %swap3A = arith.index_cast %scan3A_46 : i32 to index
      %swap3A_62 = arith.constant 0 : index
      %swap3A_63 = tpu.vector_load %arg7[%swap3A, %swap3A_62] {strides = array<i32>} : memref<313x32xf32, #tpu.memory_space<vmem>>, vector<1x16xf32>,
      %swap3A_64 = vector.shape_cast %swap3A_63 : vector<1x16xf32> to vector<16xf32>
      %swap3A_65 = vector.shape_cast %select_n3A_61 : vector<16xf32> to vector<1x16xf32>
      tpu.vector_store %arg7[%swap3A, %swap3A_62], %swap3A_65 {strides = array<i32>} : memref<313x32xf32, #tpu.memory_space<vmem>>, vector<1x16xf32>,
      %get3A_66 = arith.index_cast %scan3A_46 : i32 to index
      %get3A_67 = arith.constant 16 : index
      %get3A_68 = tpu.vector_load %arg7[%get3A_66, %get3A_67] {strides = array<i32>} : memref<313x32xf32, #tpu.memory_space<vmem>>, vector<1x16xf32>,
      %get3A_69 = vector.shape_cast %get3A_68 : vector<1x16xf32> to vector<16xf32>
      %eq3A_70 = arith.constant 0x7F800000 : f32
      %eq3A_71 = vector.broadcast %eq3A_70 : f32 to vector<16xf32>
      %eq3A_72 = arith.cmpf oeq, %get3A_69, %eq3A_71 : vector<16xf32>
      %jit3A_73 = arith.constant 0.000000e+00 : f32
      %broadcast_in_dim3A_74 = vector.broadcast %jit3A_73 : f32 to vector<16xf32>
      %select_n3A_75 = arith.select %eq3A_72, %broadcast_in_dim3A_74, %get3A_69 : vector<16xi1>, vector<16xf32>
      %ge3A_76 = arith.constant 0.000000e+00 : f32
      %ge3A_77 = vector.broadcast %ge3A_76 : f32 to vector<16xf32>
      %ge3A_78 = arith.cmpf oge, %select_n3A_75, %ge3A_77 : vector<16xf32>
      %mul3A_79 = arith.constant 0.00999999977 : f32
      %mul3A_80 = vector.broadcast %mul3A_79 : f32 to vector<16xf32>
      %mul3A_81 = arith.mulf %mul3A_80, %select_n3A_75 : vector<16xf32>
      %select_n3A_82 = arith.select %ge3A_78, %select_n3A_75, %mul3A_81 : vector<16xi1>, vector<16xf32>
      %swap3A_83 = arith.index_cast %scan3A_46 : i32 to index
      %swap3A_84 = arith.constant 16 : index
      %swap3A_85 = tpu.vector_load %arg7[%swap3A_83, %swap3A_84] {strides = array<i32>} : memref<313x32xf32, #tpu.memory_space<vmem>>, vector<1x16xf32>,
      %swap3A_86 = vector.shape_cast %swap3A_85 : vector<1x16xf32> to vector<16xf32>
      %swap3A_87 = vector.shape_cast %select_n3A_82 : vector<16xf32> to vector<1x16xf32>
      tpu.vector_store %arg7[%swap3A_83, %swap3A_84], %swap3A_87 {strides = array<i32>} : memref<313x32xf32, #tpu.memory_space<vmem>>, vector<1x16xf32>,
    }
    %scan3A_45 = arith.constant 313 : i32
    "tpu.region"() ({
      %run_scoped3A = tpu.sem_alloc : memref<!tpu.dma_semaphore, #tpu.memory_space<semaphore_mem>>
      %dma_start3A = arith.constant 0 : i32
      %dma_start3A_46 = tpu.memref_slice %arg6[%mul3A_2, %dma_start3A] : memref<10016x32xf32, #tpu.memory_space<hbm>> -> memref<313x32xf32, #tpu.memory_space<hbm>>
      %dma_start3A_47 = arith.constant 0 : i32
      %dma_start3A_48 = tpu.memref_slice %arg6[%mul3A_2, %dma_start3A_47] : memref<10016x32xf32, #tpu.memory_space<hbm>> -> memref<313x32xf32, #tpu.memory_space<hbm>>
      tpu.enqueue_dma source(%arg7 : memref<313x32xf32, #tpu.memory_space<vmem>>) target(%dma_start3A_48 : memref<313x32xf32, #tpu.memory_space<hbm>>) target_semaphore(%run_scoped3A : memref<!tpu.dma_semaphore, #tpu.memory_space<semaphore_mem>>)
      %dma_wait3A = arith.constant 0 : i32
      %dma_wait3A_49 = tpu.memref_slice %arg6[%mul3A_2, %dma_wait3A] : memref<10016x32xf32, #tpu.memory_space<hbm>> -> memref<313x32xf32, #tpu.memory_space<hbm>>
      %dma_wait3A_50 = arith.constant 0 : i32
      %dma_wait3A_51 = tpu.memref_slice %arg6[%mul3A_2, %dma_wait3A_50] : memref<10016x32xf32, #tpu.memory_space<hbm>> -> memref<313x32xf32, #tpu.memory_space<hbm>>
      tpu.wait_dma2 semaphore(%run_scoped3A : memref<!tpu.dma_semaphore, #tpu.memory_space<semaphore_mem>>) src(%arg7 : memref<313x32xf32, #tpu.memory_space<vmem>>) dst(%dma_wait3A_51 : memref<313x32xf32, #tpu.memory_space<hbm>>)
      tpu.yield
    }) : () -> ()
    return
  }
}

module attributes {stable_mosaic.version = 14 : i64} {
  func.func @kern(%arg0: memref<10000x128xf32, #tpu.memory_space<vmem>>, %arg1: memref<128x32xf32, #tpu.memory_space<vmem>>, %arg2: memref<128x32xf32, #tpu.memory_space<vmem>>, %arg3: memref<1x32xf32, #tpu.memory_space<vmem>>, %arg4: memref<10000x32xf32, #tpu.memory_space<vmem>>, %arg5: memref<10000x32xf32, #tpu.memory_space<vmem>>) attributes {dimension_semantics = [], scalar_prefetch = 0 : i64, scratch_operands = 0 : i64, tpu.core_type = #tpu.core_type<tc>} {
    %get3A = arith.constant 0 : index
    %get3A_0 = arith.constant 0 : index
    %get3A_1 = vector.load %arg0[%get3A, %get3A_0] : memref<10000x128xf32, #tpu.memory_space<vmem>>, vector<10000x128xf32>
    %get3A_2 = arith.constant 0 : index
    %get3A_3 = arith.constant 0 : index
    %get3A_4 = vector.load %arg1[%get3A_2, %get3A_3] : memref<128x32xf32, #tpu.memory_space<vmem>>, vector<128x32xf32>
    %dot_general3A = arith.constant dense<0.000000e+00> : vector<10000x32xf32>
    %dot_general3A_5 = tpu.matmul %get3A_1, %get3A_4, %dot_general3A {dimension_numbers = #tpu.dot_dimension_numbers<[1], [0], [0], [1], [0, 0, 1, 1], [], []>, transpose_lhs_hint = false} : vector<10000x128xf32>, vector<128x32xf32>, vector<10000x32xf32> -> vector<10000x32xf32>
    %get3A_6 = arith.constant 0 : index
    %get3A_7 = arith.constant 0 : index
    %get3A_8 = vector.load %arg3[%get3A_6, %get3A_7] : memref<1x32xf32, #tpu.memory_space<vmem>>, vector<1x32xf32>
    %add3A = vector.broadcast %get3A_8 : vector<1x32xf32> to vector<10000x32xf32>
    %add3A_9 = arith.addf %dot_general3A_5, %add3A : vector<10000x32xf32>
    %swap3A = arith.constant 0 : index
    %swap3A_10 = arith.constant 0 : index
    %swap3A_11 = vector.load %arg4[%swap3A, %swap3A_10] : memref<10000x32xf32, #tpu.memory_space<vmem>>, vector<10000x32xf32>
    tpu.vector_store %arg4[%swap3A, %swap3A_10], %add3A_9 {strides = array<i32>} : memref<10000x32xf32, #tpu.memory_space<vmem>>, vector<10000x32xf32>,
    %get3A_12 = arith.constant 0 : index
    %get3A_13 = arith.constant 0 : index
    %get3A_14 = vector.load %arg2[%get3A_12, %get3A_13] : memref<128x32xf32, #tpu.memory_space<vmem>>, vector<128x32xf32>
    %dot_general3A_15 = arith.constant dense<0.000000e+00> : vector<10000x32xf32>
    %dot_general3A_16 = tpu.matmul %get3A_1, %get3A_14, %dot_general3A_15 {dimension_numbers = #tpu.dot_dimension_numbers<[1], [0], [0], [1], [0, 0, 1, 1], [], []>, transpose_lhs_hint = false} : vector<10000x128xf32>, vector<128x32xf32>, vector<10000x32xf32> -> vector<10000x32xf32>
    %swap3A_17 = arith.constant 0 : index
    %swap3A_18 = arith.constant 0 : index
    %swap3A_19 = vector.load %arg5[%swap3A_17, %swap3A_18] : memref<10000x32xf32, #tpu.memory_space<vmem>>, vector<10000x32xf32>
    tpu.vector_store %arg5[%swap3A_17, %swap3A_18], %dot_general3A_16 {strides = array<i32>} : memref<10000x32xf32, #tpu.memory_space<vmem>>, vector<10000x32xf32>,
    return
  }
}

module attributes {stable_mosaic.version = 14 : i64} {
  func.func @kern(%arg0: i32, %arg1: memref<4000x16xf32, #tpu.memory_space<vmem>>, %arg2: memref<16x32xf32, #tpu.memory_space<vmem>>, %arg3: memref<16x32xf32, #tpu.memory_space<vmem>>, %arg4: memref<16x32xf32, #tpu.memory_space<vmem>>, %arg5: memref<4000x32xf32, #tpu.memory_space<vmem>>, %arg6: memref<4000x32xf32, #tpu.memory_space<vmem>>, %arg7: memref<4000x32xf32, #tpu.memory_space<vmem>>) attributes {dimension_semantics = [#tpu.dimension_semantics<arbitrary>], iteration_bounds = array<i64: 80>, scalar_prefetch = 0 : i64, scratch_operands = 0 : i64, tpu.core_type = #tpu.core_type<tc>, window_params = [{transform_indices = @transform_0, window_bounds = array<i64: 4000, 16>}, {pipeline_mode = #tpu.pipeline_mode<synchronous>, transform_indices = @transform_1, window_bounds = array<i64: 16, 32>}, {pipeline_mode = #tpu.pipeline_mode<synchronous>, transform_indices = @transform_2, window_bounds = array<i64: 16, 32>}, {pipeline_mode = #tpu.pipeline_mode<synchronous>, transform_indices = @transform_3, window_bounds = array<i64: 16, 32>}, {transform_indices = @transform_4, window_bounds = array<i64: 4000, 32>}, {transform_indices = @transform_5, window_bounds = array<i64: 4000, 32>}, {transform_indices = @transform_6, window_bounds = array<i64: 4000, 32>}]} {
    %get3A = arith.constant 0 : index
    %get3A_0 = arith.constant 0 : index
    %get3A_1 = vector.load %arg1[%get3A, %get3A_0] : memref<4000x16xf32, #tpu.memory_space<vmem>>, vector<4000x16xf32>
    %get3A_2 = arith.constant 0 : index
    %get3A_3 = arith.constant 0 : index
    %get3A_4 = vector.load %arg2[%get3A_2, %get3A_3] : memref<16x32xf32, #tpu.memory_space<vmem>>, vector<16x32xf32>
    %dot_general3A = arith.constant dense<0.000000e+00> : vector<4000x32xf32>
    %dot_general3A_5 = tpu.matmul %get3A_1, %get3A_4, %dot_general3A {dimension_numbers = #tpu.dot_dimension_numbers<[1], [0], [0], [1], [0, 0, 1, 1], [], []>, transpose_lhs_hint = false} : vector<4000x16xf32>, vector<16x32xf32>, vector<4000x32xf32> -> vector<4000x32xf32>
    %swap3A = arith.constant 0 : index
    %swap3A_6 = arith.constant 0 : index
    %swap3A_7 = vector.load %arg5[%swap3A, %swap3A_6] : memref<4000x32xf32, #tpu.memory_space<vmem>>, vector<4000x32xf32>
    tpu.vector_store %arg5[%swap3A, %swap3A_6], %dot_general3A_5 {strides = array<i32>} : memref<4000x32xf32, #tpu.memory_space<vmem>>, vector<4000x32xf32>,
    %get3A_8 = arith.constant 0 : index
    %get3A_9 = arith.constant 0 : index
    %get3A_10 = vector.load %arg3[%get3A_8, %get3A_9] : memref<16x32xf32, #tpu.memory_space<vmem>>, vector<16x32xf32>
    %dot_general3A_11 = arith.constant dense<0.000000e+00> : vector<4000x32xf32>
    %dot_general3A_12 = tpu.matmul %get3A_1, %get3A_10, %dot_general3A_11 {dimension_numbers = #tpu.dot_dimension_numbers<[1], [0], [0], [1], [0, 0, 1, 1], [], []>, transpose_lhs_hint = false} : vector<4000x16xf32>, vector<16x32xf32>, vector<4000x32xf32> -> vector<4000x32xf32>
    %swap3A_13 = arith.constant 0 : index
    %swap3A_14 = arith.constant 0 : index
    %swap3A_15 = vector.load %arg6[%swap3A_13, %swap3A_14] : memref<4000x32xf32, #tpu.memory_space<vmem>>, vector<4000x32xf32>
    tpu.vector_store %arg6[%swap3A_13, %swap3A_14], %dot_general3A_12 {strides = array<i32>} : memref<4000x32xf32, #tpu.memory_space<vmem>>, vector<4000x32xf32>,
    %get3A_16 = arith.constant 0 : index
    %get3A_17 = arith.constant 0 : index
    %get3A_18 = vector.load %arg4[%get3A_16, %get3A_17] : memref<16x32xf32, #tpu.memory_space<vmem>>, vector<16x32xf32>
    %dot_general3A_19 = arith.constant dense<0.000000e+00> : vector<4000x32xf32>
    %dot_general3A_20 = tpu.matmul %get3A_1, %get3A_18, %dot_general3A_19 {dimension_numbers = #tpu.dot_dimension_numbers<[1], [0], [0], [1], [0, 0, 1, 1], [], []>, transpose_lhs_hint = false} : vector<4000x16xf32>, vector<16x32xf32>, vector<4000x32xf32> -> vector<4000x32xf32>
    %swap3A_21 = arith.constant 0 : index
    %swap3A_22 = arith.constant 0 : index
    %swap3A_23 = vector.load %arg7[%swap3A_21, %swap3A_22] : memref<4000x32xf32, #tpu.memory_space<vmem>>, vector<4000x32xf32>
    tpu.vector_store %arg7[%swap3A_21, %swap3A_22], %dot_general3A_20 {strides = array<i32>} : memref<4000x32xf32, #tpu.memory_space<vmem>>, vector<4000x32xf32>,
    return
  }
  func.func @transform_0(%arg0: i32) -> (i32, i32) {
    %c0_i32 = arith.constant 0 : i32
    %c0_i32_0 = arith.constant 0 : i32
    return %arg0, %c0_i32 : i32, i32
  }
  func.func @transform_1(%arg0: i32) -> (i32, i32) {
    %c0_i32 = arith.constant 0 : i32
    %c0_i32_0 = arith.constant 0 : i32
    %c0_i32_1 = arith.constant 0 : i32
    return %c0_i32, %c0_i32_0 : i32, i32
  }
  func.func @transform_2(%arg0: i32) -> (i32, i32) {
    %c0_i32 = arith.constant 0 : i32
    %c0_i32_0 = arith.constant 0 : i32
    %c0_i32_1 = arith.constant 0 : i32
    return %c0_i32, %c0_i32_0 : i32, i32
  }
  func.func @transform_3(%arg0: i32) -> (i32, i32) {
    %c0_i32 = arith.constant 0 : i32
    %c0_i32_0 = arith.constant 0 : i32
    %c0_i32_1 = arith.constant 0 : i32
    return %c0_i32, %c0_i32_0 : i32, i32
  }
  func.func @transform_4(%arg0: i32) -> (i32, i32) {
    %c0_i32 = arith.constant 0 : i32
    %c0_i32_0 = arith.constant 0 : i32
    return %arg0, %c0_i32 : i32, i32
  }
  func.func @transform_5(%arg0: i32) -> (i32, i32) {
    %c0_i32 = arith.constant 0 : i32
    %c0_i32_0 = arith.constant 0 : i32
    return %arg0, %c0_i32 : i32, i32
  }
  func.func @transform_6(%arg0: i32) -> (i32, i32) {
    %c0_i32 = arith.constant 0 : i32
    %c0_i32_0 = arith.constant 0 : i32
    return %arg0, %c0_i32 : i32, i32
  }
}

module attributes {stable_mosaic.version = 14 : i64} {
  func.func @kern(%arg0: i32, %arg1: memref<4000x32xf32, #tpu.memory_space<vmem>>, %arg2: memref<32x32xf32, #tpu.memory_space<vmem>>, %arg3: memref<1x32xf32, #tpu.memory_space<vmem>>, %arg4: memref<4000x32xf32, #tpu.memory_space<vmem>>) attributes {dimension_semantics = [#tpu.dimension_semantics<arbitrary>], iteration_bounds = array<i64: 80>, scalar_prefetch = 0 : i64, scratch_operands = 0 : i64, tpu.core_type = #tpu.core_type<tc>, window_params = [{transform_indices = @transform_0, window_bounds = array<i64: 4000, 32>}, {pipeline_mode = #tpu.pipeline_mode<synchronous>, transform_indices = @transform_1, window_bounds = array<i64: 32, 32>}, {pipeline_mode = #tpu.pipeline_mode<synchronous>, transform_indices = @transform_2, window_bounds = array<i64: 1, 32>}, {transform_indices = @transform_3, window_bounds = array<i64: 4000, 32>}]} {
    %get3A = arith.constant 0 : index
    %get3A_0 = arith.constant 0 : index
    %get3A_1 = vector.load %arg1[%get3A, %get3A_0] : memref<4000x32xf32, #tpu.memory_space<vmem>>, vector<4000x32xf32>
    %ge3A = arith.constant 0.000000e+00 : f32
    %ge3A_2 = vector.broadcast %ge3A : f32 to vector<4000x32xf32>
    %ge3A_3 = arith.cmpf oge, %get3A_1, %ge3A_2 : vector<4000x32xf32>
    %mul3A = arith.constant 0.00999999977 : f32
    %mul3A_4 = vector.broadcast %mul3A : f32 to vector<4000x32xf32>
    %mul3A_5 = arith.mulf %mul3A_4, %get3A_1 : vector<4000x32xf32>
    %select_n3A = arith.select %ge3A_3, %get3A_1, %mul3A_5 : vector<4000x32xi1>, vector<4000x32xf32>
    %get3A_6 = arith.constant 0 : index
    %get3A_7 = arith.constant 0 : index
    %get3A_8 = vector.load %arg2[%get3A_6, %get3A_7] : memref<32x32xf32, #tpu.memory_space<vmem>>, vector<32x32xf32>
    %dot_general3A = arith.constant dense<0.000000e+00> : vector<4000x32xf32>
    %dot_general3A_9 = tpu.matmul %select_n3A, %get3A_8, %dot_general3A {dimension_numbers = #tpu.dot_dimension_numbers<[1], [0], [0], [1], [0, 0, 1, 1], [], []>, transpose_lhs_hint = false} : vector<4000x32xf32>, vector<32x32xf32>, vector<4000x32xf32> -> vector<4000x32xf32>
    %get3A_10 = arith.constant 0 : index
    %get3A_11 = arith.constant 0 : index
    %get3A_12 = vector.load %arg3[%get3A_10, %get3A_11] : memref<1x32xf32, #tpu.memory_space<vmem>>, vector<1x32xf32>
    %add3A = vector.broadcast %get3A_12 : vector<1x32xf32> to vector<4000x32xf32>
    %add3A_13 = arith.addf %dot_general3A_9, %add3A : vector<4000x32xf32>
    %swap3A = arith.constant 0 : index
    %swap3A_14 = arith.constant 0 : index
    %swap3A_15 = vector.load %arg4[%swap3A, %swap3A_14] : memref<4000x32xf32, #tpu.memory_space<vmem>>, vector<4000x32xf32>
    tpu.vector_store %arg4[%swap3A, %swap3A_14], %add3A_13 {strides = array<i32>} : memref<4000x32xf32, #tpu.memory_space<vmem>>, vector<4000x32xf32>,
    return
  }
  func.func @transform_0(%arg0: i32) -> (i32, i32) {
    %c0_i32 = arith.constant 0 : i32
    %c0_i32_0 = arith.constant 0 : i32
    return %arg0, %c0_i32 : i32, i32
  }
  func.func @transform_1(%arg0: i32) -> (i32, i32) {
    %c0_i32 = arith.constant 0 : i32
    %c0_i32_0 = arith.constant 0 : i32
    %c0_i32_1 = arith.constant 0 : i32
    return %c0_i32, %c0_i32_0 : i32, i32
  }
  func.func @transform_2(%arg0: i32) -> (i32, i32) {
    %c0_i32 = arith.constant 0 : i32
    %c0_i32_0 = arith.constant 0 : i32
    %c0_i32_1 = arith.constant 0 : i32
    return %c0_i32, %c0_i32_0 : i32, i32
  }
  func.func @transform_3(%arg0: i32) -> (i32, i32) {
    %c0_i32 = arith.constant 0 : i32
    %c0_i32_0 = arith.constant 0 : i32
    return %arg0, %c0_i32 : i32, i32
  }
}

module attributes {stable_mosaic.version = 14 : i64} {
  func.func @kern(%arg0: memref<10016x32xf32, #tpu.memory_space<vmem>>, %arg1: memref<32x32xf32, #tpu.memory_space<vmem>>, %arg2: memref<32x32xf32, #tpu.memory_space<vmem>>, %arg3: memref<1x32xf32, #tpu.memory_space<vmem>>, %arg4: memref<10016x32xf32, #tpu.memory_space<vmem>>, %arg5: memref<10016x32xf32, #tpu.memory_space<vmem>>) attributes {dimension_semantics = [], scalar_prefetch = 0 : i64, scratch_operands = 0 : i64, tpu.core_type = #tpu.core_type<tc>} {
    %get3A = arith.constant 0 : index
    %get3A_0 = arith.constant 0 : index
    %get3A_1 = vector.load %arg0[%get3A, %get3A_0] : memref<10016x32xf32, #tpu.memory_space<vmem>>, vector<10016x32xf32>
    %get3A_2 = arith.constant 0 : index
    %get3A_3 = arith.constant 0 : index
    %get3A_4 = vector.load %arg1[%get3A_2, %get3A_3] : memref<32x32xf32, #tpu.memory_space<vmem>>, vector<32x32xf32>
    %dot_general3A = arith.constant dense<0.000000e+00> : vector<10016x32xf32>
    %dot_general3A_5 = tpu.matmul %get3A_1, %get3A_4, %dot_general3A {dimension_numbers = #tpu.dot_dimension_numbers<[1], [0], [0], [1], [0, 0, 1, 1], [], []>, transpose_lhs_hint = false} : vector<10016x32xf32>, vector<32x32xf32>, vector<10016x32xf32> -> vector<10016x32xf32>
    %get3A_6 = arith.constant 0 : index
    %get3A_7 = arith.constant 0 : index
    %get3A_8 = vector.load %arg3[%get3A_6, %get3A_7] : memref<1x32xf32, #tpu.memory_space<vmem>>, vector<1x32xf32>
    %add3A = vector.broadcast %get3A_8 : vector<1x32xf32> to vector<10016x32xf32>
    %add3A_9 = arith.addf %dot_general3A_5, %add3A : vector<10016x32xf32>
    %swap3A = arith.constant 0 : index
    %swap3A_10 = arith.constant 0 : index
    %swap3A_11 = vector.load %arg4[%swap3A, %swap3A_10] : memref<10016x32xf32, #tpu.memory_space<vmem>>, vector<10016x32xf32>
    tpu.vector_store %arg4[%swap3A, %swap3A_10], %add3A_9 {strides = array<i32>} : memref<10016x32xf32, #tpu.memory_space<vmem>>, vector<10016x32xf32>,
    %get3A_12 = arith.constant 0 : index
    %get3A_13 = arith.constant 0 : index
    %get3A_14 = vector.load %arg2[%get3A_12, %get3A_13] : memref<32x32xf32, #tpu.memory_space<vmem>>, vector<32x32xf32>
    %dot_general3A_15 = arith.constant dense<0.000000e+00> : vector<10016x32xf32>
    %dot_general3A_16 = tpu.matmul %get3A_1, %get3A_14, %dot_general3A_15 {dimension_numbers = #tpu.dot_dimension_numbers<[1], [0], [0], [1], [0, 0, 1, 1], [], []>, transpose_lhs_hint = false} : vector<10016x32xf32>, vector<32x32xf32>, vector<10016x32xf32> -> vector<10016x32xf32>
    %swap3A_17 = arith.constant 0 : index
    %swap3A_18 = arith.constant 0 : index
    %swap3A_19 = vector.load %arg5[%swap3A_17, %swap3A_18] : memref<10016x32xf32, #tpu.memory_space<vmem>>, vector<10016x32xf32>
    tpu.vector_store %arg5[%swap3A_17, %swap3A_18], %dot_general3A_16 {strides = array<i32>} : memref<10016x32xf32, #tpu.memory_space<vmem>>, vector<10016x32xf32>,
    return
  }
}

module attributes {stable_mosaic.version = 14 : i64} {
  func.func @kern(%arg0: memref<10000x128xf32, #tpu.memory_space<vmem>>, %arg1: memref<10000x32xf32, #tpu.memory_space<vmem>>, %arg2: memref<128x1xf32, #tpu.memory_space<vmem>>, %arg3: memref<32x1xf32, #tpu.memory_space<vmem>>, %arg4: memref<1x1xf32, #tpu.memory_space<vmem>>, %arg5: memref<10000x1xf32, #tpu.memory_space<vmem>>) attributes {dimension_semantics = [], scalar_prefetch = 0 : i64, scratch_operands = 0 : i64, tpu.core_type = #tpu.core_type<tc>} {
    %get3A = arith.constant 0 : index
    %get3A_0 = arith.constant 0 : index
    %get3A_1 = vector.load %arg0[%get3A, %get3A_0] : memref<10000x128xf32, #tpu.memory_space<vmem>>, vector<10000x128xf32>
    %get3A_2 = arith.constant 0 : index
    %get3A_3 = arith.constant 0 : index
    %get3A_4 = vector.load %arg2[%get3A_2, %get3A_3] : memref<128x1xf32, #tpu.memory_space<vmem>>, vector<128x1xf32>
    %dot_general3A = arith.constant dense<0.000000e+00> : vector<10000x1xf32>
    %dot_general3A_5 = tpu.matmul %get3A_1, %get3A_4, %dot_general3A {dimension_numbers = #tpu.dot_dimension_numbers<[1], [0], [0], [1], [0, 0, 1, 1], [], []>, transpose_lhs_hint = false} : vector<10000x128xf32>, vector<128x1xf32>, vector<10000x1xf32> -> vector<10000x1xf32>
    %get3A_6 = arith.constant 0 : index
    %get3A_7 = arith.constant 0 : index
    %get3A_8 = vector.load %arg1[%get3A_6, %get3A_7] : memref<10000x32xf32, #tpu.memory_space<vmem>>, vector<10000x32xf32>
    %get3A_9 = arith.constant 0 : index
    %get3A_10 = arith.constant 0 : index
    %get3A_11 = vector.load %arg3[%get3A_9, %get3A_10] : memref<32x1xf32, #tpu.memory_space<vmem>>, vector<32x1xf32>
    %dot_general3A_12 = arith.constant dense<0.000000e+00> : vector<10000x1xf32>
    %dot_general3A_13 = tpu.matmul %get3A_8, %get3A_11, %dot_general3A_12 {dimension_numbers = #tpu.dot_dimension_numbers<[1], [0], [0], [1], [0, 0, 1, 1], [], []>, transpose_lhs_hint = false} : vector<10000x32xf32>, vector<32x1xf32>, vector<10000x1xf32> -> vector<10000x1xf32>
    %add3A = arith.addf %dot_general3A_5, %dot_general3A_13 : vector<10000x1xf32>
    %get3A_14 = arith.constant 0 : index
    %get3A_15 = arith.constant 0 : index
    %get3A_16 = vector.load %arg4[%get3A_14, %get3A_15] : memref<1x1xf32, #tpu.memory_space<vmem>>, vector<1x1xf32>
    %add3A_17 = vector.broadcast %get3A_16 : vector<1x1xf32> to vector<10000x1xf32>
    %add3A_18 = arith.addf %add3A, %add3A_17 : vector<10000x1xf32>
    %swap3A = arith.constant 0 : index
    %swap3A_19 = arith.constant 0 : index
    %swap3A_20 = vector.load %arg5[%swap3A, %swap3A_19] : memref<10000x1xf32, #tpu.memory_space<vmem>>, vector<10000x1xf32>
    tpu.vector_store %arg5[%swap3A, %swap3A_19], %add3A_18 {strides = array<i32>} : memref<10000x1xf32, #tpu.memory_space<vmem>>, vector<10000x1xf32>,
    return
  }
}

</mosaic_0001>

<sc_bundles>
// kernel: kernel.17.cloned.1.call-start
scs
__scs_entry_jumppad:
0x0: {  	(pc) =	sbr.rel $0x88, $3  }
0x1: {  	(tag) =	ssettag $0x0;
	lr =	simm.s32 $0x1  }
0x2: {  	[smem:$0x3F90] =	sst lr;
	_ =	strace $0xD0000000  }
0x3: {  	_ = 	snop  }
0x4: {  	_ = 	snop  }
0x5: {  	_ = 	snop  }
0x6: {  	_ = 	snop  }
0x7: {  	_ = 	snop  }
__scs_overlays_trampoline_lowered:
0x8: {  	[smem:$0x3F9F] =	sst s0  }
0x9: {  	[smem:$0x3FA0] =	sst s1  }
0xa: {  	[smem:$0x3FA1] =	sst s2  }
0xb: {  	[smem:$0x3FA2] =	sst s3  }
0xc: {  	[smem:$0x3FA3] =	sst s4  }
0xd: {  	[smem:$0x3FA4] =	sst s5  }
0xe: {  	[smem:$0x3FA5] =	sst s6  }
0xf: {  	[smem:$0x3FA6] =	sst s7  }
0x10: {  	[smem:$0x3FA7] =	sst s8  }
0x11: {  	[smem:$0x3FA8] =	sst s9;
	s0 =	simm.s32 @!p0 $0x0  }
0x12: {  	s1 =	sld [smem:$0x3F8E];
	s0 =	simm.s32 @p0 $0x1  }
0x13: {  	[smem:$0x3FA9] =	sst s0;
	s0 =	simm.s32 @!p1 $0x0  }
0x14: {  	s2 =	sld [smem:$0x3F8D];
	s0 =	simm.s32 @p1 $0x1  }
0x15: {  	[smem:$0x3FAA] =	sst s0;
	s0 =	simm.s32 @!p2 $0x0  }
0x16: {  	s3 =	sld [smem:$0x3FDB];
	s0 =	simm.s32 @p2 $0x1  }
0x17: {  	s4 =	simm.s32 $0x1BF5;
	[smem:$0x3FAC] =	sst s0  }
0x18: {  	s0 =	sld [smem:$0x3F8F];
	_ =	swait.ge [sflag:s4], $0x0  }
0x19: {  	s7 =	sld [smem:$0x3F90]  }
0x1a: {  	s8 =	sadd.s32 $0xFFFFE003, lr  }
0x1b: {  	s9 =	sadd.s32 $0xFFFFFEF7, lr;
	s5 =	simm.s32 $0xFFFFFFFF;
	p2 =	slt.u32 s8, $0xFFFFF086  }
0x1c: {  	p1 =	slt.u32 s9, $0xF7A;
	s5 =	simm.s32 @!p2 $0x0  }
0x1d: {  	s5 =	simm.s32 @p1 $0x1;
	p0 =	seq.s32 s7, s2  }
0x1e: {  	s7 =	smul.u32 @!p0 $0xF7A, s2;
	p2 =	seq.s32 @!p0 s5, $0x0  }
0x1f: {  	s9 =	smul.u32 $0xF7A, s1;
	s8 =	simm.s32 @!p0 $0x1BF5;
	p2 =	por !p2, p0  }
0x20: {  	[sflag:s8] =	ssyncset.s32 @!p0 $0xFFFFF086;
	s6 =	sadd.s32 @!p0 s3, s7;
	s7 =	simm.s32 @!p0 $0x108  }
0x21: {  	s3 =	sadd.s32 s3, s9;
	s6 =	sadd.s32 @!p0 $0x88, s6;
	s7 =	simm.s32 @p2 $0x1082  }
0x22: {  	[simem:s7], [sflag:s8] =	dma.local @!p0 [hbm:s6], $0xF7A  }
0x23: {  	s9 =	sor.u32 $0xD0000000, s2;
	s6 =	simm.s32 $0x108;
	_ =	swait.ge @!p0 [sflag:s8], $0x0  }
0x24: {  	s3 =	sadd.s32 $0x88, s3;
	s6 =	simm.s32 @!p1 $0x1082;
	[sflag:s4] =	ssyncset.s32 $0xFFFFF086  }
0x25: {  	[simem:s6], [sflag:s4] =	dma.local [hbm:s3], $0xF7A  }
0x26: {  	[smem:$0x3F90] =	sst s1;
	(tag) =	ssettag s2;
	_ =	strace s9  }
0x27: {  	s1 =	sld [smem:$0x3FA0]  }
0x28: {  	s2 =	sld [smem:$0x3FA1]  }
0x29: {  	s4 =	sld [smem:$0x3FA3]  }
0x2a: {  	p0 =	seq.s32 s5, $0x0;
	s5 =	sld [smem:$0x3FA4]  }
0x2b: {  	s6 =	sld [smem:$0x3FA5]  }
0x2c: {  	s7 =	sld [smem:$0x3FA6]  }
0x2d: {  	s3 =	simm.s32 $0x108;
	s8 =	sld [smem:$0x3FA7]  }
0x2e: {  	s3 =	simm.s32 @!p0 $0x1082;
	s9 =	sld [smem:$0x3FA8]  }
0x2f: {  	lr =	sadd.s32 s0, s3;
	s0 =	sld [smem:$0x3F9F]  }
0x30: {  	s3 =	sld [smem:$0x3FA2]  }
0x31: {  	[smem:$0x3FAB] =	sst s10  }
0x32: {  	s10 =	sld [smem:$0x3FA9];
	_ =	sdelay $0x3  }
0x33: {  	p0 =	seq.s32 s10, $0x1;
	s10 =	sld [smem:$0x3FAB];
	_ =	sdelay $0x3  }
0x34: {  	[smem:$0x3FAB] =	sst s10  }
0x35: {  	s10 =	sld [smem:$0x3FAA];
	_ =	sdelay $0x3  }
0x36: {  	p1 =	seq.s32 s10, $0x1;
	s10 =	sld [smem:$0x3FAB];
	_ =	sdelay $0x3  }
0x37: {  	[smem:$0x3FAB] =	sst s10  }
0x38: {  	s10 =	sld [smem:$0x3FAC]  }
0x39: {  	_ = 	snop;
	(pc) =	sbr.ind lr, $3  }
0x3a: {  	_ = 	snop  }
0x3b: {  	_ = 	snop  }
0x3c: {  	p2 =	seq.s32 s10, $0x1;
	s10 =	sld [smem:$0x3FAB]  }
0x3d: {  	_ =	shalt  }
0x3e: {  	_ =	shalt  }
0x3f: {  	_ =	shalt  }
0x40: {  	_ =	shalt  }
0x41: {  	_ =	shalt  }
0x42: {  	_ =	shalt  }
0x43: {  	_ =	shalt  }
0x44: {  	_ =	shalt  }
0x45: {  	_ =	shalt  }
0x46: {  	_ =	shalt  }
0x47: {  	_ =	shalt  }
0x48: {  	_ =	shalt  }
0x49: {  	_ =	shalt  }
0x4a: {  	_ =	shalt  }
0x4b: {  	_ =	shalt  }
0x4c: {  	_ =	shalt  }
0x4d: {  	_ =	shalt  }
0x4e: {  	_ =	shalt  }
0x4f: {  	_ =	shalt  }
0x50: {  	_ =	shalt  }
0x51: {  	_ =	shalt  }
0x52: {  	_ =	shalt  }
0x53: {  	_ =	shalt  }
0x54: {  	_ =	shalt  }
0x55: {  	_ =	shalt  }
0x56: {  	_ =	shalt  }
0x57: {  	_ =	shalt  }
0x58: {  	_ =	shalt  }
0x59: {  	_ =	shalt  }
0x5a: {  	_ =	shalt  }
0x5b: {  	_ =	shalt  }
0x5c: {  	_ =	shalt  }
0x5d: {  	_ =	shalt  }
0x5e: {  	_ =	shalt  }
0x5f: {  	_ =	shalt  }
0x60: {  	_ =	shalt  }
0x61: {  	_ =	shalt  }
0x62: {  	_ =	shalt  }
0x63: {  	_ =	shalt  }
0x64: {  	_ =	shalt  }
0x65: {  	_ =	shalt  }
0x66: {  	_ =	shalt  }
0x67: {  	_ =	shalt  }
0x68: {  	_ =	shalt  }
0x69: {  	_ =	shalt  }
0x6a: {  	_ =	shalt  }
0x6b: {  	_ =	shalt  }
0x6c: {  	_ =	shalt  }
0x6d: {  	_ =	shalt  }
0x6e: {  	_ =	shalt  }
0x6f: {  	_ =	shalt  }
0x70: {  	_ =	shalt  }
0x71: {  	_ =	shalt  }
0x72: {  	_ =	shalt  }
0x73: {  	_ =	shalt  }
0x74: {  	_ =	shalt  }
0x75: {  	_ =	shalt  }
0x76: {  	_ =	shalt  }
0x77: {  	_ =	shalt  }
0x78: {  	_ =	shalt  }
0x79: {  	_ =	shalt  }
0x7a: {  	_ =	shalt  }
0x7b: {  	_ =	shalt  }
0x7c: {  	_ =	shalt  }
0x7d: {  	_ =	shalt  }
0x7e: {  	_ =	shalt  }
0x7f: {  	_ =	shalt  }
0x80: {  	_ =	shalt  }
0x81: {  	_ =	shalt  }
0x82: {  	_ =	shalt  }
0x83: {  	_ =	shalt  }
0x84: {  	_ =	shalt  }
0x85: {  	_ =	shalt  }
0x86: {  	_ =	shalt  }
0x87: {  	_ =	shalt  }
.Lfunc_end0:
.L_simem_size_0:
called_computation_lowered:
.L_overlay_start_0:
0x88: {  	s2 =	sld [smem:$0x3FD9]  }
0x89: {  	s3 =	sld [smem:$0x3FFE];
	_ =	sdelay $0x1  }
0x8a: {  	s1 =	srdreg.scid  }
0x8b: {  	s0 =	sand.u32 $0x1, s1  }
0x8c: {  	s17 =	sshll.u32 s0, $0xA;
	s2 =	sadd.s32 s3, s2  }
0x8d: {  	s2 =	sadd.s32 s2, s17  }
0x8e: {  	[smem:$0x3FB7] =	sst s2  }
0x8f: {  	_ = 	snop  }
0x90: {  	s18 =	sld [smem:$0x3FD0];
	(tm) =	ssettm $0x1  }
0x91: {  	s19 =	sld [smem:$0x3FFB];
	_ =	sdelay $0x3  }
0x92: {  	_ =	strace s19  }
0x93: {  	s2 =	sld [smem:$0x3FFC];
	_ =	sdelay $0x3  }
0x94: {  	_ =	strace s2  }
0x95: {  	s2 =	sld [smem:$0x3FFD];
	_ =	sdelay $0x3  }
0x96: {  	_ =	strace s2  }
0x97: {  	_ =	strace $0x8FFFFFFF  }
0x98: {  	s20 =	sld [smem:$0x3FDB];
	_ =	sdelay $0x1  }
0x99: {  	s4 =	simm.s32 $_scs_section_size  }
0x9a: {  	s5 =	simm.s32 $_size__tile_overlayer_lowered;
	s6 =	simm.s32 $_tile_overlayer_lowered  }
0x9b: {  	s7 =	simm.s32 $0x1BFF;
	s21 =	sshll.u32 s6, $0x1;
	s4 =	sadd.s32 s4, s20  }
0x9c: {  	s22 =	simm.s32 $0x0;
	s5 =	sshll.u32 s5, $0x1;
	s6 =	sadd.s32 s21, s4  }
0x9d: {  	[timem:s22], [sflag:s7] =	dma.local [hbm:s6], s5  }
0x9e: {  	_ =	swait.ge [sflag:s7], s5  }
0x9f: {  	s5 =	ssub.s32 $0x0, s5;
	[sflag:s7] =	ssyncset.done $0x0  }
0xa0: {  	[sflag:s7] =	ssyncadd.s32 s5;
	_ =	sdelay $0x1  }
0xa1: {  	s23 =	simm.s32 $0x1B8B  }
0xa2: {  	_ =	swait.ge [sflag:s23], $0x1  }
0xa3: {  	[sflag:s23] =	ssyncset.done $0x0  }
0xa4: {  	[sflag:s23] =	ssyncadd.s32 $0xFFFFFFFF  }
0xa5: {  	s5 =	sld [smem:$0x0]  }
0xa6: {  	s6 =	sand.u32 $0xFFFFFFFE, s1  }
0xa7: {  	p0 =	sne.s32 s1, s6  }
0xa8: {  	s6 =	sshll.u32 @p0 s6, $0xE  }
0xa9: {  	s6 =	sadd.s32 @p0 $0x11B8D, s6;
	s7 =	sshll.u32 @p0 s5, $0x11  }
0xaa: {  	s6 =	sor.u32 @p0 s7, s6  }
0xab: {  	[sflag:s6] =	ssyncadd.remote.s32 @p0 $0x1;
	_ =	sdelay $0x1  }
0xac: {  	s6 =	simm.s32 @p0 $0x1B8D  }
0xad: {  	_ =	swait.eq @p0 [sflag:s6], $0x1  }
0xae: {  	[sflag:s6] =	ssyncadd.s32 @p0 $0xFFFFFFFF  }
0xaf: {  	s7 =	sshll.u32 @!p0 s1, $0xE  }
0xb0: {  	s7 =	sor.u32 @!p0 $0x4000, s7;
	s6 =	simm.s32 @!p0 $0x1B8D  }
0xb1: {  	s5 =	sshll.u32 @!p0 s5, $0x11;
	s7 =	sadd.s32 @!p0 $0x11B8D, s7;
	_ =	swait.eq @!p0 [sflag:s6], $0x1  }
0xb2: {  	s5 =	sor.u32 @!p0 s5, s7;
	[sflag:s6] =	ssyncadd.s32 @!p0 $0xFFFFFFFF  }
0xb3: {  	s25 =	simm.s32 $0x1B8E;
	s24 =	sld [smem:$0x3FFE];
	[sflag:s5] =	ssyncadd.remote.s32 @!p0 $0x1  }
0xb4: {  	s26 =	simm.s32 $execute0_lowered;
	[smem:$0x3FD2] =	sst s25  }
0xb5: {  	s6 =	sshll.u32 s26, $0x1;
	_ =	strace $0x80000049;
	[dreg:$0x1] =	wrdreg $0xFFFFFFFF  }
0xb6: {  	s28 =	simm.s32 $_size_execute0_lowered;
	s4 =	sadd.s32 s4, s6;
	[dreg:$0x0] =	wrdreg $0x0  }
0xb7: {  	s6 =	sshll.u32 s28, $0x1;
	[dreg:$0x2] =	wrdreg s4  }
0xb8: {  	[dreg:$0x3] =	wrdreg s6  }
0xb9: {  	[dreg:$0x4] =	wrdreg $0xC0  }
0xba: {  	_ =	task [dreg:s22], $0x5FFFF  }
0xbb: {  	[dreg:$0x1] =	wrdreg $0xFFFFFFFF  }
0xbc: {  	[dreg:$0x0] =	wrdreg $0x60  }
0xbd: {  	[dreg:$0x2] =	wrdreg s24  }
0xbe: {  	[dreg:$0x3] =	wrdreg s18  }
0xbf: {  	[dreg:$0x4] =	wrdreg $0x9  }
0xc0: {  	_ =	task.clear_ibuf [dreg:s22], $0x5FFFF;
	_ =	strace $0x90000049  }
0xc1: {  	s29 =	simm.s32 $0x9;
	_ =	strace $0x8000004B  }
0xc2: {  	_ =	swait.ge [sflag:s29], $0x1  }
0xc3: {  	[sflag:s29] =	ssyncadd.s32 $0xFFFFFFFF  }
0xc4: {  	_ =	strace $0x9000004B  }
0xc5: {  	_ =	sfence  }
0xc6: {  	s30 =	sld [smem:$0x0];
	_ =	sdelay $0x2  }
0xc7: {  	s31 =	sshll.u32 s1, $0xD;
	s1 =	sshrl.u32 s1, $0x2  }
0xc8: {  	s4 =	sand.u32 $0x4000, s31;
	s1 =	sadd.s32 s1, s30  }
0xc9: {  	s0 =	sor.u32 s4, s0;
	s1 =	sshll.u32 s1, $0x11  }
0xca: {  	s0 =	sor.u32 s1, s0  }
0xcb: {  	s0 =	sadd.s32 $0x8F2B, s0  }
0xcc: {  	[sflag:s0] =	ssyncadd.remote.s32 $0x1  }
0xcd: {  	_ =	sfence.sel $0xFFFF  }
0xce: {  	[dreg:$0x0] =	wrdreg $0xFFFFFFFF;
	(pc) =	sbr.abs _section_cstart, $3  }
0xcf: {  	[dreg:$0x1] =	wrdreg $0xFFFFFFFF  }
0xd0: {  	_ =	task.clear_ibuf [dreg:s22], $0x2FFFF;
	_ =	strace $0x9FFFFFFF  }
0xd1: {  	(tm) =	ssettm $0x7FFFFFFF  }
tec
execute0_lowered:
.L_overlay_start_1:
0x0: {  	(tag) =	ssettag $0x1  }
0x1: {  	s5 =	rddreg [dreg:$0x0]  }
0x2: {  	s7 =	rddreg [dreg:$0x1]  }
0x3: {  	s0 =	rddreg [dreg:$0x2];
	s2 =	simm.s32 $0x0;
	s4 =	srdreg.scid  }
0x4: {  	s1 =	stileid.u32;
	s13 =	simm.s32 $0x0;
	[smem:$0x7FF] =	sst s2  }
0x5: {  	s3 =	sadd.s32 $0x151800, s5;
	s6 =	sand.u32 $0x1, s4;
	s8 =	sshll.u32 s1, $0x1  }
0x6: {  	s4 =	sadd.s32 $0x29DC00, s5;
	s5 =	sadd.s32 $0x3D7400, s5;
	s10 =	sshrl.u32 s1, $0x2  }
0x7: {  	s8 =	sor.u32 s6, s8;
	s6 =	ssub.s32 $0x2, s6;
	s10 =	smul.u32 $0x273000, s10  }
0x8: {  	_ =	strace $0x8000004A;
	s9 =	smul.u32 $0x139, s8;
	s11 =	sshrl.u32 s6, $0x1  }
0x9: {  	s12 =	sshll.u32 s8, $0x7;
	s8 =	sshll.u32 s8, $0x4;
	s11 =	ssub.s32 s6, s11  }
0xa: {  	s30 =	sand.u32 $0x380, s12;
	s7 =	sadd.s32 s7, s8;
	s12 =	simm.s32 $0x1100  }
0xb: {  	v2 =	vimm.s32 $0x0;
	s31 =	sadd.s32 $0x139, s9;
	s6 =	sor.u32 s30, s10;
	s8 =	smax.u32 s11, $0x1  }
0xc: {  	v3 =	vlaneseq.u32;
	v0 =	vmov s9;
	s9 =	simm.s32 $0x1;
	s10 =	simm.s32 $0x800;
	s11 =	simm.s32 $0xC80;
	v1 =	vmov s31  }
.LBB2_1:
0xd: {  	s14 =	simm.s32 $0x40;
	s17 =	simm.s32 $0x0  }
.LBB2_2:
0xe: {  	p0 =	sne.s32 s14, $0x1000;
	[tilespmem:s17+$0x800] =	vst v2;
	s15 =	smov.u32 s14;
	s14 =	sadd.s32 $0x40, s14  }
.Ltmp0:
0xf: {  	[tilespmem:s17+$0xC80] =	vst v2;
	(pc) =	sbr.rel @p0 .LBB2_2-.Ltmp0, $2  }
0x10: {  	_ =	sdelay $0x2  }
0x11: {  	s17 =	sshra.s32 s15, $0x2  }
0x12: {  	[tilespmem:s17+$0x800] =	vst v2;
	s15 =	simm.s32 $0x0;
	s16 =	simm.s32 $0x0  }
0x13: {  	[tilespmem:s17+$0xC80] =	vst v2;
	s14 =	simm.s32 $0x0;
	s18 =	simm.s32 $0x0;
	s17 =	simm.s32 $0x0  }
.LBB2_4:
0x14: {  	s19 =	smul.u32 $0x7D0, s17;
	_ =	sdelay $0x1  }
0x15: {  	s19 =	sshrl.u32 s19, $0x3  }
0x16: {  	s19 =	sadd.s32 s3, s19  }
0x17: {  	[tilespmem:s15], [sflag:$0x1] =	stream.linear.gather [hbm4b:s19+s15], $0x7D0, $0x38;
	[tilespmem:$0x1180] =	vst v63  }
0x18: {  	_ =	swait.ge [sflag:s9], $0x7D0  }
0x19: {  	[sflag:s9] =	ssyncset.done $0x0  }
0x1a: {  	s29 =	simm.s32 $0x0;
	[sflag:s9] =	ssyncadd.s32 $0xFFFFF830  }
0x1b: {  	v4 =	vld [tilespmem:s29+$0x0];
	_ =	sdelay $0x4  }
0x1c: {  	vm0 =	vge.s32 v4, v0;
	vm1 =	vlt.s32 v4, v1  }
0x1d: {  	vm0 =	vmand vm0, vm1  }
0x1e: {  	v5 =	vsel vm0, $0x1, v2  }
0x1f: {  	(xrf0) =	vadd.scan.msk.s32 $0xffff, v5;
	_ =	sdelay $0x5  }
0x20: {  	v5, _, _ =	vpop (xrf0)  }
0x21: {  	(v2sf) =	vpush v5, $0xF;
	_ =	sdelay $0xc  }
0x22: {  	v6 =	vsel vm0, $0xFFFFFFFF, v2  }
0x23: {  	v6 =	vadd.s32 s18, v6  }
0x24: {  	v5 =	vadd.s32 v5, v6;
	s30 =	spop (v2sf)  }
0x25: {  	s31 =	sadd.s32 s18, s30  }
0x26: {  	p1 =	slt.s32 s31, $0x400  }
0x27: {  	s19 =	sshll.u32 @!p1 s14, $0xD  }
0x28: {  	v6 =	vor.u32 s16, v3;
	s19 =	sadd.s32 @!p1 s6, s19  }
0x29: {  	v4 =	vsub.s32 v4, v0;
	[tilespmem:v5+s10+$0x0] =	vst.idx.msk vm0, v6;
	s20 =	simm.s32 @!p1 $0x800;
	s21 =	simm.s32 @!p1 $0x1;
	s19 =	sshrl.u32 @!p1 s19, $0x3  }
0x2a: {  	[tilespmem:v5+s11+$0x0] =	vst.idx.msk vm0, v4;
	s23 =	simm.s32 @!p1 $0x80;
	s24 =	simm.s32 @!p1 $0x400;
	s22 =	sadd.s32 @!p1 s4, s19  }
0x2b: {  	[hbm4b:s22+s23] =	stream.strided.scatter @!p1 [tilespmem:s20], [sflag:$0x1], $0x400, s24, s23, $0x38;
	[tilespmem:$0x1180] =	vst v63  }
0x2c: {  	_ =	swait.ge @!p1 [sflag:s21], $0x400  }
0x2d: {  	[sflag:s21] =	ssyncset.done @!p1 $0x0  }
0x2e: {  	s19 =	sadd.s32 @!p1 s5, s19;
	s20 =	simm.s32 @!p1 $0xC80;
	[sflag:s21] =	ssyncadd.s32 @!p1 $0xFFFFFC00  }
0x2f: {  	[hbm4b:s19+s23] =	stream.strided.scatter @!p1 [tilespmem:s20], [sflag:$0x1], $0x400, s24, s23, $0x38;
	[tilespmem:$0x1180] =	vst v63  }
0x30: {  	_ =	swait.ge @!p1 [sflag:s21], $0x400  }
0x31: {  	p0 =	sgt.s32 s31, $0x3FF;
	s22 =	simm.s32 $0x1;
	[sflag:s21] =	ssyncset.done @!p1 $0x0  }
0x32: {  	s22 =	simm.s32 @!p0 $0x0;
	s20 =	simm.s32 @!p1 $0xFFFFFC00;
	[sflag:s21] =	ssyncadd.s32 @!p1 $0xFFFFFC00  }
0x33: {  	s14 =	sadd.s32 s22, s14;
	s20 =	simm.s32 @p1 $0x0;
	v5 =	vld @!p1 [tilespmem:$0xC00]  }
0x34: {  	s19 =	simm.s32 $0x40;
	s18 =	sadd.s32 s31, s20;
	s20 =	smov.u32 s16;
	v4 =	vld @!p1 [tilespmem:$0x1080]  }
.LBB2_5:
0x35: {  	_ =	sdelay $0x2  }
0x36: {  	s20 =	sadd.s32 $0x10, s20;
	s21 =	smov.u32 s19;
	s19 =	sadd.s32 $0x40, s19;
	[tilespmem:$0x800] =	vst @!p1 v5  }
0x37: {  	s21 =	sshra.s32 s21, $0x2;
	p0 =	sne.s32 s19, $0x1F40;
	[tilespmem:$0xC80] =	vst @!p1 v4  }
0x38: {  	v4 =	vld [tilespmem:s21+$0x0];
	_ =	sdelay $0x4  }
0x39: {  	vm0 =	vge.s32 v4, v0;
	vm1 =	vlt.s32 v4, v1  }
0x3a: {  	vm0 =	vmand vm0, vm1  }
0x3b: {  	v5 =	vsel vm0, $0x1, v2  }
0x3c: {  	(xrf0) =	vadd.scan.msk.s32 $0xffff, v5;
	_ =	sdelay $0x4  }
0x3d: {  	v5 =	vsel vm0, $0xFFFFFFFF, v2  }
0x3e: {  	v5 =	vadd.s32 s18, v5;
	v6, _, _ =	vpop (xrf0)  }
0x3f: {  	v5 =	vadd.s32 v6, v5;
	(v2sf) =	vpush v6, $0xF;
	_ =	sdelay $0x3  }
0x40: {  	v6 =	vor.u32 s20, v3  }
0x41: {  	v4 =	vsub.s32 v4, v0;
	[tilespmem:v5+s10+$0x0] =	vst.idx.msk vm0, v6  }
0x42: {  	[tilespmem:v5+s11+$0x0] =	vst.idx.msk vm0, v4;
	_ =	sdelay $0x8  }
0x43: {  	s21 =	spop (v2sf)  }
0x44: {  	s18 =	sadd.s32 s18, s21  }
0x45: {  	s23 =	simm.s32 $0x1;
	p1 =	slt.s32 s18, $0x400;
	p2 =	sgt.s32 s18, $0x3FF  }
0x46: {  	s21 =	sshll.u32 @!p1 s14, $0xD;
	s22 =	simm.s32 @!p1 $0xFFFFFC00;
	s23 =	simm.s32 @!p2 $0x0  }
0x47: {  	s21 =	sadd.s32 @!p1 s6, s21;
	s22 =	simm.s32 @p1 $0x0;
	s14 =	sadd.s32 s23, s14  }
0x48: {  	s24 =	simm.s32 @!p1 $0x1;
	s23 =	simm.s32 @!p1 $0x800;
	s21 =	sshrl.u32 @!p1 s21, $0x3  }
0x49: {  	s26 =	simm.s32 @!p1 $0x80;
	s28 =	simm.s32 @!p1 $0x400;
	s25 =	sadd.s32 @!p1 s4, s21  }
0x4a: {  	[hbm4b:s25+s26] =	stream.strided.scatter @!p1 [tilespmem:s23], [sflag:$0x1], $0x400, s28, s26, $0x38;
	[tilespmem:$0x1180] =	vst v63  }
0x4b: {  	s18 =	sadd.s32 s18, s22;
	s21 =	sadd.s32 @!p1 s5, s21;
	_ =	swait.ge @!p1 [sflag:s24], $0x400  }
0x4c: {  	[sflag:s24] =	ssyncset.done @!p1 $0x0  }
0x4d: {  	s22 =	simm.s32 @!p1 $0xC80;
	[sflag:s24] =	ssyncadd.s32 @!p1 $0xFFFFFC00  }
0x4e: {  	[hbm4b:s21+s26] =	stream.strided.scatter @!p1 [tilespmem:s22], [sflag:$0x1], $0x400, s28, s26, $0x38;
	[tilespmem:$0x1180] =	vst v63  }
.Ltmp1:
0x4f: {  	_ =	swait.ge @!p1 [sflag:s24], $0x400;
	(pc) =	sbr.rel @p0 .LBB2_5-.Ltmp1, $4  }
0x50: {  	[sflag:s24] =	ssyncset.done @!p1 $0x0  }
0x51: {  	[sflag:s24] =	ssyncadd.s32 @!p1 $0xFFFFFC00  }
0x52: {  	v5 =	vld @!p1 [tilespmem:$0xC00]  }
0x53: {  	v4 =	vld @!p1 [tilespmem:$0x1080]  }
0x54: {  	s17 =	sadd.s32 $0x1, s17  }
0x55: {  	p0 =	sne.s32 s17, $0xA0  }
.Ltmp2:
0x56: {  	_ = 	snop;
	(pc) =	sbr.rel @p0 .LBB2_4-.Ltmp2, $3  }
0x57: {  	_ =	sdelay $0x1  }
0x58: {  	[tilespmem:$0x800] =	vst @!p1 v5  }
0x59: {  	s16 =	sadd.s32 $0x7D0, s16;
	[tilespmem:$0xC80] =	vst @!p1 v4  }
0x5a: {  	p0 =	slt.s32 s18, $0x1  }
0x5b: {  	s15 =	sshll.u32 @!p0 s14, $0xD  }
0x5c: {  	s15 =	sadd.s32 @!p0 s6, s15  }
0x5d: {  	s17 =	simm.s32 @!p0 $0x80;
	s15 =	sshrl.u32 @!p0 s15, $0x3  }
0x5e: {  	s19 =	simm.s32 @!p0 $0x400;
	s20 =	simm.s32 @!p0 $0x800;
	s16 =	sadd.s32 @!p0 s4, s15  }
0x5f: {  	[hbm4b:s16+s17] =	stream.strided.scatter @!p0 [tilespmem:s20], [sflag:$0x1], $0x400, s19, s17, $0x38;
	[tilespmem:$0x1180] =	vst v63  }
0x60: {  	s16 =	simm.s32 @!p0 $0x1  }
0x61: {  	_ =	swait.ge @!p0 [sflag:s16], $0x400  }
0x62: {  	[sflag:s16] =	ssyncset.done @!p0 $0x0  }
0x63: {  	s15 =	sadd.s32 @!p0 s5, s15;
	s20 =	simm.s32 @!p0 $0xC80;
	[sflag:s16] =	ssyncadd.s32 @!p0 $0xFFFFFC00  }
0x64: {  	[hbm4b:s15+s17] =	stream.strided.scatter @!p0 [tilespmem:s20], [sflag:$0x1], $0x400, s19, s17, $0x38;
	[tilespmem:$0x1180] =	vst v63  }
0x65: {  	s31 =	sshll.u32 s14, $0xA;
	_ =	swait.ge @!p0 [sflag:s16], $0x400  }
0x66: {  	s13 =	sadd.s32 $0x1, s13;
	s14 =	sadd.s32 s18, s31;
	[sflag:s16] =	ssyncset.done @!p0 $0x0  }
0x67: {  	v4 =	vmov s14;
	[sflag:s16] =	ssyncadd.s32 @!p0 $0xFFFFFC00;
	p0 =	sne.s32 s13, s8  }
.Ltmp3:
0x68: {  	[tilespmem:$0x1100] =	vst v4;
	(pc) =	sbr.rel @p0 .LBB2_1-.Ltmp3, $4  }
0x69: {  	[hbm4b:s7+s2] =	stream.linear.scatter [tilespmem:s12], [sflag:$0x1], $0x80, $0x38;
	[tilespmem:$0x1180] =	vst v63  }
0x6a: {  	_ =	swait.ge [sflag:s9], $0x80  }
0x6b: {  	[sflag:s9] =	ssyncset.done $0x0  }
0x6c: {  	[sflag:s9] =	ssyncadd.s32 $0xFFFFFF80  }
0x6d: {  	_ =	sfence.sel $0x180000  }
0x6e: {  	[bflag:$0x0] =	sbarrier.arrive $0xFFFF  }
0x6f: {  	p0 =	sne.s32 s1, $0x0;
	_ =	strace $0x9000004A  }
0x70: {  	s0 =	sadd.s32 @!p0 $0x100000, s0;
	[bflag:$0x2] =	sbarrier.arrive $0xFFFF  }
0x71: {  	[sflag:s0] =	ssyncadd.tile.s32 @!p0 $0x1;
	_ =	shalt  }
.Lfunc_end2:
_tile_overlayer_lowered:
.L_overlay_start_2:
0x72: {  	(tag) =	ssettag $0x2  }
0x73: {  	s0 =	rddreg [dreg:$0x0];
	s2 =	stileid.u32  }
0x74: {  	s1 =	rddreg [dreg:$0x1];
	p0 =	sne.s32 s2, $0x0  }
0x75: {  	s3 =	rddreg [dreg:$0x2];
	[bflag:$0x3] =	sbarrier.arrive $0xFFFF;
	s2 =	simm.s32 @!p0 $0x1C01  }
0x76: {  	[timem:s3], [sflag:s2] =	dma.local @!p0 [hbm:s0], s1  }
0x77: {  	s0 =	simm.s32 @!p0 $0x1  }
0x78: {  	_ =	swait.ge @!p0 [sflag:s0], s1  }
0x79: {  	s1 =	ssub.s32 @!p0 $0x0, s1;
	[sflag:s0] =	ssyncset.done @!p0 $0x0  }
0x7a: {  	[sflag:s0] =	ssyncadd.s32 @!p0 s1  }
0x7b: {  	[bflag:$0x3] =	sbarrier.arrive $0xFFFF  }
0x7c: {  	_ =	shalt  }

// kernel: kernel.20.cloned.1.call-start
scs
__scs_entry_jumppad:
0x0: {  	(pc) =	sbr.rel $0x88, $3  }
0x1: {  	(tag) =	ssettag $0x0;
	lr =	simm.s32 $0x1  }
0x2: {  	[smem:$0x3F90] =	sst lr;
	_ =	strace $0xD0000000  }
0x3: {  	_ = 	snop  }
0x4: {  	_ = 	snop  }
0x5: {  	_ = 	snop  }
0x6: {  	_ = 	snop  }
0x7: {  	_ = 	snop  }
__scs_overlays_trampoline_lowered:
0x8: {  	[smem:$0x3F9F] =	sst s0  }
0x9: {  	[smem:$0x3FA0] =	sst s1  }
0xa: {  	[smem:$0x3FA1] =	sst s2  }
0xb: {  	[smem:$0x3FA2] =	sst s3  }
0xc: {  	[smem:$0x3FA3] =	sst s4  }
0xd: {  	[smem:$0x3FA4] =	sst s5  }
0xe: {  	[smem:$0x3FA5] =	sst s6  }
0xf: {  	[smem:$0x3FA6] =	sst s7  }
0x10: {  	[smem:$0x3FA7] =	sst s8  }
0x11: {  	[smem:$0x3FA8] =	sst s9;
	s0 =	simm.s32 @!p0 $0x0  }
0x12: {  	s1 =	sld [smem:$0x3F8E];
	s0 =	simm.s32 @p0 $0x1  }
0x13: {  	[smem:$0x3FA9] =	sst s0;
	s0 =	simm.s32 @!p1 $0x0  }
0x14: {  	s2 =	sld [smem:$0x3F8D];
	s0 =	simm.s32 @p1 $0x1  }
0x15: {  	[smem:$0x3FAA] =	sst s0;
	s0 =	simm.s32 @!p2 $0x0  }
0x16: {  	s3 =	sld [smem:$0x3FDB];
	s0 =	simm.s32 @p2 $0x1  }
0x17: {  	s4 =	simm.s32 $0x1BF5;
	[smem:$0x3FAC] =	sst s0  }
0x18: {  	s0 =	sld [smem:$0x3F8F];
	_ =	swait.ge [sflag:s4], $0x0  }
0x19: {  	s7 =	sld [smem:$0x3F90]  }
0x1a: {  	s8 =	sadd.s32 $0xFFFFE003, lr  }
0x1b: {  	s9 =	sadd.s32 $0xFFFFFEF7, lr;
	s5 =	simm.s32 $0xFFFFFFFF;
	p2 =	slt.u32 s8, $0xFFFFF086  }
0x1c: {  	p1 =	slt.u32 s9, $0xF7A;
	s5 =	simm.s32 @!p2 $0x0  }
0x1d: {  	s5 =	simm.s32 @p1 $0x1;
	p0 =	seq.s32 s7, s2  }
0x1e: {  	s7 =	smul.u32 @!p0 $0xF7A, s2;
	p2 =	seq.s32 @!p0 s5, $0x0  }
0x1f: {  	s9 =	smul.u32 $0xF7A, s1;
	s8 =	simm.s32 @!p0 $0x1BF5;
	p2 =	por !p2, p0  }
0x20: {  	[sflag:s8] =	ssyncset.s32 @!p0 $0xFFFFF086;
	s6 =	sadd.s32 @!p0 s3, s7;
	s7 =	simm.s32 @!p0 $0x108  }
0x21: {  	s3 =	sadd.s32 s3, s9;
	s6 =	sadd.s32 @!p0 $0x88, s6;
	s7 =	simm.s32 @p2 $0x1082  }
0x22: {  	[simem:s7], [sflag:s8] =	dma.local @!p0 [hbm:s6], $0xF7A  }
0x23: {  	s9 =	sor.u32 $0xD0000000, s2;
	s6 =	simm.s32 $0x108;
	_ =	swait.ge @!p0 [sflag:s8], $0x0  }
0x24: {  	s3 =	sadd.s32 $0x88, s3;
	s6 =	simm.s32 @!p1 $0x1082;
	[sflag:s4] =	ssyncset.s32 $0xFFFFF086  }
0x25: {  	[simem:s6], [sflag:s4] =	dma.local [hbm:s3], $0xF7A  }
0x26: {  	[smem:$0x3F90] =	sst s1;
	(tag) =	ssettag s2;
	_ =	strace s9  }
0x27: {  	s1 =	sld [smem:$0x3FA0]  }
0x28: {  	s2 =	sld [smem:$0x3FA1]  }
0x29: {  	s4 =	sld [smem:$0x3FA3]  }
0x2a: {  	p0 =	seq.s32 s5, $0x0;
	s5 =	sld [smem:$0x3FA4]  }
0x2b: {  	s6 =	sld [smem:$0x3FA5]  }
0x2c: {  	s7 =	sld [smem:$0x3FA6]  }
0x2d: {  	s3 =	simm.s32 $0x108;
	s8 =	sld [smem:$0x3FA7]  }
0x2e: {  	s3 =	simm.s32 @!p0 $0x1082;
	s9 =	sld [smem:$0x3FA8]  }
0x2f: {  	lr =	sadd.s32 s0, s3;
	s0 =	sld [smem:$0x3F9F]  }
0x30: {  	s3 =	sld [smem:$0x3FA2]  }
0x31: {  	[smem:$0x3FAB] =	sst s10  }
0x32: {  	s10 =	sld [smem:$0x3FA9];
	_ =	sdelay $0x3  }
0x33: {  	p0 =	seq.s32 s10, $0x1;
	s10 =	sld [smem:$0x3FAB];
	_ =	sdelay $0x3  }
0x34: {  	[smem:$0x3FAB] =	sst s10  }
0x35: {  	s10 =	sld [smem:$0x3FAA];
	_ =	sdelay $0x3  }
0x36: {  	p1 =	seq.s32 s10, $0x1;
	s10 =	sld [smem:$0x3FAB];
	_ =	sdelay $0x3  }
0x37: {  	[smem:$0x3FAB] =	sst s10  }
0x38: {  	s10 =	sld [smem:$0x3FAC]  }
0x39: {  	_ = 	snop;
	(pc) =	sbr.ind lr, $3  }
0x3a: {  	_ = 	snop  }
0x3b: {  	_ = 	snop  }
0x3c: {  	p2 =	seq.s32 s10, $0x1;
	s10 =	sld [smem:$0x3FAB]  }
0x3d: {  	_ =	shalt  }
0x3e: {  	_ =	shalt  }
0x3f: {  	_ =	shalt  }
0x40: {  	_ =	shalt  }
0x41: {  	_ =	shalt  }
0x42: {  	_ =	shalt  }
0x43: {  	_ =	shalt  }
0x44: {  	_ =	shalt  }
0x45: {  	_ =	shalt  }
0x46: {  	_ =	shalt  }
0x47: {  	_ =	shalt  }
0x48: {  	_ =	shalt  }
0x49: {  	_ =	shalt  }
0x4a: {  	_ =	shalt  }
0x4b: {  	_ =	shalt  }
0x4c: {  	_ =	shalt  }
0x4d: {  	_ =	shalt  }
0x4e: {  	_ =	shalt  }
0x4f: {  	_ =	shalt  }
0x50: {  	_ =	shalt  }
0x51: {  	_ =	shalt  }
0x52: {  	_ =	shalt  }
0x53: {  	_ =	shalt  }
0x54: {  	_ =	shalt  }
0x55: {  	_ =	shalt  }
0x56: {  	_ =	shalt  }
0x57: {  	_ =	shalt  }
0x58: {  	_ =	shalt  }
0x59: {  	_ =	shalt  }
0x5a: {  	_ =	shalt  }
0x5b: {  	_ =	shalt  }
0x5c: {  	_ =	shalt  }
0x5d: {  	_ =	shalt  }
0x5e: {  	_ =	shalt  }
0x5f: {  	_ =	shalt  }
0x60: {  	_ =	shalt  }
0x61: {  	_ =	shalt  }
0x62: {  	_ =	shalt  }
0x63: {  	_ =	shalt  }
0x64: {  	_ =	shalt  }
0x65: {  	_ =	shalt  }
0x66: {  	_ =	shalt  }
0x67: {  	_ =	shalt  }
0x68: {  	_ =	shalt  }
0x69: {  	_ =	shalt  }
0x6a: {  	_ =	shalt  }
0x6b: {  	_ =	shalt  }
0x6c: {  	_ =	shalt  }
0x6d: {  	_ =	shalt  }
0x6e: {  	_ =	shalt  }
0x6f: {  	_ =	shalt  }
0x70: {  	_ =	shalt  }
0x71: {  	_ =	shalt  }
0x72: {  	_ =	shalt  }
0x73: {  	_ =	shalt  }
0x74: {  	_ =	shalt  }
0x75: {  	_ =	shalt  }
0x76: {  	_ =	shalt  }
0x77: {  	_ =	shalt  }
0x78: {  	_ =	shalt  }
0x79: {  	_ =	shalt  }
0x7a: {  	_ =	shalt  }
0x7b: {  	_ =	shalt  }
0x7c: {  	_ =	shalt  }
0x7d: {  	_ =	shalt  }
0x7e: {  	_ =	shalt  }
0x7f: {  	_ =	shalt  }
0x80: {  	_ =	shalt  }
0x81: {  	_ =	shalt  }
0x82: {  	_ =	shalt  }
0x83: {  	_ =	shalt  }
0x84: {  	_ =	shalt  }
0x85: {  	_ =	shalt  }
0x86: {  	_ =	shalt  }
0x87: {  	_ =	shalt  }
.Lfunc_end0:
.L_simem_size_0:
called_computation.1_lowered:
.L_overlay_start_0:
0x88: {  	s2 =	sld [smem:$0x3FD9]  }
0x89: {  	s3 =	sld [smem:$0x3FFE];
	_ =	sdelay $0x1  }
0x8a: {  	s1 =	srdreg.scid  }
0x8b: {  	s0 =	sand.u32 $0x1, s1  }
0x8c: {  	s16 =	sshll.u32 s0, $0xA;
	s2 =	sadd.s32 s3, s2  }
0x8d: {  	s2 =	sadd.s32 s2, s16  }
0x8e: {  	[smem:$0x3FB7] =	sst s2  }
0x8f: {  	_ = 	snop  }
0x90: {  	(tm) =	ssettm $0x1  }
0x91: {  	s17 =	sld [smem:$0x3FFB];
	_ =	sdelay $0x3  }
0x92: {  	_ =	strace s17  }
0x93: {  	s2 =	sld [smem:$0x3FFC];
	_ =	sdelay $0x3  }
0x94: {  	_ =	strace s2  }
0x95: {  	s2 =	sld [smem:$0x3FFD];
	_ =	sdelay $0x3  }
0x96: {  	_ =	strace s2  }
0x97: {  	_ =	strace $0x8FFFFFFF  }
0x98: {  	s18 =	sld [smem:$0x3FDB];
	_ =	sdelay $0x1  }
0x99: {  	s19 =	simm.s32 $_scs_section_size  }
0x9a: {  	s4 =	simm.s32 $_size__tile_overlayer_lowered;
	s5 =	simm.s32 $_tile_overlayer_lowered  }
0x9b: {  	s22 =	simm.s32 $0x1BFF;
	s21 =	sshll.u32 s5, $0x1;
	s2 =	sadd.s32 s19, s18  }
0x9c: {  	s6 =	simm.s32 $0x0;
	s20 =	sshll.u32 s4, $0x1;
	s4 =	sadd.s32 s21, s2  }
0x9d: {  	[timem:s6], [sflag:s22] =	dma.local [hbm:s4], s20  }
0x9e: {  	_ =	swait.ge [sflag:s22], s20  }
0x9f: {  	s3 =	ssub.s32 $0x0, s20;
	[sflag:s22] =	ssyncset.done $0x0  }
0xa0: {  	[sflag:s22] =	ssyncadd.s32 s3;
	_ =	sdelay $0x1  }
0xa1: {  	s23 =	simm.s32 $0x1B8B  }
0xa2: {  	_ =	swait.ge [sflag:s23], $0x1  }
0xa3: {  	[sflag:s23] =	ssyncset.done $0x0  }
0xa4: {  	s25 =	simm.s32 $0x1B8E;
	s24 =	sld [smem:$0x3FFE];
	[sflag:s23] =	ssyncadd.s32 $0xFFFFFFFF  }
0xa5: {  	s26 =	simm.s32 $execute0_lowered;
	[smem:$0x3FD2] =	sst s25  }
0xa6: {  	s4 =	sshll.u32 s26, $0x1;
	_ =	strace $0x80000046;
	[dreg:$0x1] =	wrdreg $0xFFFFFFFF  }
0xa7: {  	s28 =	simm.s32 $_size_execute0_lowered;
	s2 =	sadd.s32 s2, s4;
	[dreg:$0x0] =	wrdreg $0x0  }
0xa8: {  	s4 =	sshll.u32 s28, $0x1;
	[dreg:$0x2] =	wrdreg s2  }
0xa9: {  	[dreg:$0x3] =	wrdreg s4  }
0xaa: {  	[dreg:$0x4] =	wrdreg $0xC0  }
0xab: {  	_ =	task [dreg:s6], $0x5FFFF  }
0xac: {  	[dreg:$0x1] =	wrdreg $0xFFFFFFFF  }
0xad: {  	[dreg:$0x0] =	wrdreg $0x60  }
0xae: {  	[dreg:$0x2] =	wrdreg s24  }
0xaf: {  	[dreg:$0x3] =	wrdreg $0xA  }
0xb0: {  	_ =	task.clear_ibuf [dreg:s6], $0x4FFFF;
	_ =	strace $0x90000046  }
0xb1: {  	s29 =	simm.s32 $0xA;
	_ =	strace $0x80000048  }
0xb2: {  	_ =	swait.ge [sflag:s29], $0x1  }
0xb3: {  	[sflag:s29] =	ssyncadd.s32 $0xFFFFFFFF  }
0xb4: {  	_ =	strace $0x90000048  }
0xb5: {  	_ =	sfence  }
0xb6: {  	s30 =	sld [smem:$0x0];
	_ =	sdelay $0x2  }
0xb7: {  	s31 =	sshll.u32 s1, $0xD;
	s1 =	sshrl.u32 s1, $0x2  }
0xb8: {  	s3 =	sand.u32 $0x4000, s31;
	s1 =	sadd.s32 s1, s30  }
0xb9: {  	s0 =	sor.u32 s3, s0;
	s1 =	sshll.u32 s1, $0x11  }
0xba: {  	s0 =	sor.u32 s1, s0  }
0xbb: {  	s0 =	sadd.s32 $0x8F2B, s0  }
0xbc: {  	[sflag:s0] =	ssyncadd.remote.s32 $0x1  }
0xbd: {  	_ =	sfence.sel $0xFFFF  }
0xbe: {  	[dreg:$0x0] =	wrdreg $0xFFFFFFFF;
	(pc) =	sbr.abs _section_cstart, $3  }
0xbf: {  	[dreg:$0x1] =	wrdreg $0xFFFFFFFF  }
0xc0: {  	_ =	task.clear_ibuf [dreg:s6], $0x2FFFF;
	_ =	strace $0x9FFFFFFF  }
0xc1: {  	(tm) =	ssettm $0x7FFFFFFF  }
tec
execute0_lowered:
.L_overlay_start_1:
0x0: {  	(tag) =	ssettag $0x1  }
0x1: {  	s8 =	rddreg [dreg:$0x0]  }
0x2: {  	s0 =	rddreg [dreg:$0x1]  }
0x3: {  	s1 =	simm.s32 $0x0;
	s6 =	srdreg.scid;
	s2 =	stileid.u32  }
0x4: {  	s13 =	simm.s32 $0x7D0;
	s14 =	simm.s32 $0x84D0;
	s15 =	simm.s32 $0x101D0  }
0x5: {  	s16 =	simm.s32 $0x1;
	s17 =	simm.s32 $0x2;
	s18 =	simm.s32 $0x0  }
0x6: {  	[smem:$0x7FF] =	sst s1;
	s3 =	sadd.s32 $0x5400, s8;
	s4 =	sadd.s32 $0xF200, s8  }
0x7: {  	s5 =	sadd.s32 $0x19000, s8;
	s9 =	sand.u32 $0x1, s6;
	s6 =	sadd.s32 $0x15B600, s8  }
0x8: {  	s11 =	sshll.u32 s2, $0x1;
	s7 =	sadd.s32 $0x151800, s8;
	s10 =	ssub.s32 $0x2, s9  }
0x9: {  	s8 =	sadd.s32 $0x165400, s8;
	_ =	strace $0x80000047;
	s12 =	sshrl.u32 s10, $0x1  }
0xa: {  	s9 =	sor.u32 s9, s11;
	s11 =	simm.s32 $0x3E8;
	s10 =	ssub.s32 s10, s12  }
0xb: {  	s9 =	smul.u32 $0x2710, s9;
	s12 =	simm.s32 $0x3;
	s10 =	smax.u32 s10, $0x1  }
.LBB2_1:
0xc: {  	s19 =	simm.s32 $0x0  }
.LBB2_2:
0xd: {  	s20 =	smul.u32 $0x3E8, s19;
	_ =	sdelay $0x1  }
0xe: {  	s20 =	sadd.s32 s9, s20  }
0xf: {  	s21 =	sshrl.u32 s20, $0x3  }
0x10: {  	s22 =	sadd.s32 s7, s21  }
0x11: {  	[tilespmem:s11], [sflag:$0x3] =	stream.linear.gather [hbm4b:s22+s1], $0x3E8, $0x38;
	[tilespmem:$0x17ED0] =	vst v63  }
0x12: {  	_ =	swait.ge [sflag:s12], $0x3E8  }
0x13: {  	[sflag:s12] =	ssyncset.done $0x0  }
0x14: {  	s21 =	sadd.s32 s6, s21;
	[sflag:s12] =	ssyncadd.s32 $0xFFFFFC18  }
0x15: {  	[tilespmem:s1], [sflag:$0x3] =	stream.linear.gather [hbm4b:s21+s1], $0x3E8, $0x38;
	[tilespmem:$0x17ED0] =	vst v63  }
0x16: {  	_ =	swait.ge [sflag:s12], $0x3E8  }
0x17: {  	[sflag:s12] =	ssyncset.done $0x0  }
0x18: {  	[sflag:s12] =	ssyncadd.s32 $0xFFFFFC18  }
0x19: {  	[tilespmem:s13], [sflag:$0x1] =	stream.indirect.gather [hbm4b:s3+s11], $0x20, s11, s11, $0xb8;
	[tilespmem:$0x17ED0] =	vst v63  }
0x1a: {  	s20 =	sshll.u32 s20, $0x2  }
0x1b: {  	[tilespmem:s14], [sflag:$0x2] =	stream.indirect.gather [hbm4b:s4+s11], $0x20, s1, s11, $0xb8;
	[tilespmem:$0x17ED0] =	vst v63  }
0x1c: {  	s31 =	sadd.s32 s5, s20  }
0x1d: {  	[tilespmem:s15], [sflag:$0x3] =	stream.linear.gather [hbm4b:s31+s1], $0x7D00, $0x38;
	[tilespmem:$0x17ED0] =	vst v63  }
0x1e: {  	_ =	swait.ge [sflag:s12], $0x7D00  }
0x1f: {  	[sflag:s12] =	ssyncset.done $0x0  }
0x20: {  	[sflag:s12] =	ssyncadd.s32 $0xFFFF8300  }
0x21: {  	_ =	swait.ge [sflag:s16], $0x7D00  }
0x22: {  	[sflag:s16] =	ssyncset.done $0x0  }
0x23: {  	[sflag:s16] =	ssyncadd.s32 $0xFFFF8300  }
0x24: {  	_ =	swait.ge [sflag:s17], $0x7D00  }
0x25: {  	[sflag:s17] =	ssyncset.done $0x0  }
0x26: {  	s23 =	simm.s32 $0x7F0;
	[sflag:s17] =	ssyncadd.s32 $0xFFFF8300  }
0x27: {  	s21 =	simm.s32 $0x84F0;
	v0 =	vld [tilespmem:s23+$0xFFFFFFE0]  }
0x28: {  	v1 =	vld [tilespmem:s21+$0xFFFFFFE0]  }
0x29: {  	s22 =	simm.s32 $0x101F0  }
0x2a: {  	v2 =	vld [tilespmem:s22+$0xFFFFFFE0];
	_ =	sdelay $0x2  }
0x2b: {  	v0 =	vadd.f32 v1, v0;
	_ =	sdelay $0x1  }
0x2c: {  	v0 =	vadd.f32 v2, v0;
	_ =	sdelay $0x1  }
0x2d: {  	[tilespmem:s22+$0xFFFFFFE0] =	vst v0  }
0x2e: {  	v0 =	vld [tilespmem:s23+$0xFFFFFFF0]  }
0x2f: {  	v1 =	vld [tilespmem:s21+$0xFFFFFFF0];
	_ =	sdelay $0x1  }
0x30: {  	v2 =	vld [tilespmem:s22+$0xFFFFFFF0];
	_ =	sdelay $0x2  }
0x31: {  	v0 =	vadd.f32 v1, v0;
	_ =	sdelay $0x1  }
0x32: {  	v0 =	vadd.f32 v2, v0;
	_ =	sdelay $0x1  }
0x33: {  	[tilespmem:s22+$0xFFFFFFF0] =	vst v0  }
0x34: {  	v0 =	vld [tilespmem:s23+$0x0]  }
0x35: {  	v1 =	vld [tilespmem:s21+$0x0];
	_ =	sdelay $0x1  }
0x36: {  	v2 =	vld [tilespmem:s22+$0x0];
	_ =	sdelay $0x2  }
0x37: {  	v0 =	vadd.f32 v1, v0;
	_ =	sdelay $0x1  }
0x38: {  	v0 =	vadd.f32 v2, v0;
	_ =	sdelay $0x1  }
0x39: {  	[tilespmem:s22+$0x0] =	vst v0  }
0x3a: {  	v1 =	vld [tilespmem:s23+$0x10]  }
0x3b: {  	v2 =	vld [tilespmem:s21+$0x10];
	_ =	sdelay $0x1  }
0x3c: {  	v0 =	vld [tilespmem:s22+$0x10];
	_ =	sdelay $0x2  }
0x3d: {  	s25 =	simm.s32 $0x830;
	s24 =	simm.s32 $0x101F0;
	s23 =	simm.s32 $0x0;
	v1 =	vadd.f32 v2, v1  }
.LBB2_3:
0x3e: {  	s23 =	sadd.s32 $0x2, s23;
	s22 =	sadd.s32 $0x40, s22;
	s21 =	sadd.s32 $0x40, s21  }
0x3f: {  	p0 =	slt.u32 s23, $0x3E6;
	v0 =	vadd.f32 v0, v1;
	_ =	sdelay $0x1  }
0x40: {  	[tilespmem:s24+$0x10] =	vst v0;
	s24 =	smov.u32 s22  }
0x41: {  	v0 =	vld [tilespmem:s25+$0xFFFFFFE0]  }
0x42: {  	v1 =	vld [tilespmem:s21+$0xFFFFFFE0];
	_ =	sdelay $0x1  }
0x43: {  	v2 =	vld [tilespmem:s22+$0xFFFFFFE0];
	_ =	sdelay $0x2  }
0x44: {  	v0 =	vadd.f32 v1, v0;
	_ =	sdelay $0x1  }
0x45: {  	v0 =	vadd.f32 v2, v0;
	_ =	sdelay $0x1  }
0x46: {  	[tilespmem:s22+$0xFFFFFFE0] =	vst v0  }
0x47: {  	v0 =	vld [tilespmem:s25+$0xFFFFFFF0]  }
0x48: {  	v1 =	vld [tilespmem:s21+$0xFFFFFFF0]  }
0x49: {  	v2 =	vld [tilespmem:s22+$0xFFFFFFF0];
	_ =	sdelay $0x3  }
0x4a: {  	v0 =	vadd.f32 v1, v0;
	_ =	sdelay $0x1  }
0x4b: {  	v0 =	vadd.f32 v2, v0;
	_ =	sdelay $0x1  }
0x4c: {  	[tilespmem:s22+$0xFFFFFFF0] =	vst v0;
	v0 =	vld [tilespmem:s22+$0x0]  }
0x4d: {  	v1 =	vld [tilespmem:s25+$0x0]  }
0x4e: {  	v2 =	vld [tilespmem:s21+$0x0];
	_ =	sdelay $0x4  }
0x4f: {  	v1 =	vadd.f32 v2, v1;
	_ =	sdelay $0x1  }
0x50: {  	v0 =	vadd.f32 v0, v1;
	_ =	sdelay $0x1  }
0x51: {  	[tilespmem:s22+$0x0] =	vst v0;
	v0 =	vld [tilespmem:s22+$0x10]  }
0x52: {  	v1 =	vld [tilespmem:s25+$0x10]  }
0x53: {  	v2 =	vld [tilespmem:s21+$0x10]  }
.Ltmp0:
0x54: {  	(pc) =	sbr.rel @p0 .LBB2_3-.Ltmp0, $2  }
0x55: {  	_ =	sdelay $0x2  }
0x56: {  	s25 =	sadd.s32 $0x40, s25;
	v1 =	vadd.f32 v2, v1  }
0x57: {  	_ = 	snop  }
0x58: {  	s19 =	sadd.s32 $0x1, s19;
	v0 =	vadd.f32 v0, v1  }
0x59: {  	p0 =	sne.s32 s19, $0xA  }
.Ltmp1:
0x5a: {  	s20 =	sadd.s32 s8, s20;
	[tilespmem:s24+$0x10] =	vst v0;
	(pc) =	sbr.rel @p0 .LBB2_2-.Ltmp1, $4  }
0x5b: {  	[hbm4b:s20+s1] =	stream.linear.scatter [tilespmem:s15], [sflag:$0x3], $0x7D00, $0x38;
	[tilespmem:$0x17ED0] =	vst v63  }
0x5c: {  	_ =	swait.ge [sflag:s12], $0x7D00  }
0x5d: {  	[sflag:s12] =	ssyncset.done $0x0  }
0x5e: {  	[sflag:s12] =	ssyncadd.s32 $0xFFFF8300  }
0x5f: {  	s18 =	sadd.s32 $0x1, s18  }
0x60: {  	p0 =	sne.s32 s18, s10  }
.Ltmp2:
0x61: {  	_ = 	snop;
	(pc) =	sbr.rel @p0 .LBB2_1-.Ltmp2, $1  }
0x62: {  	_ =	sdelay $0x3  }
0x63: {  	_ =	sfence.sel $0x180000  }
0x64: {  	[bflag:$0x0] =	sbarrier.arrive $0xFFFF  }
0x65: {  	p0 =	sne.s32 s2, $0x0;
	_ =	strace $0x90000047  }
0x66: {  	s0 =	sadd.s32 @!p0 $0x100000, s0;
	[bflag:$0x2] =	sbarrier.arrive $0xFFFF  }
0x67: {  	[sflag:s0] =	ssyncadd.tile.s32 @!p0 $0x1;
	_ =	shalt  }
.Lfunc_end2:
_tile_overlayer_lowered:
.L_overlay_start_2:
0x68: {  	(tag) =	ssettag $0x2  }
0x69: {  	s0 =	rddreg [dreg:$0x0];
	s2 =	stileid.u32  }
0x6a: {  	s1 =	rddreg [dreg:$0x1];
	p0 =	sne.s32 s2, $0x0  }
0x6b: {  	s3 =	rddreg [dreg:$0x2];
	[bflag:$0x3] =	sbarrier.arrive $0xFFFF;
	s2 =	simm.s32 @!p0 $0x1C03  }
0x6c: {  	[timem:s3], [sflag:s2] =	dma.local @!p0 [hbm:s0], s1  }
0x6d: {  	s0 =	simm.s32 @!p0 $0x3  }
0x6e: {  	_ =	swait.ge @!p0 [sflag:s0], s1  }
0x6f: {  	s1 =	ssub.s32 @!p0 $0x0, s1;
	[sflag:s0] =	ssyncset.done @!p0 $0x0  }
0x70: {  	[sflag:s0] =	ssyncadd.s32 @!p0 s1  }
0x71: {  	[bflag:$0x3] =	sbarrier.arrive $0xFFFF  }
0x72: {  	_ =	shalt  }

// kernel: kernel.23.cloned.1.call-start
scs
__scs_entry_jumppad:
0x0: {  	(pc) =	sbr.rel $0x88, $3  }
0x1: {  	(tag) =	ssettag $0x0;
	lr =	simm.s32 $0x1  }
0x2: {  	[smem:$0x3F90] =	sst lr;
	_ =	strace $0xD0000000  }
0x3: {  	_ = 	snop  }
0x4: {  	_ = 	snop  }
0x5: {  	_ = 	snop  }
0x6: {  	_ = 	snop  }
0x7: {  	_ = 	snop  }
__scs_overlays_trampoline_lowered:
0x8: {  	[smem:$0x3F9F] =	sst s0  }
0x9: {  	[smem:$0x3FA0] =	sst s1  }
0xa: {  	[smem:$0x3FA1] =	sst s2  }
0xb: {  	[smem:$0x3FA2] =	sst s3  }
0xc: {  	[smem:$0x3FA3] =	sst s4  }
0xd: {  	[smem:$0x3FA4] =	sst s5  }
0xe: {  	[smem:$0x3FA5] =	sst s6  }
0xf: {  	[smem:$0x3FA6] =	sst s7  }
0x10: {  	[smem:$0x3FA7] =	sst s8  }
0x11: {  	[smem:$0x3FA8] =	sst s9;
	s0 =	simm.s32 @!p0 $0x0  }
0x12: {  	s1 =	sld [smem:$0x3F8E];
	s0 =	simm.s32 @p0 $0x1  }
0x13: {  	[smem:$0x3FA9] =	sst s0;
	s0 =	simm.s32 @!p1 $0x0  }
0x14: {  	s2 =	sld [smem:$0x3F8D];
	s0 =	simm.s32 @p1 $0x1  }
0x15: {  	[smem:$0x3FAA] =	sst s0;
	s0 =	simm.s32 @!p2 $0x0  }
0x16: {  	s3 =	sld [smem:$0x3FDB];
	s0 =	simm.s32 @p2 $0x1  }
0x17: {  	s4 =	simm.s32 $0x1BF5;
	[smem:$0x3FAC] =	sst s0  }
0x18: {  	s0 =	sld [smem:$0x3F8F];
	_ =	swait.ge [sflag:s4], $0x0  }
0x19: {  	s7 =	sld [smem:$0x3F90]  }
0x1a: {  	s8 =	sadd.s32 $0xFFFFE003, lr  }
0x1b: {  	s9 =	sadd.s32 $0xFFFFFEF7, lr;
	s5 =	simm.s32 $0xFFFFFFFF;
	p2 =	slt.u32 s8, $0xFFFFF086  }
0x1c: {  	p1 =	slt.u32 s9, $0xF7A;
	s5 =	simm.s32 @!p2 $0x0  }
0x1d: {  	s5 =	simm.s32 @p1 $0x1;
	p0 =	seq.s32 s7, s2  }
0x1e: {  	s7 =	smul.u32 @!p0 $0xF7A, s2;
	p2 =	seq.s32 @!p0 s5, $0x0  }
0x1f: {  	s9 =	smul.u32 $0xF7A, s1;
	s8 =	simm.s32 @!p0 $0x1BF5;
	p2 =	por !p2, p0  }
0x20: {  	[sflag:s8] =	ssyncset.s32 @!p0 $0xFFFFF086;
	s6 =	sadd.s32 @!p0 s3, s7;
	s7 =	simm.s32 @!p0 $0x108  }
0x21: {  	s3 =	sadd.s32 s3, s9;
	s6 =	sadd.s32 @!p0 $0x88, s6;
	s7 =	simm.s32 @p2 $0x1082  }
0x22: {  	[simem:s7], [sflag:s8] =	dma.local @!p0 [hbm:s6], $0xF7A  }
0x23: {  	s9 =	sor.u32 $0xD0000000, s2;
	s6 =	simm.s32 $0x108;
	_ =	swait.ge @!p0 [sflag:s8], $0x0  }
0x24: {  	s3 =	sadd.s32 $0x88, s3;
	s6 =	simm.s32 @!p1 $0x1082;
	[sflag:s4] =	ssyncset.s32 $0xFFFFF086  }
0x25: {  	[simem:s6], [sflag:s4] =	dma.local [hbm:s3], $0xF7A  }
0x26: {  	[smem:$0x3F90] =	sst s1;
	(tag) =	ssettag s2;
	_ =	strace s9  }
0x27: {  	s1 =	sld [smem:$0x3FA0]  }
0x28: {  	s2 =	sld [smem:$0x3FA1]  }
0x29: {  	s4 =	sld [smem:$0x3FA3]  }
0x2a: {  	p0 =	seq.s32 s5, $0x0;
	s5 =	sld [smem:$0x3FA4]  }
0x2b: {  	s6 =	sld [smem:$0x3FA5]  }
0x2c: {  	s7 =	sld [smem:$0x3FA6]  }
0x2d: {  	s3 =	simm.s32 $0x108;
	s8 =	sld [smem:$0x3FA7]  }
0x2e: {  	s3 =	simm.s32 @!p0 $0x1082;
	s9 =	sld [smem:$0x3FA8]  }
0x2f: {  	lr =	sadd.s32 s0, s3;
	s0 =	sld [smem:$0x3F9F]  }
0x30: {  	s3 =	sld [smem:$0x3FA2]  }
0x31: {  	[smem:$0x3FAB] =	sst s10  }
0x32: {  	s10 =	sld [smem:$0x3FA9];
	_ =	sdelay $0x3  }
0x33: {  	p0 =	seq.s32 s10, $0x1;
	s10 =	sld [smem:$0x3FAB];
	_ =	sdelay $0x3  }
0x34: {  	[smem:$0x3FAB] =	sst s10  }
0x35: {  	s10 =	sld [smem:$0x3FAA];
	_ =	sdelay $0x3  }
0x36: {  	p1 =	seq.s32 s10, $0x1;
	s10 =	sld [smem:$0x3FAB];
	_ =	sdelay $0x3  }
0x37: {  	[smem:$0x3FAB] =	sst s10  }
0x38: {  	s10 =	sld [smem:$0x3FAC]  }
0x39: {  	_ = 	snop;
	(pc) =	sbr.ind lr, $3  }
0x3a: {  	_ = 	snop  }
0x3b: {  	_ = 	snop  }
0x3c: {  	p2 =	seq.s32 s10, $0x1;
	s10 =	sld [smem:$0x3FAB]  }
0x3d: {  	_ =	shalt  }
0x3e: {  	_ =	shalt  }
0x3f: {  	_ =	shalt  }
0x40: {  	_ =	shalt  }
0x41: {  	_ =	shalt  }
0x42: {  	_ =	shalt  }
0x43: {  	_ =	shalt  }
0x44: {  	_ =	shalt  }
0x45: {  	_ =	shalt  }
0x46: {  	_ =	shalt  }
0x47: {  	_ =	shalt  }
0x48: {  	_ =	shalt  }
0x49: {  	_ =	shalt  }
0x4a: {  	_ =	shalt  }
0x4b: {  	_ =	shalt  }
0x4c: {  	_ =	shalt  }
0x4d: {  	_ =	shalt  }
0x4e: {  	_ =	shalt  }
0x4f: {  	_ =	shalt  }
0x50: {  	_ =	shalt  }
0x51: {  	_ =	shalt  }
0x52: {  	_ =	shalt  }
0x53: {  	_ =	shalt  }
0x54: {  	_ =	shalt  }
0x55: {  	_ =	shalt  }
0x56: {  	_ =	shalt  }
0x57: {  	_ =	shalt  }
0x58: {  	_ =	shalt  }
0x59: {  	_ =	shalt  }
0x5a: {  	_ =	shalt  }
0x5b: {  	_ =	shalt  }
0x5c: {  	_ =	shalt  }
0x5d: {  	_ =	shalt  }
0x5e: {  	_ =	shalt  }
0x5f: {  	_ =	shalt  }
0x60: {  	_ =	shalt  }
0x61: {  	_ =	shalt  }
0x62: {  	_ =	shalt  }
0x63: {  	_ =	shalt  }
0x64: {  	_ =	shalt  }
0x65: {  	_ =	shalt  }
0x66: {  	_ =	shalt  }
0x67: {  	_ =	shalt  }
0x68: {  	_ =	shalt  }
0x69: {  	_ =	shalt  }
0x6a: {  	_ =	shalt  }
0x6b: {  	_ =	shalt  }
0x6c: {  	_ =	shalt  }
0x6d: {  	_ =	shalt  }
0x6e: {  	_ =	shalt  }
0x6f: {  	_ =	shalt  }
0x70: {  	_ =	shalt  }
0x71: {  	_ =	shalt  }
0x72: {  	_ =	shalt  }
0x73: {  	_ =	shalt  }
0x74: {  	_ =	shalt  }
0x75: {  	_ =	shalt  }
0x76: {  	_ =	shalt  }
0x77: {  	_ =	shalt  }
0x78: {  	_ =	shalt  }
0x79: {  	_ =	shalt  }
0x7a: {  	_ =	shalt  }
0x7b: {  	_ =	shalt  }
0x7c: {  	_ =	shalt  }
0x7d: {  	_ =	shalt  }
0x7e: {  	_ =	shalt  }
0x7f: {  	_ =	shalt  }
0x80: {  	_ =	shalt  }
0x81: {  	_ =	shalt  }
0x82: {  	_ =	shalt  }
0x83: {  	_ =	shalt  }
0x84: {  	_ =	shalt  }
0x85: {  	_ =	shalt  }
0x86: {  	_ =	shalt  }
0x87: {  	_ =	shalt  }
.Lfunc_end0:
.L_simem_size_0:
called_computation.2_lowered:
.L_overlay_start_0:
0x88: {  	s2 =	sld [smem:$0x3FD9]  }
0x89: {  	s3 =	sld [smem:$0x3FFE];
	_ =	sdelay $0x1  }
0x8a: {  	s1 =	srdreg.scid  }
0x8b: {  	s0 =	sand.u32 $0x1, s1  }
0x8c: {  	s17 =	sshll.u32 s0, $0xA;
	s2 =	sadd.s32 s3, s2  }
0x8d: {  	s2 =	sadd.s32 s2, s17  }
0x8e: {  	[smem:$0x3FB7] =	sst s2  }
0x8f: {  	_ = 	snop  }
0x90: {  	s2 =	sld [smem:$0x3FD0];
	(tm) =	ssettm $0x1  }
0x91: {  	s18 =	sld [smem:$0x3FFB];
	_ =	sdelay $0x3  }
0x92: {  	_ =	strace s18  }
0x93: {  	s3 =	sld [smem:$0x3FFC];
	_ =	sdelay $0x3  }
0x94: {  	_ =	strace s3  }
0x95: {  	s3 =	sld [smem:$0x3FFD];
	_ =	sdelay $0x3  }
0x96: {  	_ =	strace s3  }
0x97: {  	_ =	strace $0x8FFFFFFF  }
0x98: {  	s19 =	sld [smem:$0x3FDB];
	_ =	sdelay $0x1  }
0x99: {  	s4 =	simm.s32 $_scs_section_size  }
0x9a: {  	s5 =	simm.s32 $_size__tile_overlayer_lowered;
	s6 =	simm.s32 $_tile_overlayer_lowered  }
0x9b: {  	s22 =	simm.s32 $0x1BFF;
	s21 =	sshll.u32 s6, $0x1;
	s3 =	sadd.s32 s4, s19  }
0x9c: {  	s7 =	simm.s32 $0x0;
	s20 =	sshll.u32 s5, $0x1;
	s5 =	sadd.s32 s21, s3  }
0x9d: {  	[timem:s7], [sflag:s22] =	dma.local [hbm:s5], s20  }
0x9e: {  	_ =	swait.ge [sflag:s22], s20  }
0x9f: {  	s4 =	ssub.s32 $0x0, s20;
	[sflag:s22] =	ssyncset.done $0x0  }
0xa0: {  	[sflag:s22] =	ssyncadd.s32 s4;
	_ =	sdelay $0x1  }
0xa1: {  	s23 =	simm.s32 $0x1B8B  }
0xa2: {  	_ =	swait.ge [sflag:s23], $0x1  }
0xa3: {  	[sflag:s23] =	ssyncset.done $0x0  }
0xa4: {  	s25 =	simm.s32 $0x1B8E;
	s24 =	sld [smem:$0x3FFE];
	[sflag:s23] =	ssyncadd.s32 $0xFFFFFFFF  }
0xa5: {  	s26 =	simm.s32 $execute0_lowered;
	[smem:$0x3FD2] =	sst s25  }
0xa6: {  	s5 =	sshll.u32 s26, $0x1;
	_ =	strace $0x8000004C;
	[dreg:$0x1] =	wrdreg $0xFFFFFFFF  }
0xa7: {  	s28 =	simm.s32 $_size_execute0_lowered;
	s3 =	sadd.s32 s3, s5;
	[dreg:$0x0] =	wrdreg $0x0  }
0xa8: {  	s5 =	sshll.u32 s28, $0x1;
	[dreg:$0x2] =	wrdreg s3  }
0xa9: {  	[dreg:$0x3] =	wrdreg s5  }
0xaa: {  	[dreg:$0x4] =	wrdreg $0xC0  }
0xab: {  	_ =	task [dreg:s7], $0x5FFFF  }
0xac: {  	[dreg:$0x1] =	wrdreg $0xFFFFFFFF  }
0xad: {  	[dreg:$0x0] =	wrdreg $0x60  }
0xae: {  	[dreg:$0x2] =	wrdreg s24  }
0xaf: {  	[dreg:$0x3] =	wrdreg s2  }
0xb0: {  	[dreg:$0x4] =	wrdreg $0x9  }
0xb1: {  	_ =	task.clear_ibuf [dreg:s7], $0x5FFFF;
	_ =	strace $0x9000004C  }
0xb2: {  	s29 =	simm.s32 $0x9;
	_ =	strace $0x8000004E  }
0xb3: {  	_ =	swait.ge [sflag:s29], $0x1  }
0xb4: {  	[sflag:s29] =	ssyncadd.s32 $0xFFFFFFFF  }
0xb5: {  	_ =	strace $0x9000004E  }
0xb6: {  	_ =	sfence  }
0xb7: {  	s30 =	sld [smem:$0x0];
	_ =	sdelay $0x2  }
0xb8: {  	s31 =	sshll.u32 s1, $0xD;
	s1 =	sshrl.u32 s1, $0x2  }
0xb9: {  	s3 =	sand.u32 $0x4000, s31;
	s1 =	sadd.s32 s1, s30  }
0xba: {  	s0 =	sor.u32 s3, s0;
	s1 =	sshll.u32 s1, $0x11  }
0xbb: {  	s0 =	sor.u32 s1, s0  }
0xbc: {  	s0 =	sadd.s32 $0x8F2B, s0  }
0xbd: {  	[sflag:s0] =	ssyncadd.remote.s32 $0x1  }
0xbe: {  	_ =	sfence.sel $0xFFFF  }
0xbf: {  	[dreg:$0x0] =	wrdreg $0xFFFFFFFF;
	(pc) =	sbr.abs _section_cstart, $3  }
0xc0: {  	[dreg:$0x1] =	wrdreg $0xFFFFFFFF  }
0xc1: {  	_ =	task.clear_ibuf [dreg:s7], $0x2FFFF;
	_ =	strace $0x9FFFFFFF  }
0xc2: {  	(tm) =	ssettm $0x7FFFFFFF  }
0xc3: {  	_ =	shalt  }
tec
execute0_lowered:
.L_overlay_start_1:
0x0: {  	(tag) =	ssettag $0x1  }
0x1: {  	s6 =	rddreg [dreg:$0x0]  }
0x2: {  	s7 =	rddreg [dreg:$0x1]  }
0x3: {  	s0 =	rddreg [dreg:$0x2];
	s2 =	simm.s32 $0x0  }
0x4: {  	s3 =	srdreg.scid;
	s1 =	stileid.u32;
	s13 =	simm.s32 $0x2720  }
0x5: {  	s14 =	simm.s32 $0x400;
	s15 =	simm.s32 $0x2F20;
	s16 =	simm.s32 $0x0  }
0x6: {  	[smem:$0x7FF] =	sst s2;
	s8 =	sand.u32 $0x1, s3;
	s30 =	sshll.u32 s1, $0x1  }
0x7: {  	s3 =	sadd.s32 $0x165400, s6;
	s4 =	sadd.s32 $0x5400, s6;
	s9 =	sor.u32 s8, s30  }
0x8: {  	s5 =	sadd.s32 $0x29DC00, s6;
	s8 =	ssub.s32 $0x2, s8;
	s10 =	smul.u32 $0x4E4, s9  }
0x9: {  	_ =	strace $0x8000004D;
	s31 =	sshrl.u32 s8, $0x1;
	s11 =	sshll.u32 s9, $0x1  }
0xa: {  	s12 =	ssub.s32 s8, s31;
	s10 =	sadd.s32 s10, s6;
	s6 =	sadd.s32 s7, s11  }
0xb: {  	s7 =	smul.u32 $0x4E600, s9;
	s9 =	smax.u32 s12, $0x1;
	s11 =	simm.s32 $0x2  }
0xc: {  	v0 =	vimm.f32 $+Inf;
	s12 =	simm.s32 $0x1;
	s8 =	sadd.s32 $0x13EC00, s10;
	s10 =	simm.s32 $0xAF20  }
.LBB2_1:
0xd: {  	s17 =	simm.s32 $0x80;
	s18 =	simm.s32 $0x0  }
.LBB2_2:
0xe: {  	p0 =	sne.s32 s17, $0x9C00;
	[tilespmem:s18+$0x0] =	vst v0;
	s19 =	smov.u32 s17;
	s17 =	sadd.s32 $0x80, s17  }
.Ltmp0:
0xf: {  	[tilespmem:s18+$0x10] =	vst v0;
	(pc) =	sbr.rel @p0 .LBB2_2-.Ltmp0, $2  }
0x10: {  	_ =	sdelay $0x2  }
0x11: {  	s18 =	sshra.s32 s19, $0x2  }
0x12: {  	[tilespmem:s18+$0x0] =	vst v0  }
0x13: {  	[tilespmem:s18+$0x10] =	vst v0;
	s17 =	simm.s32 $0x0  }
0x14: {  	[tilespmem:s10], [sflag:$0x2] =	stream.linear.gather [hbm4b:s6+s17], $0x10, $0x38;
	[tilespmem:$0xAF30] =	vst v63  }
0x15: {  	_ =	swait.ge [sflag:s11], $0x10  }
0x16: {  	[sflag:s11] =	ssyncset.done $0x0  }
0x17: {  	[sflag:s11] =	ssyncadd.s32 $0xFFFFFFF0  }
0x18: {  	v1 =	vld [tilespmem:$0xAF20];
	_ =	sdelay $0x4  }
0x19: {  	(v2sf) =	vpush v1, $0x0;
	_ =	sdelay $0xe  }
0x1a: {  	s18 =	spop (v2sf)  }
0x1b: {  	s19 =	sadd.s32 $0x3FF, s18  }
0x1c: {  	s20 =	sand.u32 $0x3FF, s19  }
0x1d: {  	s31 =	sshra.s32 s19, $0x1F;
	p1 =	slt.s32 s19, $0x1;
	p0 =	sne.s32 s20, $0x0  }
0x1e: {  	s20 =	sshrl.u32 s31, $0x16;
	p0 =	por !p1, !p0  }
0x1f: {  	s19 =	sadd.s32 s20, s19;
	s20 =	simm.s32 $0x1;
	p0 =	por !p0, !p0  }
0x20: {  	s19 =	sshra.s32 s19, $0xA;
	s20 =	simm.s32 @!p0 $0x0  }
0x21: {  	s19 =	ssub.s32 s19, s20  }
0x22: {  	p0 =	slt.s32 s19, $0x1  }
.Ltmp1:
0x23: {  	_ = 	snop;
	(pc) =	sbr.rel @!p0 .LBB2_4-.Ltmp1, $2  }
0x24: {  	_ =	sdelay $0x2  }
0x25: {  	s20 =	smov.u32 s18  }
.LBB2_9:
0x26: {  	s17 =	simm.s32 $0x0  }
0x27: {  	s18 =	simm.s32 $0x80;
	v1 =	vld [tilespmem:s17+$0x0]  }
.LBB2_10:
0x28: {  	p0 =	sne.s32 s18, $0x9C00;
	v2 =	vld [tilespmem:s17+$0x10];
	_ =	sdelay $0x3  }
0x29: {  	vm0 =	veq.f32 v1, $+Inf  }
0x2a: {  	v1 =	vsel vm0, $0x0, v1;
	vm0 =	veq.f32 v2, $+Inf  }
.Ltmp2:
0x2b: {  	v3 =	vmul.f32 $9.999999770e-03, v1;
	v2 =	vsel vm0, $0x0, v2;
	(pc) =	sbr.rel @p0 .LBB2_10-.Ltmp2, $4  }
0x2c: {  	vm0 =	vge.f32 v1, $0.0e+00;
	v4 =	vmul.f32 $9.999999770e-03, v2  }
0x2d: {  	v1 =	vsel vm0, v1, v3;
	vm0 =	vge.f32 v2, $0.0e+00  }
0x2e: {  	s19 =	sshra.s32 s18, $0x2;
	[tilespmem:s17+$0x0] =	vst v1;
	v2 =	vsel vm0, v2, v4  }
0x2f: {  	s18 =	sadd.s32 $0x80, s18;
	v1 =	vld [tilespmem:s19+$0x0];
	[tilespmem:s17+$0x10] =	vst v2;
	s17 =	smov.u32 s19  }
0x30: {  	v2 =	vld [tilespmem:s17+$0x10];
	_ =	sdelay $0x3  }
0x31: {  	vm0 =	veq.f32 v1, $+Inf  }
0x32: {  	v1 =	vsel vm0, $0x0, v1;
	vm13 =	veq.f32 v2, $+Inf  }
0x33: {  	v3 =	vmul.f32 $9.999999770e-03, v1;
	v2 =	vsel vm13, $0x0, v2  }
0x34: {  	vm14 =	vge.f32 v1, $0.0e+00;
	v4 =	vmul.f32 $9.999999770e-03, v2  }
0x35: {  	vm15 =	vge.f32 v2, $0.0e+00;
	v1 =	vsel vm14, v1, v3  }
0x36: {  	s16 =	sadd.s32 $0x1, s16;
	[tilespmem:s17+$0x0] =	vst v1;
	v1 =	vsel vm15, v2, v4  }
0x37: {  	p0 =	sne.s32 s16, s9;
	[tilespmem:s17+$0x10] =	vst v1  }
0x38: {  	[hbm4b:s8+s2] =	stream.linear.scatter [tilespmem:s2], [sflag:$0x2], $0x2720, $0x38;
	[tilespmem:$0xAF30] =	vst v63  }
.Ltmp3:
0x39: {  	_ = 	snop;
	(pc) =	sbr.rel @p0 .LBB2_1-.Ltmp3, $4  }
.Ltmp4:
0x3a: {  	_ = 	snop;
	(pc) =	sbr.rel @!p0 .LBB2_12-.Ltmp4, $4  }
0x3b: {  	_ =	swait.ge [sflag:s11], $0x2720  }
0x3c: {  	[sflag:s11] =	ssyncset.done $0x0  }
0x3d: {  	[sflag:s11] =	ssyncadd.s32 $0xFFFFD8E0  }
0x3e: {  	_ = 	snop  }
.LBB2_7:
0x3f: {  	[tilespmem:s24+$0x10] =	vst v1  }
.LBB2_8:
0x40: {  	s17 =	sadd.s32 $0x1, s17  }
0x41: {  	p0 =	sne.s32 s17, s19  }
.Ltmp5:
0x42: {  	_ = 	snop;
	(pc) =	sbr.rel @!p0 .LBB2_9-.Ltmp5, $2  }
0x43: {  	_ =	sdelay $0x2  }
0x44: {  	s20 =	sadd.s32 $0xFFFFFC00, s20  }
.LBB2_4:
0x45: {  	s22 =	sshll.u32 s17, $0xA  }
0x46: {  	s21 =	sadd.s32 s7, s22  }
0x47: {  	s21 =	sshrl.u32 s21, $0x3  }
0x48: {  	s23 =	sadd.s32 s4, s21  }
0x49: {  	[tilespmem:s13], [sflag:$0x2] =	stream.linear.gather [hbm4b:s23+s2], $0x400, $0x38;
	[tilespmem:$0xAF30] =	vst v63  }
0x4a: {  	_ =	swait.ge [sflag:s11], $0x400  }
0x4b: {  	[sflag:s11] =	ssyncset.done $0x0  }
0x4c: {  	s31 =	sadd.s32 s5, s21;
	s21 =	simm.s32 $0x2B20;
	[sflag:s11] =	ssyncadd.s32 $0xFFFFFC00  }
0x4d: {  	[tilespmem:s21], [sflag:$0x2] =	stream.linear.gather [hbm4b:s31+s2], $0x400, $0x38;
	[tilespmem:$0xAF30] =	vst v63  }
0x4e: {  	s22 =	ssub.s32 s18, s22;
	_ =	swait.ge [sflag:s11], $0x400  }
0x4f: {  	p0 =	slt.s32 s22, $0x1;
	[sflag:s11] =	ssyncset.done $0x0  }
.Ltmp6:
0x50: {  	[sflag:s11] =	ssyncadd.s32 $0xFFFFFC00;
	(pc) =	sbr.rel @p0 .LBB2_8-.Ltmp6, $4  }
0x51: {  	[tilespmem:s15], [sflag:$0x1] =	stream.indirect.gather [hbm4b:s3+s14], $0x20, s13, s14, $0xb8;
	[tilespmem:$0xAF30] =	vst v63  }
0x52: {  	_ =	swait.ge [sflag:s12], $0x8000  }
0x53: {  	[sflag:s12] =	ssyncset.done $0x0  }
0x54: {  	[sflag:s12] =	ssyncadd.s32 $0xFFFF8000  }
0x55: {  	v1 =	vld [tilespmem:s21+$0x0];
	_ =	sdelay $0x4  }
0x56: {  	(v2sf) =	vpush v1, $0x0;
	_ =	sdelay $0xe  }
0x57: {  	s23 =	spop (v2sf)  }
0x58: {  	s22 =	simm.s32 $0x2F30;
	s23 =	sshll.u32 s23, $0x7  }
0x59: {  	v1 =	vld [tilespmem:s22+$0xFFFFFFF0];
	s24 =	sshra.s32 s23, $0x2  }
0x5a: {  	v2 =	vld [tilespmem:s24+$0x0];
	_ =	sdelay $0x3  }
0x5b: {  	p0 =	sgt.s32 s20, $0x1;
	s23 =	smov.u32 s20  }
0x5c: {  	s23 =	simm.s32 @!p0 $0x1;
	v1 =	vmin.f32 v2, v1  }
0x5d: {  	s23 =	smin.u32 s23, $0x400;
	[tilespmem:s24+$0x0] =	vst v1;
	v1 =	vld [tilespmem:s24+$0x10]  }
0x5e: {  	p0 =	sne.s32 s23, $0x1;
	v2 =	vld [tilespmem:s22+$0x0]  }
.Ltmp7:
0x5f: {  	_ = 	snop;
	(pc) =	sbr.rel @!p0 .LBB2_7-.Ltmp7, $2  }
0x60: {  	_ =	sdelay $0x2  }
0x61: {  	s23 =	sadd.s32 $0xFFFFFFFF, s23;
	v1 =	vmin.f32 v1, v2  }
.LBB2_6:
0x62: {  	p0 =	sne.s32 s23, $0x1;
	[tilespmem:s24+$0x10] =	vst v1;
	s21 =	sadd.s32 $0x1, s21;
	s22 =	sadd.s32 $0x20, s22  }
0x63: {  	s23 =	sadd.s32 $0xFFFFFFFF, s23;
	v1 =	vld [tilespmem:s21+$0x0];
	_ =	sdelay $0x4  }
0x64: {  	(v2sf) =	vpush v1, $0x0;
	_ =	sdelay $0xe  }
0x65: {  	s24 =	spop (v2sf)  }
0x66: {  	s24 =	sshll.u32 s24, $0x7  }
0x67: {  	s24 =	sshra.s32 s24, $0x2;
	v1 =	vld [tilespmem:s22+$0xFFFFFFF0]  }
0x68: {  	v2 =	vld [tilespmem:s24+$0x0];
	_ =	sdelay $0x4  }
0x69: {  	v1 =	vmin.f32 v2, v1  }
0x6a: {  	[tilespmem:s24+$0x0] =	vst v1;
	v1 =	vld [tilespmem:s24+$0x10]  }
0x6b: {  	v2 =	vld [tilespmem:s22+$0x0]  }
.Ltmp8:
0x6c: {  	(pc) =	sbr.rel @p0 .LBB2_6-.Ltmp8, $2  }
0x6d: {  	_ =	sdelay $0x2  }
0x6e: {  	v1 =	vmin.f32 v1, v2  }
.Ltmp9:
0x6f: {  	_ = 	snop;
	(pc) =	sbr.rel .LBB2_7-.Ltmp9, $1  }
0x70: {  	_ =	sdelay $0x3  }
.LBB2_12:
0x71: {  	_ =	sfence.sel $0x180000  }
0x72: {  	[bflag:$0x0] =	sbarrier.arrive $0xFFFF  }
0x73: {  	p0 =	sne.s32 s1, $0x0;
	_ =	strace $0x9000004D  }
0x74: {  	s0 =	sadd.s32 @!p0 $0x100000, s0;
	[bflag:$0x2] =	sbarrier.arrive $0xFFFF  }
0x75: {  	[sflag:s0] =	ssyncadd.tile.s32 @!p0 $0x1;
	_ =	shalt  }
.Lfunc_end2:
_tile_overlayer_lowered:
.L_overlay_start_2:
0x76: {  	(tag) =	ssettag $0x2  }
0x77: {  	s0 =	rddreg [dreg:$0x0];
	s2 =	stileid.u32  }
0x78: {  	s1 =	rddreg [dreg:$0x1];
	p0 =	sne.s32 s2, $0x0  }
0x79: {  	s3 =	rddreg [dreg:$0x2];
	[bflag:$0x3] =	sbarrier.arrive $0xFFFF;
	s2 =	simm.s32 @!p0 $0x1C02  }
0x7a: {  	[timem:s3], [sflag:s2] =	dma.local @!p0 [hbm:s0], s1  }
0x7b: {  	s0 =	simm.s32 @!p0 $0x2  }
0x7c: {  	_ =	swait.ge @!p0 [sflag:s0], s1  }
0x7d: {  	s1 =	ssub.s32 @!p0 $0x0, s1;
	[sflag:s0] =	ssyncset.done @!p0 $0x0  }
0x7e: {  	[sflag:s0] =	ssyncadd.s32 @!p0 s1  }
0x7f: {  	[bflag:$0x3] =	sbarrier.arrive $0xFFFF  }
0x80: {  	_ =	shalt  }

// kernel: kernel.26.cloned.1.call-start
scs
__scs_entry_jumppad:
0x0: {  	(pc) =	sbr.rel $0x88, $3  }
0x1: {  	(tag) =	ssettag $0x0;
	lr =	simm.s32 $0x1  }
0x2: {  	[smem:$0x3F90] =	sst lr;
	_ =	strace $0xD0000000  }
0x3: {  	_ = 	snop  }
0x4: {  	_ = 	snop  }
0x5: {  	_ = 	snop  }
0x6: {  	_ = 	snop  }
0x7: {  	_ = 	snop  }
__scs_overlays_trampoline_lowered:
0x8: {  	[smem:$0x3F9F] =	sst s0  }
0x9: {  	[smem:$0x3FA0] =	sst s1  }
0xa: {  	[smem:$0x3FA1] =	sst s2  }
0xb: {  	[smem:$0x3FA2] =	sst s3  }
0xc: {  	[smem:$0x3FA3] =	sst s4  }
0xd: {  	[smem:$0x3FA4] =	sst s5  }
0xe: {  	[smem:$0x3FA5] =	sst s6  }
0xf: {  	[smem:$0x3FA6] =	sst s7  }
0x10: {  	[smem:$0x3FA7] =	sst s8  }
0x11: {  	[smem:$0x3FA8] =	sst s9;
	s0 =	simm.s32 @!p0 $0x0  }
0x12: {  	s1 =	sld [smem:$0x3F8E];
	s0 =	simm.s32 @p0 $0x1  }
0x13: {  	[smem:$0x3FA9] =	sst s0;
	s0 =	simm.s32 @!p1 $0x0  }
0x14: {  	s2 =	sld [smem:$0x3F8D];
	s0 =	simm.s32 @p1 $0x1  }
0x15: {  	[smem:$0x3FAA] =	sst s0;
	s0 =	simm.s32 @!p2 $0x0  }
0x16: {  	s3 =	sld [smem:$0x3FDB];
	s0 =	simm.s32 @p2 $0x1  }
0x17: {  	s4 =	simm.s32 $0x1BF5;
	[smem:$0x3FAC] =	sst s0  }
0x18: {  	s0 =	sld [smem:$0x3F8F];
	_ =	swait.ge [sflag:s4], $0x0  }
0x19: {  	s7 =	sld [smem:$0x3F90]  }
0x1a: {  	s8 =	sadd.s32 $0xFFFFE003, lr  }
0x1b: {  	s9 =	sadd.s32 $0xFFFFFEF7, lr;
	s5 =	simm.s32 $0xFFFFFFFF;
	p2 =	slt.u32 s8, $0xFFFFF086  }
0x1c: {  	p1 =	slt.u32 s9, $0xF7A;
	s5 =	simm.s32 @!p2 $0x0  }
0x1d: {  	s5 =	simm.s32 @p1 $0x1;
	p0 =	seq.s32 s7, s2  }
0x1e: {  	s7 =	smul.u32 @!p0 $0xF7A, s2;
	p2 =	seq.s32 @!p0 s5, $0x0  }
0x1f: {  	s9 =	smul.u32 $0xF7A, s1;
	s8 =	simm.s32 @!p0 $0x1BF5;
	p2 =	por !p2, p0  }
0x20: {  	[sflag:s8] =	ssyncset.s32 @!p0 $0xFFFFF086;
	s6 =	sadd.s32 @!p0 s3, s7;
	s7 =	simm.s32 @!p0 $0x108  }
0x21: {  	s3 =	sadd.s32 s3, s9;
	s6 =	sadd.s32 @!p0 $0x88, s6;
	s7 =	simm.s32 @p2 $0x1082  }
0x22: {  	[simem:s7], [sflag:s8] =	dma.local @!p0 [hbm:s6], $0xF7A  }
0x23: {  	s9 =	sor.u32 $0xD0000000, s2;
	s6 =	simm.s32 $0x108;
	_ =	swait.ge @!p0 [sflag:s8], $0x0  }
0x24: {  	s3 =	sadd.s32 $0x88, s3;
	s6 =	simm.s32 @!p1 $0x1082;
	[sflag:s4] =	ssyncset.s32 $0xFFFFF086  }
0x25: {  	[simem:s6], [sflag:s4] =	dma.local [hbm:s3], $0xF7A  }
0x26: {  	[smem:$0x3F90] =	sst s1;
	(tag) =	ssettag s2;
	_ =	strace s9  }
0x27: {  	s1 =	sld [smem:$0x3FA0]  }
0x28: {  	s2 =	sld [smem:$0x3FA1]  }
0x29: {  	s4 =	sld [smem:$0x3FA3]  }
0x2a: {  	p0 =	seq.s32 s5, $0x0;
	s5 =	sld [smem:$0x3FA4]  }
0x2b: {  	s6 =	sld [smem:$0x3FA5]  }
0x2c: {  	s7 =	sld [smem:$0x3FA6]  }
0x2d: {  	s3 =	simm.s32 $0x108;
	s8 =	sld [smem:$0x3FA7]  }
0x2e: {  	s3 =	simm.s32 @!p0 $0x1082;
	s9 =	sld [smem:$0x3FA8]  }
0x2f: {  	lr =	sadd.s32 s0, s3;
	s0 =	sld [smem:$0x3F9F]  }
0x30: {  	s3 =	sld [smem:$0x3FA2]  }
0x31: {  	[smem:$0x3FAB] =	sst s10  }
0x32: {  	s10 =	sld [smem:$0x3FA9];
	_ =	sdelay $0x3  }
0x33: {  	p0 =	seq.s32 s10, $0x1;
	s10 =	sld [smem:$0x3FAB];
	_ =	sdelay $0x3  }
0x34: {  	[smem:$0x3FAB] =	sst s10  }
0x35: {  	s10 =	sld [smem:$0x3FAA];
	_ =	sdelay $0x3  }
0x36: {  	p1 =	seq.s32 s10, $0x1;
	s10 =	sld [smem:$0x3FAB];
	_ =	sdelay $0x3  }
0x37: {  	[smem:$0x3FAB] =	sst s10  }
0x38: {  	s10 =	sld [smem:$0x3FAC]  }
0x39: {  	_ = 	snop;
	(pc) =	sbr.ind lr, $3  }
0x3a: {  	_ = 	snop  }
0x3b: {  	_ = 	snop  }
0x3c: {  	p2 =	seq.s32 s10, $0x1;
	s10 =	sld [smem:$0x3FAB]  }
0x3d: {  	_ =	shalt  }
0x3e: {  	_ =	shalt  }
0x3f: {  	_ =	shalt  }
0x40: {  	_ =	shalt  }
0x41: {  	_ =	shalt  }
0x42: {  	_ =	shalt  }
0x43: {  	_ =	shalt  }
0x44: {  	_ =	shalt  }
0x45: {  	_ =	shalt  }
0x46: {  	_ =	shalt  }
0x47: {  	_ =	shalt  }
0x48: {  	_ =	shalt  }
0x49: {  	_ =	shalt  }
0x4a: {  	_ =	shalt  }
0x4b: {  	_ =	shalt  }
0x4c: {  	_ =	shalt  }
0x4d: {  	_ =	shalt  }
0x4e: {  	_ =	shalt  }
0x4f: {  	_ =	shalt  }
0x50: {  	_ =	shalt  }
0x51: {  	_ =	shalt  }
0x52: {  	_ =	shalt  }
0x53: {  	_ =	shalt  }
0x54: {  	_ =	shalt  }
0x55: {  	_ =	shalt  }
0x56: {  	_ =	shalt  }
0x57: {  	_ =	shalt  }
0x58: {  	_ =	shalt  }
0x59: {  	_ =	shalt  }
0x5a: {  	_ =	shalt  }
0x5b: {  	_ =	shalt  }
0x5c: {  	_ =	shalt  }
0x5d: {  	_ =	shalt  }
0x5e: {  	_ =	shalt  }
0x5f: {  	_ =	shalt  }
0x60: {  	_ =	shalt  }
0x61: {  	_ =	shalt  }
0x62: {  	_ =	shalt  }
0x63: {  	_ =	shalt  }
0x64: {  	_ =	shalt  }
0x65: {  	_ =	shalt  }
0x66: {  	_ =	shalt  }
0x67: {  	_ =	shalt  }
0x68: {  	_ =	shalt  }
0x69: {  	_ =	shalt  }
0x6a: {  	_ =	shalt  }
0x6b: {  	_ =	shalt  }
0x6c: {  	_ =	shalt  }
0x6d: {  	_ =	shalt  }
0x6e: {  	_ =	shalt  }
0x6f: {  	_ =	shalt  }
0x70: {  	_ =	shalt  }
0x71: {  	_ =	shalt  }
0x72: {  	_ =	shalt  }
0x73: {  	_ =	shalt  }
0x74: {  	_ =	shalt  }
0x75: {  	_ =	shalt  }
0x76: {  	_ =	shalt  }
0x77: {  	_ =	shalt  }
0x78: {  	_ =	shalt  }
0x79: {  	_ =	shalt  }
0x7a: {  	_ =	shalt  }
0x7b: {  	_ =	shalt  }
0x7c: {  	_ =	shalt  }
0x7d: {  	_ =	shalt  }
0x7e: {  	_ =	shalt  }
0x7f: {  	_ =	shalt  }
0x80: {  	_ =	shalt  }
0x81: {  	_ =	shalt  }
0x82: {  	_ =	shalt  }
0x83: {  	_ =	shalt  }
0x84: {  	_ =	shalt  }
0x85: {  	_ =	shalt  }
0x86: {  	_ =	shalt  }
0x87: {  	_ =	shalt  }
.Lfunc_end0:
.L_simem_size_0:
called_computation.3_lowered:
.L_overlay_start_0:
0x88: {  	s2 =	sld [smem:$0x3FD9]  }
0x89: {  	s3 =	sld [smem:$0x3FFE];
	_ =	sdelay $0x1  }
0x8a: {  	s1 =	srdreg.scid  }
0x8b: {  	s0 =	sand.u32 $0x1, s1  }
0x8c: {  	s16 =	sshll.u32 s0, $0xA;
	s2 =	sadd.s32 s3, s2  }
0x8d: {  	s2 =	sadd.s32 s2, s16  }
0x8e: {  	[smem:$0x3FB7] =	sst s2  }
0x8f: {  	_ = 	snop  }
0x90: {  	(tm) =	ssettm $0x1  }
0x91: {  	s17 =	sld [smem:$0x3FFB];
	_ =	sdelay $0x3  }
0x92: {  	_ =	strace s17  }
0x93: {  	s2 =	sld [smem:$0x3FFC];
	_ =	sdelay $0x3  }
0x94: {  	_ =	strace s2  }
0x95: {  	s2 =	sld [smem:$0x3FFD];
	_ =	sdelay $0x3  }
0x96: {  	_ =	strace s2  }
0x97: {  	_ =	strace $0x8FFFFFFF  }
0x98: {  	s18 =	sld [smem:$0x3FDB];
	_ =	sdelay $0x1  }
0x99: {  	s19 =	simm.s32 $_scs_section_size  }
0x9a: {  	s4 =	simm.s32 $_size__tile_overlayer_lowered;
	s5 =	simm.s32 $_tile_overlayer_lowered  }
0x9b: {  	s22 =	simm.s32 $0x1BFF;
	s21 =	sshll.u32 s5, $0x1;
	s2 =	sadd.s32 s19, s18  }
0x9c: {  	s6 =	simm.s32 $0x0;
	s20 =	sshll.u32 s4, $0x1;
	s4 =	sadd.s32 s21, s2  }
0x9d: {  	[timem:s6], [sflag:s22] =	dma.local [hbm:s4], s20  }
0x9e: {  	_ =	swait.ge [sflag:s22], s20  }
0x9f: {  	s3 =	ssub.s32 $0x0, s20;
	[sflag:s22] =	ssyncset.done $0x0  }
0xa0: {  	[sflag:s22] =	ssyncadd.s32 s3;
	_ =	sdelay $0x1  }
0xa1: {  	s23 =	simm.s32 $0x1B8B  }
0xa2: {  	_ =	swait.ge [sflag:s23], $0x1  }
0xa3: {  	[sflag:s23] =	ssyncset.done $0x0  }
0xa4: {  	s25 =	simm.s32 $0x1B8E;
	s24 =	sld [smem:$0x3FFE];
	[sflag:s23] =	ssyncadd.s32 $0xFFFFFFFF  }
0xa5: {  	s26 =	simm.s32 $execute0_lowered;
	[smem:$0x3FD2] =	sst s25  }
0xa6: {  	s4 =	sshll.u32 s26, $0x1;
	_ =	strace $0x8000004F;
	[dreg:$0x1] =	wrdreg $0xFFFFFFFF  }
0xa7: {  	s28 =	simm.s32 $_size_execute0_lowered;
	s2 =	sadd.s32 s2, s4;
	[dreg:$0x0] =	wrdreg $0x0  }
0xa8: {  	s4 =	sshll.u32 s28, $0x1;
	[dreg:$0x2] =	wrdreg s2  }
0xa9: {  	[dreg:$0x3] =	wrdreg s4  }
0xaa: {  	[dreg:$0x4] =	wrdreg $0xC0  }
0xab: {  	_ =	task [dreg:s6], $0x5FFFF  }
0xac: {  	[dreg:$0x1] =	wrdreg $0xFFFFFFFF  }
0xad: {  	[dreg:$0x0] =	wrdreg $0x60  }
0xae: {  	[dreg:$0x2] =	wrdreg s24  }
0xaf: {  	[dreg:$0x3] =	wrdreg $0x9  }
0xb0: {  	_ =	task.clear_ibuf [dreg:s6], $0x4FFFF;
	_ =	strace $0x9000004F  }
0xb1: {  	s29 =	simm.s32 $0x9;
	_ =	strace $0x80000051  }
0xb2: {  	_ =	swait.ge [sflag:s29], $0x1  }
0xb3: {  	[sflag:s29] =	ssyncadd.s32 $0xFFFFFFFF  }
0xb4: {  	_ =	strace $0x90000051  }
0xb5: {  	_ =	sfence  }
0xb6: {  	s30 =	sld [smem:$0x0];
	_ =	sdelay $0x2  }
0xb7: {  	s31 =	sshll.u32 s1, $0xD;
	s1 =	sshrl.u32 s1, $0x2  }
0xb8: {  	s3 =	sand.u32 $0x4000, s31;
	s1 =	sadd.s32 s1, s30  }
0xb9: {  	s0 =	sor.u32 s3, s0;
	s1 =	sshll.u32 s1, $0x11  }
0xba: {  	s0 =	sor.u32 s1, s0  }
0xbb: {  	s0 =	sadd.s32 $0x8F2B, s0  }
0xbc: {  	[sflag:s0] =	ssyncadd.remote.s32 $0x1  }
0xbd: {  	_ =	sfence.sel $0xFFFF  }
0xbe: {  	[dreg:$0x0] =	wrdreg $0xFFFFFFFF;
	(pc) =	sbr.abs _section_cstart, $3  }
0xbf: {  	[dreg:$0x1] =	wrdreg $0xFFFFFFFF  }
0xc0: {  	_ =	task.clear_ibuf [dreg:s6], $0x2FFFF;
	_ =	strace $0x9FFFFFFF  }
0xc1: {  	(tm) =	ssettm $0x7FFFFFFF  }
tec
execute0_lowered:
.L_overlay_start_1:
0x0: {  	(tag) =	ssettag $0x1  }
0x1: {  	s8 =	rddreg [dreg:$0x0]  }
0x2: {  	s0 =	rddreg [dreg:$0x1]  }
0x3: {  	s1 =	simm.s32 $0x0;
	s6 =	srdreg.scid;
	s2 =	stileid.u32  }
0x4: {  	s13 =	simm.s32 $0x7D0;
	s14 =	simm.s32 $0x84D0;
	s15 =	simm.s32 $0x101D0  }
0x5: {  	s16 =	simm.s32 $0x1;
	s17 =	simm.s32 $0x2;
	[smem:$0x7FF] =	sst s1  }
0x6: {  	s18 =	simm.s32 $0x0;
	s3 =	sadd.s32 $0x13EC00, s8;
	s4 =	sadd.s32 $0x165400, s8  }
0x7: {  	s5 =	sadd.s32 $0x3D7400, s8;
	s9 =	sand.u32 $0x1, s6;
	s6 =	sadd.s32 $0x15B600, s8  }
0x8: {  	s11 =	sshll.u32 s2, $0x1;
	s7 =	sadd.s32 $0x151800, s8;
	s10 =	ssub.s32 $0x2, s9  }
0x9: {  	s8 =	sadd.s32 $0x50FC00, s8;
	_ =	strace $0x80000050;
	s12 =	sshrl.u32 s10, $0x1  }
0xa: {  	s9 =	sor.u32 s9, s11;
	s11 =	simm.s32 $0x3E8;
	s10 =	ssub.s32 s10, s12  }
0xb: {  	s9 =	smul.u32 $0x2710, s9;
	s12 =	simm.s32 $0x3;
	s10 =	smax.u32 s10, $0x1  }
.LBB2_1:
0xc: {  	s19 =	simm.s32 $0x0  }
.LBB2_2:
0xd: {  	s20 =	smul.u32 $0x3E8, s19;
	_ =	sdelay $0x1  }
0xe: {  	s20 =	sadd.s32 s9, s20  }
0xf: {  	s21 =	sshrl.u32 s20, $0x3  }
0x10: {  	s22 =	sadd.s32 s7, s21  }
0x11: {  	[tilespmem:s11], [sflag:$0x3] =	stream.linear.gather [hbm4b:s22+s1], $0x3E8, $0x38;
	[tilespmem:$0x17ED0] =	vst v63  }
0x12: {  	_ =	swait.ge [sflag:s12], $0x3E8  }
0x13: {  	[sflag:s12] =	ssyncset.done $0x0  }
0x14: {  	s21 =	sadd.s32 s6, s21;
	[sflag:s12] =	ssyncadd.s32 $0xFFFFFC18  }
0x15: {  	[tilespmem:s1], [sflag:$0x3] =	stream.linear.gather [hbm4b:s21+s1], $0x3E8, $0x38;
	[tilespmem:$0x17ED0] =	vst v63  }
0x16: {  	_ =	swait.ge [sflag:s12], $0x3E8  }
0x17: {  	[sflag:s12] =	ssyncset.done $0x0  }
0x18: {  	[sflag:s12] =	ssyncadd.s32 $0xFFFFFC18  }
0x19: {  	[tilespmem:s13], [sflag:$0x1] =	stream.indirect.gather [hbm4b:s3+s11], $0x20, s11, s11, $0xb8;
	[tilespmem:$0x17ED0] =	vst v63  }
0x1a: {  	s20 =	sshll.u32 s20, $0x2  }
0x1b: {  	[tilespmem:s14], [sflag:$0x2] =	stream.indirect.gather [hbm4b:s4+s11], $0x20, s1, s11, $0xb8;
	[tilespmem:$0x17ED0] =	vst v63  }
0x1c: {  	s31 =	sadd.s32 s5, s20  }
0x1d: {  	[tilespmem:s15], [sflag:$0x3] =	stream.linear.gather [hbm4b:s31+s1], $0x7D00, $0x38;
	[tilespmem:$0x17ED0] =	vst v63  }
0x1e: {  	_ =	swait.ge [sflag:s12], $0x7D00  }
0x1f: {  	[sflag:s12] =	ssyncset.done $0x0  }
0x20: {  	[sflag:s12] =	ssyncadd.s32 $0xFFFF8300  }
0x21: {  	_ =	swait.ge [sflag:s16], $0x7D00  }
0x22: {  	[sflag:s16] =	ssyncset.done $0x0  }
0x23: {  	[sflag:s16] =	ssyncadd.s32 $0xFFFF8300  }
0x24: {  	_ =	swait.ge [sflag:s17], $0x7D00  }
0x25: {  	[sflag:s17] =	ssyncset.done $0x0  }
0x26: {  	s23 =	simm.s32 $0x7F0;
	[sflag:s17] =	ssyncadd.s32 $0xFFFF8300  }
0x27: {  	s21 =	simm.s32 $0x84F0;
	v0 =	vld [tilespmem:s23+$0xFFFFFFE0]  }
0x28: {  	v1 =	vld [tilespmem:s21+$0xFFFFFFE0]  }
0x29: {  	s22 =	simm.s32 $0x101F0  }
0x2a: {  	v2 =	vld [tilespmem:s22+$0xFFFFFFE0];
	_ =	sdelay $0x2  }
0x2b: {  	v0 =	vadd.f32 v1, v0;
	_ =	sdelay $0x1  }
0x2c: {  	v0 =	vadd.f32 v2, v0;
	_ =	sdelay $0x1  }
0x2d: {  	[tilespmem:s22+$0xFFFFFFE0] =	vst v0  }
0x2e: {  	v0 =	vld [tilespmem:s23+$0xFFFFFFF0]  }
0x2f: {  	v1 =	vld [tilespmem:s21+$0xFFFFFFF0];
	_ =	sdelay $0x1  }
0x30: {  	v2 =	vld [tilespmem:s22+$0xFFFFFFF0];
	_ =	sdelay $0x2  }
0x31: {  	v0 =	vadd.f32 v1, v0;
	_ =	sdelay $0x1  }
0x32: {  	v0 =	vadd.f32 v2, v0;
	_ =	sdelay $0x1  }
0x33: {  	[tilespmem:s22+$0xFFFFFFF0] =	vst v0  }
0x34: {  	v0 =	vld [tilespmem:s23+$0x0]  }
0x35: {  	v1 =	vld [tilespmem:s21+$0x0];
	_ =	sdelay $0x1  }
0x36: {  	v2 =	vld [tilespmem:s22+$0x0];
	_ =	sdelay $0x2  }
0x37: {  	v0 =	vadd.f32 v1, v0;
	_ =	sdelay $0x1  }
0x38: {  	v0 =	vadd.f32 v2, v0;
	_ =	sdelay $0x1  }
0x39: {  	[tilespmem:s22+$0x0] =	vst v0  }
0x3a: {  	v1 =	vld [tilespmem:s23+$0x10]  }
0x3b: {  	v2 =	vld [tilespmem:s21+$0x10];
	_ =	sdelay $0x1  }
0x3c: {  	v0 =	vld [tilespmem:s22+$0x10];
	_ =	sdelay $0x2  }
0x3d: {  	s25 =	simm.s32 $0x830;
	s24 =	simm.s32 $0x101F0;
	s23 =	simm.s32 $0x0;
	v1 =	vadd.f32 v2, v1  }
.LBB2_3:
0x3e: {  	s23 =	sadd.s32 $0x2, s23;
	s22 =	sadd.s32 $0x40, s22;
	s21 =	sadd.s32 $0x40, s21  }
0x3f: {  	p0 =	slt.u32 s23, $0x3E6;
	v0 =	vadd.f32 v0, v1;
	_ =	sdelay $0x1  }
0x40: {  	[tilespmem:s24+$0x10] =	vst v0;
	s24 =	smov.u32 s22  }
0x41: {  	v0 =	vld [tilespmem:s25+$0xFFFFFFE0]  }
0x42: {  	v1 =	vld [tilespmem:s21+$0xFFFFFFE0];
	_ =	sdelay $0x1  }
0x43: {  	v2 =	vld [tilespmem:s22+$0xFFFFFFE0];
	_ =	sdelay $0x2  }
0x44: {  	v0 =	vadd.f32 v1, v0;
	_ =	sdelay $0x1  }
0x45: {  	v0 =	vadd.f32 v2, v0;
	_ =	sdelay $0x1  }
0x46: {  	[tilespmem:s22+$0xFFFFFFE0] =	vst v0  }
0x47: {  	v0 =	vld [tilespmem:s25+$0xFFFFFFF0]  }
0x48: {  	v1 =	vld [tilespmem:s21+$0xFFFFFFF0]  }
0x49: {  	v2 =	vld [tilespmem:s22+$0xFFFFFFF0];
	_ =	sdelay $0x3  }
0x4a: {  	v0 =	vadd.f32 v1, v0;
	_ =	sdelay $0x1  }
0x4b: {  	v0 =	vadd.f32 v2, v0;
	_ =	sdelay $0x1  }
0x4c: {  	[tilespmem:s22+$0xFFFFFFF0] =	vst v0;
	v0 =	vld [tilespmem:s22+$0x0]  }
0x4d: {  	v1 =	vld [tilespmem:s25+$0x0]  }
0x4e: {  	v2 =	vld [tilespmem:s21+$0x0];
	_ =	sdelay $0x4  }
0x4f: {  	v1 =	vadd.f32 v2, v1;
	_ =	sdelay $0x1  }
0x50: {  	v0 =	vadd.f32 v0, v1;
	_ =	sdelay $0x1  }
0x51: {  	[tilespmem:s22+$0x0] =	vst v0;
	v0 =	vld [tilespmem:s22+$0x10]  }
0x52: {  	v1 =	vld [tilespmem:s25+$0x10]  }
0x53: {  	v2 =	vld [tilespmem:s21+$0x10]  }
.Ltmp0:
0x54: {  	(pc) =	sbr.rel @p0 .LBB2_3-.Ltmp0, $2  }
0x55: {  	_ =	sdelay $0x2  }
0x56: {  	s25 =	sadd.s32 $0x40, s25;
	v1 =	vadd.f32 v2, v1  }
0x57: {  	_ = 	snop  }
0x58: {  	s19 =	sadd.s32 $0x1, s19;
	v0 =	vadd.f32 v0, v1  }
0x59: {  	p0 =	sne.s32 s19, $0xA  }
.Ltmp1:
0x5a: {  	s20 =	sadd.s32 s8, s20;
	[tilespmem:s24+$0x10] =	vst v0;
	(pc) =	sbr.rel @p0 .LBB2_2-.Ltmp1, $4  }
0x5b: {  	[hbm4b:s20+s1] =	stream.linear.scatter [tilespmem:s15], [sflag:$0x3], $0x7D00, $0x38;
	[tilespmem:$0x17ED0] =	vst v63  }
0x5c: {  	_ =	swait.ge [sflag:s12], $0x7D00  }
0x5d: {  	[sflag:s12] =	ssyncset.done $0x0  }
0x5e: {  	[sflag:s12] =	ssyncadd.s32 $0xFFFF8300  }
0x5f: {  	s18 =	sadd.s32 $0x1, s18  }
0x60: {  	p0 =	sne.s32 s18, s10  }
.Ltmp2:
0x61: {  	_ = 	snop;
	(pc) =	sbr.rel @p0 .LBB2_1-.Ltmp2, $1  }
0x62: {  	_ =	sdelay $0x3  }
0x63: {  	_ =	sfence.sel $0x180000  }
0x64: {  	[bflag:$0x0] =	sbarrier.arrive $0xFFFF  }
0x65: {  	p0 =	sne.s32 s2, $0x0;
	_ =	strace $0x90000050  }
0x66: {  	s0 =	sadd.s32 @!p0 $0x100000, s0;
	[bflag:$0x2] =	sbarrier.arrive $0xFFFF  }
0x67: {  	[sflag:s0] =	ssyncadd.tile.s32 @!p0 $0x1;
	_ =	shalt  }
.Lfunc_end2:
_tile_overlayer_lowered:
.L_overlay_start_2:
0x68: {  	(tag) =	ssettag $0x2  }
0x69: {  	s0 =	rddreg [dreg:$0x0];
	s2 =	stileid.u32  }
0x6a: {  	s1 =	rddreg [dreg:$0x1];
	p0 =	sne.s32 s2, $0x0  }
0x6b: {  	s3 =	rddreg [dreg:$0x2];
	[bflag:$0x3] =	sbarrier.arrive $0xFFFF;
	s2 =	simm.s32 @!p0 $0x1C03  }
0x6c: {  	[timem:s3], [sflag:s2] =	dma.local @!p0 [hbm:s0], s1  }
0x6d: {  	s0 =	simm.s32 @!p0 $0x3  }
0x6e: {  	_ =	swait.ge @!p0 [sflag:s0], s1  }
0x6f: {  	s1 =	ssub.s32 @!p0 $0x0, s1;
	[sflag:s0] =	ssyncset.done @!p0 $0x0  }
0x70: {  	[sflag:s0] =	ssyncadd.s32 @!p0 s1  }
0x71: {  	[bflag:$0x3] =	sbarrier.arrive $0xFFFF  }
0x72: {  	_ =	shalt  }

// kernel: kernel.29.cloned.1.call-start
scs
__scs_entry_jumppad:
0x0: {  	(pc) =	sbr.rel $0x88, $3  }
0x1: {  	(tag) =	ssettag $0x0;
	lr =	simm.s32 $0x1  }
0x2: {  	[smem:$0x3F90] =	sst lr;
	_ =	strace $0xD0000000  }
0x3: {  	_ = 	snop  }
0x4: {  	_ = 	snop  }
0x5: {  	_ = 	snop  }
0x6: {  	_ = 	snop  }
0x7: {  	_ = 	snop  }
__scs_overlays_trampoline_lowered:
0x8: {  	[smem:$0x3F9F] =	sst s0  }
0x9: {  	[smem:$0x3FA0] =	sst s1  }
0xa: {  	[smem:$0x3FA1] =	sst s2  }
0xb: {  	[smem:$0x3FA2] =	sst s3  }
0xc: {  	[smem:$0x3FA3] =	sst s4  }
0xd: {  	[smem:$0x3FA4] =	sst s5  }
0xe: {  	[smem:$0x3FA5] =	sst s6  }
0xf: {  	[smem:$0x3FA6] =	sst s7  }
0x10: {  	[smem:$0x3FA7] =	sst s8  }
0x11: {  	[smem:$0x3FA8] =	sst s9;
	s0 =	simm.s32 @!p0 $0x0  }
0x12: {  	s1 =	sld [smem:$0x3F8E];
	s0 =	simm.s32 @p0 $0x1  }
0x13: {  	[smem:$0x3FA9] =	sst s0;
	s0 =	simm.s32 @!p1 $0x0  }
0x14: {  	s2 =	sld [smem:$0x3F8D];
	s0 =	simm.s32 @p1 $0x1  }
0x15: {  	[smem:$0x3FAA] =	sst s0;
	s0 =	simm.s32 @!p2 $0x0  }
0x16: {  	s3 =	sld [smem:$0x3FDB];
	s0 =	simm.s32 @p2 $0x1  }
0x17: {  	s4 =	simm.s32 $0x1BF5;
	[smem:$0x3FAC] =	sst s0  }
0x18: {  	s0 =	sld [smem:$0x3F8F];
	_ =	swait.ge [sflag:s4], $0x0  }
0x19: {  	s7 =	sld [smem:$0x3F90]  }
0x1a: {  	s8 =	sadd.s32 $0xFFFFE003, lr  }
0x1b: {  	s9 =	sadd.s32 $0xFFFFFEF7, lr;
	s5 =	simm.s32 $0xFFFFFFFF;
	p2 =	slt.u32 s8, $0xFFFFF086  }
0x1c: {  	p1 =	slt.u32 s9, $0xF7A;
	s5 =	simm.s32 @!p2 $0x0  }
0x1d: {  	s5 =	simm.s32 @p1 $0x1;
	p0 =	seq.s32 s7, s2  }
0x1e: {  	s7 =	smul.u32 @!p0 $0xF7A, s2;
	p2 =	seq.s32 @!p0 s5, $0x0  }
0x1f: {  	s9 =	smul.u32 $0xF7A, s1;
	s8 =	simm.s32 @!p0 $0x1BF5;
	p2 =	por !p2, p0  }
0x20: {  	[sflag:s8] =	ssyncset.s32 @!p0 $0xFFFFF086;
	s6 =	sadd.s32 @!p0 s3, s7;
	s7 =	simm.s32 @!p0 $0x108  }
0x21: {  	s3 =	sadd.s32 s3, s9;
	s6 =	sadd.s32 @!p0 $0x88, s6;
	s7 =	simm.s32 @p2 $0x1082  }
0x22: {  	[simem:s7], [sflag:s8] =	dma.local @!p0 [hbm:s6], $0xF7A  }
0x23: {  	s9 =	sor.u32 $0xD0000000, s2;
	s6 =	simm.s32 $0x108;
	_ =	swait.ge @!p0 [sflag:s8], $0x0  }
0x24: {  	s3 =	sadd.s32 $0x88, s3;
	s6 =	simm.s32 @!p1 $0x1082;
	[sflag:s4] =	ssyncset.s32 $0xFFFFF086  }
0x25: {  	[simem:s6], [sflag:s4] =	dma.local [hbm:s3], $0xF7A  }
0x26: {  	[smem:$0x3F90] =	sst s1;
	(tag) =	ssettag s2;
	_ =	strace s9  }
0x27: {  	s1 =	sld [smem:$0x3FA0]  }
0x28: {  	s2 =	sld [smem:$0x3FA1]  }
0x29: {  	s4 =	sld [smem:$0x3FA3]  }
0x2a: {  	p0 =	seq.s32 s5, $0x0;
	s5 =	sld [smem:$0x3FA4]  }
0x2b: {  	s6 =	sld [smem:$0x3FA5]  }
0x2c: {  	s7 =	sld [smem:$0x3FA6]  }
0x2d: {  	s3 =	simm.s32 $0x108;
	s8 =	sld [smem:$0x3FA7]  }
0x2e: {  	s3 =	simm.s32 @!p0 $0x1082;
	s9 =	sld [smem:$0x3FA8]  }
0x2f: {  	lr =	sadd.s32 s0, s3;
	s0 =	sld [smem:$0x3F9F]  }
0x30: {  	s3 =	sld [smem:$0x3FA2]  }
0x31: {  	[smem:$0x3FAB] =	sst s10  }
0x32: {  	s10 =	sld [smem:$0x3FA9];
	_ =	sdelay $0x3  }
0x33: {  	p0 =	seq.s32 s10, $0x1;
	s10 =	sld [smem:$0x3FAB];
	_ =	sdelay $0x3  }
0x34: {  	[smem:$0x3FAB] =	sst s10  }
0x35: {  	s10 =	sld [smem:$0x3FAA];
	_ =	sdelay $0x3  }
0x36: {  	p1 =	seq.s32 s10, $0x1;
	s10 =	sld [smem:$0x3FAB];
	_ =	sdelay $0x3  }
0x37: {  	[smem:$0x3FAB] =	sst s10  }
0x38: {  	s10 =	sld [smem:$0x3FAC]  }
0x39: {  	_ = 	snop;
	(pc) =	sbr.ind lr, $3  }
0x3a: {  	_ = 	snop  }
0x3b: {  	_ = 	snop  }
0x3c: {  	p2 =	seq.s32 s10, $0x1;
	s10 =	sld [smem:$0x3FAB]  }
0x3d: {  	_ =	shalt  }
0x3e: {  	_ =	shalt  }
0x3f: {  	_ =	shalt  }
0x40: {  	_ =	shalt  }
0x41: {  	_ =	shalt  }
0x42: {  	_ =	shalt  }
0x43: {  	_ =	shalt  }
0x44: {  	_ =	shalt  }
0x45: {  	_ =	shalt  }
0x46: {  	_ =	shalt  }
0x47: {  	_ =	shalt  }
0x48: {  	_ =	shalt  }
0x49: {  	_ =	shalt  }
0x4a: {  	_ =	shalt  }
0x4b: {  	_ =	shalt  }
0x4c: {  	_ =	shalt  }
0x4d: {  	_ =	shalt  }
0x4e: {  	_ =	shalt  }
0x4f: {  	_ =	shalt  }
0x50: {  	_ =	shalt  }
0x51: {  	_ =	shalt  }
0x52: {  	_ =	shalt  }
0x53: {  	_ =	shalt  }
0x54: {  	_ =	shalt  }
0x55: {  	_ =	shalt  }
0x56: {  	_ =	shalt  }
0x57: {  	_ =	shalt  }
0x58: {  	_ =	shalt  }
0x59: {  	_ =	shalt  }
0x5a: {  	_ =	shalt  }
0x5b: {  	_ =	shalt  }
0x5c: {  	_ =	shalt  }
0x5d: {  	_ =	shalt  }
0x5e: {  	_ =	shalt  }
0x5f: {  	_ =	shalt  }
0x60: {  	_ =	shalt  }
0x61: {  	_ =	shalt  }
0x62: {  	_ =	shalt  }
0x63: {  	_ =	shalt  }
0x64: {  	_ =	shalt  }
0x65: {  	_ =	shalt  }
0x66: {  	_ =	shalt  }
0x67: {  	_ =	shalt  }
0x68: {  	_ =	shalt  }
0x69: {  	_ =	shalt  }
0x6a: {  	_ =	shalt  }
0x6b: {  	_ =	shalt  }
0x6c: {  	_ =	shalt  }
0x6d: {  	_ =	shalt  }
0x6e: {  	_ =	shalt  }
0x6f: {  	_ =	shalt  }
0x70: {  	_ =	shalt  }
0x71: {  	_ =	shalt  }
0x72: {  	_ =	shalt  }
0x73: {  	_ =	shalt  }
0x74: {  	_ =	shalt  }
0x75: {  	_ =	shalt  }
0x76: {  	_ =	shalt  }
0x77: {  	_ =	shalt  }
0x78: {  	_ =	shalt  }
0x79: {  	_ =	shalt  }
0x7a: {  	_ =	shalt  }
0x7b: {  	_ =	shalt  }
0x7c: {  	_ =	shalt  }
0x7d: {  	_ =	shalt  }
0x7e: {  	_ =	shalt  }
0x7f: {  	_ =	shalt  }
0x80: {  	_ =	shalt  }
0x81: {  	_ =	shalt  }
0x82: {  	_ =	shalt  }
0x83: {  	_ =	shalt  }
0x84: {  	_ =	shalt  }
0x85: {  	_ =	shalt  }
0x86: {  	_ =	shalt  }
0x87: {  	_ =	shalt  }
.Lfunc_end0:
.L_simem_size_0:
called_computation.4_lowered:
.L_overlay_start_0:
0x88: {  	s2 =	sld [smem:$0x3FD9]  }
0x89: {  	s3 =	sld [smem:$0x3FFE];
	_ =	sdelay $0x1  }
0x8a: {  	s1 =	srdreg.scid  }
0x8b: {  	s0 =	sand.u32 $0x1, s1  }
0x8c: {  	s17 =	sshll.u32 s0, $0xA;
	s2 =	sadd.s32 s3, s2  }
0x8d: {  	s2 =	sadd.s32 s2, s17  }
0x8e: {  	[smem:$0x3FB7] =	sst s2  }
0x8f: {  	_ = 	snop  }
0x90: {  	s2 =	sld [smem:$0x3FD0];
	(tm) =	ssettm $0x1  }
0x91: {  	s18 =	sld [smem:$0x3FFB];
	_ =	sdelay $0x3  }
0x92: {  	_ =	strace s18  }
0x93: {  	s3 =	sld [smem:$0x3FFC];
	_ =	sdelay $0x3  }
0x94: {  	_ =	strace s3  }
0x95: {  	s3 =	sld [smem:$0x3FFD];
	_ =	sdelay $0x3  }
0x96: {  	_ =	strace s3  }
0x97: {  	_ =	strace $0x8FFFFFFF  }
0x98: {  	s19 =	sld [smem:$0x3FDB];
	_ =	sdelay $0x1  }
0x99: {  	s4 =	simm.s32 $_scs_section_size  }
0x9a: {  	s5 =	simm.s32 $_size__tile_overlayer_lowered;
	s6 =	simm.s32 $_tile_overlayer_lowered  }
0x9b: {  	s22 =	simm.s32 $0x1BFF;
	s21 =	sshll.u32 s6, $0x1;
	s3 =	sadd.s32 s4, s19  }
0x9c: {  	s7 =	simm.s32 $0x0;
	s20 =	sshll.u32 s5, $0x1;
	s5 =	sadd.s32 s21, s3  }
0x9d: {  	[timem:s7], [sflag:s22] =	dma.local [hbm:s5], s20  }
0x9e: {  	_ =	swait.ge [sflag:s22], s20  }
0x9f: {  	s4 =	ssub.s32 $0x0, s20;
	[sflag:s22] =	ssyncset.done $0x0  }
0xa0: {  	[sflag:s22] =	ssyncadd.s32 s4;
	_ =	sdelay $0x1  }
0xa1: {  	s23 =	simm.s32 $0x1B8B  }
0xa2: {  	_ =	swait.ge [sflag:s23], $0x1  }
0xa3: {  	[sflag:s23] =	ssyncset.done $0x0  }
0xa4: {  	s25 =	simm.s32 $0x1B8E;
	s24 =	sld [smem:$0x3FFE];
	[sflag:s23] =	ssyncadd.s32 $0xFFFFFFFF  }
0xa5: {  	s26 =	simm.s32 $execute0_lowered;
	[smem:$0x3FD2] =	sst s25  }
0xa6: {  	s5 =	sshll.u32 s26, $0x1;
	_ =	strace $0x80000052;
	[dreg:$0x1] =	wrdreg $0xFFFFFFFF  }
0xa7: {  	s28 =	simm.s32 $_size_execute0_lowered;
	s3 =	sadd.s32 s3, s5;
	[dreg:$0x0] =	wrdreg $0x0  }
0xa8: {  	s5 =	sshll.u32 s28, $0x1;
	[dreg:$0x2] =	wrdreg s3  }
0xa9: {  	[dreg:$0x3] =	wrdreg s5  }
0xaa: {  	[dreg:$0x4] =	wrdreg $0xC0  }
0xab: {  	_ =	task [dreg:s7], $0x5FFFF  }
0xac: {  	[dreg:$0x1] =	wrdreg $0xFFFFFFFF  }
0xad: {  	[dreg:$0x0] =	wrdreg $0x60  }
0xae: {  	[dreg:$0x2] =	wrdreg s24  }
0xaf: {  	[dreg:$0x3] =	wrdreg s2  }
0xb0: {  	[dreg:$0x4] =	wrdreg $0x9  }
0xb1: {  	_ =	task.clear_ibuf [dreg:s7], $0x5FFFF;
	_ =	strace $0x90000052  }
0xb2: {  	s29 =	simm.s32 $0x9;
	_ =	strace $0x80000054  }
0xb3: {  	_ =	swait.ge [sflag:s29], $0x1  }
0xb4: {  	[sflag:s29] =	ssyncadd.s32 $0xFFFFFFFF  }
0xb5: {  	_ =	strace $0x90000054  }
0xb6: {  	_ =	sfence  }
0xb7: {  	s30 =	sld [smem:$0x0];
	_ =	sdelay $0x2  }
0xb8: {  	s31 =	sshll.u32 s1, $0xD;
	s1 =	sshrl.u32 s1, $0x2  }
0xb9: {  	s3 =	sand.u32 $0x4000, s31;
	s1 =	sadd.s32 s1, s30  }
0xba: {  	s0 =	sor.u32 s3, s0;
	s1 =	sshll.u32 s1, $0x11  }
0xbb: {  	s0 =	sor.u32 s1, s0  }
0xbc: {  	s0 =	sadd.s32 $0x8F2B, s0  }
0xbd: {  	[sflag:s0] =	ssyncadd.remote.s32 $0x1  }
0xbe: {  	_ =	sfence.sel $0xFFFF  }
0xbf: {  	[dreg:$0x0] =	wrdreg $0xFFFFFFFF;
	(pc) =	sbr.abs _section_cstart, $3  }
0xc0: {  	[dreg:$0x1] =	wrdreg $0xFFFFFFFF  }
0xc1: {  	_ =	task.clear_ibuf [dreg:s7], $0x2FFFF;
	_ =	strace $0x9FFFFFFF  }
0xc2: {  	(tm) =	ssettm $0x7FFFFFFF  }
0xc3: {  	_ =	shalt  }
tec
execute0_lowered:
.L_overlay_start_1:
0x0: {  	(tag) =	ssettag $0x1  }
0x1: {  	s6 =	rddreg [dreg:$0x0]  }
0x2: {  	s7 =	rddreg [dreg:$0x1]  }
0x3: {  	s0 =	rddreg [dreg:$0x2];
	s2 =	simm.s32 $0x0  }
0x4: {  	s3 =	srdreg.scid;
	s1 =	stileid.u32;
	s13 =	simm.s32 $0x2720  }
0x5: {  	s14 =	simm.s32 $0x400;
	s15 =	simm.s32 $0x2F20;
	s16 =	simm.s32 $0x0  }
0x6: {  	[smem:$0x7FF] =	sst s2;
	s8 =	sand.u32 $0x1, s3;
	s30 =	sshll.u32 s1, $0x1  }
0x7: {  	s3 =	sadd.s32 $0x165400, s6;
	s4 =	sadd.s32 $0x5400, s6;
	s9 =	sor.u32 s8, s30  }
0x8: {  	s5 =	sadd.s32 $0x29DC00, s6;
	s8 =	ssub.s32 $0x2, s8;
	s10 =	smul.u32 $0x4E4, s9  }
0x9: {  	_ =	strace $0x80000053;
	s31 =	sshrl.u32 s8, $0x1;
	s11 =	sshll.u32 s9, $0x1  }
0xa: {  	s12 =	ssub.s32 s8, s31;
	s10 =	sadd.s32 s10, s6;
	s6 =	sadd.s32 s7, s11  }
0xb: {  	s7 =	smul.u32 $0x4E600, s9;
	s9 =	smax.u32 s12, $0x1;
	s11 =	simm.s32 $0x2  }
0xc: {  	v0 =	vimm.f32 $+Inf;
	s12 =	simm.s32 $0x1;
	s8 =	sadd.s32 $0x13EC00, s10;
	s10 =	simm.s32 $0xAF20  }
.LBB2_1:
0xd: {  	s17 =	simm.s32 $0x80;
	s18 =	simm.s32 $0x0  }
.LBB2_2:
0xe: {  	p0 =	sne.s32 s17, $0x9C00;
	[tilespmem:s18+$0x0] =	vst v0;
	s19 =	smov.u32 s17;
	s17 =	sadd.s32 $0x80, s17  }
.Ltmp0:
0xf: {  	[tilespmem:s18+$0x10] =	vst v0;
	(pc) =	sbr.rel @p0 .LBB2_2-.Ltmp0, $2  }
0x10: {  	_ =	sdelay $0x2  }
0x11: {  	s18 =	sshra.s32 s19, $0x2  }
0x12: {  	[tilespmem:s18+$0x0] =	vst v0  }
0x13: {  	[tilespmem:s18+$0x10] =	vst v0;
	s17 =	simm.s32 $0x0  }
0x14: {  	[tilespmem:s10], [sflag:$0x2] =	stream.linear.gather [hbm4b:s6+s17], $0x10, $0x38;
	[tilespmem:$0xAF30] =	vst v63  }
0x15: {  	_ =	swait.ge [sflag:s11], $0x10  }
0x16: {  	[sflag:s11] =	ssyncset.done $0x0  }
0x17: {  	[sflag:s11] =	ssyncadd.s32 $0xFFFFFFF0  }
0x18: {  	v1 =	vld [tilespmem:$0xAF20];
	_ =	sdelay $0x4  }
0x19: {  	(v2sf) =	vpush v1, $0x0;
	_ =	sdelay $0xe  }
0x1a: {  	s18 =	spop (v2sf)  }
0x1b: {  	s19 =	sadd.s32 $0x3FF, s18  }
0x1c: {  	s20 =	sand.u32 $0x3FF, s19  }
0x1d: {  	s31 =	sshra.s32 s19, $0x1F;
	p1 =	slt.s32 s19, $0x1;
	p0 =	sne.s32 s20, $0x0  }
0x1e: {  	s20 =	sshrl.u32 s31, $0x16;
	p0 =	por !p1, !p0  }
0x1f: {  	s19 =	sadd.s32 s20, s19;
	s20 =	simm.s32 $0x1;
	p0 =	por !p0, !p0  }
0x20: {  	s19 =	sshra.s32 s19, $0xA;
	s20 =	simm.s32 @!p0 $0x0  }
0x21: {  	s19 =	ssub.s32 s19, s20  }
0x22: {  	p0 =	slt.s32 s19, $0x1  }
.Ltmp1:
0x23: {  	_ = 	snop;
	(pc) =	sbr.rel @!p0 .LBB2_4-.Ltmp1, $2  }
0x24: {  	_ =	sdelay $0x2  }
0x25: {  	s20 =	smov.u32 s18  }
.LBB2_9:
0x26: {  	s17 =	simm.s32 $0x0  }
0x27: {  	s18 =	simm.s32 $0x80;
	v1 =	vld [tilespmem:s17+$0x0]  }
.LBB2_10:
0x28: {  	p0 =	sne.s32 s18, $0x9C00;
	v2 =	vld [tilespmem:s17+$0x10];
	_ =	sdelay $0x3  }
0x29: {  	vm0 =	veq.f32 v1, $+Inf  }
0x2a: {  	v1 =	vsel vm0, $0x0, v1;
	vm0 =	veq.f32 v2, $+Inf  }
.Ltmp2:
0x2b: {  	v3 =	vmul.f32 $9.999999770e-03, v1;
	v2 =	vsel vm0, $0x0, v2;
	(pc) =	sbr.rel @p0 .LBB2_10-.Ltmp2, $4  }
0x2c: {  	vm0 =	vge.f32 v1, $0.0e+00;
	v4 =	vmul.f32 $9.999999770e-03, v2  }
0x2d: {  	v1 =	vsel vm0, v1, v3;
	vm0 =	vge.f32 v2, $0.0e+00  }
0x2e: {  	s19 =	sshra.s32 s18, $0x2;
	[tilespmem:s17+$0x0] =	vst v1;
	v2 =	vsel vm0, v2, v4  }
0x2f: {  	s18 =	sadd.s32 $0x80, s18;
	v1 =	vld [tilespmem:s19+$0x0];
	[tilespmem:s17+$0x10] =	vst v2;
	s17 =	smov.u32 s19  }
0x30: {  	v2 =	vld [tilespmem:s17+$0x10];
	_ =	sdelay $0x3  }
0x31: {  	vm0 =	veq.f32 v1, $+Inf  }
0x32: {  	v1 =	vsel vm0, $0x0, v1;
	vm13 =	veq.f32 v2, $+Inf  }
0x33: {  	v3 =	vmul.f32 $9.999999770e-03, v1;
	v2 =	vsel vm13, $0x0, v2  }
0x34: {  	vm14 =	vge.f32 v1, $0.0e+00;
	v4 =	vmul.f32 $9.999999770e-03, v2  }
0x35: {  	vm15 =	vge.f32 v2, $0.0e+00;
	v1 =	vsel vm14, v1, v3  }
0x36: {  	s16 =	sadd.s32 $0x1, s16;
	[tilespmem:s17+$0x0] =	vst v1;
	v1 =	vsel vm15, v2, v4  }
0x37: {  	p0 =	sne.s32 s16, s9;
	[tilespmem:s17+$0x10] =	vst v1  }
0x38: {  	[hbm4b:s8+s2] =	stream.linear.scatter [tilespmem:s2], [sflag:$0x2], $0x2720, $0x38;
	[tilespmem:$0xAF30] =	vst v63  }
.Ltmp3:
0x39: {  	_ = 	snop;
	(pc) =	sbr.rel @p0 .LBB2_1-.Ltmp3, $4  }
.Ltmp4:
0x3a: {  	_ = 	snop;
	(pc) =	sbr.rel @!p0 .LBB2_12-.Ltmp4, $4  }
0x3b: {  	_ =	swait.ge [sflag:s11], $0x2720  }
0x3c: {  	[sflag:s11] =	ssyncset.done $0x0  }
0x3d: {  	[sflag:s11] =	ssyncadd.s32 $0xFFFFD8E0  }
0x3e: {  	_ = 	snop  }
.LBB2_7:
0x3f: {  	[tilespmem:s24+$0x10] =	vst v1  }
.LBB2_8:
0x40: {  	s17 =	sadd.s32 $0x1, s17  }
0x41: {  	p0 =	sne.s32 s17, s19  }
.Ltmp5:
0x42: {  	_ = 	snop;
	(pc) =	sbr.rel @!p0 .LBB2_9-.Ltmp5, $2  }
0x43: {  	_ =	sdelay $0x2  }
0x44: {  	s20 =	sadd.s32 $0xFFFFFC00, s20  }
.LBB2_4:
0x45: {  	s22 =	sshll.u32 s17, $0xA  }
0x46: {  	s21 =	sadd.s32 s7, s22  }
0x47: {  	s21 =	sshrl.u32 s21, $0x3  }
0x48: {  	s23 =	sadd.s32 s4, s21  }
0x49: {  	[tilespmem:s13], [sflag:$0x2] =	stream.linear.gather [hbm4b:s23+s2], $0x400, $0x38;
	[tilespmem:$0xAF30] =	vst v63  }
0x4a: {  	_ =	swait.ge [sflag:s11], $0x400  }
0x4b: {  	[sflag:s11] =	ssyncset.done $0x0  }
0x4c: {  	s31 =	sadd.s32 s5, s21;
	s21 =	simm.s32 $0x2B20;
	[sflag:s11] =	ssyncadd.s32 $0xFFFFFC00  }
0x4d: {  	[tilespmem:s21], [sflag:$0x2] =	stream.linear.gather [hbm4b:s31+s2], $0x400, $0x38;
	[tilespmem:$0xAF30] =	vst v63  }
0x4e: {  	s22 =	ssub.s32 s18, s22;
	_ =	swait.ge [sflag:s11], $0x400  }
0x4f: {  	p0 =	slt.s32 s22, $0x1;
	[sflag:s11] =	ssyncset.done $0x0  }
.Ltmp6:
0x50: {  	[sflag:s11] =	ssyncadd.s32 $0xFFFFFC00;
	(pc) =	sbr.rel @p0 .LBB2_8-.Ltmp6, $4  }
0x51: {  	[tilespmem:s15], [sflag:$0x1] =	stream.indirect.gather [hbm4b:s3+s14], $0x20, s13, s14, $0xb8;
	[tilespmem:$0xAF30] =	vst v63  }
0x52: {  	_ =	swait.ge [sflag:s12], $0x8000  }
0x53: {  	[sflag:s12] =	ssyncset.done $0x0  }
0x54: {  	[sflag:s12] =	ssyncadd.s32 $0xFFFF8000  }
0x55: {  	v1 =	vld [tilespmem:s21+$0x0];
	_ =	sdelay $0x4  }
0x56: {  	(v2sf) =	vpush v1, $0x0;
	_ =	sdelay $0xe  }
0x57: {  	s23 =	spop (v2sf)  }
0x58: {  	s22 =	simm.s32 $0x2F30;
	s23 =	sshll.u32 s23, $0x7  }
0x59: {  	v1 =	vld [tilespmem:s22+$0xFFFFFFF0];
	s24 =	sshra.s32 s23, $0x2  }
0x5a: {  	v2 =	vld [tilespmem:s24+$0x0];
	_ =	sdelay $0x3  }
0x5b: {  	p0 =	sgt.s32 s20, $0x1;
	s23 =	smov.u32 s20  }
0x5c: {  	s23 =	simm.s32 @!p0 $0x1;
	v1 =	vmin.f32 v2, v1  }
0x5d: {  	s23 =	smin.u32 s23, $0x400;
	[tilespmem:s24+$0x0] =	vst v1;
	v1 =	vld [tilespmem:s24+$0x10]  }
0x5e: {  	p0 =	sne.s32 s23, $0x1;
	v2 =	vld [tilespmem:s22+$0x0]  }
.Ltmp7:
0x5f: {  	_ = 	snop;
	(pc) =	sbr.rel @!p0 .LBB2_7-.Ltmp7, $2  }
0x60: {  	_ =	sdelay $0x2  }
0x61: {  	s23 =	sadd.s32 $0xFFFFFFFF, s23;
	v1 =	vmin.f32 v1, v2  }
.LBB2_6:
0x62: {  	p0 =	sne.s32 s23, $0x1;
	[tilespmem:s24+$0x10] =	vst v1;
	s21 =	sadd.s32 $0x1, s21;
	s22 =	sadd.s32 $0x20, s22  }
0x63: {  	s23 =	sadd.s32 $0xFFFFFFFF, s23;
	v1 =	vld [tilespmem:s21+$0x0];
	_ =	sdelay $0x4  }
0x64: {  	(v2sf) =	vpush v1, $0x0;
	_ =	sdelay $0xe  }
0x65: {  	s24 =	spop (v2sf)  }
0x66: {  	s24 =	sshll.u32 s24, $0x7  }
0x67: {  	s24 =	sshra.s32 s24, $0x2;
	v1 =	vld [tilespmem:s22+$0xFFFFFFF0]  }
0x68: {  	v2 =	vld [tilespmem:s24+$0x0];
	_ =	sdelay $0x4  }
0x69: {  	v1 =	vmin.f32 v2, v1  }
0x6a: {  	[tilespmem:s24+$0x0] =	vst v1;
	v1 =	vld [tilespmem:s24+$0x10]  }
0x6b: {  	v2 =	vld [tilespmem:s22+$0x0]  }
.Ltmp8:
0x6c: {  	(pc) =	sbr.rel @p0 .LBB2_6-.Ltmp8, $2  }
0x6d: {  	_ =	sdelay $0x2  }
0x6e: {  	v1 =	vmin.f32 v1, v2  }
.Ltmp9:
0x6f: {  	_ = 	snop;
	(pc) =	sbr.rel .LBB2_7-.Ltmp9, $1  }
0x70: {  	_ =	sdelay $0x3  }
.LBB2_12:
0x71: {  	_ =	sfence.sel $0x180000  }
0x72: {  	[bflag:$0x0] =	sbarrier.arrive $0xFFFF  }
0x73: {  	p0 =	sne.s32 s1, $0x0;
	_ =	strace $0x90000053  }
0x74: {  	s0 =	sadd.s32 @!p0 $0x100000, s0;
	[bflag:$0x2] =	sbarrier.arrive $0xFFFF  }
0x75: {  	[sflag:s0] =	ssyncadd.tile.s32 @!p0 $0x1;
	_ =	shalt  }
.Lfunc_end2:
_tile_overlayer_lowered:
.L_overlay_start_2:
0x76: {  	(tag) =	ssettag $0x2  }
0x77: {  	s0 =	rddreg [dreg:$0x0];
	s2 =	stileid.u32  }
0x78: {  	s1 =	rddreg [dreg:$0x1];
	p0 =	sne.s32 s2, $0x0  }
0x79: {  	s3 =	rddreg [dreg:$0x2];
	[bflag:$0x3] =	sbarrier.arrive $0xFFFF;
	s2 =	simm.s32 @!p0 $0x1C02  }
0x7a: {  	[timem:s3], [sflag:s2] =	dma.local @!p0 [hbm:s0], s1  }
0x7b: {  	s0 =	simm.s32 @!p0 $0x2  }
0x7c: {  	_ =	swait.ge @!p0 [sflag:s0], s1  }
0x7d: {  	s1 =	ssub.s32 @!p0 $0x0, s1;
	[sflag:s0] =	ssyncset.done @!p0 $0x0  }
0x7e: {  	[sflag:s0] =	ssyncadd.s32 @!p0 s1  }
0x7f: {  	[bflag:$0x3] =	sbarrier.arrive $0xFFFF  }
0x80: {  	_ =	shalt  }

// kernel: kernel.32.cloned.1.call-start
scs
__scs_entry_jumppad:
0x0: {  	(pc) =	sbr.rel $0x88, $3  }
0x1: {  	(tag) =	ssettag $0x0;
	lr =	simm.s32 $0x1  }
0x2: {  	[smem:$0x3F90] =	sst lr;
	_ =	strace $0xD0000000  }
0x3: {  	_ = 	snop  }
0x4: {  	_ = 	snop  }
0x5: {  	_ = 	snop  }
0x6: {  	_ = 	snop  }
0x7: {  	_ = 	snop  }
__scs_overlays_trampoline_lowered:
0x8: {  	[smem:$0x3F9F] =	sst s0  }
0x9: {  	[smem:$0x3FA0] =	sst s1  }
0xa: {  	[smem:$0x3FA1] =	sst s2  }
0xb: {  	[smem:$0x3FA2] =	sst s3  }
0xc: {  	[smem:$0x3FA3] =	sst s4  }
0xd: {  	[smem:$0x3FA4] =	sst s5  }
0xe: {  	[smem:$0x3FA5] =	sst s6  }
0xf: {  	[smem:$0x3FA6] =	sst s7  }
0x10: {  	[smem:$0x3FA7] =	sst s8  }
0x11: {  	[smem:$0x3FA8] =	sst s9;
	s0 =	simm.s32 @!p0 $0x0  }
0x12: {  	s1 =	sld [smem:$0x3F8E];
	s0 =	simm.s32 @p0 $0x1  }
0x13: {  	[smem:$0x3FA9] =	sst s0;
	s0 =	simm.s32 @!p1 $0x0  }
0x14: {  	s2 =	sld [smem:$0x3F8D];
	s0 =	simm.s32 @p1 $0x1  }
0x15: {  	[smem:$0x3FAA] =	sst s0;
	s0 =	simm.s32 @!p2 $0x0  }
0x16: {  	s3 =	sld [smem:$0x3FDB];
	s0 =	simm.s32 @p2 $0x1  }
0x17: {  	s4 =	simm.s32 $0x1BF5;
	[smem:$0x3FAC] =	sst s0  }
0x18: {  	s0 =	sld [smem:$0x3F8F];
	_ =	swait.ge [sflag:s4], $0x0  }
0x19: {  	s7 =	sld [smem:$0x3F90]  }
0x1a: {  	s8 =	sadd.s32 $0xFFFFE003, lr  }
0x1b: {  	s9 =	sadd.s32 $0xFFFFFEF7, lr;
	s5 =	simm.s32 $0xFFFFFFFF;
	p2 =	slt.u32 s8, $0xFFFFF086  }
0x1c: {  	p1 =	slt.u32 s9, $0xF7A;
	s5 =	simm.s32 @!p2 $0x0  }
0x1d: {  	s5 =	simm.s32 @p1 $0x1;
	p0 =	seq.s32 s7, s2  }
0x1e: {  	s7 =	smul.u32 @!p0 $0xF7A, s2;
	p2 =	seq.s32 @!p0 s5, $0x0  }
0x1f: {  	s9 =	smul.u32 $0xF7A, s1;
	s8 =	simm.s32 @!p0 $0x1BF5;
	p2 =	por !p2, p0  }
0x20: {  	[sflag:s8] =	ssyncset.s32 @!p0 $0xFFFFF086;
	s6 =	sadd.s32 @!p0 s3, s7;
	s7 =	simm.s32 @!p0 $0x108  }
0x21: {  	s3 =	sadd.s32 s3, s9;
	s6 =	sadd.s32 @!p0 $0x88, s6;
	s7 =	simm.s32 @p2 $0x1082  }
0x22: {  	[simem:s7], [sflag:s8] =	dma.local @!p0 [hbm:s6], $0xF7A  }
0x23: {  	s9 =	sor.u32 $0xD0000000, s2;
	s6 =	simm.s32 $0x108;
	_ =	swait.ge @!p0 [sflag:s8], $0x0  }
0x24: {  	s3 =	sadd.s32 $0x88, s3;
	s6 =	simm.s32 @!p1 $0x1082;
	[sflag:s4] =	ssyncset.s32 $0xFFFFF086  }
0x25: {  	[simem:s6], [sflag:s4] =	dma.local [hbm:s3], $0xF7A  }
0x26: {  	[smem:$0x3F90] =	sst s1;
	(tag) =	ssettag s2;
	_ =	strace s9  }
0x27: {  	s1 =	sld [smem:$0x3FA0]  }
0x28: {  	s2 =	sld [smem:$0x3FA1]  }
0x29: {  	s4 =	sld [smem:$0x3FA3]  }
0x2a: {  	p0 =	seq.s32 s5, $0x0;
	s5 =	sld [smem:$0x3FA4]  }
0x2b: {  	s6 =	sld [smem:$0x3FA5]  }
0x2c: {  	s7 =	sld [smem:$0x3FA6]  }
0x2d: {  	s3 =	simm.s32 $0x108;
	s8 =	sld [smem:$0x3FA7]  }
0x2e: {  	s3 =	simm.s32 @!p0 $0x1082;
	s9 =	sld [smem:$0x3FA8]  }
0x2f: {  	lr =	sadd.s32 s0, s3;
	s0 =	sld [smem:$0x3F9F]  }
0x30: {  	s3 =	sld [smem:$0x3FA2]  }
0x31: {  	[smem:$0x3FAB] =	sst s10  }
0x32: {  	s10 =	sld [smem:$0x3FA9];
	_ =	sdelay $0x3  }
0x33: {  	p0 =	seq.s32 s10, $0x1;
	s10 =	sld [smem:$0x3FAB];
	_ =	sdelay $0x3  }
0x34: {  	[smem:$0x3FAB] =	sst s10  }
0x35: {  	s10 =	sld [smem:$0x3FAA];
	_ =	sdelay $0x3  }
0x36: {  	p1 =	seq.s32 s10, $0x1;
	s10 =	sld [smem:$0x3FAB];
	_ =	sdelay $0x3  }
0x37: {  	[smem:$0x3FAB] =	sst s10  }
0x38: {  	s10 =	sld [smem:$0x3FAC]  }
0x39: {  	_ = 	snop;
	(pc) =	sbr.ind lr, $3  }
0x3a: {  	_ = 	snop  }
0x3b: {  	_ = 	snop  }
0x3c: {  	p2 =	seq.s32 s10, $0x1;
	s10 =	sld [smem:$0x3FAB]  }
0x3d: {  	_ =	shalt  }
0x3e: {  	_ =	shalt  }
0x3f: {  	_ =	shalt  }
0x40: {  	_ =	shalt  }
0x41: {  	_ =	shalt  }
0x42: {  	_ =	shalt  }
0x43: {  	_ =	shalt  }
0x44: {  	_ =	shalt  }
0x45: {  	_ =	shalt  }
0x46: {  	_ =	shalt  }
0x47: {  	_ =	shalt  }
0x48: {  	_ =	shalt  }
0x49: {  	_ =	shalt  }
0x4a: {  	_ =	shalt  }
0x4b: {  	_ =	shalt  }
0x4c: {  	_ =	shalt  }
0x4d: {  	_ =	shalt  }
0x4e: {  	_ =	shalt  }
0x4f: {  	_ =	shalt  }
0x50: {  	_ =	shalt  }
0x51: {  	_ =	shalt  }
0x52: {  	_ =	shalt  }
0x53: {  	_ =	shalt  }
0x54: {  	_ =	shalt  }
0x55: {  	_ =	shalt  }
0x56: {  	_ =	shalt  }
0x57: {  	_ =	shalt  }
0x58: {  	_ =	shalt  }
0x59: {  	_ =	shalt  }
0x5a: {  	_ =	shalt  }
0x5b: {  	_ =	shalt  }
0x5c: {  	_ =	shalt  }
0x5d: {  	_ =	shalt  }
0x5e: {  	_ =	shalt  }
0x5f: {  	_ =	shalt  }
0x60: {  	_ =	shalt  }
0x61: {  	_ =	shalt  }
0x62: {  	_ =	shalt  }
0x63: {  	_ =	shalt  }
0x64: {  	_ =	shalt  }
0x65: {  	_ =	shalt  }
0x66: {  	_ =	shalt  }
0x67: {  	_ =	shalt  }
0x68: {  	_ =	shalt  }
0x69: {  	_ =	shalt  }
0x6a: {  	_ =	shalt  }
0x6b: {  	_ =	shalt  }
0x6c: {  	_ =	shalt  }
0x6d: {  	_ =	shalt  }
0x6e: {  	_ =	shalt  }
0x6f: {  	_ =	shalt  }
0x70: {  	_ =	shalt  }
0x71: {  	_ =	shalt  }
0x72: {  	_ =	shalt  }
0x73: {  	_ =	shalt  }
0x74: {  	_ =	shalt  }
0x75: {  	_ =	shalt  }
0x76: {  	_ =	shalt  }
0x77: {  	_ =	shalt  }
0x78: {  	_ =	shalt  }
0x79: {  	_ =	shalt  }
0x7a: {  	_ =	shalt  }
0x7b: {  	_ =	shalt  }
0x7c: {  	_ =	shalt  }
0x7d: {  	_ =	shalt  }
0x7e: {  	_ =	shalt  }
0x7f: {  	_ =	shalt  }
0x80: {  	_ =	shalt  }
0x81: {  	_ =	shalt  }
0x82: {  	_ =	shalt  }
0x83: {  	_ =	shalt  }
0x84: {  	_ =	shalt  }
0x85: {  	_ =	shalt  }
0x86: {  	_ =	shalt  }
0x87: {  	_ =	shalt  }
.Lfunc_end0:
.L_simem_size_0:
called_computation.5_lowered:
.L_overlay_start_0:
0x88: {  	s2 =	sld [smem:$0x3FD9]  }
0x89: {  	s3 =	sld [smem:$0x3FFE];
	_ =	sdelay $0x1  }
0x8a: {  	s1 =	srdreg.scid  }
0x8b: {  	s0 =	sand.u32 $0x1, s1  }
0x8c: {  	s16 =	sshll.u32 s0, $0xA;
	s2 =	sadd.s32 s3, s2  }
0x8d: {  	s2 =	sadd.s32 s2, s16  }
0x8e: {  	[smem:$0x3FB7] =	sst s2  }
0x8f: {  	_ = 	snop  }
0x90: {  	(tm) =	ssettm $0x1  }
0x91: {  	s17 =	sld [smem:$0x3FFB];
	_ =	sdelay $0x3  }
0x92: {  	_ =	strace s17  }
0x93: {  	s2 =	sld [smem:$0x3FFC];
	_ =	sdelay $0x3  }
0x94: {  	_ =	strace s2  }
0x95: {  	s2 =	sld [smem:$0x3FFD];
	_ =	sdelay $0x3  }
0x96: {  	_ =	strace s2  }
0x97: {  	_ =	strace $0x8FFFFFFF  }
0x98: {  	s18 =	sld [smem:$0x3FDB];
	_ =	sdelay $0x1  }
0x99: {  	s19 =	simm.s32 $_scs_section_size  }
0x9a: {  	s4 =	simm.s32 $_size__tile_overlayer_lowered;
	s5 =	simm.s32 $_tile_overlayer_lowered  }
0x9b: {  	s22 =	simm.s32 $0x1BFF;
	s21 =	sshll.u32 s5, $0x1;
	s2 =	sadd.s32 s19, s18  }
0x9c: {  	s6 =	simm.s32 $0x0;
	s20 =	sshll.u32 s4, $0x1;
	s4 =	sadd.s32 s21, s2  }
0x9d: {  	[timem:s6], [sflag:s22] =	dma.local [hbm:s4], s20  }
0x9e: {  	_ =	swait.ge [sflag:s22], s20  }
0x9f: {  	s3 =	ssub.s32 $0x0, s20;
	[sflag:s22] =	ssyncset.done $0x0  }
0xa0: {  	[sflag:s22] =	ssyncadd.s32 s3;
	_ =	sdelay $0x1  }
0xa1: {  	s23 =	simm.s32 $0x1B8B  }
0xa2: {  	_ =	swait.ge [sflag:s23], $0x1  }
0xa3: {  	[sflag:s23] =	ssyncset.done $0x0  }
0xa4: {  	s25 =	simm.s32 $0x1B8E;
	s24 =	sld [smem:$0x3FFE];
	[sflag:s23] =	ssyncadd.s32 $0xFFFFFFFF  }
0xa5: {  	s26 =	simm.s32 $execute0_lowered;
	[smem:$0x3FD2] =	sst s25  }
0xa6: {  	s4 =	sshll.u32 s26, $0x1;
	_ =	strace $0x80000055;
	[dreg:$0x1] =	wrdreg $0xFFFFFFFF  }
0xa7: {  	s28 =	simm.s32 $_size_execute0_lowered;
	s2 =	sadd.s32 s2, s4;
	[dreg:$0x0] =	wrdreg $0x0  }
0xa8: {  	s4 =	sshll.u32 s28, $0x1;
	[dreg:$0x2] =	wrdreg s2  }
0xa9: {  	[dreg:$0x3] =	wrdreg s4  }
0xaa: {  	[dreg:$0x4] =	wrdreg $0xC0  }
0xab: {  	_ =	task [dreg:s6], $0x5FFFF  }
0xac: {  	[dreg:$0x1] =	wrdreg $0xFFFFFFFF  }
0xad: {  	[dreg:$0x0] =	wrdreg $0x60  }
0xae: {  	[dreg:$0x2] =	wrdreg s24  }
0xaf: {  	[dreg:$0x3] =	wrdreg $0x9  }
0xb0: {  	_ =	task.clear_ibuf [dreg:s6], $0x4FFFF;
	_ =	strace $0x90000055  }
0xb1: {  	s29 =	simm.s32 $0x9;
	_ =	strace $0x80000057  }
0xb2: {  	_ =	swait.ge [sflag:s29], $0x1  }
0xb3: {  	[sflag:s29] =	ssyncadd.s32 $0xFFFFFFFF  }
0xb4: {  	_ =	strace $0x90000057  }
0xb5: {  	_ =	sfence  }
0xb6: {  	s30 =	sld [smem:$0x0];
	_ =	sdelay $0x2  }
0xb7: {  	s31 =	sshll.u32 s1, $0xD;
	s1 =	sshrl.u32 s1, $0x2  }
0xb8: {  	s3 =	sand.u32 $0x4000, s31;
	s1 =	sadd.s32 s1, s30  }
0xb9: {  	s0 =	sor.u32 s3, s0;
	s1 =	sshll.u32 s1, $0x11  }
0xba: {  	s0 =	sor.u32 s1, s0  }
0xbb: {  	s0 =	sadd.s32 $0x8F2B, s0  }
0xbc: {  	[sflag:s0] =	ssyncadd.remote.s32 $0x1  }
0xbd: {  	_ =	sfence.sel $0xFFFF  }
0xbe: {  	[dreg:$0x0] =	wrdreg $0xFFFFFFFF;
	(pc) =	sbr.abs _section_cstart, $3  }
0xbf: {  	[dreg:$0x1] =	wrdreg $0xFFFFFFFF  }
0xc0: {  	_ =	task.clear_ibuf [dreg:s6], $0x2FFFF;
	_ =	strace $0x9FFFFFFF  }
0xc1: {  	(tm) =	ssettm $0x7FFFFFFF  }
tec
execute0_lowered:
.L_overlay_start_1:
0x0: {  	(tag) =	ssettag $0x1  }
0x1: {  	s8 =	rddreg [dreg:$0x0]  }
0x2: {  	s0 =	rddreg [dreg:$0x1]  }
0x3: {  	s1 =	simm.s32 $0x0;
	s6 =	srdreg.scid;
	s2 =	stileid.u32  }
0x4: {  	s13 =	simm.s32 $0x7D0;
	s14 =	simm.s32 $0x84D0;
	s15 =	simm.s32 $0x101D0  }
0x5: {  	s16 =	simm.s32 $0x1;
	s17 =	simm.s32 $0x2;
	[smem:$0x7FF] =	sst s1  }
0x6: {  	s18 =	simm.s32 $0x0;
	s3 =	sadd.s32 $0x13EC00, s8;
	s4 =	sadd.s32 $0x165400, s8  }
0x7: {  	s5 =	sadd.s32 $0x3D7400, s8;
	s9 =	sand.u32 $0x1, s6;
	s6 =	sadd.s32 $0x15B600, s8  }
0x8: {  	s11 =	sshll.u32 s2, $0x1;
	s7 =	sadd.s32 $0x151800, s8;
	s10 =	ssub.s32 $0x2, s9  }
0x9: {  	s8 =	sadd.s32 $0x50FC00, s8;
	_ =	strace $0x80000056;
	s12 =	sshrl.u32 s10, $0x1  }
0xa: {  	s9 =	sor.u32 s9, s11;
	s11 =	simm.s32 $0x3E8;
	s10 =	ssub.s32 s10, s12  }
0xb: {  	s9 =	smul.u32 $0x2710, s9;
	s12 =	simm.s32 $0x3;
	s10 =	smax.u32 s10, $0x1  }
.LBB2_1:
0xc: {  	s19 =	simm.s32 $0x0  }
.LBB2_2:
0xd: {  	s20 =	smul.u32 $0x3E8, s19;
	_ =	sdelay $0x1  }
0xe: {  	s20 =	sadd.s32 s9, s20  }
0xf: {  	s21 =	sshrl.u32 s20, $0x3  }
0x10: {  	s22 =	sadd.s32 s7, s21  }
0x11: {  	[tilespmem:s11], [sflag:$0x3] =	stream.linear.gather [hbm4b:s22+s1], $0x3E8, $0x38;
	[tilespmem:$0x17ED0] =	vst v63  }
0x12: {  	_ =	swait.ge [sflag:s12], $0x3E8  }
0x13: {  	[sflag:s12] =	ssyncset.done $0x0  }
0x14: {  	s21 =	sadd.s32 s6, s21;
	[sflag:s12] =	ssyncadd.s32 $0xFFFFFC18  }
0x15: {  	[tilespmem:s1], [sflag:$0x3] =	stream.linear.gather [hbm4b:s21+s1], $0x3E8, $0x38;
	[tilespmem:$0x17ED0] =	vst v63  }
0x16: {  	_ =	swait.ge [sflag:s12], $0x3E8  }
0x17: {  	[sflag:s12] =	ssyncset.done $0x0  }
0x18: {  	[sflag:s12] =	ssyncadd.s32 $0xFFFFFC18  }
0x19: {  	[tilespmem:s13], [sflag:$0x1] =	stream.indirect.gather [hbm4b:s3+s11], $0x20, s11, s11, $0xb8;
	[tilespmem:$0x17ED0] =	vst v63  }
0x1a: {  	s20 =	sshll.u32 s20, $0x2  }
0x1b: {  	[tilespmem:s14], [sflag:$0x2] =	stream.indirect.gather [hbm4b:s4+s11], $0x20, s1, s11, $0xb8;
	[tilespmem:$0x17ED0] =	vst v63  }
0x1c: {  	s31 =	sadd.s32 s5, s20  }
0x1d: {  	[tilespmem:s15], [sflag:$0x3] =	stream.linear.gather [hbm4b:s31+s1], $0x7D00, $0x38;
	[tilespmem:$0x17ED0] =	vst v63  }
0x1e: {  	_ =	swait.ge [sflag:s12], $0x7D00  }
0x1f: {  	[sflag:s12] =	ssyncset.done $0x0  }
0x20: {  	[sflag:s12] =	ssyncadd.s32 $0xFFFF8300  }
0x21: {  	_ =	swait.ge [sflag:s16], $0x7D00  }
0x22: {  	[sflag:s16] =	ssyncset.done $0x0  }
0x23: {  	[sflag:s16] =	ssyncadd.s32 $0xFFFF8300  }
0x24: {  	_ =	swait.ge [sflag:s17], $0x7D00  }
0x25: {  	[sflag:s17] =	ssyncset.done $0x0  }
0x26: {  	s23 =	simm.s32 $0x7F0;
	[sflag:s17] =	ssyncadd.s32 $0xFFFF8300  }
0x27: {  	s21 =	simm.s32 $0x84F0;
	v0 =	vld [tilespmem:s23+$0xFFFFFFE0]  }
0x28: {  	v1 =	vld [tilespmem:s21+$0xFFFFFFE0]  }
0x29: {  	s22 =	simm.s32 $0x101F0  }
0x2a: {  	v2 =	vld [tilespmem:s22+$0xFFFFFFE0];
	_ =	sdelay $0x2  }
0x2b: {  	v0 =	vadd.f32 v1, v0;
	_ =	sdelay $0x1  }
0x2c: {  	v0 =	vadd.f32 v2, v0;
	_ =	sdelay $0x1  }
0x2d: {  	[tilespmem:s22+$0xFFFFFFE0] =	vst v0  }
0x2e: {  	v0 =	vld [tilespmem:s23+$0xFFFFFFF0]  }
0x2f: {  	v1 =	vld [tilespmem:s21+$0xFFFFFFF0];
	_ =	sdelay $0x1  }
0x30: {  	v2 =	vld [tilespmem:s22+$0xFFFFFFF0];
	_ =	sdelay $0x2  }
0x31: {  	v0 =	vadd.f32 v1, v0;
	_ =	sdelay $0x1  }
0x32: {  	v0 =	vadd.f32 v2, v0;
	_ =	sdelay $0x1  }
0x33: {  	[tilespmem:s22+$0xFFFFFFF0] =	vst v0  }
0x34: {  	v0 =	vld [tilespmem:s23+$0x0]  }
0x35: {  	v1 =	vld [tilespmem:s21+$0x0];
	_ =	sdelay $0x1  }
0x36: {  	v2 =	vld [tilespmem:s22+$0x0];
	_ =	sdelay $0x2  }
0x37: {  	v0 =	vadd.f32 v1, v0;
	_ =	sdelay $0x1  }
0x38: {  	v0 =	vadd.f32 v2, v0;
	_ =	sdelay $0x1  }
0x39: {  	[tilespmem:s22+$0x0] =	vst v0  }
0x3a: {  	v1 =	vld [tilespmem:s23+$0x10]  }
0x3b: {  	v2 =	vld [tilespmem:s21+$0x10];
	_ =	sdelay $0x1  }
0x3c: {  	v0 =	vld [tilespmem:s22+$0x10];
	_ =	sdelay $0x2  }
0x3d: {  	s25 =	simm.s32 $0x830;
	s24 =	simm.s32 $0x101F0;
	s23 =	simm.s32 $0x0;
	v1 =	vadd.f32 v2, v1  }
.LBB2_3:
0x3e: {  	s23 =	sadd.s32 $0x2, s23;
	s22 =	sadd.s32 $0x40, s22;
	s21 =	sadd.s32 $0x40, s21  }
0x3f: {  	p0 =	slt.u32 s23, $0x3E6;
	v0 =	vadd.f32 v0, v1;
	_ =	sdelay $0x1  }
0x40: {  	[tilespmem:s24+$0x10] =	vst v0;
	s24 =	smov.u32 s22  }
0x41: {  	v0 =	vld [tilespmem:s25+$0xFFFFFFE0]  }
0x42: {  	v1 =	vld [tilespmem:s21+$0xFFFFFFE0];
	_ =	sdelay $0x1  }
0x43: {  	v2 =	vld [tilespmem:s22+$0xFFFFFFE0];
	_ =	sdelay $0x2  }
0x44: {  	v0 =	vadd.f32 v1, v0;
	_ =	sdelay $0x1  }
0x45: {  	v0 =	vadd.f32 v2, v0;
	_ =	sdelay $0x1  }
0x46: {  	[tilespmem:s22+$0xFFFFFFE0] =	vst v0  }
0x47: {  	v0 =	vld [tilespmem:s25+$0xFFFFFFF0]  }
0x48: {  	v1 =	vld [tilespmem:s21+$0xFFFFFFF0]  }
0x49: {  	v2 =	vld [tilespmem:s22+$0xFFFFFFF0];
	_ =	sdelay $0x3  }
0x4a: {  	v0 =	vadd.f32 v1, v0;
	_ =	sdelay $0x1  }
0x4b: {  	v0 =	vadd.f32 v2, v0;
	_ =	sdelay $0x1  }
0x4c: {  	[tilespmem:s22+$0xFFFFFFF0] =	vst v0;
	v0 =	vld [tilespmem:s22+$0x0]  }
0x4d: {  	v1 =	vld [tilespmem:s25+$0x0]  }
0x4e: {  	v2 =	vld [tilespmem:s21+$0x0];
	_ =	sdelay $0x4  }
0x4f: {  	v1 =	vadd.f32 v2, v1;
	_ =	sdelay $0x1  }
0x50: {  	v0 =	vadd.f32 v0, v1;
	_ =	sdelay $0x1  }
0x51: {  	[tilespmem:s22+$0x0] =	vst v0;
	v0 =	vld [tilespmem:s22+$0x10]  }
0x52: {  	v1 =	vld [tilespmem:s25+$0x10]  }
0x53: {  	v2 =	vld [tilespmem:s21+$0x10]  }
.Ltmp0:
0x54: {  	(pc) =	sbr.rel @p0 .LBB2_3-.Ltmp0, $2  }
0x55: {  	_ =	sdelay $0x2  }
0x56: {  	s25 =	sadd.s32 $0x40, s25;
	v1 =	vadd.f32 v2, v1  }
0x57: {  	_ = 	snop  }
0x58: {  	s19 =	sadd.s32 $0x1, s19;
	v0 =	vadd.f32 v0, v1  }
0x59: {  	p0 =	sne.s32 s19, $0xA  }
.Ltmp1:
0x5a: {  	s20 =	sadd.s32 s8, s20;
	[tilespmem:s24+$0x10] =	vst v0;
	(pc) =	sbr.rel @p0 .LBB2_2-.Ltmp1, $4  }
0x5b: {  	[hbm4b:s20+s1] =	stream.linear.scatter [tilespmem:s15], [sflag:$0x3], $0x7D00, $0x38;
	[tilespmem:$0x17ED0] =	vst v63  }
0x5c: {  	_ =	swait.ge [sflag:s12], $0x7D00  }
0x5d: {  	[sflag:s12] =	ssyncset.done $0x0  }
0x5e: {  	[sflag:s12] =	ssyncadd.s32 $0xFFFF8300  }
0x5f: {  	s18 =	sadd.s32 $0x1, s18  }
0x60: {  	p0 =	sne.s32 s18, s10  }
.Ltmp2:
0x61: {  	_ = 	snop;
	(pc) =	sbr.rel @p0 .LBB2_1-.Ltmp2, $1  }
0x62: {  	_ =	sdelay $0x3  }
0x63: {  	_ =	sfence.sel $0x180000  }
0x64: {  	[bflag:$0x0] =	sbarrier.arrive $0xFFFF  }
0x65: {  	p0 =	sne.s32 s2, $0x0;
	_ =	strace $0x90000056  }
0x66: {  	s0 =	sadd.s32 @!p0 $0x100000, s0;
	[bflag:$0x2] =	sbarrier.arrive $0xFFFF  }
0x67: {  	[sflag:s0] =	ssyncadd.tile.s32 @!p0 $0x1;
	_ =	shalt  }
.Lfunc_end2:
_tile_overlayer_lowered:
.L_overlay_start_2:
0x68: {  	(tag) =	ssettag $0x2  }
0x69: {  	s0 =	rddreg [dreg:$0x0];
	s2 =	stileid.u32  }
0x6a: {  	s1 =	rddreg [dreg:$0x1];
	p0 =	sne.s32 s2, $0x0  }
0x6b: {  	s3 =	rddreg [dreg:$0x2];
	[bflag:$0x3] =	sbarrier.arrive $0xFFFF;
	s2 =	simm.s32 @!p0 $0x1C03  }
0x6c: {  	[timem:s3], [sflag:s2] =	dma.local @!p0 [hbm:s0], s1  }
0x6d: {  	s0 =	simm.s32 @!p0 $0x3  }
0x6e: {  	_ =	swait.ge @!p0 [sflag:s0], s1  }
0x6f: {  	s1 =	ssub.s32 @!p0 $0x0, s1;
	[sflag:s0] =	ssyncset.done @!p0 $0x0  }
0x70: {  	[sflag:s0] =	ssyncadd.s32 @!p0 s1  }
0x71: {  	[bflag:$0x3] =	sbarrier.arrive $0xFFFF  }
0x72: {  	_ =	shalt  }

// kernel: kernel.35.cloned.1.call-start
scs
__scs_entry_jumppad:
0x0: {  	(pc) =	sbr.rel $0x88, $3  }
0x1: {  	(tag) =	ssettag $0x0;
	lr =	simm.s32 $0x1  }
0x2: {  	[smem:$0x3F90] =	sst lr;
	_ =	strace $0xD0000000  }
0x3: {  	_ = 	snop  }
0x4: {  	_ = 	snop  }
0x5: {  	_ = 	snop  }
0x6: {  	_ = 	snop  }
0x7: {  	_ = 	snop  }
__scs_overlays_trampoline_lowered:
0x8: {  	[smem:$0x3F9F] =	sst s0  }
0x9: {  	[smem:$0x3FA0] =	sst s1  }
0xa: {  	[smem:$0x3FA1] =	sst s2  }
0xb: {  	[smem:$0x3FA2] =	sst s3  }
0xc: {  	[smem:$0x3FA3] =	sst s4  }
0xd: {  	[smem:$0x3FA4] =	sst s5  }
0xe: {  	[smem:$0x3FA5] =	sst s6  }
0xf: {  	[smem:$0x3FA6] =	sst s7  }
0x10: {  	[smem:$0x3FA7] =	sst s8  }
0x11: {  	[smem:$0x3FA8] =	sst s9;
	s0 =	simm.s32 @!p0 $0x0  }
0x12: {  	s1 =	sld [smem:$0x3F8E];
	s0 =	simm.s32 @p0 $0x1  }
0x13: {  	[smem:$0x3FA9] =	sst s0;
	s0 =	simm.s32 @!p1 $0x0  }
0x14: {  	s2 =	sld [smem:$0x3F8D];
	s0 =	simm.s32 @p1 $0x1  }
0x15: {  	[smem:$0x3FAA] =	sst s0;
	s0 =	simm.s32 @!p2 $0x0  }
0x16: {  	s3 =	sld [smem:$0x3FDB];
	s0 =	simm.s32 @p2 $0x1  }
0x17: {  	s4 =	simm.s32 $0x1BF5;
	[smem:$0x3FAC] =	sst s0  }
0x18: {  	s0 =	sld [smem:$0x3F8F];
	_ =	swait.ge [sflag:s4], $0x0  }
0x19: {  	s7 =	sld [smem:$0x3F90]  }
0x1a: {  	s8 =	sadd.s32 $0xFFFFE003, lr  }
0x1b: {  	s9 =	sadd.s32 $0xFFFFFEF7, lr;
	s5 =	simm.s32 $0xFFFFFFFF;
	p2 =	slt.u32 s8, $0xFFFFF086  }
0x1c: {  	p1 =	slt.u32 s9, $0xF7A;
	s5 =	simm.s32 @!p2 $0x0  }
0x1d: {  	s5 =	simm.s32 @p1 $0x1;
	p0 =	seq.s32 s7, s2  }
0x1e: {  	s7 =	smul.u32 @!p0 $0xF7A, s2;
	p2 =	seq.s32 @!p0 s5, $0x0  }
0x1f: {  	s9 =	smul.u32 $0xF7A, s1;
	s8 =	simm.s32 @!p0 $0x1BF5;
	p2 =	por !p2, p0  }
0x20: {  	[sflag:s8] =	ssyncset.s32 @!p0 $0xFFFFF086;
	s6 =	sadd.s32 @!p0 s3, s7;
	s7 =	simm.s32 @!p0 $0x108  }
0x21: {  	s3 =	sadd.s32 s3, s9;
	s6 =	sadd.s32 @!p0 $0x88, s6;
	s7 =	simm.s32 @p2 $0x1082  }
0x22: {  	[simem:s7], [sflag:s8] =	dma.local @!p0 [hbm:s6], $0xF7A  }
0x23: {  	s9 =	sor.u32 $0xD0000000, s2;
	s6 =	simm.s32 $0x108;
	_ =	swait.ge @!p0 [sflag:s8], $0x0  }
0x24: {  	s3 =	sadd.s32 $0x88, s3;
	s6 =	simm.s32 @!p1 $0x1082;
	[sflag:s4] =	ssyncset.s32 $0xFFFFF086  }
0x25: {  	[simem:s6], [sflag:s4] =	dma.local [hbm:s3], $0xF7A  }
0x26: {  	[smem:$0x3F90] =	sst s1;
	(tag) =	ssettag s2;
	_ =	strace s9  }
0x27: {  	s1 =	sld [smem:$0x3FA0]  }
0x28: {  	s2 =	sld [smem:$0x3FA1]  }
0x29: {  	s4 =	sld [smem:$0x3FA3]  }
0x2a: {  	p0 =	seq.s32 s5, $0x0;
	s5 =	sld [smem:$0x3FA4]  }
0x2b: {  	s6 =	sld [smem:$0x3FA5]  }
0x2c: {  	s7 =	sld [smem:$0x3FA6]  }
0x2d: {  	s3 =	simm.s32 $0x108;
	s8 =	sld [smem:$0x3FA7]  }
0x2e: {  	s3 =	simm.s32 @!p0 $0x1082;
	s9 =	sld [smem:$0x3FA8]  }
0x2f: {  	lr =	sadd.s32 s0, s3;
	s0 =	sld [smem:$0x3F9F]  }
0x30: {  	s3 =	sld [smem:$0x3FA2]  }
0x31: {  	[smem:$0x3FAB] =	sst s10  }
0x32: {  	s10 =	sld [smem:$0x3FA9];
	_ =	sdelay $0x3  }
0x33: {  	p0 =	seq.s32 s10, $0x1;
	s10 =	sld [smem:$0x3FAB];
	_ =	sdelay $0x3  }
0x34: {  	[smem:$0x3FAB] =	sst s10  }
0x35: {  	s10 =	sld [smem:$0x3FAA];
	_ =	sdelay $0x3  }
0x36: {  	p1 =	seq.s32 s10, $0x1;
	s10 =	sld [smem:$0x3FAB];
	_ =	sdelay $0x3  }
0x37: {  	[smem:$0x3FAB] =	sst s10  }
0x38: {  	s10 =	sld [smem:$0x3FAC]  }
0x39: {  	_ = 	snop;
	(pc) =	sbr.ind lr, $3  }
0x3a: {  	_ = 	snop  }
0x3b: {  	_ = 	snop  }
0x3c: {  	p2 =	seq.s32 s10, $0x1;
	s10 =	sld [smem:$0x3FAB]  }
0x3d: {  	_ =	shalt  }
0x3e: {  	_ =	shalt  }
0x3f: {  	_ =	shalt  }
0x40: {  	_ =	shalt  }
0x41: {  	_ =	shalt  }
0x42: {  	_ =	shalt  }
0x43: {  	_ =	shalt  }
0x44: {  	_ =	shalt  }
0x45: {  	_ =	shalt  }
0x46: {  	_ =	shalt  }
0x47: {  	_ =	shalt  }
0x48: {  	_ =	shalt  }
0x49: {  	_ =	shalt  }
0x4a: {  	_ =	shalt  }
0x4b: {  	_ =	shalt  }
0x4c: {  	_ =	shalt  }
0x4d: {  	_ =	shalt  }
0x4e: {  	_ =	shalt  }
0x4f: {  	_ =	shalt  }
0x50: {  	_ =	shalt  }
0x51: {  	_ =	shalt  }
0x52: {  	_ =	shalt  }
0x53: {  	_ =	shalt  }
0x54: {  	_ =	shalt  }
0x55: {  	_ =	shalt  }
0x56: {  	_ =	shalt  }
0x57: {  	_ =	shalt  }
0x58: {  	_ =	shalt  }
0x59: {  	_ =	shalt  }
0x5a: {  	_ =	shalt  }
0x5b: {  	_ =	shalt  }
0x5c: {  	_ =	shalt  }
0x5d: {  	_ =	shalt  }
0x5e: {  	_ =	shalt  }
0x5f: {  	_ =	shalt  }
0x60: {  	_ =	shalt  }
0x61: {  	_ =	shalt  }
0x62: {  	_ =	shalt  }
0x63: {  	_ =	shalt  }
0x64: {  	_ =	shalt  }
0x65: {  	_ =	shalt  }
0x66: {  	_ =	shalt  }
0x67: {  	_ =	shalt  }
0x68: {  	_ =	shalt  }
0x69: {  	_ =	shalt  }
0x6a: {  	_ =	shalt  }
0x6b: {  	_ =	shalt  }
0x6c: {  	_ =	shalt  }
0x6d: {  	_ =	shalt  }
0x6e: {  	_ =	shalt  }
0x6f: {  	_ =	shalt  }
0x70: {  	_ =	shalt  }
0x71: {  	_ =	shalt  }
0x72: {  	_ =	shalt  }
0x73: {  	_ =	shalt  }
0x74: {  	_ =	shalt  }
0x75: {  	_ =	shalt  }
0x76: {  	_ =	shalt  }
0x77: {  	_ =	shalt  }
0x78: {  	_ =	shalt  }
0x79: {  	_ =	shalt  }
0x7a: {  	_ =	shalt  }
0x7b: {  	_ =	shalt  }
0x7c: {  	_ =	shalt  }
0x7d: {  	_ =	shalt  }
0x7e: {  	_ =	shalt  }
0x7f: {  	_ =	shalt  }
0x80: {  	_ =	shalt  }
0x81: {  	_ =	shalt  }
0x82: {  	_ =	shalt  }
0x83: {  	_ =	shalt  }
0x84: {  	_ =	shalt  }
0x85: {  	_ =	shalt  }
0x86: {  	_ =	shalt  }
0x87: {  	_ =	shalt  }
.Lfunc_end0:
.L_simem_size_0:
called_computation.6_lowered:
.L_overlay_start_0:
0x88: {  	s2 =	sld [smem:$0x3FD9]  }
0x89: {  	s3 =	sld [smem:$0x3FFE];
	_ =	sdelay $0x1  }
0x8a: {  	s1 =	srdreg.scid  }
0x8b: {  	s0 =	sand.u32 $0x1, s1  }
0x8c: {  	s17 =	sshll.u32 s0, $0xA;
	s2 =	sadd.s32 s3, s2  }
0x8d: {  	s2 =	sadd.s32 s2, s17  }
0x8e: {  	[smem:$0x3FB7] =	sst s2  }
0x8f: {  	_ = 	snop  }
0x90: {  	s2 =	sld [smem:$0x3FD0];
	(tm) =	ssettm $0x1  }
0x91: {  	s18 =	sld [smem:$0x3FFB];
	_ =	sdelay $0x3  }
0x92: {  	_ =	strace s18  }
0x93: {  	s3 =	sld [smem:$0x3FFC];
	_ =	sdelay $0x3  }
0x94: {  	_ =	strace s3  }
0x95: {  	s3 =	sld [smem:$0x3FFD];
	_ =	sdelay $0x3  }
0x96: {  	_ =	strace s3  }
0x97: {  	_ =	strace $0x8FFFFFFF  }
0x98: {  	s19 =	sld [smem:$0x3FDB];
	_ =	sdelay $0x1  }
0x99: {  	s4 =	simm.s32 $_scs_section_size  }
0x9a: {  	s5 =	simm.s32 $_size__tile_overlayer_lowered;
	s6 =	simm.s32 $_tile_overlayer_lowered  }
0x9b: {  	s22 =	simm.s32 $0x1BFF;
	s21 =	sshll.u32 s6, $0x1;
	s3 =	sadd.s32 s4, s19  }
0x9c: {  	s7 =	simm.s32 $0x0;
	s20 =	sshll.u32 s5, $0x1;
	s5 =	sadd.s32 s21, s3  }
0x9d: {  	[timem:s7], [sflag:s22] =	dma.local [hbm:s5], s20  }
0x9e: {  	_ =	swait.ge [sflag:s22], s20  }
0x9f: {  	s4 =	ssub.s32 $0x0, s20;
	[sflag:s22] =	ssyncset.done $0x0  }
0xa0: {  	[sflag:s22] =	ssyncadd.s32 s4;
	_ =	sdelay $0x1  }
0xa1: {  	s23 =	simm.s32 $0x1B8B  }
0xa2: {  	_ =	swait.ge [sflag:s23], $0x1  }
0xa3: {  	[sflag:s23] =	ssyncset.done $0x0  }
0xa4: {  	s25 =	simm.s32 $0x1B8E;
	s24 =	sld [smem:$0x3FFE];
	[sflag:s23] =	ssyncadd.s32 $0xFFFFFFFF  }
0xa5: {  	s26 =	simm.s32 $execute0_lowered;
	[smem:$0x3FD2] =	sst s25  }
0xa6: {  	s5 =	sshll.u32 s26, $0x1;
	_ =	strace $0x80000058;
	[dreg:$0x1] =	wrdreg $0xFFFFFFFF  }
0xa7: {  	s28 =	simm.s32 $_size_execute0_lowered;
	s3 =	sadd.s32 s3, s5;
	[dreg:$0x0] =	wrdreg $0x0  }
0xa8: {  	s5 =	sshll.u32 s28, $0x1;
	[dreg:$0x2] =	wrdreg s3  }
0xa9: {  	[dreg:$0x3] =	wrdreg s5  }
0xaa: {  	[dreg:$0x4] =	wrdreg $0xC0  }
0xab: {  	_ =	task [dreg:s7], $0x5FFFF  }
0xac: {  	[dreg:$0x1] =	wrdreg $0xFFFFFFFF  }
0xad: {  	[dreg:$0x0] =	wrdreg $0x60  }
0xae: {  	[dreg:$0x2] =	wrdreg s24  }
0xaf: {  	[dreg:$0x3] =	wrdreg s2  }
0xb0: {  	[dreg:$0x4] =	wrdreg $0x9  }
0xb1: {  	_ =	task.clear_ibuf [dreg:s7], $0x5FFFF;
	_ =	strace $0x90000058  }
0xb2: {  	s29 =	simm.s32 $0x9;
	_ =	strace $0x8000005A  }
0xb3: {  	_ =	swait.ge [sflag:s29], $0x1  }
0xb4: {  	[sflag:s29] =	ssyncadd.s32 $0xFFFFFFFF  }
0xb5: {  	_ =	strace $0x9000005A  }
0xb6: {  	_ =	sfence  }
0xb7: {  	s30 =	sld [smem:$0x0];
	_ =	sdelay $0x2  }
0xb8: {  	s31 =	sshll.u32 s1, $0xD;
	s1 =	sshrl.u32 s1, $0x2  }
0xb9: {  	s3 =	sand.u32 $0x4000, s31;
	s1 =	sadd.s32 s1, s30  }
0xba: {  	s0 =	sor.u32 s3, s0;
	s1 =	sshll.u32 s1, $0x11  }
0xbb: {  	s0 =	sor.u32 s1, s0  }
0xbc: {  	s0 =	sadd.s32 $0x8F2B, s0  }
0xbd: {  	[sflag:s0] =	ssyncadd.remote.s32 $0x1  }
0xbe: {  	_ =	sfence.sel $0xFFFF  }
0xbf: {  	[dreg:$0x0] =	wrdreg $0xFFFFFFFF;
	(pc) =	sbr.abs _section_cstart, $3  }
0xc0: {  	[dreg:$0x1] =	wrdreg $0xFFFFFFFF  }
0xc1: {  	_ =	task.clear_ibuf [dreg:s7], $0x2FFFF;
	_ =	strace $0x9FFFFFFF  }
0xc2: {  	(tm) =	ssettm $0x7FFFFFFF  }
0xc3: {  	_ =	shalt  }
tec
execute0_lowered:
.L_overlay_start_1:
0x0: {  	(tag) =	ssettag $0x1  }
0x1: {  	s6 =	rddreg [dreg:$0x0]  }
0x2: {  	s7 =	rddreg [dreg:$0x1]  }
0x3: {  	s0 =	rddreg [dreg:$0x2];
	s2 =	simm.s32 $0x0  }
0x4: {  	s3 =	srdreg.scid;
	s1 =	stileid.u32;
	s13 =	simm.s32 $0x2720  }
0x5: {  	s14 =	simm.s32 $0x400;
	s15 =	simm.s32 $0x2F20;
	s16 =	simm.s32 $0x0  }
0x6: {  	[smem:$0x7FF] =	sst s2;
	s8 =	sand.u32 $0x1, s3;
	s30 =	sshll.u32 s1, $0x1  }
0x7: {  	s3 =	sadd.s32 $0x13EC00, s6;
	s4 =	sadd.s32 $0x5400, s6;
	s9 =	sor.u32 s8, s30  }
0x8: {  	s5 =	sadd.s32 $0x29DC00, s6;
	s8 =	ssub.s32 $0x2, s8;
	s10 =	smul.u32 $0x4E4, s9  }
0x9: {  	_ =	strace $0x80000059;
	s31 =	sshrl.u32 s8, $0x1;
	s11 =	sshll.u32 s9, $0x1  }
0xa: {  	s12 =	ssub.s32 s8, s31;
	s10 =	sadd.s32 s10, s6;
	s6 =	sadd.s32 s7, s11  }
0xb: {  	s7 =	smul.u32 $0x4E600, s9;
	s9 =	smax.u32 s12, $0x1;
	s11 =	simm.s32 $0x2  }
0xc: {  	v0 =	vimm.f32 $+Inf;
	s12 =	simm.s32 $0x1;
	s8 =	sadd.s32 $0x277400, s10;
	s10 =	simm.s32 $0xAF20  }
.LBB2_1:
0xd: {  	s17 =	simm.s32 $0x80;
	s18 =	simm.s32 $0x0  }
.LBB2_2:
0xe: {  	p0 =	sne.s32 s17, $0x9C00;
	[tilespmem:s18+$0x0] =	vst v0;
	s19 =	smov.u32 s17;
	s17 =	sadd.s32 $0x80, s17  }
.Ltmp0:
0xf: {  	[tilespmem:s18+$0x10] =	vst v0;
	(pc) =	sbr.rel @p0 .LBB2_2-.Ltmp0, $2  }
0x10: {  	_ =	sdelay $0x2  }
0x11: {  	s18 =	sshra.s32 s19, $0x2  }
0x12: {  	[tilespmem:s18+$0x0] =	vst v0  }
0x13: {  	[tilespmem:s18+$0x10] =	vst v0;
	s17 =	simm.s32 $0x0  }
0x14: {  	[tilespmem:s10], [sflag:$0x2] =	stream.linear.gather [hbm4b:s6+s17], $0x10, $0x38;
	[tilespmem:$0xAF30] =	vst v63  }
0x15: {  	_ =	swait.ge [sflag:s11], $0x10  }
0x16: {  	[sflag:s11] =	ssyncset.done $0x0  }
0x17: {  	[sflag:s11] =	ssyncadd.s32 $0xFFFFFFF0  }
0x18: {  	v1 =	vld [tilespmem:$0xAF20];
	_ =	sdelay $0x4  }
0x19: {  	(v2sf) =	vpush v1, $0x0;
	_ =	sdelay $0xe  }
0x1a: {  	s18 =	spop (v2sf)  }
0x1b: {  	s19 =	sadd.s32 $0x3FF, s18  }
0x1c: {  	s20 =	sand.u32 $0x3FF, s19  }
0x1d: {  	s31 =	sshra.s32 s19, $0x1F;
	p1 =	slt.s32 s19, $0x1;
	p0 =	sne.s32 s20, $0x0  }
0x1e: {  	s20 =	sshrl.u32 s31, $0x16;
	p0 =	por !p1, !p0  }
0x1f: {  	s19 =	sadd.s32 s20, s19;
	s20 =	simm.s32 $0x1;
	p0 =	por !p0, !p0  }
0x20: {  	s19 =	sshra.s32 s19, $0xA;
	s20 =	simm.s32 @!p0 $0x0  }
0x21: {  	s19 =	ssub.s32 s19, s20  }
0x22: {  	p0 =	slt.s32 s19, $0x1  }
.Ltmp1:
0x23: {  	_ = 	snop;
	(pc) =	sbr.rel @!p0 .LBB2_4-.Ltmp1, $2  }
0x24: {  	_ =	sdelay $0x2  }
0x25: {  	s20 =	smov.u32 s18  }
.LBB2_9:
0x26: {  	s17 =	simm.s32 $0x0  }
0x27: {  	s18 =	simm.s32 $0x80;
	v1 =	vld [tilespmem:s17+$0x0]  }
.LBB2_10:
0x28: {  	p0 =	sne.s32 s18, $0x9C00;
	v2 =	vld [tilespmem:s17+$0x10];
	_ =	sdelay $0x3  }
0x29: {  	vm0 =	veq.f32 v1, $+Inf  }
0x2a: {  	v1 =	vsel vm0, $0x0, v1;
	vm0 =	veq.f32 v2, $+Inf  }
.Ltmp2:
0x2b: {  	v3 =	vmul.f32 $9.999999770e-03, v1;
	v2 =	vsel vm0, $0x0, v2;
	(pc) =	sbr.rel @p0 .LBB2_10-.Ltmp2, $4  }
0x2c: {  	vm0 =	vge.f32 v1, $0.0e+00;
	v4 =	vmul.f32 $9.999999770e-03, v2  }
0x2d: {  	v1 =	vsel vm0, v1, v3;
	vm0 =	vge.f32 v2, $0.0e+00  }
0x2e: {  	s19 =	sshra.s32 s18, $0x2;
	[tilespmem:s17+$0x0] =	vst v1;
	v2 =	vsel vm0, v2, v4  }
0x2f: {  	s18 =	sadd.s32 $0x80, s18;
	v1 =	vld [tilespmem:s19+$0x0];
	[tilespmem:s17+$0x10] =	vst v2;
	s17 =	smov.u32 s19  }
0x30: {  	v2 =	vld [tilespmem:s17+$0x10];
	_ =	sdelay $0x3  }
0x31: {  	vm0 =	veq.f32 v1, $+Inf  }
0x32: {  	v1 =	vsel vm0, $0x0, v1;
	vm13 =	veq.f32 v2, $+Inf  }
0x33: {  	v3 =	vmul.f32 $9.999999770e-03, v1;
	v2 =	vsel vm13, $0x0, v2  }
0x34: {  	vm14 =	vge.f32 v1, $0.0e+00;
	v4 =	vmul.f32 $9.999999770e-03, v2  }
0x35: {  	vm15 =	vge.f32 v2, $0.0e+00;
	v1 =	vsel vm14, v1, v3  }
0x36: {  	s16 =	sadd.s32 $0x1, s16;
	[tilespmem:s17+$0x0] =	vst v1;
	v1 =	vsel vm15, v2, v4  }
0x37: {  	p0 =	sne.s32 s16, s9;
	[tilespmem:s17+$0x10] =	vst v1  }
0x38: {  	[hbm4b:s8+s2] =	stream.linear.scatter [tilespmem:s2], [sflag:$0x2], $0x2720, $0x38;
	[tilespmem:$0xAF30] =	vst v63  }
.Ltmp3:
0x39: {  	_ = 	snop;
	(pc) =	sbr.rel @p0 .LBB2_1-.Ltmp3, $4  }
.Ltmp4:
0x3a: {  	_ = 	snop;
	(pc) =	sbr.rel @!p0 .LBB2_12-.Ltmp4, $4  }
0x3b: {  	_ =	swait.ge [sflag:s11], $0x2720  }
0x3c: {  	[sflag:s11] =	ssyncset.done $0x0  }
0x3d: {  	[sflag:s11] =	ssyncadd.s32 $0xFFFFD8E0  }
0x3e: {  	_ = 	snop  }
.LBB2_7:
0x3f: {  	[tilespmem:s24+$0x10] =	vst v1  }
.LBB2_8:
0x40: {  	s17 =	sadd.s32 $0x1, s17  }
0x41: {  	p0 =	sne.s32 s17, s19  }
.Ltmp5:
0x42: {  	_ = 	snop;
	(pc) =	sbr.rel @!p0 .LBB2_9-.Ltmp5, $2  }
0x43: {  	_ =	sdelay $0x2  }
0x44: {  	s20 =	sadd.s32 $0xFFFFFC00, s20  }
.LBB2_4:
0x45: {  	s22 =	sshll.u32 s17, $0xA  }
0x46: {  	s21 =	sadd.s32 s7, s22  }
0x47: {  	s21 =	sshrl.u32 s21, $0x3  }
0x48: {  	s23 =	sadd.s32 s4, s21  }
0x49: {  	[tilespmem:s13], [sflag:$0x2] =	stream.linear.gather [hbm4b:s23+s2], $0x400, $0x38;
	[tilespmem:$0xAF30] =	vst v63  }
0x4a: {  	_ =	swait.ge [sflag:s11], $0x400  }
0x4b: {  	[sflag:s11] =	ssyncset.done $0x0  }
0x4c: {  	s31 =	sadd.s32 s5, s21;
	s21 =	simm.s32 $0x2B20;
	[sflag:s11] =	ssyncadd.s32 $0xFFFFFC00  }
0x4d: {  	[tilespmem:s21], [sflag:$0x2] =	stream.linear.gather [hbm4b:s31+s2], $0x400, $0x38;
	[tilespmem:$0xAF30] =	vst v63  }
0x4e: {  	s22 =	ssub.s32 s18, s22;
	_ =	swait.ge [sflag:s11], $0x400  }
0x4f: {  	p0 =	slt.s32 s22, $0x1;
	[sflag:s11] =	ssyncset.done $0x0  }
.Ltmp6:
0x50: {  	[sflag:s11] =	ssyncadd.s32 $0xFFFFFC00;
	(pc) =	sbr.rel @p0 .LBB2_8-.Ltmp6, $4  }
0x51: {  	[tilespmem:s15], [sflag:$0x1] =	stream.indirect.gather [hbm4b:s3+s14], $0x20, s13, s14, $0xb8;
	[tilespmem:$0xAF30] =	vst v63  }
0x52: {  	_ =	swait.ge [sflag:s12], $0x8000  }
0x53: {  	[sflag:s12] =	ssyncset.done $0x0  }
0x54: {  	[sflag:s12] =	ssyncadd.s32 $0xFFFF8000  }
0x55: {  	v1 =	vld [tilespmem:s21+$0x0];
	_ =	sdelay $0x4  }
0x56: {  	(v2sf) =	vpush v1, $0x0;
	_ =	sdelay $0xe  }
0x57: {  	s23 =	spop (v2sf)  }
0x58: {  	s22 =	simm.s32 $0x2F30;
	s23 =	sshll.u32 s23, $0x7  }
0x59: {  	v1 =	vld [tilespmem:s22+$0xFFFFFFF0];
	s24 =	sshra.s32 s23, $0x2  }
0x5a: {  	v2 =	vld [tilespmem:s24+$0x0];
	_ =	sdelay $0x3  }
0x5b: {  	p0 =	sgt.s32 s20, $0x1;
	s23 =	smov.u32 s20  }
0x5c: {  	s23 =	simm.s32 @!p0 $0x1;
	v1 =	vmin.f32 v2, v1  }
0x5d: {  	s23 =	smin.u32 s23, $0x400;
	[tilespmem:s24+$0x0] =	vst v1;
	v1 =	vld [tilespmem:s24+$0x10]  }
0x5e: {  	p0 =	sne.s32 s23, $0x1;
	v2 =	vld [tilespmem:s22+$0x0]  }
.Ltmp7:
0x5f: {  	_ = 	snop;
	(pc) =	sbr.rel @!p0 .LBB2_7-.Ltmp7, $2  }
0x60: {  	_ =	sdelay $0x2  }
0x61: {  	s23 =	sadd.s32 $0xFFFFFFFF, s23;
	v1 =	vmin.f32 v1, v2  }
.LBB2_6:
0x62: {  	p0 =	sne.s32 s23, $0x1;
	[tilespmem:s24+$0x10] =	vst v1;
	s21 =	sadd.s32 $0x1, s21;
	s22 =	sadd.s32 $0x20, s22  }
0x63: {  	s23 =	sadd.s32 $0xFFFFFFFF, s23;
	v1 =	vld [tilespmem:s21+$0x0];
	_ =	sdelay $0x4  }
0x64: {  	(v2sf) =	vpush v1, $0x0;
	_ =	sdelay $0xe  }
0x65: {  	s24 =	spop (v2sf)  }
0x66: {  	s24 =	sshll.u32 s24, $0x7  }
0x67: {  	s24 =	sshra.s32 s24, $0x2;
	v1 =	vld [tilespmem:s22+$0xFFFFFFF0]  }
0x68: {  	v2 =	vld [tilespmem:s24+$0x0];
	_ =	sdelay $0x4  }
0x69: {  	v1 =	vmin.f32 v2, v1  }
0x6a: {  	[tilespmem:s24+$0x0] =	vst v1;
	v1 =	vld [tilespmem:s24+$0x10]  }
0x6b: {  	v2 =	vld [tilespmem:s22+$0x0]  }
.Ltmp8:
0x6c: {  	(pc) =	sbr.rel @p0 .LBB2_6-.Ltmp8, $2  }
0x6d: {  	_ =	sdelay $0x2  }
0x6e: {  	v1 =	vmin.f32 v1, v2  }
.Ltmp9:
0x6f: {  	_ = 	snop;
	(pc) =	sbr.rel .LBB2_7-.Ltmp9, $1  }
0x70: {  	_ =	sdelay $0x3  }
.LBB2_12:
0x71: {  	_ =	sfence.sel $0x180000  }
0x72: {  	[bflag:$0x0] =	sbarrier.arrive $0xFFFF  }
0x73: {  	p0 =	sne.s32 s1, $0x0;
	_ =	strace $0x90000059  }
0x74: {  	s0 =	sadd.s32 @!p0 $0x100000, s0;
	[bflag:$0x2] =	sbarrier.arrive $0xFFFF  }
0x75: {  	[sflag:s0] =	ssyncadd.tile.s32 @!p0 $0x1;
	_ =	shalt  }
.Lfunc_end2:
_tile_overlayer_lowered:
.L_overlay_start_2:
0x76: {  	(tag) =	ssettag $0x2  }
0x77: {  	s0 =	rddreg [dreg:$0x0];
	s2 =	stileid.u32  }
0x78: {  	s1 =	rddreg [dreg:$0x1];
	p0 =	sne.s32 s2, $0x0  }
0x79: {  	s3 =	rddreg [dreg:$0x2];
	[bflag:$0x3] =	sbarrier.arrive $0xFFFF;
	s2 =	simm.s32 @!p0 $0x1C02  }
0x7a: {  	[timem:s3], [sflag:s2] =	dma.local @!p0 [hbm:s0], s1  }
0x7b: {  	s0 =	simm.s32 @!p0 $0x2  }
0x7c: {  	_ =	swait.ge @!p0 [sflag:s0], s1  }
0x7d: {  	s1 =	ssub.s32 @!p0 $0x0, s1;
	[sflag:s0] =	ssyncset.done @!p0 $0x0  }
0x7e: {  	[sflag:s0] =	ssyncadd.s32 @!p0 s1  }
0x7f: {  	[bflag:$0x3] =	sbarrier.arrive $0xFFFF  }
0x80: {  	_ =	shalt  }

</sc_bundles>
